<compile_context>
chip_gen: v7x
topology: tpu7x:2x2x1
jax: 0.10.2.dev20260603
libtpu: 0.0.44.dev20260713+nightly
codegen_flags: <defaults>
</compile_context>

<pallas_src>
import jax
import jax.numpy as jnp
from jax import lax
from jax.experimental import pallas as pl
from jax.experimental.pallas import tpu as pltpu, tpu_sc as plsc

_C = 128
_G = 8


def _round_up(a, b):
    return (a + b - 1) // b * b


def _zero_fill(buf, D):
    def zrow(r, carry):
        for k in range(D // 16):
            buf[r, pl.ds(k * 16, 16)] = jnp.zeros((16,), jnp.float32)
        return carry

    lax.fori_loop(0, _C, zrow, 0)


def _make_sc_agg(NP, D, NG0, NG1, NC, NS):
    mesh = plsc.VectorSubcoreMesh(core_axis_name="c", subcore_axis_name="s")
    rpt = NP // NS

    def body(table, srcw, dstw, agg_out,
             src_v, dst_v, buf_a, buf_b, accum, sem_a, sem_b):
        c = lax.axis_index("c")
        s = lax.axis_index("s")
        wrow = c * NS + s

        _zero_fill(buf_a, D)
        for t in range(rpt // _C):
            pltpu.sync_copy(buf_a, accum.at[pl.ds(s * rpt + t * _C, _C)])
        plsc.subcore_barrier()

        bufs = (buf_a, buf_b)
        sems = (sem_a, sem_b)

        def group(g, carry):
            pltpu.sync_copy(srcw.at[wrow, pl.ds(g * _G, _G)], src_v)
            pltpu.sync_copy(dstw.at[wrow, pl.ds(g * _G, _G)], dst_v)
            descs = [None, None]
            descs[0] = pltpu.async_copy(
                table.at[src_v.at[0]], bufs[0], sems[0])
            for j in range(_G):
                if j + 1 < _G:
                    b = (j + 1) % 2
                    descs[b] = pltpu.async_copy(
                        table.at[src_v.at[j + 1]], bufs[b], sems[b])
                descs[j % 2].wait()
                pltpu.sync_copy(
                    bufs[j % 2], accum.at[dst_v.at[j]], add=True)
            return carry

        ng = jnp.where(c == 0, NG0, NG1)
        lax.fori_loop(0, ng, group, 0)
        plsc.subcore_barrier()

        sl = pl.ds(s * rpt, rpt)
        pltpu.sync_copy(accum.at[sl], agg_out.at[c, sl])

    return pl.kernel(
        body,
        out_type=jax.ShapeDtypeStruct((NC, NP, D), jnp.float32),
        mesh=mesh,
        scratch_types=[
            pltpu.VMEM((_G, _C), jnp.int32),
            pltpu.VMEM((_G, _C), jnp.int32),
            pltpu.VMEM((_C, D), jnp.float32),
            pltpu.VMEM((_C, D), jnp.float32),
            pltpu.VMEM_SHARED((NP, D), jnp.float32),
            pltpu.SemaphoreType.DMA,
            pltpu.SemaphoreType.DMA,
        ],
    )


def _make_sc_deg(NP, D, NGu, NC, NS):
    mesh = plsc.VectorSubcoreMesh(core_axis_name="c", subcore_axis_name="s")
    rpt = NP // NS

    def body(dstw, deg_out, dst_v, ones_v, accum):
        c = lax.axis_index("c")
        s = lax.axis_index("s")
        wid = s * NC + c

        _zero_fill(ones_v, D)
        for t in range(rpt // _C):
            pltpu.sync_copy(ones_v, accum.at[pl.ds(s * rpt + t * _C, _C)])
        onerow = jnp.where(lax.iota(jnp.int32, 16) == 0, 1.0, 0.0)

        def orow(r, carry):
            ones_v[r, pl.ds(0, 16)] = onerow
            return carry

        lax.fori_loop(0, _C, orow, 0)
        plsc.subcore_barrier()

        def group(g, carry):
            pltpu.sync_copy(dstw.at[wid, pl.ds(g * _G, _G)], dst_v)
            for j in range(_G):
                pltpu.sync_copy(ones_v, accum.at[dst_v.at[j]], add=True)
            return carry

        lax.fori_loop(0, NGu, group, 0)
        plsc.subcore_barrier()

        sl = pl.ds(s * rpt, rpt)
        pltpu.sync_copy(accum.at[sl], deg_out.at[c, sl])

    return pl.kernel(
        body,
        out_type=jax.ShapeDtypeStruct((NC, NP, D), jnp.float32),
        mesh=mesh,
        scratch_types=[
            pltpu.VMEM((_G, _C), jnp.int32),
            pltpu.VMEM((_C, D), jnp.float32),
            pltpu.VMEM_SHARED((NP, D), jnp.float32),
        ],
    )


def _make_tc_layer(NP, D, relu):
    BR = 256

    def body(a0, a1, d0, d1, x, wlT, wrT, b, out):
        agg = a0[...] + a1[...]
        degc = jnp.maximum(d0[:, 0:1] + d1[:, 0:1], 1.0)
        m = agg / degc
        h = (jnp.dot(m, wlT[...], preferred_element_type=jnp.float32)
             + jnp.dot(x[...], wrT[...], preferred_element_type=jnp.float32)
             + b[...])
        out[...] = jnp.maximum(h, 0.0) if relu else h

    row = lambda i: (i, 0)
    fixed = lambda i: (0, 0)
    return pl.pallas_call(
        body,
        grid=(NP // BR,),
        in_specs=[
            pl.BlockSpec((BR, D), row),
            pl.BlockSpec((BR, D), row),
            pl.BlockSpec((BR, D), row),
            pl.BlockSpec((BR, D), row),
            pl.BlockSpec((BR, D), row),
            pl.BlockSpec((D, D), fixed),
            pl.BlockSpec((D, D), fixed),
            pl.BlockSpec((1, D), fixed),
        ],
        out_specs=pl.BlockSpec((BR, D), row),
        out_shape=jax.ShapeDtypeStruct((NP, D), jnp.float32),
    )


def kernel(x, edge_index, W1l, b1, W1r, W2l, b2, W2r):
    N, D = x.shape
    E = edge_index.shape[1]
    info = plsc.get_sparse_core_info()
    NC, NS = info.num_cores, info.num_subcores
    NW = NC * NS

    rpt = _round_up(-(-(N + 1) // NS), _C)
    NP = rpt * NS

    NGT = _round_up(-(-E // (NS * _G * _C)), 2)
    NG1 = NGT // 5
    NG0 = NGT - NG1
    NGu = NGT // 2

    ew0 = NG0 * _G * _C
    EP = NS * (ew0 + NG1 * _G * _C)
    E0 = NS * ew0

    pad = jnp.full((EP - E,), N, jnp.int32)
    srcf = jnp.concatenate([edge_index[0], pad])
    dstf = jnp.concatenate([edge_index[1], pad])

    def worker_rows(flat):
        p0 = flat[:E0].reshape(NS, NG0 * _G, _C)
        p1 = flat[E0:].reshape(NS, NG1 * _G, _C)
        p1 = jnp.pad(p1, ((0, 0), (0, (NG0 - NG1) * _G), (0, 0)))
        return jnp.concatenate([p0, p1], axis=0)

    srcw = worker_rows(srcf)
    dstw = worker_rows(dstf)
    dstu = dstf.reshape(NW, NGu * _G, _C)
    xp = jnp.pad(x, ((0, NP - N), (0, 0)))

    sc_agg = _make_sc_agg(NP, D, NG0, NG1, NC, NS)
    sc_deg = _make_sc_deg(NP, D, NGu, NC, NS)
    tc1 = _make_tc_layer(NP, D, relu=True)
    tc2 = _make_tc_layer(NP, D, relu=False)

    degP = sc_deg(dstu)
    aggP = sc_agg(xp, srcw, dstw)
    h = tc1(aggP[0], aggP[1], degP[0], degP[1], xp,
            W1l.T, W1r.T, b1.reshape(1, D))
    agg2P = sc_agg(h, srcw, dstw)
    out = tc2(agg2P[0], agg2P[1], degP[0], degP[1], h,
              W2l.T, W2r.T, b2.reshape(1, D))
    return out[:N]

# --- scband reference (transcript-rebuilt; emitter-appended) ---
"""Pipeline reference for scband-gnnprefetch-11398843204124 (READ-ONLY COPY).

The authoritative reference and input builder live on the scoring server;
editing this copy changes nothing except your own understanding.
"""

import jax, jax.numpy as jnp
import numpy as np

N = 10000
E = 320000
D_IN = 128
D_HID = 128
D_EMB = 128

def setup_inputs(seed: int = 0):
    key = jax.random.key(seed)
    ks = jax.random.split(key, 10)
    x = jax.random.normal(ks[0], (N, D_IN), dtype=jnp.float32)
    edge_index = jax.random.randint(ks[1], (2, E), 0, N, dtype=jnp.int32)
    s1 = 1.0 / np.sqrt(D_IN)
    s2 = 1.0 / np.sqrt(D_HID)
    W1l = jax.random.normal(ks[2], (D_HID, D_IN), dtype=jnp.float32) * s1
    W1r = jax.random.normal(ks[3], (D_HID, D_IN), dtype=jnp.float32) * s1
    b1 = jnp.zeros((D_HID,), dtype=jnp.float32)
    W2l = jax.random.normal(ks[4], (D_EMB, D_HID), dtype=jnp.float32) * s2
    W2r = jax.random.normal(ks[5], (D_EMB, D_HID), dtype=jnp.float32) * s2
    b2 = jnp.zeros((D_EMB,), dtype=jnp.float32)
    return {"x": x, "edge_index": edge_index, "W1l": W1l, "b1": b1, "W1r": W1r, "W2l": W2l, "b2": b2, "W2r": W2r}

def _sage_conv(x, src, dst, Wl, bl, Wr):
    # PyG SAGEConv (mean aggregation): out = lin_l(mean_{j in N(i)} x_j) + lin_r(x_i)
    msgs = jnp.take(x, src, axis=0)
    agg = jax.ops.segment_sum(msgs, dst, num_segments=x.shape[0])
    deg = jax.ops.segment_sum(jnp.ones((src.shape[0],), dtype=x.dtype), dst, num_segments=x.shape[0])
    agg = agg / jnp.clip(deg, 1.0, None)[:, None]
    return agg @ Wl.T + bl + x @ Wr.T

def reference(x, edge_index, W1l, b1, W1r, W2l, b2, W2r):
    src = edge_index[0]
    dst = edge_index[1]
    h = _sage_conv(x, src, dst, W1l, b1, W1r)
    h = jax.nn.relu(h)
    # dropout is identity in eval mode
    out = _sage_conv(h, src, dst, W2l, b2, W2r)
    return out

if __name__ == "__main__":
    import jax
    _d = setup_inputs()
    print(jax.jit(kernel)(*tuple(_d.values())))

</pallas_src>

<mosaic_0001>
#map = affine_map<(d0, d1) -> (0, 0)>
#map1 = affine_map<(d0, d1) -> (0, 0, 0)>
module attributes {stable_mosaic.version = 14 : i64} {
  func.func @body(%arg0: i32, %arg1: i32, %arg2: memref<10240x128xf32, #tpu.memory_space<hbm>>, %arg3: memref<32x128x128xi32, #tpu.memory_space<hbm>>, %arg4: memref<32x128x128xi32, #tpu.memory_space<hbm>>, %arg5: memref<2x10240x128xf32, #tpu.memory_space<hbm>>, %arg6: memref<8x128xi32, #tpu.memory_space<vmem>>, %arg7: memref<8x128xi32, #tpu.memory_space<vmem>>, %arg8: memref<128x128xf32, #tpu.memory_space<vmem>>, %arg9: memref<128x128xf32, #tpu.memory_space<vmem>>, %arg10: memref<10240x128xf32, #tpu.memory_space<vmem_shared>>, %arg11: memref<!tpu.dma_semaphore, #tpu.memory_space<semaphore_mem>>, %arg12: memref<!tpu.dma_semaphore, #tpu.memory_space<semaphore_mem>>) attributes {dimension_semantics = [#tpu.dimension_semantics<core_parallel>, #tpu.dimension_semantics<subcore_parallel>], iteration_bounds = array<i64: 2, 16>, scalar_prefetch = 0 : i64, scratch_operands = 7 : i64, tpu.core_type = #tpu.core_type<sc_vector_subcore>, window_params = [{transform_indices = #map}, {transform_indices = #map1}, {transform_indices = #map1}, {transform_indices = #map1}]} {
    %mul3A = arith.constant 16 : i32
    %mul3A_0 = arith.muli %arg0, %mul3A : i32
    %add3A = arith.addi %mul3A_0, %arg1 : i32
    %scan3A = arith.constant 0 : i32
    %scan3A_1 = arith.constant 0 : i32
    %scan3A_2 = arith.constant 128 : i32
    %scan3A_3 = arith.addi %scan3A_1, %scan3A_2 : i32
    %scan3A_4 = arith.constant 1 : i32
    scf.for %scan3A_40 = %scan3A_1 to %scan3A_3 step %scan3A_4  : i32 {
      %broadcast_in_dim3A = arith.constant 0.000000e+00 : f32
      %broadcast_in_dim3A_41 = vector.broadcast %broadcast_in_dim3A : f32 to vector<16xf32>
      %swap3A = arith.index_cast %scan3A_40 : i32 to index
      %swap3A_42 = arith.constant 0 : index
      %swap3A_43 = tpu.vector_load %arg8[%swap3A, %swap3A_42] {strides = array<i32>} : memref<128x128xf32, #tpu.memory_space<vmem>>, vector<1x16xf32>,
      %swap3A_44 = vector.shape_cast %swap3A_43 : vector<1x16xf32> to vector<16xf32>
      %swap3A_45 = vector.shape_cast %broadcast_in_dim3A_41 : vector<16xf32> to vector<1x16xf32>
      tpu.vector_store %arg8[%swap3A, %swap3A_42], %swap3A_45 {strides = array<i32>} : memref<128x128xf32, #tpu.memory_space<vmem>>, vector<1x16xf32>,
      %broadcast_in_dim3A_46 = arith.constant 0.000000e+00 : f32
      %broadcast_in_dim3A_47 = vector.broadcast %broadcast_in_dim3A_46 : f32 to vector<16xf32>
      %swap3A_48 = arith.index_cast %scan3A_40 : i32 to index
      %swap3A_49 = arith.constant 16 : index
      %swap3A_50 = tpu.vector_load %arg8[%swap3A_48, %swap3A_49] {strides = array<i32>} : memref<128x128xf32, #tpu.memory_space<vmem>>, vector<1x16xf32>,
      %swap3A_51 = vector.shape_cast %swap3A_50 : vector<1x16xf32> to vector<16xf32>
      %swap3A_52 = vector.shape_cast %broadcast_in_dim3A_47 : vector<16xf32> to vector<1x16xf32>
      tpu.vector_store %arg8[%swap3A_48, %swap3A_49], %swap3A_52 {strides = array<i32>} : memref<128x128xf32, #tpu.memory_space<vmem>>, vector<1x16xf32>,
      %broadcast_in_dim3A_53 = arith.constant 0.000000e+00 : f32
      %broadcast_in_dim3A_54 = vector.broadcast %broadcast_in_dim3A_53 : f32 to vector<16xf32>
      %swap3A_55 = arith.index_cast %scan3A_40 : i32 to index
      %swap3A_56 = arith.constant 32 : index
      %swap3A_57 = tpu.vector_load %arg8[%swap3A_55, %swap3A_56] {strides = array<i32>} : memref<128x128xf32, #tpu.memory_space<vmem>>, vector<1x16xf32>,
      %swap3A_58 = vector.shape_cast %swap3A_57 : vector<1x16xf32> to vector<16xf32>
      %swap3A_59 = vector.shape_cast %broadcast_in_dim3A_54 : vector<16xf32> to vector<1x16xf32>
      tpu.vector_store %arg8[%swap3A_55, %swap3A_56], %swap3A_59 {strides = array<i32>} : memref<128x128xf32, #tpu.memory_space<vmem>>, vector<1x16xf32>,
      %broadcast_in_dim3A_60 = arith.constant 0.000000e+00 : f32
      %broadcast_in_dim3A_61 = vector.broadcast %broadcast_in_dim3A_60 : f32 to vector<16xf32>
      %swap3A_62 = arith.index_cast %scan3A_40 : i32 to index
      %swap3A_63 = arith.constant 48 : index
      %swap3A_64 = tpu.vector_load %arg8[%swap3A_62, %swap3A_63] {strides = array<i32>} : memref<128x128xf32, #tpu.memory_space<vmem>>, vector<1x16xf32>,
      %swap3A_65 = vector.shape_cast %swap3A_64 : vector<1x16xf32> to vector<16xf32>
      %swap3A_66 = vector.shape_cast %broadcast_in_dim3A_61 : vector<16xf32> to vector<1x16xf32>
      tpu.vector_store %arg8[%swap3A_62, %swap3A_63], %swap3A_66 {strides = array<i32>} : memref<128x128xf32, #tpu.memory_space<vmem>>, vector<1x16xf32>,
      %broadcast_in_dim3A_67 = arith.constant 0.000000e+00 : f32
      %broadcast_in_dim3A_68 = vector.broadcast %broadcast_in_dim3A_67 : f32 to vector<16xf32>
      %swap3A_69 = arith.index_cast %scan3A_40 : i32 to index
      %swap3A_70 = arith.constant 64 : index
      %swap3A_71 = tpu.vector_load %arg8[%swap3A_69, %swap3A_70] {strides = array<i32>} : memref<128x128xf32, #tpu.memory_space<vmem>>, vector<1x16xf32>,
      %swap3A_72 = vector.shape_cast %swap3A_71 : vector<1x16xf32> to vector<16xf32>
      %swap3A_73 = vector.shape_cast %broadcast_in_dim3A_68 : vector<16xf32> to vector<1x16xf32>
      tpu.vector_store %arg8[%swap3A_69, %swap3A_70], %swap3A_73 {strides = array<i32>} : memref<128x128xf32, #tpu.memory_space<vmem>>, vector<1x16xf32>,
      %broadcast_in_dim3A_74 = arith.constant 0.000000e+00 : f32
      %broadcast_in_dim3A_75 = vector.broadcast %broadcast_in_dim3A_74 : f32 to vector<16xf32>
      %swap3A_76 = arith.index_cast %scan3A_40 : i32 to index
      %swap3A_77 = arith.constant 80 : index
      %swap3A_78 = tpu.vector_load %arg8[%swap3A_76, %swap3A_77] {strides = array<i32>} : memref<128x128xf32, #tpu.memory_space<vmem>>, vector<1x16xf32>,
      %swap3A_79 = vector.shape_cast %swap3A_78 : vector<1x16xf32> to vector<16xf32>
      %swap3A_80 = vector.shape_cast %broadcast_in_dim3A_75 : vector<16xf32> to vector<1x16xf32>
      tpu.vector_store %arg8[%swap3A_76, %swap3A_77], %swap3A_80 {strides = array<i32>} : memref<128x128xf32, #tpu.memory_space<vmem>>, vector<1x16xf32>,
      %broadcast_in_dim3A_81 = arith.constant 0.000000e+00 : f32
      %broadcast_in_dim3A_82 = vector.broadcast %broadcast_in_dim3A_81 : f32 to vector<16xf32>
      %swap3A_83 = arith.index_cast %scan3A_40 : i32 to index
      %swap3A_84 = arith.constant 96 : index
      %swap3A_85 = tpu.vector_load %arg8[%swap3A_83, %swap3A_84] {strides = array<i32>} : memref<128x128xf32, #tpu.memory_space<vmem>>, vector<1x16xf32>,
      %swap3A_86 = vector.shape_cast %swap3A_85 : vector<1x16xf32> to vector<16xf32>
      %swap3A_87 = vector.shape_cast %broadcast_in_dim3A_82 : vector<16xf32> to vector<1x16xf32>
      tpu.vector_store %arg8[%swap3A_83, %swap3A_84], %swap3A_87 {strides = array<i32>} : memref<128x128xf32, #tpu.memory_space<vmem>>, vector<1x16xf32>,
      %broadcast_in_dim3A_88 = arith.constant 0.000000e+00 : f32
      %broadcast_in_dim3A_89 = vector.broadcast %broadcast_in_dim3A_88 : f32 to vector<16xf32>
      %swap3A_90 = arith.index_cast %scan3A_40 : i32 to index
      %swap3A_91 = arith.constant 112 : index
      %swap3A_92 = tpu.vector_load %arg8[%swap3A_90, %swap3A_91] {strides = array<i32>} : memref<128x128xf32, #tpu.memory_space<vmem>>, vector<1x16xf32>,
      %swap3A_93 = vector.shape_cast %swap3A_92 : vector<1x16xf32> to vector<16xf32>
      %swap3A_94 = vector.shape_cast %broadcast_in_dim3A_89 : vector<16xf32> to vector<1x16xf32>
      tpu.vector_store %arg8[%swap3A_90, %swap3A_91], %swap3A_94 {strides = array<i32>} : memref<128x128xf32, #tpu.memory_space<vmem>>, vector<1x16xf32>,
    }
    %scan3A_5 = arith.constant 128 : i32
    %mul3A_6 = arith.constant 640 : i32
    %mul3A_7 = arith.muli %arg1, %mul3A_6 : i32
    %add3A_8 = arith.constant 0 : i32
    %add3A_9 = arith.addi %mul3A_7, %add3A_8 : i32
    "tpu.region"() ({
      %run_scoped3A = tpu.sem_alloc : memref<!tpu.dma_semaphore, #tpu.memory_space<semaphore_mem>>
      %dma_start3A = arith.constant 0 : i32
      %dma_start3A_40 = tpu.memref_slice %arg10[%add3A_9, %dma_start3A] : memref<10240x128xf32, #tpu.memory_space<vmem_shared>> -> memref<128x128xf32, #tpu.memory_space<vmem_shared>>
      %dma_start3A_41 = arith.constant 0 : i32
      %dma_start3A_42 = tpu.memref_slice %arg10[%add3A_9, %dma_start3A_41] : memref<10240x128xf32, #tpu.memory_space<vmem_shared>> -> memref<128x128xf32, #tpu.memory_space<vmem_shared>>
      tpu.enqueue_dma source(%arg8 : memref<128x128xf32, #tpu.memory_space<vmem>>) target(%dma_start3A_42 : memref<128x128xf32, #tpu.memory_space<vmem_shared>>) target_semaphore(%run_scoped3A : memref<!tpu.dma_semaphore, #tpu.memory_space<semaphore_mem>>)
      %dma_wait3A = arith.constant 0 : i32
      %dma_wait3A_43 = tpu.memref_slice %arg10[%add3A_9, %dma_wait3A] : memref<10240x128xf32, #tpu.memory_space<vmem_shared>> -> memref<128x128xf32, #tpu.memory_space<vmem_shared>>
      %dma_wait3A_44 = arith.constant 0 : i32
      %dma_wait3A_45 = tpu.memref_slice %arg10[%add3A_9, %dma_wait3A_44] : memref<10240x128xf32, #tpu.memory_space<vmem_shared>> -> memref<128x128xf32, #tpu.memory_space<vmem_shared>>
      tpu.wait_dma2 semaphore(%run_scoped3A : memref<!tpu.dma_semaphore, #tpu.memory_space<semaphore_mem>>) src(%arg8 : memref<128x128xf32, #tpu.memory_space<vmem>>) dst(%dma_wait3A_45 : memref<128x128xf32, #tpu.memory_space<vmem_shared>>)
      tpu.yield
    }) : () -> ()
    %mul3A_10 = arith.constant 640 : i32
    %mul3A_11 = arith.muli %arg1, %mul3A_10 : i32
    %add3A_12 = arith.constant 128 : i32
    %add3A_13 = arith.addi %mul3A_11, %add3A_12 : i32
    "tpu.region"() ({
      %run_scoped3A = tpu.sem_alloc : memref<!tpu.dma_semaphore, #tpu.memory_space<semaphore_mem>>
      %dma_start3A = arith.constant 0 : i32
      %dma_start3A_40 = tpu.memref_slice %arg10[%add3A_13, %dma_start3A] : memref<10240x128xf32, #tpu.memory_space<vmem_shared>> -> memref<128x128xf32, #tpu.memory_space<vmem_shared>>
      %dma_start3A_41 = arith.constant 0 : i32
      %dma_start3A_42 = tpu.memref_slice %arg10[%add3A_13, %dma_start3A_41] : memref<10240x128xf32, #tpu.memory_space<vmem_shared>> -> memref<128x128xf32, #tpu.memory_space<vmem_shared>>
      tpu.enqueue_dma source(%arg8 : memref<128x128xf32, #tpu.memory_space<vmem>>) target(%dma_start3A_42 : memref<128x128xf32, #tpu.memory_space<vmem_shared>>) target_semaphore(%run_scoped3A : memref<!tpu.dma_semaphore, #tpu.memory_space<semaphore_mem>>)
      %dma_wait3A = arith.constant 0 : i32
      %dma_wait3A_43 = tpu.memref_slice %arg10[%add3A_13, %dma_wait3A] : memref<10240x128xf32, #tpu.memory_space<vmem_shared>> -> memref<128x128xf32, #tpu.memory_space<vmem_shared>>
      %dma_wait3A_44 = arith.constant 0 : i32
      %dma_wait3A_45 = tpu.memref_slice %arg10[%add3A_13, %dma_wait3A_44] : memref<10240x128xf32, #tpu.memory_space<vmem_shared>> -> memref<128x128xf32, #tpu.memory_space<vmem_shared>>
      tpu.wait_dma2 semaphore(%run_scoped3A : memref<!tpu.dma_semaphore, #tpu.memory_space<semaphore_mem>>) src(%arg8 : memref<128x128xf32, #tpu.memory_space<vmem>>) dst(%dma_wait3A_45 : memref<128x128xf32, #tpu.memory_space<vmem_shared>>)
      tpu.yield
    }) : () -> ()
    %mul3A_14 = arith.constant 640 : i32
    %mul3A_15 = arith.muli %arg1, %mul3A_14 : i32
    %add3A_16 = arith.constant 256 : i32
    %add3A_17 = arith.addi %mul3A_15, %add3A_16 : i32
    "tpu.region"() ({
      %run_scoped3A = tpu.sem_alloc : memref<!tpu.dma_semaphore, #tpu.memory_space<semaphore_mem>>
      %dma_start3A = arith.constant 0 : i32
      %dma_start3A_40 = tpu.memref_slice %arg10[%add3A_17, %dma_start3A] : memref<10240x128xf32, #tpu.memory_space<vmem_shared>> -> memref<128x128xf32, #tpu.memory_space<vmem_shared>>
      %dma_start3A_41 = arith.constant 0 : i32
      %dma_start3A_42 = tpu.memref_slice %arg10[%add3A_17, %dma_start3A_41] : memref<10240x128xf32, #tpu.memory_space<vmem_shared>> -> memref<128x128xf32, #tpu.memory_space<vmem_shared>>
      tpu.enqueue_dma source(%arg8 : memref<128x128xf32, #tpu.memory_space<vmem>>) target(%dma_start3A_42 : memref<128x128xf32, #tpu.memory_space<vmem_shared>>) target_semaphore(%run_scoped3A : memref<!tpu.dma_semaphore, #tpu.memory_space<semaphore_mem>>)
      %dma_wait3A = arith.constant 0 : i32
      %dma_wait3A_43 = tpu.memref_slice %arg10[%add3A_17, %dma_wait3A] : memref<10240x128xf32, #tpu.memory_space<vmem_shared>> -> memref<128x128xf32, #tpu.memory_space<vmem_shared>>
      %dma_wait3A_44 = arith.constant 0 : i32
      %dma_wait3A_45 = tpu.memref_slice %arg10[%add3A_17, %dma_wait3A_44] : memref<10240x128xf32, #tpu.memory_space<vmem_shared>> -> memref<128x128xf32, #tpu.memory_space<vmem_shared>>
      tpu.wait_dma2 semaphore(%run_scoped3A : memref<!tpu.dma_semaphore, #tpu.memory_space<semaphore_mem>>) src(%arg8 : memref<128x128xf32, #tpu.memory_space<vmem>>) dst(%dma_wait3A_45 : memref<128x128xf32, #tpu.memory_space<vmem_shared>>)
      tpu.yield
    }) : () -> ()
    %mul3A_18 = arith.constant 640 : i32
    %mul3A_19 = arith.muli %arg1, %mul3A_18 : i32
    %add3A_20 = arith.constant 384 : i32
    %add3A_21 = arith.addi %mul3A_19, %add3A_20 : i32
    "tpu.region"() ({
      %run_scoped3A = tpu.sem_alloc : memref<!tpu.dma_semaphore, #tpu.memory_space<semaphore_mem>>
      %dma_start3A = arith.constant 0 : i32
      %dma_start3A_40 = tpu.memref_slice %arg10[%add3A_21, %dma_start3A] : memref<10240x128xf32, #tpu.memory_space<vmem_shared>> -> memref<128x128xf32, #tpu.memory_space<vmem_shared>>
      %dma_start3A_41 = arith.constant 0 : i32
      %dma_start3A_42 = tpu.memref_slice %arg10[%add3A_21, %dma_start3A_41] : memref<10240x128xf32, #tpu.memory_space<vmem_shared>> -> memref<128x128xf32, #tpu.memory_space<vmem_shared>>
      tpu.enqueue_dma source(%arg8 : memref<128x128xf32, #tpu.memory_space<vmem>>) target(%dma_start3A_42 : memref<128x128xf32, #tpu.memory_space<vmem_shared>>) target_semaphore(%run_scoped3A : memref<!tpu.dma_semaphore, #tpu.memory_space<semaphore_mem>>)
      %dma_wait3A = arith.constant 0 : i32
      %dma_wait3A_43 = tpu.memref_slice %arg10[%add3A_21, %dma_wait3A] : memref<10240x128xf32, #tpu.memory_space<vmem_shared>> -> memref<128x128xf32, #tpu.memory_space<vmem_shared>>
      %dma_wait3A_44 = arith.constant 0 : i32
      %dma_wait3A_45 = tpu.memref_slice %arg10[%add3A_21, %dma_wait3A_44] : memref<10240x128xf32, #tpu.memory_space<vmem_shared>> -> memref<128x128xf32, #tpu.memory_space<vmem_shared>>
      tpu.wait_dma2 semaphore(%run_scoped3A : memref<!tpu.dma_semaphore, #tpu.memory_space<semaphore_mem>>) src(%arg8 : memref<128x128xf32, #tpu.memory_space<vmem>>) dst(%dma_wait3A_45 : memref<128x128xf32, #tpu.memory_space<vmem_shared>>)
      tpu.yield
    }) : () -> ()
    %mul3A_22 = arith.constant 640 : i32
    %mul3A_23 = arith.muli %arg1, %mul3A_22 : i32
    %add3A_24 = arith.constant 512 : i32
    %add3A_25 = arith.addi %mul3A_23, %add3A_24 : i32
    "tpu.region"() ({
      %run_scoped3A = tpu.sem_alloc : memref<!tpu.dma_semaphore, #tpu.memory_space<semaphore_mem>>
      %dma_start3A = arith.constant 0 : i32
      %dma_start3A_40 = tpu.memref_slice %arg10[%add3A_25, %dma_start3A] : memref<10240x128xf32, #tpu.memory_space<vmem_shared>> -> memref<128x128xf32, #tpu.memory_space<vmem_shared>>
      %dma_start3A_41 = arith.constant 0 : i32
      %dma_start3A_42 = tpu.memref_slice %arg10[%add3A_25, %dma_start3A_41] : memref<10240x128xf32, #tpu.memory_space<vmem_shared>> -> memref<128x128xf32, #tpu.memory_space<vmem_shared>>
      tpu.enqueue_dma source(%arg8 : memref<128x128xf32, #tpu.memory_space<vmem>>) target(%dma_start3A_42 : memref<128x128xf32, #tpu.memory_space<vmem_shared>>) target_semaphore(%run_scoped3A : memref<!tpu.dma_semaphore, #tpu.memory_space<semaphore_mem>>)
      %dma_wait3A = arith.constant 0 : i32
      %dma_wait3A_43 = tpu.memref_slice %arg10[%add3A_25, %dma_wait3A] : memref<10240x128xf32, #tpu.memory_space<vmem_shared>> -> memref<128x128xf32, #tpu.memory_space<vmem_shared>>
      %dma_wait3A_44 = arith.constant 0 : i32
      %dma_wait3A_45 = tpu.memref_slice %arg10[%add3A_25, %dma_wait3A_44] : memref<10240x128xf32, #tpu.memory_space<vmem_shared>> -> memref<128x128xf32, #tpu.memory_space<vmem_shared>>
      tpu.wait_dma2 semaphore(%run_scoped3A : memref<!tpu.dma_semaphore, #tpu.memory_space<semaphore_mem>>) src(%arg8 : memref<128x128xf32, #tpu.memory_space<vmem>>) dst(%dma_wait3A_45 : memref<128x128xf32, #tpu.memory_space<vmem_shared>>)
      tpu.yield
    }) : () -> ()
    %barrier3A = arith.constant 0 : index
    tpu.barrier barrier_id(%barrier3A)
    %eq3A = arith.constant 0 : i32
    %eq3A_26 = arith.cmpi eq, %arg0, %eq3A : i32
    %jit3A = arith.constant 16 : i32
    %jit3A_27 = arith.constant 4 : i32
    %select_n3A = arith.select %eq3A_26, %jit3A, %jit3A_27 : i32
    %while3A = arith.constant 0 : i32
    %while3A_28 = arith.constant 0 : i32
    %while3A_29 = arith.subi %select_n3A, %while3A_28 : i32
    %while3A_30 = arith.addi %while3A_28, %while3A_29 : i32
    %while3A_31 = arith.constant 1 : i32
    %while3A_32 = arith.divsi %while3A_29, %while3A_31 : i32
    %while3A_33 = arith.muli %while3A_32, %while3A_31 : i32
    %while3A_34 = arith.addi %while3A_28, %while3A_33 : i32
    %while3A_35 = arith.constant 1 : i32
    scf.for %while3A_40 = %while3A_28 to %while3A_34 step %while3A_35  : i32 {
      %mul3A_41 = arith.constant 8 : i32
      %mul3A_42 = arith.muli %while3A_40, %mul3A_41 : i32
      "tpu.region"() ({
        %run_scoped3A_162 = tpu.sem_alloc : memref<!tpu.dma_semaphore, #tpu.memory_space<semaphore_mem>>
        %dma_start3A_163 = arith.constant 0 : i32
        %dma_start3A_164 = tpu.memref_slice %arg3[%add3A, %mul3A_42, %dma_start3A_163] : memref<32x128x128xi32, #tpu.memory_space<hbm>> -> memref<1x8x128xi32, #tpu.memory_space<hbm>>
        %dma_start3A_165 = tpu.memref_squeeze %dma_start3A_164 : memref<1x8x128xi32, #tpu.memory_space<hbm>> -> memref<8x128xi32, #tpu.memory_space<hbm>>
        %dma_start3A_166 = arith.constant 0 : i32
        %dma_start3A_167 = tpu.memref_slice %arg3[%add3A, %mul3A_42, %dma_start3A_166] : memref<32x128x128xi32, #tpu.memory_space<hbm>> -> memref<1x8x128xi32, #tpu.memory_space<hbm>>
        %dma_start3A_168 = tpu.memref_squeeze %dma_start3A_167 : memref<1x8x128xi32, #tpu.memory_space<hbm>> -> memref<8x128xi32, #tpu.memory_space<hbm>>
        tpu.enqueue_dma source(%dma_start3A_168 : memref<8x128xi32, #tpu.memory_space<hbm>>) target(%arg6 : memref<8x128xi32, #tpu.memory_space<vmem>>) target_semaphore(%run_scoped3A_162 : memref<!tpu.dma_semaphore, #tpu.memory_space<semaphore_mem>>)
        %dma_wait3A_169 = arith.constant 0 : i32
        %dma_wait3A_170 = tpu.memref_slice %arg3[%add3A, %mul3A_42, %dma_wait3A_169] : memref<32x128x128xi32, #tpu.memory_space<hbm>> -> memref<1x8x128xi32, #tpu.memory_space<hbm>>
        %dma_wait3A_171 = tpu.memref_squeeze %dma_wait3A_170 : memref<1x8x128xi32, #tpu.memory_space<hbm>> -> memref<8x128xi32, #tpu.memory_space<hbm>>
        %dma_wait3A_172 = arith.constant 0 : i32
        %dma_wait3A_173 = tpu.memref_slice %arg3[%add3A, %mul3A_42, %dma_wait3A_172] : memref<32x128x128xi32, #tpu.memory_space<hbm>> -> memref<1x8x128xi32, #tpu.memory_space<hbm>>
        %dma_wait3A_174 = tpu.memref_squeeze %dma_wait3A_173 : memref<1x8x128xi32, #tpu.memory_space<hbm>> -> memref<8x128xi32, #tpu.memory_space<hbm>>
        tpu.wait_dma2 semaphore(%run_scoped3A_162 : memref<!tpu.dma_semaphore, #tpu.memory_space<semaphore_mem>>) src(%dma_wait3A_174 : memref<8x128xi32, #tpu.memory_space<hbm>>) dst(%arg6 : memref<8x128xi32, #tpu.memory_space<vmem>>)
        tpu.yield
      }) : () -> ()
      %mul3A_43 = arith.constant 8 : i32
      %mul3A_44 = arith.muli %while3A_40, %mul3A_43 : i32
      "tpu.region"() ({
        %run_scoped3A_162 = tpu.sem_alloc : memref<!tpu.dma_semaphore, #tpu.memory_space<semaphore_mem>>
        %dma_start3A_163 = arith.constant 0 : i32
        %dma_start3A_164 = tpu.memref_slice %arg4[%add3A, %mul3A_44, %dma_start3A_163] : memref<32x128x128xi32, #tpu.memory_space<hbm>> -> memref<1x8x128xi32, #tpu.memory_space<hbm>>
        %dma_start3A_165 = tpu.memref_squeeze %dma_start3A_164 : memref<1x8x128xi32, #tpu.memory_space<hbm>> -> memref<8x128xi32, #tpu.memory_space<hbm>>
        %dma_start3A_166 = arith.constant 0 : i32
        %dma_start3A_167 = tpu.memref_slice %arg4[%add3A, %mul3A_44, %dma_start3A_166] : memref<32x128x128xi32, #tpu.memory_space<hbm>> -> memref<1x8x128xi32, #tpu.memory_space<hbm>>
        %dma_start3A_168 = tpu.memref_squeeze %dma_start3A_167 : memref<1x8x128xi32, #tpu.memory_space<hbm>> -> memref<8x128xi32, #tpu.memory_space<hbm>>
        tpu.enqueue_dma source(%dma_start3A_168 : memref<8x128xi32, #tpu.memory_space<hbm>>) target(%arg7 : memref<8x128xi32, #tpu.memory_space<vmem>>) target_semaphore(%run_scoped3A_162 : memref<!tpu.dma_semaphore, #tpu.memory_space<semaphore_mem>>)
        %dma_wait3A_169 = arith.constant 0 : i32
        %dma_wait3A_170 = tpu.memref_slice %arg4[%add3A, %mul3A_44, %dma_wait3A_169] : memref<32x128x128xi32, #tpu.memory_space<hbm>> -> memref<1x8x128xi32, #tpu.memory_space<hbm>>
        %dma_wait3A_171 = tpu.memref_squeeze %dma_wait3A_170 : memref<1x8x128xi32, #tpu.memory_space<hbm>> -> memref<8x128xi32, #tpu.memory_space<hbm>>
        %dma_wait3A_172 = arith.constant 0 : i32
        %dma_wait3A_173 = tpu.memref_slice %arg4[%add3A, %mul3A_44, %dma_wait3A_172] : memref<32x128x128xi32, #tpu.memory_space<hbm>> -> memref<1x8x128xi32, #tpu.memory_space<hbm>>
        %dma_wait3A_174 = tpu.memref_squeeze %dma_wait3A_173 : memref<1x8x128xi32, #tpu.memory_space<hbm>> -> memref<8x128xi32, #tpu.memory_space<hbm>>
        tpu.wait_dma2 semaphore(%run_scoped3A_162 : memref<!tpu.dma_semaphore, #tpu.memory_space<semaphore_mem>>) src(%dma_wait3A_174 : memref<8x128xi32, #tpu.memory_space<hbm>>) dst(%arg7 : memref<8x128xi32, #tpu.memory_space<vmem>>)
        tpu.yield
      }) : () -> ()
      %dma_start3A = arith.constant 0 : i32
      %dma_start3A_45 = arith.constant 0 : i32
      %dma_start3A_46 = tpu.memref_slice %arg6[%dma_start3A, %dma_start3A_45] : memref<8x128xi32, #tpu.memory_space<vmem>> -> memref<1x128xi32, #tpu.memory_space<vmem>>
      %dma_start3A_47 = tpu.memref_squeeze %dma_start3A_46 : memref<1x128xi32, #tpu.memory_space<vmem>> -> memref<128xi32, #tpu.memory_space<vmem>>
      %dma_start3A_48 = arith.constant 0 : i32
      %dma_start3A_49 = arith.constant 0 : i32
      %dma_start3A_50 = tpu.memref_slice %arg2[%dma_start3A_48, %dma_start3A_49] : memref<10240x128xf32, #tpu.memory_space<hbm>> -> memref<10240x128xf32, #tpu.memory_space<hbm>>
      tpu.enqueue_indirect_dma source(%dma_start3A_50 : memref<10240x128xf32, #tpu.memory_space<hbm>>) target(%arg8 : memref<128x128xf32, #tpu.memory_space<vmem>>) offsets(%dma_start3A_47 : memref<128xi32, #tpu.memory_space<vmem>>) semaphore(%arg11 : memref<!tpu.dma_semaphore, #tpu.memory_space<semaphore_mem>>)
      %dma_start3A_51 = arith.constant 1 : i32
      %dma_start3A_52 = arith.constant 0 : i32
      %dma_start3A_53 = tpu.memref_slice %arg6[%dma_start3A_51, %dma_start3A_52] : memref<8x128xi32, #tpu.memory_space<vmem>> -> memref<1x128xi32, #tpu.memory_space<vmem>>
      %dma_start3A_54 = tpu.memref_squeeze %dma_start3A_53 : memref<1x128xi32, #tpu.memory_space<vmem>> -> memref<128xi32, #tpu.memory_space<vmem>>
      %dma_start3A_55 = arith.constant 0 : i32
      %dma_start3A_56 = arith.constant 0 : i32
      %dma_start3A_57 = tpu.memref_slice %arg2[%dma_start3A_55, %dma_start3A_56] : memref<10240x128xf32, #tpu.memory_space<hbm>> -> memref<10240x128xf32, #tpu.memory_space<hbm>>
      tpu.enqueue_indirect_dma source(%dma_start3A_57 : memref<10240x128xf32, #tpu.memory_space<hbm>>) target(%arg9 : memref<128x128xf32, #tpu.memory_space<vmem>>) offsets(%dma_start3A_54 : memref<128xi32, #tpu.memory_space<vmem>>) semaphore(%arg12 : memref<!tpu.dma_semaphore, #tpu.memory_space<semaphore_mem>>)
      %dma_wait3A = arith.constant 0 : i32
      %dma_wait3A_58 = arith.constant 0 : i32
      %dma_wait3A_59 = tpu.memref_slice %arg6[%dma_wait3A, %dma_wait3A_58] : memref<8x128xi32, #tpu.memory_space<vmem>> -> memref<1x128xi32, #tpu.memory_space<vmem>>
      %dma_wait3A_60 = tpu.memref_squeeze %dma_wait3A_59 : memref<1x128xi32, #tpu.memory_space<vmem>> -> memref<128xi32, #tpu.memory_space<vmem>>
      %dma_wait3A_61 = arith.constant 0 : i32
      %dma_wait3A_62 = arith.constant 0 : i32
      %dma_wait3A_63 = tpu.memref_slice %arg2[%dma_wait3A_61, %dma_wait3A_62] : memref<10240x128xf32, #tpu.memory_space<hbm>> -> memref<10240x128xf32, #tpu.memory_space<hbm>>
      tpu.wait_indirect_dma semaphore(%arg11 : memref<!tpu.dma_semaphore, #tpu.memory_space<semaphore_mem>>) src(%dma_wait3A_63 : memref<10240x128xf32, #tpu.memory_space<hbm>>) dst(%arg8 : memref<128x128xf32, #tpu.memory_space<vmem>>)
      %run_scoped3A = arith.constant 0 : i32
      "tpu.region"() ({
        %run_scoped3A_162 = tpu.sem_alloc : memref<!tpu.dma_semaphore, #tpu.memory_space<semaphore_mem>>
        %dma_start3A_163 = arith.constant 0 : i32
        %dma_start3A_164 = tpu.memref_slice %arg7[%run_scoped3A, %dma_start3A_163] : memref<8x128xi32, #tpu.memory_space<vmem>> -> memref<1x128xi32, #tpu.memory_space<vmem>>
        %dma_start3A_165 = tpu.memref_squeeze %dma_start3A_164 : memref<1x128xi32, #tpu.memory_space<vmem>> -> memref<128xi32, #tpu.memory_space<vmem>>
        %dma_start3A_166 = arith.constant 0 : i32
        %dma_start3A_167 = arith.constant 0 : i32
        %dma_start3A_168 = tpu.memref_slice %arg10[%dma_start3A_166, %dma_start3A_167] : memref<10240x128xf32, #tpu.memory_space<vmem_shared>> -> memref<10240x128xf32, #tpu.memory_space<vmem_shared>>
        tpu.enqueue_indirect_dma source(%arg8 : memref<128x128xf32, #tpu.memory_space<vmem>>) target(%dma_start3A_168 : memref<10240x128xf32, #tpu.memory_space<vmem_shared>>) offsets(%dma_start3A_165 : memref<128xi32, #tpu.memory_space<vmem>>) semaphore(%run_scoped3A_162 : memref<!tpu.dma_semaphore, #tpu.memory_space<semaphore_mem>>) {add = true}
        %dma_wait3A_169 = arith.constant 0 : i32
        %dma_wait3A_170 = tpu.memref_slice %arg7[%run_scoped3A, %dma_wait3A_169] : memref<8x128xi32, #tpu.memory_space<vmem>> -> memref<1x128xi32, #tpu.memory_space<vmem>>
        %dma_wait3A_171 = tpu.memref_squeeze %dma_wait3A_170 : memref<1x128xi32, #tpu.memory_space<vmem>> -> memref<128xi32, #tpu.memory_space<vmem>>
        %dma_wait3A_172 = arith.constant 0 : i32
        %dma_wait3A_173 = arith.constant 0 : i32
        %dma_wait3A_174 = tpu.memref_slice %arg10[%dma_wait3A_172, %dma_wait3A_173] : memref<10240x128xf32, #tpu.memory_space<vmem_shared>> -> memref<10240x128xf32, #tpu.memory_space<vmem_shared>>
        tpu.wait_indirect_dma semaphore(%run_scoped3A_162 : memref<!tpu.dma_semaphore, #tpu.memory_space<semaphore_mem>>) src(%arg8 : memref<128x128xf32, #tpu.memory_space<vmem>>) dst(%dma_wait3A_174 : memref<10240x128xf32, #tpu.memory_space<vmem_shared>>)
        tpu.yield
      }) : () -> ()
      %dma_start3A_64 = arith.constant 2 : i32
      %dma_start3A_65 = arith.constant 0 : i32
      %dma_start3A_66 = tpu.memref_slice %arg6[%dma_start3A_64, %dma_start3A_65] : memref<8x128xi32, #tpu.memory_space<vmem>> -> memref<1x128xi32, #tpu.memory_space<vmem>>
      %dma_start3A_67 = tpu.memref_squeeze %dma_start3A_66 : memref<1x128xi32, #tpu.memory_space<vmem>> -> memref<128xi32, #tpu.memory_space<vmem>>
      %dma_start3A_68 = arith.constant 0 : i32
      %dma_start3A_69 = arith.constant 0 : i32
      %dma_start3A_70 = tpu.memref_slice %arg2[%dma_start3A_68, %dma_start3A_69] : memref<10240x128xf32, #tpu.memory_space<hbm>> -> memref<10240x128xf32, #tpu.memory_space<hbm>>
      tpu.enqueue_indirect_dma source(%dma_start3A_70 : memref<10240x128xf32, #tpu.memory_space<hbm>>) target(%arg8 : memref<128x128xf32, #tpu.memory_space<vmem>>) offsets(%dma_start3A_67 : memref<128xi32, #tpu.memory_space<vmem>>) semaphore(%arg11 : memref<!tpu.dma_semaphore, #tpu.memory_space<semaphore_mem>>)
      %dma_wait3A_71 = arith.constant 1 : i32
      %dma_wait3A_72 = arith.constant 0 : i32
      %dma_wait3A_73 = tpu.memref_slice %arg6[%dma_wait3A_71, %dma_wait3A_72] : memref<8x128xi32, #tpu.memory_space<vmem>> -> memref<1x128xi32, #tpu.memory_space<vmem>>
      %dma_wait3A_74 = tpu.memref_squeeze %dma_wait3A_73 : memref<1x128xi32, #tpu.memory_space<vmem>> -> memref<128xi32, #tpu.memory_space<vmem>>
      %dma_wait3A_75 = arith.constant 0 : i32
      %dma_wait3A_76 = arith.constant 0 : i32
      %dma_wait3A_77 = tpu.memref_slice %arg2[%dma_wait3A_75, %dma_wait3A_76] : memref<10240x128xf32, #tpu.memory_space<hbm>> -> memref<10240x128xf32, #tpu.memory_space<hbm>>
      tpu.wait_indirect_dma semaphore(%arg12 : memref<!tpu.dma_semaphore, #tpu.memory_space<semaphore_mem>>) src(%dma_wait3A_77 : memref<10240x128xf32, #tpu.memory_space<hbm>>) dst(%arg9 : memref<128x128xf32, #tpu.memory_space<vmem>>)
      %run_scoped3A_78 = arith.constant 1 : i32
      "tpu.region"() ({
        %run_scoped3A_162 = tpu.sem_alloc : memref<!tpu.dma_semaphore, #tpu.memory_space<semaphore_mem>>
        %dma_start3A_163 = arith.constant 0 : i32
        %dma_start3A_164 = tpu.memref_slice %arg7[%run_scoped3A_78, %dma_start3A_163] : memref<8x128xi32, #tpu.memory_space<vmem>> -> memref<1x128xi32, #tpu.memory_space<vmem>>
        %dma_start3A_165 = tpu.memref_squeeze %dma_start3A_164 : memref<1x128xi32, #tpu.memory_space<vmem>> -> memref<128xi32, #tpu.memory_space<vmem>>
        %dma_start3A_166 = arith.constant 0 : i32
        %dma_start3A_167 = arith.constant 0 : i32
        %dma_start3A_168 = tpu.memref_slice %arg10[%dma_start3A_166, %dma_start3A_167] : memref<10240x128xf32, #tpu.memory_space<vmem_shared>> -> memref<10240x128xf32, #tpu.memory_space<vmem_shared>>
        tpu.enqueue_indirect_dma source(%arg9 : memref<128x128xf32, #tpu.memory_space<vmem>>) target(%dma_start3A_168 : memref<10240x128xf32, #tpu.memory_space<vmem_shared>>) offsets(%dma_start3A_165 : memref<128xi32, #tpu.memory_space<vmem>>) semaphore(%run_scoped3A_162 : memref<!tpu.dma_semaphore, #tpu.memory_space<semaphore_mem>>) {add = true}
        %dma_wait3A_169 = arith.constant 0 : i32
        %dma_wait3A_170 = tpu.memref_slice %arg7[%run_scoped3A_78, %dma_wait3A_169] : memref<8x128xi32, #tpu.memory_space<vmem>> -> memref<1x128xi32, #tpu.memory_space<vmem>>
        %dma_wait3A_171 = tpu.memref_squeeze %dma_wait3A_170 : memref<1x128xi32, #tpu.memory_space<vmem>> -> memref<128xi32, #tpu.memory_space<vmem>>
        %dma_wait3A_172 = arith.constant 0 : i32
        %dma_wait3A_173 = arith.constant 0 : i32
        %dma_wait3A_174 = tpu.memref_slice %arg10[%dma_wait3A_172, %dma_wait3A_173] : memref<10240x128xf32, #tpu.memory_space<vmem_shared>> -> memref<10240x128xf32, #tpu.memory_space<vmem_shared>>
        tpu.wait_indirect_dma semaphore(%run_scoped3A_162 : memref<!tpu.dma_semaphore, #tpu.memory_space<semaphore_mem>>) src(%arg9 : memref<128x128xf32, #tpu.memory_space<vmem>>) dst(%dma_wait3A_174 : memref<10240x128xf32, #tpu.memory_space<vmem_shared>>)
        tpu.yield
      }) : () -> ()
      %dma_start3A_79 = arith.constant 3 : i32
      %dma_start3A_80 = arith.constant 0 : i32
      %dma_start3A_81 = tpu.memref_slice %arg6[%dma_start3A_79, %dma_start3A_80] : memref<8x128xi32, #tpu.memory_space<vmem>> -> memref<1x128xi32, #tpu.memory_space<vmem>>
      %dma_start3A_82 = tpu.memref_squeeze %dma_start3A_81 : memref<1x128xi32, #tpu.memory_space<vmem>> -> memref<128xi32, #tpu.memory_space<vmem>>
      %dma_start3A_83 = arith.constant 0 : i32
      %dma_start3A_84 = arith.constant 0 : i32
      %dma_start3A_85 = tpu.memref_slice %arg2[%dma_start3A_83, %dma_start3A_84] : memref<10240x128xf32, #tpu.memory_space<hbm>> -> memref<10240x128xf32, #tpu.memory_space<hbm>>
      tpu.enqueue_indirect_dma source(%dma_start3A_85 : memref<10240x128xf32, #tpu.memory_space<hbm>>) target(%arg9 : memref<128x128xf32, #tpu.memory_space<vmem>>) offsets(%dma_start3A_82 : memref<128xi32, #tpu.memory_space<vmem>>) semaphore(%arg12 : memref<!tpu.dma_semaphore, #tpu.memory_space<semaphore_mem>>)
      %dma_wait3A_86 = arith.constant 2 : i32
      %dma_wait3A_87 = arith.constant 0 : i32
      %dma_wait3A_88 = tpu.memref_slice %arg6[%dma_wait3A_86, %dma_wait3A_87] : memref<8x128xi32, #tpu.memory_space<vmem>> -> memref<1x128xi32, #tpu.memory_space<vmem>>
      %dma_wait3A_89 = tpu.memref_squeeze %dma_wait3A_88 : memref<1x128xi32, #tpu.memory_space<vmem>> -> memref<128xi32, #tpu.memory_space<vmem>>
      %dma_wait3A_90 = arith.constant 0 : i32
      %dma_wait3A_91 = arith.constant 0 : i32
      %dma_wait3A_92 = tpu.memref_slice %arg2[%dma_wait3A_90, %dma_wait3A_91] : memref<10240x128xf32, #tpu.memory_space<hbm>> -> memref<10240x128xf32, #tpu.memory_space<hbm>>
      tpu.wait_indirect_dma semaphore(%arg11 : memref<!tpu.dma_semaphore, #tpu.memory_space<semaphore_mem>>) src(%dma_wait3A_92 : memref<10240x128xf32, #tpu.memory_space<hbm>>) dst(%arg8 : memref<128x128xf32, #tpu.memory_space<vmem>>)
      %run_scoped3A_93 = arith.constant 2 : i32
      "tpu.region"() ({
        %run_scoped3A_162 = tpu.sem_alloc : memref<!tpu.dma_semaphore, #tpu.memory_space<semaphore_mem>>
        %dma_start3A_163 = arith.constant 0 : i32
        %dma_start3A_164 = tpu.memref_slice %arg7[%run_scoped3A_93, %dma_start3A_163] : memref<8x128xi32, #tpu.memory_space<vmem>> -> memref<1x128xi32, #tpu.memory_space<vmem>>
        %dma_start3A_165 = tpu.memref_squeeze %dma_start3A_164 : memref<1x128xi32, #tpu.memory_space<vmem>> -> memref<128xi32, #tpu.memory_space<vmem>>
        %dma_start3A_166 = arith.constant 0 : i32
        %dma_start3A_167 = arith.constant 0 : i32
        %dma_start3A_168 = tpu.memref_slice %arg10[%dma_start3A_166, %dma_start3A_167] : memref<10240x128xf32, #tpu.memory_space<vmem_shared>> -> memref<10240x128xf32, #tpu.memory_space<vmem_shared>>
        tpu.enqueue_indirect_dma source(%arg8 : memref<128x128xf32, #tpu.memory_space<vmem>>) target(%dma_start3A_168 : memref<10240x128xf32, #tpu.memory_space<vmem_shared>>) offsets(%dma_start3A_165 : memref<128xi32, #tpu.memory_space<vmem>>) semaphore(%run_scoped3A_162 : memref<!tpu.dma_semaphore, #tpu.memory_space<semaphore_mem>>) {add = true}
        %dma_wait3A_169 = arith.constant 0 : i32
        %dma_wait3A_170 = tpu.memref_slice %arg7[%run_scoped3A_93, %dma_wait3A_169] : memref<8x128xi32, #tpu.memory_space<vmem>> -> memref<1x128xi32, #tpu.memory_space<vmem>>
        %dma_wait3A_171 = tpu.memref_squeeze %dma_wait3A_170 : memref<1x128xi32, #tpu.memory_space<vmem>> -> memref<128xi32, #tpu.memory_space<vmem>>
        %dma_wait3A_172 = arith.constant 0 : i32
        %dma_wait3A_173 = arith.constant 0 : i32
        %dma_wait3A_174 = tpu.memref_slice %arg10[%dma_wait3A_172, %dma_wait3A_173] : memref<10240x128xf32, #tpu.memory_space<vmem_shared>> -> memref<10240x128xf32, #tpu.memory_space<vmem_shared>>
        tpu.wait_indirect_dma semaphore(%run_scoped3A_162 : memref<!tpu.dma_semaphore, #tpu.memory_space<semaphore_mem>>) src(%arg8 : memref<128x128xf32, #tpu.memory_space<vmem>>) dst(%dma_wait3A_174 : memref<10240x128xf32, #tpu.memory_space<vmem_shared>>)
        tpu.yield
      }) : () -> ()
      %dma_start3A_94 = arith.constant 4 : i32
      %dma_start3A_95 = arith.constant 0 : i32
      %dma_start3A_96 = tpu.memref_slice %arg6[%dma_start3A_94, %dma_start3A_95] : memref<8x128xi32, #tpu.memory_space<vmem>> -> memref<1x128xi32, #tpu.memory_space<vmem>>
      %dma_start3A_97 = tpu.memref_squeeze %dma_start3A_96 : memref<1x128xi32, #tpu.memory_space<vmem>> -> memref<128xi32, #tpu.memory_space<vmem>>
      %dma_start3A_98 = arith.constant 0 : i32
      %dma_start3A_99 = arith.constant 0 : i32
      %dma_start3A_100 = tpu.memref_slice %arg2[%dma_start3A_98, %dma_start3A_99] : memref<10240x128xf32, #tpu.memory_space<hbm>> -> memref<10240x128xf32, #tpu.memory_space<hbm>>
      tpu.enqueue_indirect_dma source(%dma_start3A_100 : memref<10240x128xf32, #tpu.memory_space<hbm>>) target(%arg8 : memref<128x128xf32, #tpu.memory_space<vmem>>) offsets(%dma_start3A_97 : memref<128xi32, #tpu.memory_space<vmem>>) semaphore(%arg11 : memref<!tpu.dma_semaphore, #tpu.memory_space<semaphore_mem>>)
      %dma_wait3A_101 = arith.constant 3 : i32
      %dma_wait3A_102 = arith.constant 0 : i32
      %dma_wait3A_103 = tpu.memref_slice %arg6[%dma_wait3A_101, %dma_wait3A_102] : memref<8x128xi32, #tpu.memory_space<vmem>> -> memref<1x128xi32, #tpu.memory_space<vmem>>
      %dma_wait3A_104 = tpu.memref_squeeze %dma_wait3A_103 : memref<1x128xi32, #tpu.memory_space<vmem>> -> memref<128xi32, #tpu.memory_space<vmem>>
      %dma_wait3A_105 = arith.constant 0 : i32
      %dma_wait3A_106 = arith.constant 0 : i32
      %dma_wait3A_107 = tpu.memref_slice %arg2[%dma_wait3A_105, %dma_wait3A_106] : memref<10240x128xf32, #tpu.memory_space<hbm>> -> memref<10240x128xf32, #tpu.memory_space<hbm>>
      tpu.wait_indirect_dma semaphore(%arg12 : memref<!tpu.dma_semaphore, #tpu.memory_space<semaphore_mem>>) src(%dma_wait3A_107 : memref<10240x128xf32, #tpu.memory_space<hbm>>) dst(%arg9 : memref<128x128xf32, #tpu.memory_space<vmem>>)
      %run_scoped3A_108 = arith.constant 3 : i32
      "tpu.region"() ({
        %run_scoped3A_162 = tpu.sem_alloc : memref<!tpu.dma_semaphore, #tpu.memory_space<semaphore_mem>>
        %dma_start3A_163 = arith.constant 0 : i32
        %dma_start3A_164 = tpu.memref_slice %arg7[%run_scoped3A_108, %dma_start3A_163] : memref<8x128xi32, #tpu.memory_space<vmem>> -> memref<1x128xi32, #tpu.memory_space<vmem>>
        %dma_start3A_165 = tpu.memref_squeeze %dma_start3A_164 : memref<1x128xi32, #tpu.memory_space<vmem>> -> memref<128xi32, #tpu.memory_space<vmem>>
        %dma_start3A_166 = arith.constant 0 : i32
        %dma_start3A_167 = arith.constant 0 : i32
        %dma_start3A_168 = tpu.memref_slice %arg10[%dma_start3A_166, %dma_start3A_167] : memref<10240x128xf32, #tpu.memory_space<vmem_shared>> -> memref<10240x128xf32, #tpu.memory_space<vmem_shared>>
        tpu.enqueue_indirect_dma source(%arg9 : memref<128x128xf32, #tpu.memory_space<vmem>>) target(%dma_start3A_168 : memref<10240x128xf32, #tpu.memory_space<vmem_shared>>) offsets(%dma_start3A_165 : memref<128xi32, #tpu.memory_space<vmem>>) semaphore(%run_scoped3A_162 : memref<!tpu.dma_semaphore, #tpu.memory_space<semaphore_mem>>) {add = true}
        %dma_wait3A_169 = arith.constant 0 : i32
        %dma_wait3A_170 = tpu.memref_slice %arg7[%run_scoped3A_108, %dma_wait3A_169] : memref<8x128xi32, #tpu.memory_space<vmem>> -> memref<1x128xi32, #tpu.memory_space<vmem>>
        %dma_wait3A_171 = tpu.memref_squeeze %dma_wait3A_170 : memref<1x128xi32, #tpu.memory_space<vmem>> -> memref<128xi32, #tpu.memory_space<vmem>>
        %dma_wait3A_172 = arith.constant 0 : i32
        %dma_wait3A_173 = arith.constant 0 : i32
        %dma_wait3A_174 = tpu.memref_slice %arg10[%dma_wait3A_172, %dma_wait3A_173] : memref<10240x128xf32, #tpu.memory_space<vmem_shared>> -> memref<10240x128xf32, #tpu.memory_space<vmem_shared>>
        tpu.wait_indirect_dma semaphore(%run_scoped3A_162 : memref<!tpu.dma_semaphore, #tpu.memory_space<semaphore_mem>>) src(%arg9 : memref<128x128xf32, #tpu.memory_space<vmem>>) dst(%dma_wait3A_174 : memref<10240x128xf32, #tpu.memory_space<vmem_shared>>)
        tpu.yield
      }) : () -> ()
      %dma_start3A_109 = arith.constant 5 : i32
      %dma_start3A_110 = arith.constant 0 : i32
      %dma_start3A_111 = tpu.memref_slice %arg6[%dma_start3A_109, %dma_start3A_110] : memref<8x128xi32, #tpu.memory_space<vmem>> -> memref<1x128xi32, #tpu.memory_space<vmem>>
      %dma_start3A_112 = tpu.memref_squeeze %dma_start3A_111 : memref<1x128xi32, #tpu.memory_space<vmem>> -> memref<128xi32, #tpu.memory_space<vmem>>
      %dma_start3A_113 = arith.constant 0 : i32
      %dma_start3A_114 = arith.constant 0 : i32
      %dma_start3A_115 = tpu.memref_slice %arg2[%dma_start3A_113, %dma_start3A_114] : memref<10240x128xf32, #tpu.memory_space<hbm>> -> memref<10240x128xf32, #tpu.memory_space<hbm>>
      tpu.enqueue_indirect_dma source(%dma_start3A_115 : memref<10240x128xf32, #tpu.memory_space<hbm>>) target(%arg9 : memref<128x128xf32, #tpu.memory_space<vmem>>) offsets(%dma_start3A_112 : memref<128xi32, #tpu.memory_space<vmem>>) semaphore(%arg12 : memref<!tpu.dma_semaphore, #tpu.memory_space<semaphore_mem>>)
      %dma_wait3A_116 = arith.constant 4 : i32
      %dma_wait3A_117 = arith.constant 0 : i32
      %dma_wait3A_118 = tpu.memref_slice %arg6[%dma_wait3A_116, %dma_wait3A_117] : memref<8x128xi32, #tpu.memory_space<vmem>> -> memref<1x128xi32, #tpu.memory_space<vmem>>
      %dma_wait3A_119 = tpu.memref_squeeze %dma_wait3A_118 : memref<1x128xi32, #tpu.memory_space<vmem>> -> memref<128xi32, #tpu.memory_space<vmem>>
      %dma_wait3A_120 = arith.constant 0 : i32
      %dma_wait3A_121 = arith.constant 0 : i32
      %dma_wait3A_122 = tpu.memref_slice %arg2[%dma_wait3A_120, %dma_wait3A_121] : memref<10240x128xf32, #tpu.memory_space<hbm>> -> memref<10240x128xf32, #tpu.memory_space<hbm>>
      tpu.wait_indirect_dma semaphore(%arg11 : memref<!tpu.dma_semaphore, #tpu.memory_space<semaphore_mem>>) src(%dma_wait3A_122 : memref<10240x128xf32, #tpu.memory_space<hbm>>) dst(%arg8 : memref<128x128xf32, #tpu.memory_space<vmem>>)
      %run_scoped3A_123 = arith.constant 4 : i32
      "tpu.region"() ({
        %run_scoped3A_162 = tpu.sem_alloc : memref<!tpu.dma_semaphore, #tpu.memory_space<semaphore_mem>>
        %dma_start3A_163 = arith.constant 0 : i32
        %dma_start3A_164 = tpu.memref_slice %arg7[%run_scoped3A_123, %dma_start3A_163] : memref<8x128xi32, #tpu.memory_space<vmem>> -> memref<1x128xi32, #tpu.memory_space<vmem>>
        %dma_start3A_165 = tpu.memref_squeeze %dma_start3A_164 : memref<1x128xi32, #tpu.memory_space<vmem>> -> memref<128xi32, #tpu.memory_space<vmem>>
        %dma_start3A_166 = arith.constant 0 : i32
        %dma_start3A_167 = arith.constant 0 : i32
        %dma_start3A_168 = tpu.memref_slice %arg10[%dma_start3A_166, %dma_start3A_167] : memref<10240x128xf32, #tpu.memory_space<vmem_shared>> -> memref<10240x128xf32, #tpu.memory_space<vmem_shared>>
        tpu.enqueue_indirect_dma source(%arg8 : memref<128x128xf32, #tpu.memory_space<vmem>>) target(%dma_start3A_168 : memref<10240x128xf32, #tpu.memory_space<vmem_shared>>) offsets(%dma_start3A_165 : memref<128xi32, #tpu.memory_space<vmem>>) semaphore(%run_scoped3A_162 : memref<!tpu.dma_semaphore, #tpu.memory_space<semaphore_mem>>) {add = true}
        %dma_wait3A_169 = arith.constant 0 : i32
        %dma_wait3A_170 = tpu.memref_slice %arg7[%run_scoped3A_123, %dma_wait3A_169] : memref<8x128xi32, #tpu.memory_space<vmem>> -> memref<1x128xi32, #tpu.memory_space<vmem>>
        %dma_wait3A_171 = tpu.memref_squeeze %dma_wait3A_170 : memref<1x128xi32, #tpu.memory_space<vmem>> -> memref<128xi32, #tpu.memory_space<vmem>>
        %dma_wait3A_172 = arith.constant 0 : i32
        %dma_wait3A_173 = arith.constant 0 : i32
        %dma_wait3A_174 = tpu.memref_slice %arg10[%dma_wait3A_172, %dma_wait3A_173] : memref<10240x128xf32, #tpu.memory_space<vmem_shared>> -> memref<10240x128xf32, #tpu.memory_space<vmem_shared>>
        tpu.wait_indirect_dma semaphore(%run_scoped3A_162 : memref<!tpu.dma_semaphore, #tpu.memory_space<semaphore_mem>>) src(%arg8 : memref<128x128xf32, #tpu.memory_space<vmem>>) dst(%dma_wait3A_174 : memref<10240x128xf32, #tpu.memory_space<vmem_shared>>)
        tpu.yield
      }) : () -> ()
      %dma_start3A_124 = arith.constant 6 : i32
      %dma_start3A_125 = arith.constant 0 : i32
      %dma_start3A_126 = tpu.memref_slice %arg6[%dma_start3A_124, %dma_start3A_125] : memref<8x128xi32, #tpu.memory_space<vmem>> -> memref<1x128xi32, #tpu.memory_space<vmem>>
      %dma_start3A_127 = tpu.memref_squeeze %dma_start3A_126 : memref<1x128xi32, #tpu.memory_space<vmem>> -> memref<128xi32, #tpu.memory_space<vmem>>
      %dma_start3A_128 = arith.constant 0 : i32
      %dma_start3A_129 = arith.constant 0 : i32
      %dma_start3A_130 = tpu.memref_slice %arg2[%dma_start3A_128, %dma_start3A_129] : memref<10240x128xf32, #tpu.memory_space<hbm>> -> memref<10240x128xf32, #tpu.memory_space<hbm>>
      tpu.enqueue_indirect_dma source(%dma_start3A_130 : memref<10240x128xf32, #tpu.memory_space<hbm>>) target(%arg8 : memref<128x128xf32, #tpu.memory_space<vmem>>) offsets(%dma_start3A_127 : memref<128xi32, #tpu.memory_space<vmem>>) semaphore(%arg11 : memref<!tpu.dma_semaphore, #tpu.memory_space<semaphore_mem>>)
      %dma_wait3A_131 = arith.constant 5 : i32
      %dma_wait3A_132 = arith.constant 0 : i32
      %dma_wait3A_133 = tpu.memref_slice %arg6[%dma_wait3A_131, %dma_wait3A_132] : memref<8x128xi32, #tpu.memory_space<vmem>> -> memref<1x128xi32, #tpu.memory_space<vmem>>
      %dma_wait3A_134 = tpu.memref_squeeze %dma_wait3A_133 : memref<1x128xi32, #tpu.memory_space<vmem>> -> memref<128xi32, #tpu.memory_space<vmem>>
      %dma_wait3A_135 = arith.constant 0 : i32
      %dma_wait3A_136 = arith.constant 0 : i32
      %dma_wait3A_137 = tpu.memref_slice %arg2[%dma_wait3A_135, %dma_wait3A_136] : memref<10240x128xf32, #tpu.memory_space<hbm>> -> memref<10240x128xf32, #tpu.memory_space<hbm>>
      tpu.wait_indirect_dma semaphore(%arg12 : memref<!tpu.dma_semaphore, #tpu.memory_space<semaphore_mem>>) src(%dma_wait3A_137 : memref<10240x128xf32, #tpu.memory_space<hbm>>) dst(%arg9 : memref<128x128xf32, #tpu.memory_space<vmem>>)
      %run_scoped3A_138 = arith.constant 5 : i32
      "tpu.region"() ({
        %run_scoped3A_162 = tpu.sem_alloc : memref<!tpu.dma_semaphore, #tpu.memory_space<semaphore_mem>>
        %dma_start3A_163 = arith.constant 0 : i32
        %dma_start3A_164 = tpu.memref_slice %arg7[%run_scoped3A_138, %dma_start3A_163] : memref<8x128xi32, #tpu.memory_space<vmem>> -> memref<1x128xi32, #tpu.memory_space<vmem>>
        %dma_start3A_165 = tpu.memref_squeeze %dma_start3A_164 : memref<1x128xi32, #tpu.memory_space<vmem>> -> memref<128xi32, #tpu.memory_space<vmem>>
        %dma_start3A_166 = arith.constant 0 : i32
        %dma_start3A_167 = arith.constant 0 : i32
        %dma_start3A_168 = tpu.memref_slice %arg10[%dma_start3A_166, %dma_start3A_167] : memref<10240x128xf32, #tpu.memory_space<vmem_shared>> -> memref<10240x128xf32, #tpu.memory_space<vmem_shared>>
        tpu.enqueue_indirect_dma source(%arg9 : memref<128x128xf32, #tpu.memory_space<vmem>>) target(%dma_start3A_168 : memref<10240x128xf32, #tpu.memory_space<vmem_shared>>) offsets(%dma_start3A_165 : memref<128xi32, #tpu.memory_space<vmem>>) semaphore(%run_scoped3A_162 : memref<!tpu.dma_semaphore, #tpu.memory_space<semaphore_mem>>) {add = true}
        %dma_wait3A_169 = arith.constant 0 : i32
        %dma_wait3A_170 = tpu.memref_slice %arg7[%run_scoped3A_138, %dma_wait3A_169] : memref<8x128xi32, #tpu.memory_space<vmem>> -> memref<1x128xi32, #tpu.memory_space<vmem>>
        %dma_wait3A_171 = tpu.memref_squeeze %dma_wait3A_170 : memref<1x128xi32, #tpu.memory_space<vmem>> -> memref<128xi32, #tpu.memory_space<vmem>>
        %dma_wait3A_172 = arith.constant 0 : i32
        %dma_wait3A_173 = arith.constant 0 : i32
        %dma_wait3A_174 = tpu.memref_slice %arg10[%dma_wait3A_172, %dma_wait3A_173] : memref<10240x128xf32, #tpu.memory_space<vmem_shared>> -> memref<10240x128xf32, #tpu.memory_space<vmem_shared>>
        tpu.wait_indirect_dma semaphore(%run_scoped3A_162 : memref<!tpu.dma_semaphore, #tpu.memory_space<semaphore_mem>>) src(%arg9 : memref<128x128xf32, #tpu.memory_space<vmem>>) dst(%dma_wait3A_174 : memref<10240x128xf32, #tpu.memory_space<vmem_shared>>)
        tpu.yield
      }) : () -> ()
      %dma_start3A_139 = arith.constant 7 : i32
      %dma_start3A_140 = arith.constant 0 : i32
      %dma_start3A_141 = tpu.memref_slice %arg6[%dma_start3A_139, %dma_start3A_140] : memref<8x128xi32, #tpu.memory_space<vmem>> -> memref<1x128xi32, #tpu.memory_space<vmem>>
      %dma_start3A_142 = tpu.memref_squeeze %dma_start3A_141 : memref<1x128xi32, #tpu.memory_space<vmem>> -> memref<128xi32, #tpu.memory_space<vmem>>
      %dma_start3A_143 = arith.constant 0 : i32
      %dma_start3A_144 = arith.constant 0 : i32
      %dma_start3A_145 = tpu.memref_slice %arg2[%dma_start3A_143, %dma_start3A_144] : memref<10240x128xf32, #tpu.memory_space<hbm>> -> memref<10240x128xf32, #tpu.memory_space<hbm>>
      tpu.enqueue_indirect_dma source(%dma_start3A_145 : memref<10240x128xf32, #tpu.memory_space<hbm>>) target(%arg9 : memref<128x128xf32, #tpu.memory_space<vmem>>) offsets(%dma_start3A_142 : memref<128xi32, #tpu.memory_space<vmem>>) semaphore(%arg12 : memref<!tpu.dma_semaphore, #tpu.memory_space<semaphore_mem>>)
      %dma_wait3A_146 = arith.constant 6 : i32
      %dma_wait3A_147 = arith.constant 0 : i32
      %dma_wait3A_148 = tpu.memref_slice %arg6[%dma_wait3A_146, %dma_wait3A_147] : memref<8x128xi32, #tpu.memory_space<vmem>> -> memref<1x128xi32, #tpu.memory_space<vmem>>
      %dma_wait3A_149 = tpu.memref_squeeze %dma_wait3A_148 : memref<1x128xi32, #tpu.memory_space<vmem>> -> memref<128xi32, #tpu.memory_space<vmem>>
      %dma_wait3A_150 = arith.constant 0 : i32
      %dma_wait3A_151 = arith.constant 0 : i32
      %dma_wait3A_152 = tpu.memref_slice %arg2[%dma_wait3A_150, %dma_wait3A_151] : memref<10240x128xf32, #tpu.memory_space<hbm>> -> memref<10240x128xf32, #tpu.memory_space<hbm>>
      tpu.wait_indirect_dma semaphore(%arg11 : memref<!tpu.dma_semaphore, #tpu.memory_space<semaphore_mem>>) src(%dma_wait3A_152 : memref<10240x128xf32, #tpu.memory_space<hbm>>) dst(%arg8 : memref<128x128xf32, #tpu.memory_space<vmem>>)
      %run_scoped3A_153 = arith.constant 6 : i32
      "tpu.region"() ({
        %run_scoped3A_162 = tpu.sem_alloc : memref<!tpu.dma_semaphore, #tpu.memory_space<semaphore_mem>>
        %dma_start3A_163 = arith.constant 0 : i32
        %dma_start3A_164 = tpu.memref_slice %arg7[%run_scoped3A_153, %dma_start3A_163] : memref<8x128xi32, #tpu.memory_space<vmem>> -> memref<1x128xi32, #tpu.memory_space<vmem>>
        %dma_start3A_165 = tpu.memref_squeeze %dma_start3A_164 : memref<1x128xi32, #tpu.memory_space<vmem>> -> memref<128xi32, #tpu.memory_space<vmem>>
        %dma_start3A_166 = arith.constant 0 : i32
        %dma_start3A_167 = arith.constant 0 : i32
        %dma_start3A_168 = tpu.memref_slice %arg10[%dma_start3A_166, %dma_start3A_167] : memref<10240x128xf32, #tpu.memory_space<vmem_shared>> -> memref<10240x128xf32, #tpu.memory_space<vmem_shared>>
        tpu.enqueue_indirect_dma source(%arg8 : memref<128x128xf32, #tpu.memory_space<vmem>>) target(%dma_start3A_168 : memref<10240x128xf32, #tpu.memory_space<vmem_shared>>) offsets(%dma_start3A_165 : memref<128xi32, #tpu.memory_space<vmem>>) semaphore(%run_scoped3A_162 : memref<!tpu.dma_semaphore, #tpu.memory_space<semaphore_mem>>) {add = true}
        %dma_wait3A_169 = arith.constant 0 : i32
        %dma_wait3A_170 = tpu.memref_slice %arg7[%run_scoped3A_153, %dma_wait3A_169] : memref<8x128xi32, #tpu.memory_space<vmem>> -> memref<1x128xi32, #tpu.memory_space<vmem>>
        %dma_wait3A_171 = tpu.memref_squeeze %dma_wait3A_170 : memref<1x128xi32, #tpu.memory_space<vmem>> -> memref<128xi32, #tpu.memory_space<vmem>>
        %dma_wait3A_172 = arith.constant 0 : i32
        %dma_wait3A_173 = arith.constant 0 : i32
        %dma_wait3A_174 = tpu.memref_slice %arg10[%dma_wait3A_172, %dma_wait3A_173] : memref<10240x128xf32, #tpu.memory_space<vmem_shared>> -> memref<10240x128xf32, #tpu.memory_space<vmem_shared>>
        tpu.wait_indirect_dma semaphore(%run_scoped3A_162 : memref<!tpu.dma_semaphore, #tpu.memory_space<semaphore_mem>>) src(%arg8 : memref<128x128xf32, #tpu.memory_space<vmem>>) dst(%dma_wait3A_174 : memref<10240x128xf32, #tpu.memory_space<vmem_shared>>)
        tpu.yield
      }) : () -> ()
      %dma_wait3A_154 = arith.constant 7 : i32
      %dma_wait3A_155 = arith.constant 0 : i32
      %dma_wait3A_156 = tpu.memref_slice %arg6[%dma_wait3A_154, %dma_wait3A_155] : memref<8x128xi32, #tpu.memory_space<vmem>> -> memref<1x128xi32, #tpu.memory_space<vmem>>
      %dma_wait3A_157 = tpu.memref_squeeze %dma_wait3A_156 : memref<1x128xi32, #tpu.memory_space<vmem>> -> memref<128xi32, #tpu.memory_space<vmem>>
      %dma_wait3A_158 = arith.constant 0 : i32
      %dma_wait3A_159 = arith.constant 0 : i32
      %dma_wait3A_160 = tpu.memref_slice %arg2[%dma_wait3A_158, %dma_wait3A_159] : memref<10240x128xf32, #tpu.memory_space<hbm>> -> memref<10240x128xf32, #tpu.memory_space<hbm>>
      tpu.wait_indirect_dma semaphore(%arg12 : memref<!tpu.dma_semaphore, #tpu.memory_space<semaphore_mem>>) src(%dma_wait3A_160 : memref<10240x128xf32, #tpu.memory_space<hbm>>) dst(%arg9 : memref<128x128xf32, #tpu.memory_space<vmem>>)
      %run_scoped3A_161 = arith.constant 7 : i32
      "tpu.region"() ({
        %run_scoped3A_162 = tpu.sem_alloc : memref<!tpu.dma_semaphore, #tpu.memory_space<semaphore_mem>>
        %dma_start3A_163 = arith.constant 0 : i32
        %dma_start3A_164 = tpu.memref_slice %arg7[%run_scoped3A_161, %dma_start3A_163] : memref<8x128xi32, #tpu.memory_space<vmem>> -> memref<1x128xi32, #tpu.memory_space<vmem>>
        %dma_start3A_165 = tpu.memref_squeeze %dma_start3A_164 : memref<1x128xi32, #tpu.memory_space<vmem>> -> memref<128xi32, #tpu.memory_space<vmem>>
        %dma_start3A_166 = arith.constant 0 : i32
        %dma_start3A_167 = arith.constant 0 : i32
        %dma_start3A_168 = tpu.memref_slice %arg10[%dma_start3A_166, %dma_start3A_167] : memref<10240x128xf32, #tpu.memory_space<vmem_shared>> -> memref<10240x128xf32, #tpu.memory_space<vmem_shared>>
        tpu.enqueue_indirect_dma source(%arg9 : memref<128x128xf32, #tpu.memory_space<vmem>>) target(%dma_start3A_168 : memref<10240x128xf32, #tpu.memory_space<vmem_shared>>) offsets(%dma_start3A_165 : memref<128xi32, #tpu.memory_space<vmem>>) semaphore(%run_scoped3A_162 : memref<!tpu.dma_semaphore, #tpu.memory_space<semaphore_mem>>) {add = true}
        %dma_wait3A_169 = arith.constant 0 : i32
        %dma_wait3A_170 = tpu.memref_slice %arg7[%run_scoped3A_161, %dma_wait3A_169] : memref<8x128xi32, #tpu.memory_space<vmem>> -> memref<1x128xi32, #tpu.memory_space<vmem>>
        %dma_wait3A_171 = tpu.memref_squeeze %dma_wait3A_170 : memref<1x128xi32, #tpu.memory_space<vmem>> -> memref<128xi32, #tpu.memory_space<vmem>>
        %dma_wait3A_172 = arith.constant 0 : i32
        %dma_wait3A_173 = arith.constant 0 : i32
        %dma_wait3A_174 = tpu.memref_slice %arg10[%dma_wait3A_172, %dma_wait3A_173] : memref<10240x128xf32, #tpu.memory_space<vmem_shared>> -> memref<10240x128xf32, #tpu.memory_space<vmem_shared>>
        tpu.wait_indirect_dma semaphore(%run_scoped3A_162 : memref<!tpu.dma_semaphore, #tpu.memory_space<semaphore_mem>>) src(%arg9 : memref<128x128xf32, #tpu.memory_space<vmem>>) dst(%dma_wait3A_174 : memref<10240x128xf32, #tpu.memory_space<vmem_shared>>)
        tpu.yield
      }) : () -> ()
    }
    %while3A_36 = arith.constant 1 : i32
    scf.for %while3A_40 = %while3A_34 to %while3A_30 step %while3A_36  : i32 {
      %mul3A_41 = arith.constant 8 : i32
      %mul3A_42 = arith.muli %while3A_40, %mul3A_41 : i32
      "tpu.region"() ({
        %run_scoped3A_162 = tpu.sem_alloc : memref<!tpu.dma_semaphore, #tpu.memory_space<semaphore_mem>>
        %dma_start3A_163 = arith.constant 0 : i32
        %dma_start3A_164 = tpu.memref_slice %arg3[%add3A, %mul3A_42, %dma_start3A_163] : memref<32x128x128xi32, #tpu.memory_space<hbm>> -> memref<1x8x128xi32, #tpu.memory_space<hbm>>
        %dma_start3A_165 = tpu.memref_squeeze %dma_start3A_164 : memref<1x8x128xi32, #tpu.memory_space<hbm>> -> memref<8x128xi32, #tpu.memory_space<hbm>>
        %dma_start3A_166 = arith.constant 0 : i32
        %dma_start3A_167 = tpu.memref_slice %arg3[%add3A, %mul3A_42, %dma_start3A_166] : memref<32x128x128xi32, #tpu.memory_space<hbm>> -> memref<1x8x128xi32, #tpu.memory_space<hbm>>
        %dma_start3A_168 = tpu.memref_squeeze %dma_start3A_167 : memref<1x8x128xi32, #tpu.memory_space<hbm>> -> memref<8x128xi32, #tpu.memory_space<hbm>>
        tpu.enqueue_dma source(%dma_start3A_168 : memref<8x128xi32, #tpu.memory_space<hbm>>) target(%arg6 : memref<8x128xi32, #tpu.memory_space<vmem>>) target_semaphore(%run_scoped3A_162 : memref<!tpu.dma_semaphore, #tpu.memory_space<semaphore_mem>>)
        %dma_wait3A_169 = arith.constant 0 : i32
        %dma_wait3A_170 = tpu.memref_slice %arg3[%add3A, %mul3A_42, %dma_wait3A_169] : memref<32x128x128xi32, #tpu.memory_space<hbm>> -> memref<1x8x128xi32, #tpu.memory_space<hbm>>
        %dma_wait3A_171 = tpu.memref_squeeze %dma_wait3A_170 : memref<1x8x128xi32, #tpu.memory_space<hbm>> -> memref<8x128xi32, #tpu.memory_space<hbm>>
        %dma_wait3A_172 = arith.constant 0 : i32
        %dma_wait3A_173 = tpu.memref_slice %arg3[%add3A, %mul3A_42, %dma_wait3A_172] : memref<32x128x128xi32, #tpu.memory_space<hbm>> -> memref<1x8x128xi32, #tpu.memory_space<hbm>>
        %dma_wait3A_174 = tpu.memref_squeeze %dma_wait3A_173 : memref<1x8x128xi32, #tpu.memory_space<hbm>> -> memref<8x128xi32, #tpu.memory_space<hbm>>
        tpu.wait_dma2 semaphore(%run_scoped3A_162 : memref<!tpu.dma_semaphore, #tpu.memory_space<semaphore_mem>>) src(%dma_wait3A_174 : memref<8x128xi32, #tpu.memory_space<hbm>>) dst(%arg6 : memref<8x128xi32, #tpu.memory_space<vmem>>)
        tpu.yield
      }) : () -> ()
      %mul3A_43 = arith.constant 8 : i32
      %mul3A_44 = arith.muli %while3A_40, %mul3A_43 : i32
      "tpu.region"() ({
        %run_scoped3A_162 = tpu.sem_alloc : memref<!tpu.dma_semaphore, #tpu.memory_space<semaphore_mem>>
        %dma_start3A_163 = arith.constant 0 : i32
        %dma_start3A_164 = tpu.memref_slice %arg4[%add3A, %mul3A_44, %dma_start3A_163] : memref<32x128x128xi32, #tpu.memory_space<hbm>> -> memref<1x8x128xi32, #tpu.memory_space<hbm>>
        %dma_start3A_165 = tpu.memref_squeeze %dma_start3A_164 : memref<1x8x128xi32, #tpu.memory_space<hbm>> -> memref<8x128xi32, #tpu.memory_space<hbm>>
        %dma_start3A_166 = arith.constant 0 : i32
        %dma_start3A_167 = tpu.memref_slice %arg4[%add3A, %mul3A_44, %dma_start3A_166] : memref<32x128x128xi32, #tpu.memory_space<hbm>> -> memref<1x8x128xi32, #tpu.memory_space<hbm>>
        %dma_start3A_168 = tpu.memref_squeeze %dma_start3A_167 : memref<1x8x128xi32, #tpu.memory_space<hbm>> -> memref<8x128xi32, #tpu.memory_space<hbm>>
        tpu.enqueue_dma source(%dma_start3A_168 : memref<8x128xi32, #tpu.memory_space<hbm>>) target(%arg7 : memref<8x128xi32, #tpu.memory_space<vmem>>) target_semaphore(%run_scoped3A_162 : memref<!tpu.dma_semaphore, #tpu.memory_space<semaphore_mem>>)
        %dma_wait3A_169 = arith.constant 0 : i32
        %dma_wait3A_170 = tpu.memref_slice %arg4[%add3A, %mul3A_44, %dma_wait3A_169] : memref<32x128x128xi32, #tpu.memory_space<hbm>> -> memref<1x8x128xi32, #tpu.memory_space<hbm>>
        %dma_wait3A_171 = tpu.memref_squeeze %dma_wait3A_170 : memref<1x8x128xi32, #tpu.memory_space<hbm>> -> memref<8x128xi32, #tpu.memory_space<hbm>>
        %dma_wait3A_172 = arith.constant 0 : i32
        %dma_wait3A_173 = tpu.memref_slice %arg4[%add3A, %mul3A_44, %dma_wait3A_172] : memref<32x128x128xi32, #tpu.memory_space<hbm>> -> memref<1x8x128xi32, #tpu.memory_space<hbm>>
        %dma_wait3A_174 = tpu.memref_squeeze %dma_wait3A_173 : memref<1x8x128xi32, #tpu.memory_space<hbm>> -> memref<8x128xi32, #tpu.memory_space<hbm>>
        tpu.wait_dma2 semaphore(%run_scoped3A_162 : memref<!tpu.dma_semaphore, #tpu.memory_space<semaphore_mem>>) src(%dma_wait3A_174 : memref<8x128xi32, #tpu.memory_space<hbm>>) dst(%arg7 : memref<8x128xi32, #tpu.memory_space<vmem>>)
        tpu.yield
      }) : () -> ()
      %dma_start3A = arith.constant 0 : i32
      %dma_start3A_45 = arith.constant 0 : i32
      %dma_start3A_46 = tpu.memref_slice %arg6[%dma_start3A, %dma_start3A_45] : memref<8x128xi32, #tpu.memory_space<vmem>> -> memref<1x128xi32, #tpu.memory_space<vmem>>
      %dma_start3A_47 = tpu.memref_squeeze %dma_start3A_46 : memref<1x128xi32, #tpu.memory_space<vmem>> -> memref<128xi32, #tpu.memory_space<vmem>>
      %dma_start3A_48 = arith.constant 0 : i32
      %dma_start3A_49 = arith.constant 0 : i32
      %dma_start3A_50 = tpu.memref_slice %arg2[%dma_start3A_48, %dma_start3A_49] : memref<10240x128xf32, #tpu.memory_space<hbm>> -> memref<10240x128xf32, #tpu.memory_space<hbm>>
      tpu.enqueue_indirect_dma source(%dma_start3A_50 : memref<10240x128xf32, #tpu.memory_space<hbm>>) target(%arg8 : memref<128x128xf32, #tpu.memory_space<vmem>>) offsets(%dma_start3A_47 : memref<128xi32, #tpu.memory_space<vmem>>) semaphore(%arg11 : memref<!tpu.dma_semaphore, #tpu.memory_space<semaphore_mem>>)
      %dma_start3A_51 = arith.constant 1 : i32
      %dma_start3A_52 = arith.constant 0 : i32
      %dma_start3A_53 = tpu.memref_slice %arg6[%dma_start3A_51, %dma_start3A_52] : memref<8x128xi32, #tpu.memory_space<vmem>> -> memref<1x128xi32, #tpu.memory_space<vmem>>
      %dma_start3A_54 = tpu.memref_squeeze %dma_start3A_53 : memref<1x128xi32, #tpu.memory_space<vmem>> -> memref<128xi32, #tpu.memory_space<vmem>>
      %dma_start3A_55 = arith.constant 0 : i32
      %dma_start3A_56 = arith.constant 0 : i32
      %dma_start3A_57 = tpu.memref_slice %arg2[%dma_start3A_55, %dma_start3A_56] : memref<10240x128xf32, #tpu.memory_space<hbm>> -> memref<10240x128xf32, #tpu.memory_space<hbm>>
      tpu.enqueue_indirect_dma source(%dma_start3A_57 : memref<10240x128xf32, #tpu.memory_space<hbm>>) target(%arg9 : memref<128x128xf32, #tpu.memory_space<vmem>>) offsets(%dma_start3A_54 : memref<128xi32, #tpu.memory_space<vmem>>) semaphore(%arg12 : memref<!tpu.dma_semaphore, #tpu.memory_space<semaphore_mem>>)
      %dma_wait3A = arith.constant 0 : i32
      %dma_wait3A_58 = arith.constant 0 : i32
      %dma_wait3A_59 = tpu.memref_slice %arg6[%dma_wait3A, %dma_wait3A_58] : memref<8x128xi32, #tpu.memory_space<vmem>> -> memref<1x128xi32, #tpu.memory_space<vmem>>
      %dma_wait3A_60 = tpu.memref_squeeze %dma_wait3A_59 : memref<1x128xi32, #tpu.memory_space<vmem>> -> memref<128xi32, #tpu.memory_space<vmem>>
      %dma_wait3A_61 = arith.constant 0 : i32
      %dma_wait3A_62 = arith.constant 0 : i32
      %dma_wait3A_63 = tpu.memref_slice %arg2[%dma_wait3A_61, %dma_wait3A_62] : memref<10240x128xf32, #tpu.memory_space<hbm>> -> memref<10240x128xf32, #tpu.memory_space<hbm>>
      tpu.wait_indirect_dma semaphore(%arg11 : memref<!tpu.dma_semaphore, #tpu.memory_space<semaphore_mem>>) src(%dma_wait3A_63 : memref<10240x128xf32, #tpu.memory_space<hbm>>) dst(%arg8 : memref<128x128xf32, #tpu.memory_space<vmem>>)
      %run_scoped3A = arith.constant 0 : i32
      "tpu.region"() ({
        %run_scoped3A_162 = tpu.sem_alloc : memref<!tpu.dma_semaphore, #tpu.memory_space<semaphore_mem>>
        %dma_start3A_163 = arith.constant 0 : i32
        %dma_start3A_164 = tpu.memref_slice %arg7[%run_scoped3A, %dma_start3A_163] : memref<8x128xi32, #tpu.memory_space<vmem>> -> memref<1x128xi32, #tpu.memory_space<vmem>>
        %dma_start3A_165 = tpu.memref_squeeze %dma_start3A_164 : memref<1x128xi32, #tpu.memory_space<vmem>> -> memref<128xi32, #tpu.memory_space<vmem>>
        %dma_start3A_166 = arith.constant 0 : i32
        %dma_start3A_167 = arith.constant 0 : i32
        %dma_start3A_168 = tpu.memref_slice %arg10[%dma_start3A_166, %dma_start3A_167] : memref<10240x128xf32, #tpu.memory_space<vmem_shared>> -> memref<10240x128xf32, #tpu.memory_space<vmem_shared>>
        tpu.enqueue_indirect_dma source(%arg8 : memref<128x128xf32, #tpu.memory_space<vmem>>) target(%dma_start3A_168 : memref<10240x128xf32, #tpu.memory_space<vmem_shared>>) offsets(%dma_start3A_165 : memref<128xi32, #tpu.memory_space<vmem>>) semaphore(%run_scoped3A_162 : memref<!tpu.dma_semaphore, #tpu.memory_space<semaphore_mem>>) {add = true}
        %dma_wait3A_169 = arith.constant 0 : i32
        %dma_wait3A_170 = tpu.memref_slice %arg7[%run_scoped3A, %dma_wait3A_169] : memref<8x128xi32, #tpu.memory_space<vmem>> -> memref<1x128xi32, #tpu.memory_space<vmem>>
        %dma_wait3A_171 = tpu.memref_squeeze %dma_wait3A_170 : memref<1x128xi32, #tpu.memory_space<vmem>> -> memref<128xi32, #tpu.memory_space<vmem>>
        %dma_wait3A_172 = arith.constant 0 : i32
        %dma_wait3A_173 = arith.constant 0 : i32
        %dma_wait3A_174 = tpu.memref_slice %arg10[%dma_wait3A_172, %dma_wait3A_173] : memref<10240x128xf32, #tpu.memory_space<vmem_shared>> -> memref<10240x128xf32, #tpu.memory_space<vmem_shared>>
        tpu.wait_indirect_dma semaphore(%run_scoped3A_162 : memref<!tpu.dma_semaphore, #tpu.memory_space<semaphore_mem>>) src(%arg8 : memref<128x128xf32, #tpu.memory_space<vmem>>) dst(%dma_wait3A_174 : memref<10240x128xf32, #tpu.memory_space<vmem_shared>>)
        tpu.yield
      }) : () -> ()
      %dma_start3A_64 = arith.constant 2 : i32
      %dma_start3A_65 = arith.constant 0 : i32
      %dma_start3A_66 = tpu.memref_slice %arg6[%dma_start3A_64, %dma_start3A_65] : memref<8x128xi32, #tpu.memory_space<vmem>> -> memref<1x128xi32, #tpu.memory_space<vmem>>
      %dma_start3A_67 = tpu.memref_squeeze %dma_start3A_66 : memref<1x128xi32, #tpu.memory_space<vmem>> -> memref<128xi32, #tpu.memory_space<vmem>>
      %dma_start3A_68 = arith.constant 0 : i32
      %dma_start3A_69 = arith.constant 0 : i32
      %dma_start3A_70 = tpu.memref_slice %arg2[%dma_start3A_68, %dma_start3A_69] : memref<10240x128xf32, #tpu.memory_space<hbm>> -> memref<10240x128xf32, #tpu.memory_space<hbm>>
      tpu.enqueue_indirect_dma source(%dma_start3A_70 : memref<10240x128xf32, #tpu.memory_space<hbm>>) target(%arg8 : memref<128x128xf32, #tpu.memory_space<vmem>>) offsets(%dma_start3A_67 : memref<128xi32, #tpu.memory_space<vmem>>) semaphore(%arg11 : memref<!tpu.dma_semaphore, #tpu.memory_space<semaphore_mem>>)
      %dma_wait3A_71 = arith.constant 1 : i32
      %dma_wait3A_72 = arith.constant 0 : i32
      %dma_wait3A_73 = tpu.memref_slice %arg6[%dma_wait3A_71, %dma_wait3A_72] : memref<8x128xi32, #tpu.memory_space<vmem>> -> memref<1x128xi32, #tpu.memory_space<vmem>>
      %dma_wait3A_74 = tpu.memref_squeeze %dma_wait3A_73 : memref<1x128xi32, #tpu.memory_space<vmem>> -> memref<128xi32, #tpu.memory_space<vmem>>
      %dma_wait3A_75 = arith.constant 0 : i32
      %dma_wait3A_76 = arith.constant 0 : i32
      %dma_wait3A_77 = tpu.memref_slice %arg2[%dma_wait3A_75, %dma_wait3A_76] : memref<10240x128xf32, #tpu.memory_space<hbm>> -> memref<10240x128xf32, #tpu.memory_space<hbm>>
      tpu.wait_indirect_dma semaphore(%arg12 : memref<!tpu.dma_semaphore, #tpu.memory_space<semaphore_mem>>) src(%dma_wait3A_77 : memref<10240x128xf32, #tpu.memory_space<hbm>>) dst(%arg9 : memref<128x128xf32, #tpu.memory_space<vmem>>)
      %run_scoped3A_78 = arith.constant 1 : i32
      "tpu.region"() ({
        %run_scoped3A_162 = tpu.sem_alloc : memref<!tpu.dma_semaphore, #tpu.memory_space<semaphore_mem>>
        %dma_start3A_163 = arith.constant 0 : i32
        %dma_start3A_164 = tpu.memref_slice %arg7[%run_scoped3A_78, %dma_start3A_163] : memref<8x128xi32, #tpu.memory_space<vmem>> -> memref<1x128xi32, #tpu.memory_space<vmem>>
        %dma_start3A_165 = tpu.memref_squeeze %dma_start3A_164 : memref<1x128xi32, #tpu.memory_space<vmem>> -> memref<128xi32, #tpu.memory_space<vmem>>
        %dma_start3A_166 = arith.constant 0 : i32
        %dma_start3A_167 = arith.constant 0 : i32
        %dma_start3A_168 = tpu.memref_slice %arg10[%dma_start3A_166, %dma_start3A_167] : memref<10240x128xf32, #tpu.memory_space<vmem_shared>> -> memref<10240x128xf32, #tpu.memory_space<vmem_shared>>
        tpu.enqueue_indirect_dma source(%arg9 : memref<128x128xf32, #tpu.memory_space<vmem>>) target(%dma_start3A_168 : memref<10240x128xf32, #tpu.memory_space<vmem_shared>>) offsets(%dma_start3A_165 : memref<128xi32, #tpu.memory_space<vmem>>) semaphore(%run_scoped3A_162 : memref<!tpu.dma_semaphore, #tpu.memory_space<semaphore_mem>>) {add = true}
        %dma_wait3A_169 = arith.constant 0 : i32
        %dma_wait3A_170 = tpu.memref_slice %arg7[%run_scoped3A_78, %dma_wait3A_169] : memref<8x128xi32, #tpu.memory_space<vmem>> -> memref<1x128xi32, #tpu.memory_space<vmem>>
        %dma_wait3A_171 = tpu.memref_squeeze %dma_wait3A_170 : memref<1x128xi32, #tpu.memory_space<vmem>> -> memref<128xi32, #tpu.memory_space<vmem>>
        %dma_wait3A_172 = arith.constant 0 : i32
        %dma_wait3A_173 = arith.constant 0 : i32
        %dma_wait3A_174 = tpu.memref_slice %arg10[%dma_wait3A_172, %dma_wait3A_173] : memref<10240x128xf32, #tpu.memory_space<vmem_shared>> -> memref<10240x128xf32, #tpu.memory_space<vmem_shared>>
        tpu.wait_indirect_dma semaphore(%run_scoped3A_162 : memref<!tpu.dma_semaphore, #tpu.memory_space<semaphore_mem>>) src(%arg9 : memref<128x128xf32, #tpu.memory_space<vmem>>) dst(%dma_wait3A_174 : memref<10240x128xf32, #tpu.memory_space<vmem_shared>>)
        tpu.yield
      }) : () -> ()
      %dma_start3A_79 = arith.constant 3 : i32
      %dma_start3A_80 = arith.constant 0 : i32
      %dma_start3A_81 = tpu.memref_slice %arg6[%dma_start3A_79, %dma_start3A_80] : memref<8x128xi32, #tpu.memory_space<vmem>> -> memref<1x128xi32, #tpu.memory_space<vmem>>
      %dma_start3A_82 = tpu.memref_squeeze %dma_start3A_81 : memref<1x128xi32, #tpu.memory_space<vmem>> -> memref<128xi32, #tpu.memory_space<vmem>>
      %dma_start3A_83 = arith.constant 0 : i32
      %dma_start3A_84 = arith.constant 0 : i32
      %dma_start3A_85 = tpu.memref_slice %arg2[%dma_start3A_83, %dma_start3A_84] : memref<10240x128xf32, #tpu.memory_space<hbm>> -> memref<10240x128xf32, #tpu.memory_space<hbm>>
      tpu.enqueue_indirect_dma source(%dma_start3A_85 : memref<10240x128xf32, #tpu.memory_space<hbm>>) target(%arg9 : memref<128x128xf32, #tpu.memory_space<vmem>>) offsets(%dma_start3A_82 : memref<128xi32, #tpu.memory_space<vmem>>) semaphore(%arg12 : memref<!tpu.dma_semaphore, #tpu.memory_space<semaphore_mem>>)
      %dma_wait3A_86 = arith.constant 2 : i32
      %dma_wait3A_87 = arith.constant 0 : i32
      %dma_wait3A_88 = tpu.memref_slice %arg6[%dma_wait3A_86, %dma_wait3A_87] : memref<8x128xi32, #tpu.memory_space<vmem>> -> memref<1x128xi32, #tpu.memory_space<vmem>>
      %dma_wait3A_89 = tpu.memref_squeeze %dma_wait3A_88 : memref<1x128xi32, #tpu.memory_space<vmem>> -> memref<128xi32, #tpu.memory_space<vmem>>
      %dma_wait3A_90 = arith.constant 0 : i32
      %dma_wait3A_91 = arith.constant 0 : i32
      %dma_wait3A_92 = tpu.memref_slice %arg2[%dma_wait3A_90, %dma_wait3A_91] : memref<10240x128xf32, #tpu.memory_space<hbm>> -> memref<10240x128xf32, #tpu.memory_space<hbm>>
      tpu.wait_indirect_dma semaphore(%arg11 : memref<!tpu.dma_semaphore, #tpu.memory_space<semaphore_mem>>) src(%dma_wait3A_92 : memref<10240x128xf32, #tpu.memory_space<hbm>>) dst(%arg8 : memref<128x128xf32, #tpu.memory_space<vmem>>)
      %run_scoped3A_93 = arith.constant 2 : i32
      "tpu.region"() ({
        %run_scoped3A_162 = tpu.sem_alloc : memref<!tpu.dma_semaphore, #tpu.memory_space<semaphore_mem>>
        %dma_start3A_163 = arith.constant 0 : i32
        %dma_start3A_164 = tpu.memref_slice %arg7[%run_scoped3A_93, %dma_start3A_163] : memref<8x128xi32, #tpu.memory_space<vmem>> -> memref<1x128xi32, #tpu.memory_space<vmem>>
        %dma_start3A_165 = tpu.memref_squeeze %dma_start3A_164 : memref<1x128xi32, #tpu.memory_space<vmem>> -> memref<128xi32, #tpu.memory_space<vmem>>
        %dma_start3A_166 = arith.constant 0 : i32
        %dma_start3A_167 = arith.constant 0 : i32
        %dma_start3A_168 = tpu.memref_slice %arg10[%dma_start3A_166, %dma_start3A_167] : memref<10240x128xf32, #tpu.memory_space<vmem_shared>> -> memref<10240x128xf32, #tpu.memory_space<vmem_shared>>
        tpu.enqueue_indirect_dma source(%arg8 : memref<128x128xf32, #tpu.memory_space<vmem>>) target(%dma_start3A_168 : memref<10240x128xf32, #tpu.memory_space<vmem_shared>>) offsets(%dma_start3A_165 : memref<128xi32, #tpu.memory_space<vmem>>) semaphore(%run_scoped3A_162 : memref<!tpu.dma_semaphore, #tpu.memory_space<semaphore_mem>>) {add = true}
        %dma_wait3A_169 = arith.constant 0 : i32
        %dma_wait3A_170 = tpu.memref_slice %arg7[%run_scoped3A_93, %dma_wait3A_169] : memref<8x128xi32, #tpu.memory_space<vmem>> -> memref<1x128xi32, #tpu.memory_space<vmem>>
        %dma_wait3A_171 = tpu.memref_squeeze %dma_wait3A_170 : memref<1x128xi32, #tpu.memory_space<vmem>> -> memref<128xi32, #tpu.memory_space<vmem>>
        %dma_wait3A_172 = arith.constant 0 : i32
        %dma_wait3A_173 = arith.constant 0 : i32
        %dma_wait3A_174 = tpu.memref_slice %arg10[%dma_wait3A_172, %dma_wait3A_173] : memref<10240x128xf32, #tpu.memory_space<vmem_shared>> -> memref<10240x128xf32, #tpu.memory_space<vmem_shared>>
        tpu.wait_indirect_dma semaphore(%run_scoped3A_162 : memref<!tpu.dma_semaphore, #tpu.memory_space<semaphore_mem>>) src(%arg8 : memref<128x128xf32, #tpu.memory_space<vmem>>) dst(%dma_wait3A_174 : memref<10240x128xf32, #tpu.memory_space<vmem_shared>>)
        tpu.yield
      }) : () -> ()
      %dma_start3A_94 = arith.constant 4 : i32
      %dma_start3A_95 = arith.constant 0 : i32
      %dma_start3A_96 = tpu.memref_slice %arg6[%dma_start3A_94, %dma_start3A_95] : memref<8x128xi32, #tpu.memory_space<vmem>> -> memref<1x128xi32, #tpu.memory_space<vmem>>
      %dma_start3A_97 = tpu.memref_squeeze %dma_start3A_96 : memref<1x128xi32, #tpu.memory_space<vmem>> -> memref<128xi32, #tpu.memory_space<vmem>>
      %dma_start3A_98 = arith.constant 0 : i32
      %dma_start3A_99 = arith.constant 0 : i32
      %dma_start3A_100 = tpu.memref_slice %arg2[%dma_start3A_98, %dma_start3A_99] : memref<10240x128xf32, #tpu.memory_space<hbm>> -> memref<10240x128xf32, #tpu.memory_space<hbm>>
      tpu.enqueue_indirect_dma source(%dma_start3A_100 : memref<10240x128xf32, #tpu.memory_space<hbm>>) target(%arg8 : memref<128x128xf32, #tpu.memory_space<vmem>>) offsets(%dma_start3A_97 : memref<128xi32, #tpu.memory_space<vmem>>) semaphore(%arg11 : memref<!tpu.dma_semaphore, #tpu.memory_space<semaphore_mem>>)
      %dma_wait3A_101 = arith.constant 3 : i32
      %dma_wait3A_102 = arith.constant 0 : i32
      %dma_wait3A_103 = tpu.memref_slice %arg6[%dma_wait3A_101, %dma_wait3A_102] : memref<8x128xi32, #tpu.memory_space<vmem>> -> memref<1x128xi32, #tpu.memory_space<vmem>>
      %dma_wait3A_104 = tpu.memref_squeeze %dma_wait3A_103 : memref<1x128xi32, #tpu.memory_space<vmem>> -> memref<128xi32, #tpu.memory_space<vmem>>
      %dma_wait3A_105 = arith.constant 0 : i32
      %dma_wait3A_106 = arith.constant 0 : i32
      %dma_wait3A_107 = tpu.memref_slice %arg2[%dma_wait3A_105, %dma_wait3A_106] : memref<10240x128xf32, #tpu.memory_space<hbm>> -> memref<10240x128xf32, #tpu.memory_space<hbm>>
      tpu.wait_indirect_dma semaphore(%arg12 : memref<!tpu.dma_semaphore, #tpu.memory_space<semaphore_mem>>) src(%dma_wait3A_107 : memref<10240x128xf32, #tpu.memory_space<hbm>>) dst(%arg9 : memref<128x128xf32, #tpu.memory_space<vmem>>)
      %run_scoped3A_108 = arith.constant 3 : i32
      "tpu.region"() ({
        %run_scoped3A_162 = tpu.sem_alloc : memref<!tpu.dma_semaphore, #tpu.memory_space<semaphore_mem>>
        %dma_start3A_163 = arith.constant 0 : i32
        %dma_start3A_164 = tpu.memref_slice %arg7[%run_scoped3A_108, %dma_start3A_163] : memref<8x128xi32, #tpu.memory_space<vmem>> -> memref<1x128xi32, #tpu.memory_space<vmem>>
        %dma_start3A_165 = tpu.memref_squeeze %dma_start3A_164 : memref<1x128xi32, #tpu.memory_space<vmem>> -> memref<128xi32, #tpu.memory_space<vmem>>
        %dma_start3A_166 = arith.constant 0 : i32
        %dma_start3A_167 = arith.constant 0 : i32
        %dma_start3A_168 = tpu.memref_slice %arg10[%dma_start3A_166, %dma_start3A_167] : memref<10240x128xf32, #tpu.memory_space<vmem_shared>> -> memref<10240x128xf32, #tpu.memory_space<vmem_shared>>
        tpu.enqueue_indirect_dma source(%arg9 : memref<128x128xf32, #tpu.memory_space<vmem>>) target(%dma_start3A_168 : memref<10240x128xf32, #tpu.memory_space<vmem_shared>>) offsets(%dma_start3A_165 : memref<128xi32, #tpu.memory_space<vmem>>) semaphore(%run_scoped3A_162 : memref<!tpu.dma_semaphore, #tpu.memory_space<semaphore_mem>>) {add = true}
        %dma_wait3A_169 = arith.constant 0 : i32
        %dma_wait3A_170 = tpu.memref_slice %arg7[%run_scoped3A_108, %dma_wait3A_169] : memref<8x128xi32, #tpu.memory_space<vmem>> -> memref<1x128xi32, #tpu.memory_space<vmem>>
        %dma_wait3A_171 = tpu.memref_squeeze %dma_wait3A_170 : memref<1x128xi32, #tpu.memory_space<vmem>> -> memref<128xi32, #tpu.memory_space<vmem>>
        %dma_wait3A_172 = arith.constant 0 : i32
        %dma_wait3A_173 = arith.constant 0 : i32
        %dma_wait3A_174 = tpu.memref_slice %arg10[%dma_wait3A_172, %dma_wait3A_173] : memref<10240x128xf32, #tpu.memory_space<vmem_shared>> -> memref<10240x128xf32, #tpu.memory_space<vmem_shared>>
        tpu.wait_indirect_dma semaphore(%run_scoped3A_162 : memref<!tpu.dma_semaphore, #tpu.memory_space<semaphore_mem>>) src(%arg9 : memref<128x128xf32, #tpu.memory_space<vmem>>) dst(%dma_wait3A_174 : memref<10240x128xf32, #tpu.memory_space<vmem_shared>>)
        tpu.yield
      }) : () -> ()
      %dma_start3A_109 = arith.constant 5 : i32
      %dma_start3A_110 = arith.constant 0 : i32
      %dma_start3A_111 = tpu.memref_slice %arg6[%dma_start3A_109, %dma_start3A_110] : memref<8x128xi32, #tpu.memory_space<vmem>> -> memref<1x128xi32, #tpu.memory_space<vmem>>
      %dma_start3A_112 = tpu.memref_squeeze %dma_start3A_111 : memref<1x128xi32, #tpu.memory_space<vmem>> -> memref<128xi32, #tpu.memory_space<vmem>>
      %dma_start3A_113 = arith.constant 0 : i32
      %dma_start3A_114 = arith.constant 0 : i32
      %dma_start3A_115 = tpu.memref_slice %arg2[%dma_start3A_113, %dma_start3A_114] : memref<10240x128xf32, #tpu.memory_space<hbm>> -> memref<10240x128xf32, #tpu.memory_space<hbm>>
      tpu.enqueue_indirect_dma source(%dma_start3A_115 : memref<10240x128xf32, #tpu.memory_space<hbm>>) target(%arg9 : memref<128x128xf32, #tpu.memory_space<vmem>>) offsets(%dma_start3A_112 : memref<128xi32, #tpu.memory_space<vmem>>) semaphore(%arg12 : memref<!tpu.dma_semaphore, #tpu.memory_space<semaphore_mem>>)
      %dma_wait3A_116 = arith.constant 4 : i32
      %dma_wait3A_117 = arith.constant 0 : i32
      %dma_wait3A_118 = tpu.memref_slice %arg6[%dma_wait3A_116, %dma_wait3A_117] : memref<8x128xi32, #tpu.memory_space<vmem>> -> memref<1x128xi32, #tpu.memory_space<vmem>>
      %dma_wait3A_119 = tpu.memref_squeeze %dma_wait3A_118 : memref<1x128xi32, #tpu.memory_space<vmem>> -> memref<128xi32, #tpu.memory_space<vmem>>
      %dma_wait3A_120 = arith.constant 0 : i32
      %dma_wait3A_121 = arith.constant 0 : i32
      %dma_wait3A_122 = tpu.memref_slice %arg2[%dma_wait3A_120, %dma_wait3A_121] : memref<10240x128xf32, #tpu.memory_space<hbm>> -> memref<10240x128xf32, #tpu.memory_space<hbm>>
      tpu.wait_indirect_dma semaphore(%arg11 : memref<!tpu.dma_semaphore, #tpu.memory_space<semaphore_mem>>) src(%dma_wait3A_122 : memref<10240x128xf32, #tpu.memory_space<hbm>>) dst(%arg8 : memref<128x128xf32, #tpu.memory_space<vmem>>)
      %run_scoped3A_123 = arith.constant 4 : i32
      "tpu.region"() ({
        %run_scoped3A_162 = tpu.sem_alloc : memref<!tpu.dma_semaphore, #tpu.memory_space<semaphore_mem>>
        %dma_start3A_163 = arith.constant 0 : i32
        %dma_start3A_164 = tpu.memref_slice %arg7[%run_scoped3A_123, %dma_start3A_163] : memref<8x128xi32, #tpu.memory_space<vmem>> -> memref<1x128xi32, #tpu.memory_space<vmem>>
        %dma_start3A_165 = tpu.memref_squeeze %dma_start3A_164 : memref<1x128xi32, #tpu.memory_space<vmem>> -> memref<128xi32, #tpu.memory_space<vmem>>
        %dma_start3A_166 = arith.constant 0 : i32
        %dma_start3A_167 = arith.constant 0 : i32
        %dma_start3A_168 = tpu.memref_slice %arg10[%dma_start3A_166, %dma_start3A_167] : memref<10240x128xf32, #tpu.memory_space<vmem_shared>> -> memref<10240x128xf32, #tpu.memory_space<vmem_shared>>
        tpu.enqueue_indirect_dma source(%arg8 : memref<128x128xf32, #tpu.memory_space<vmem>>) target(%dma_start3A_168 : memref<10240x128xf32, #tpu.memory_space<vmem_shared>>) offsets(%dma_start3A_165 : memref<128xi32, #tpu.memory_space<vmem>>) semaphore(%run_scoped3A_162 : memref<!tpu.dma_semaphore, #tpu.memory_space<semaphore_mem>>) {add = true}
        %dma_wait3A_169 = arith.constant 0 : i32
        %dma_wait3A_170 = tpu.memref_slice %arg7[%run_scoped3A_123, %dma_wait3A_169] : memref<8x128xi32, #tpu.memory_space<vmem>> -> memref<1x128xi32, #tpu.memory_space<vmem>>
        %dma_wait3A_171 = tpu.memref_squeeze %dma_wait3A_170 : memref<1x128xi32, #tpu.memory_space<vmem>> -> memref<128xi32, #tpu.memory_space<vmem>>
        %dma_wait3A_172 = arith.constant 0 : i32
        %dma_wait3A_173 = arith.constant 0 : i32
        %dma_wait3A_174 = tpu.memref_slice %arg10[%dma_wait3A_172, %dma_wait3A_173] : memref<10240x128xf32, #tpu.memory_space<vmem_shared>> -> memref<10240x128xf32, #tpu.memory_space<vmem_shared>>
        tpu.wait_indirect_dma semaphore(%run_scoped3A_162 : memref<!tpu.dma_semaphore, #tpu.memory_space<semaphore_mem>>) src(%arg8 : memref<128x128xf32, #tpu.memory_space<vmem>>) dst(%dma_wait3A_174 : memref<10240x128xf32, #tpu.memory_space<vmem_shared>>)
        tpu.yield
      }) : () -> ()
      %dma_start3A_124 = arith.constant 6 : i32
      %dma_start3A_125 = arith.constant 0 : i32
      %dma_start3A_126 = tpu.memref_slice %arg6[%dma_start3A_124, %dma_start3A_125] : memref<8x128xi32, #tpu.memory_space<vmem>> -> memref<1x128xi32, #tpu.memory_space<vmem>>
      %dma_start3A_127 = tpu.memref_squeeze %dma_start3A_126 : memref<1x128xi32, #tpu.memory_space<vmem>> -> memref<128xi32, #tpu.memory_space<vmem>>
      %dma_start3A_128 = arith.constant 0 : i32
      %dma_start3A_129 = arith.constant 0 : i32
      %dma_start3A_130 = tpu.memref_slice %arg2[%dma_start3A_128, %dma_start3A_129] : memref<10240x128xf32, #tpu.memory_space<hbm>> -> memref<10240x128xf32, #tpu.memory_space<hbm>>
      tpu.enqueue_indirect_dma source(%dma_start3A_130 : memref<10240x128xf32, #tpu.memory_space<hbm>>) target(%arg8 : memref<128x128xf32, #tpu.memory_space<vmem>>) offsets(%dma_start3A_127 : memref<128xi32, #tpu.memory_space<vmem>>) semaphore(%arg11 : memref<!tpu.dma_semaphore, #tpu.memory_space<semaphore_mem>>)
      %dma_wait3A_131 = arith.constant 5 : i32
      %dma_wait3A_132 = arith.constant 0 : i32
      %dma_wait3A_133 = tpu.memref_slice %arg6[%dma_wait3A_131, %dma_wait3A_132] : memref<8x128xi32, #tpu.memory_space<vmem>> -> memref<1x128xi32, #tpu.memory_space<vmem>>
      %dma_wait3A_134 = tpu.memref_squeeze %dma_wait3A_133 : memref<1x128xi32, #tpu.memory_space<vmem>> -> memref<128xi32, #tpu.memory_space<vmem>>
      %dma_wait3A_135 = arith.constant 0 : i32
      %dma_wait3A_136 = arith.constant 0 : i32
      %dma_wait3A_137 = tpu.memref_slice %arg2[%dma_wait3A_135, %dma_wait3A_136] : memref<10240x128xf32, #tpu.memory_space<hbm>> -> memref<10240x128xf32, #tpu.memory_space<hbm>>
      tpu.wait_indirect_dma semaphore(%arg12 : memref<!tpu.dma_semaphore, #tpu.memory_space<semaphore_mem>>) src(%dma_wait3A_137 : memref<10240x128xf32, #tpu.memory_space<hbm>>) dst(%arg9 : memref<128x128xf32, #tpu.memory_space<vmem>>)
      %run_scoped3A_138 = arith.constant 5 : i32
      "tpu.region"() ({
        %run_scoped3A_162 = tpu.sem_alloc : memref<!tpu.dma_semaphore, #tpu.memory_space<semaphore_mem>>
        %dma_start3A_163 = arith.constant 0 : i32
        %dma_start3A_164 = tpu.memref_slice %arg7[%run_scoped3A_138, %dma_start3A_163] : memref<8x128xi32, #tpu.memory_space<vmem>> -> memref<1x128xi32, #tpu.memory_space<vmem>>
        %dma_start3A_165 = tpu.memref_squeeze %dma_start3A_164 : memref<1x128xi32, #tpu.memory_space<vmem>> -> memref<128xi32, #tpu.memory_space<vmem>>
        %dma_start3A_166 = arith.constant 0 : i32
        %dma_start3A_167 = arith.constant 0 : i32
        %dma_start3A_168 = tpu.memref_slice %arg10[%dma_start3A_166, %dma_start3A_167] : memref<10240x128xf32, #tpu.memory_space<vmem_shared>> -> memref<10240x128xf32, #tpu.memory_space<vmem_shared>>
        tpu.enqueue_indirect_dma source(%arg9 : memref<128x128xf32, #tpu.memory_space<vmem>>) target(%dma_start3A_168 : memref<10240x128xf32, #tpu.memory_space<vmem_shared>>) offsets(%dma_start3A_165 : memref<128xi32, #tpu.memory_space<vmem>>) semaphore(%run_scoped3A_162 : memref<!tpu.dma_semaphore, #tpu.memory_space<semaphore_mem>>) {add = true}
        %dma_wait3A_169 = arith.constant 0 : i32
        %dma_wait3A_170 = tpu.memref_slice %arg7[%run_scoped3A_138, %dma_wait3A_169] : memref<8x128xi32, #tpu.memory_space<vmem>> -> memref<1x128xi32, #tpu.memory_space<vmem>>
        %dma_wait3A_171 = tpu.memref_squeeze %dma_wait3A_170 : memref<1x128xi32, #tpu.memory_space<vmem>> -> memref<128xi32, #tpu.memory_space<vmem>>
        %dma_wait3A_172 = arith.constant 0 : i32
        %dma_wait3A_173 = arith.constant 0 : i32
        %dma_wait3A_174 = tpu.memref_slice %arg10[%dma_wait3A_172, %dma_wait3A_173] : memref<10240x128xf32, #tpu.memory_space<vmem_shared>> -> memref<10240x128xf32, #tpu.memory_space<vmem_shared>>
        tpu.wait_indirect_dma semaphore(%run_scoped3A_162 : memref<!tpu.dma_semaphore, #tpu.memory_space<semaphore_mem>>) src(%arg9 : memref<128x128xf32, #tpu.memory_space<vmem>>) dst(%dma_wait3A_174 : memref<10240x128xf32, #tpu.memory_space<vmem_shared>>)
        tpu.yield
      }) : () -> ()
      %dma_start3A_139 = arith.constant 7 : i32
      %dma_start3A_140 = arith.constant 0 : i32
      %dma_start3A_141 = tpu.memref_slice %arg6[%dma_start3A_139, %dma_start3A_140] : memref<8x128xi32, #tpu.memory_space<vmem>> -> memref<1x128xi32, #tpu.memory_space<vmem>>
      %dma_start3A_142 = tpu.memref_squeeze %dma_start3A_141 : memref<1x128xi32, #tpu.memory_space<vmem>> -> memref<128xi32, #tpu.memory_space<vmem>>
      %dma_start3A_143 = arith.constant 0 : i32
      %dma_start3A_144 = arith.constant 0 : i32
      %dma_start3A_145 = tpu.memref_slice %arg2[%dma_start3A_143, %dma_start3A_144] : memref<10240x128xf32, #tpu.memory_space<hbm>> -> memref<10240x128xf32, #tpu.memory_space<hbm>>
      tpu.enqueue_indirect_dma source(%dma_start3A_145 : memref<10240x128xf32, #tpu.memory_space<hbm>>) target(%arg9 : memref<128x128xf32, #tpu.memory_space<vmem>>) offsets(%dma_start3A_142 : memref<128xi32, #tpu.memory_space<vmem>>) semaphore(%arg12 : memref<!tpu.dma_semaphore, #tpu.memory_space<semaphore_mem>>)
      %dma_wait3A_146 = arith.constant 6 : i32
      %dma_wait3A_147 = arith.constant 0 : i32
      %dma_wait3A_148 = tpu.memref_slice %arg6[%dma_wait3A_146, %dma_wait3A_147] : memref<8x128xi32, #tpu.memory_space<vmem>> -> memref<1x128xi32, #tpu.memory_space<vmem>>
      %dma_wait3A_149 = tpu.memref_squeeze %dma_wait3A_148 : memref<1x128xi32, #tpu.memory_space<vmem>> -> memref<128xi32, #tpu.memory_space<vmem>>
      %dma_wait3A_150 = arith.constant 0 : i32
      %dma_wait3A_151 = arith.constant 0 : i32
      %dma_wait3A_152 = tpu.memref_slice %arg2[%dma_wait3A_150, %dma_wait3A_151] : memref<10240x128xf32, #tpu.memory_space<hbm>> -> memref<10240x128xf32, #tpu.memory_space<hbm>>
      tpu.wait_indirect_dma semaphore(%arg11 : memref<!tpu.dma_semaphore, #tpu.memory_space<semaphore_mem>>) src(%dma_wait3A_152 : memref<10240x128xf32, #tpu.memory_space<hbm>>) dst(%arg8 : memref<128x128xf32, #tpu.memory_space<vmem>>)
      %run_scoped3A_153 = arith.constant 6 : i32
      "tpu.region"() ({
        %run_scoped3A_162 = tpu.sem_alloc : memref<!tpu.dma_semaphore, #tpu.memory_space<semaphore_mem>>
        %dma_start3A_163 = arith.constant 0 : i32
        %dma_start3A_164 = tpu.memref_slice %arg7[%run_scoped3A_153, %dma_start3A_163] : memref<8x128xi32, #tpu.memory_space<vmem>> -> memref<1x128xi32, #tpu.memory_space<vmem>>
        %dma_start3A_165 = tpu.memref_squeeze %dma_start3A_164 : memref<1x128xi32, #tpu.memory_space<vmem>> -> memref<128xi32, #tpu.memory_space<vmem>>
        %dma_start3A_166 = arith.constant 0 : i32
        %dma_start3A_167 = arith.constant 0 : i32
        %dma_start3A_168 = tpu.memref_slice %arg10[%dma_start3A_166, %dma_start3A_167] : memref<10240x128xf32, #tpu.memory_space<vmem_shared>> -> memref<10240x128xf32, #tpu.memory_space<vmem_shared>>
        tpu.enqueue_indirect_dma source(%arg8 : memref<128x128xf32, #tpu.memory_space<vmem>>) target(%dma_start3A_168 : memref<10240x128xf32, #tpu.memory_space<vmem_shared>>) offsets(%dma_start3A_165 : memref<128xi32, #tpu.memory_space<vmem>>) semaphore(%run_scoped3A_162 : memref<!tpu.dma_semaphore, #tpu.memory_space<semaphore_mem>>) {add = true}
        %dma_wait3A_169 = arith.constant 0 : i32
        %dma_wait3A_170 = tpu.memref_slice %arg7[%run_scoped3A_153, %dma_wait3A_169] : memref<8x128xi32, #tpu.memory_space<vmem>> -> memref<1x128xi32, #tpu.memory_space<vmem>>
        %dma_wait3A_171 = tpu.memref_squeeze %dma_wait3A_170 : memref<1x128xi32, #tpu.memory_space<vmem>> -> memref<128xi32, #tpu.memory_space<vmem>>
        %dma_wait3A_172 = arith.constant 0 : i32
        %dma_wait3A_173 = arith.constant 0 : i32
        %dma_wait3A_174 = tpu.memref_slice %arg10[%dma_wait3A_172, %dma_wait3A_173] : memref<10240x128xf32, #tpu.memory_space<vmem_shared>> -> memref<10240x128xf32, #tpu.memory_space<vmem_shared>>
        tpu.wait_indirect_dma semaphore(%run_scoped3A_162 : memref<!tpu.dma_semaphore, #tpu.memory_space<semaphore_mem>>) src(%arg8 : memref<128x128xf32, #tpu.memory_space<vmem>>) dst(%dma_wait3A_174 : memref<10240x128xf32, #tpu.memory_space<vmem_shared>>)
        tpu.yield
      }) : () -> ()
      %dma_wait3A_154 = arith.constant 7 : i32
      %dma_wait3A_155 = arith.constant 0 : i32
      %dma_wait3A_156 = tpu.memref_slice %arg6[%dma_wait3A_154, %dma_wait3A_155] : memref<8x128xi32, #tpu.memory_space<vmem>> -> memref<1x128xi32, #tpu.memory_space<vmem>>
      %dma_wait3A_157 = tpu.memref_squeeze %dma_wait3A_156 : memref<1x128xi32, #tpu.memory_space<vmem>> -> memref<128xi32, #tpu.memory_space<vmem>>
      %dma_wait3A_158 = arith.constant 0 : i32
      %dma_wait3A_159 = arith.constant 0 : i32
      %dma_wait3A_160 = tpu.memref_slice %arg2[%dma_wait3A_158, %dma_wait3A_159] : memref<10240x128xf32, #tpu.memory_space<hbm>> -> memref<10240x128xf32, #tpu.memory_space<hbm>>
      tpu.wait_indirect_dma semaphore(%arg12 : memref<!tpu.dma_semaphore, #tpu.memory_space<semaphore_mem>>) src(%dma_wait3A_160 : memref<10240x128xf32, #tpu.memory_space<hbm>>) dst(%arg9 : memref<128x128xf32, #tpu.memory_space<vmem>>)
      %run_scoped3A_161 = arith.constant 7 : i32
      "tpu.region"() ({
        %run_scoped3A_162 = tpu.sem_alloc : memref<!tpu.dma_semaphore, #tpu.memory_space<semaphore_mem>>
        %dma_start3A_163 = arith.constant 0 : i32
        %dma_start3A_164 = tpu.memref_slice %arg7[%run_scoped3A_161, %dma_start3A_163] : memref<8x128xi32, #tpu.memory_space<vmem>> -> memref<1x128xi32, #tpu.memory_space<vmem>>
        %dma_start3A_165 = tpu.memref_squeeze %dma_start3A_164 : memref<1x128xi32, #tpu.memory_space<vmem>> -> memref<128xi32, #tpu.memory_space<vmem>>
        %dma_start3A_166 = arith.constant 0 : i32
        %dma_start3A_167 = arith.constant 0 : i32
        %dma_start3A_168 = tpu.memref_slice %arg10[%dma_start3A_166, %dma_start3A_167] : memref<10240x128xf32, #tpu.memory_space<vmem_shared>> -> memref<10240x128xf32, #tpu.memory_space<vmem_shared>>
        tpu.enqueue_indirect_dma source(%arg9 : memref<128x128xf32, #tpu.memory_space<vmem>>) target(%dma_start3A_168 : memref<10240x128xf32, #tpu.memory_space<vmem_shared>>) offsets(%dma_start3A_165 : memref<128xi32, #tpu.memory_space<vmem>>) semaphore(%run_scoped3A_162 : memref<!tpu.dma_semaphore, #tpu.memory_space<semaphore_mem>>) {add = true}
        %dma_wait3A_169 = arith.constant 0 : i32
        %dma_wait3A_170 = tpu.memref_slice %arg7[%run_scoped3A_161, %dma_wait3A_169] : memref<8x128xi32, #tpu.memory_space<vmem>> -> memref<1x128xi32, #tpu.memory_space<vmem>>
        %dma_wait3A_171 = tpu.memref_squeeze %dma_wait3A_170 : memref<1x128xi32, #tpu.memory_space<vmem>> -> memref<128xi32, #tpu.memory_space<vmem>>
        %dma_wait3A_172 = arith.constant 0 : i32
        %dma_wait3A_173 = arith.constant 0 : i32
        %dma_wait3A_174 = tpu.memref_slice %arg10[%dma_wait3A_172, %dma_wait3A_173] : memref<10240x128xf32, #tpu.memory_space<vmem_shared>> -> memref<10240x128xf32, #tpu.memory_space<vmem_shared>>
        tpu.wait_indirect_dma semaphore(%run_scoped3A_162 : memref<!tpu.dma_semaphore, #tpu.memory_space<semaphore_mem>>) src(%arg9 : memref<128x128xf32, #tpu.memory_space<vmem>>) dst(%dma_wait3A_174 : memref<10240x128xf32, #tpu.memory_space<vmem_shared>>)
        tpu.yield
      }) : () -> ()
    }
    %barrier3A_37 = arith.constant 0 : index
    tpu.barrier barrier_id(%barrier3A_37)
    %mul3A_38 = arith.constant 640 : i32
    %mul3A_39 = arith.muli %arg1, %mul3A_38 : i32
    "tpu.region"() ({
      %run_scoped3A = tpu.sem_alloc : memref<!tpu.dma_semaphore, #tpu.memory_space<semaphore_mem>>
      %dma_start3A = arith.constant 0 : i32
      %dma_start3A_40 = tpu.memref_slice %arg5[%arg0, %mul3A_39, %dma_start3A] : memref<2x10240x128xf32, #tpu.memory_space<hbm>> -> memref<1x640x128xf32, #tpu.memory_space<hbm>>
      %dma_start3A_41 = tpu.memref_squeeze %dma_start3A_40 : memref<1x640x128xf32, #tpu.memory_space<hbm>> -> memref<640x128xf32, #tpu.memory_space<hbm>>
      %dma_start3A_42 = arith.constant 0 : i32
      %dma_start3A_43 = tpu.memref_slice %arg10[%mul3A_39, %dma_start3A_42] : memref<10240x128xf32, #tpu.memory_space<vmem_shared>> -> memref<640x128xf32, #tpu.memory_space<vmem_shared>>
      tpu.enqueue_dma source(%dma_start3A_43 : memref<640x128xf32, #tpu.memory_space<vmem_shared>>) target(%dma_start3A_41 : memref<640x128xf32, #tpu.memory_space<hbm>>) target_semaphore(%run_scoped3A : memref<!tpu.dma_semaphore, #tpu.memory_space<semaphore_mem>>)
      %dma_wait3A = arith.constant 0 : i32
      %dma_wait3A_44 = tpu.memref_slice %arg5[%arg0, %mul3A_39, %dma_wait3A] : memref<2x10240x128xf32, #tpu.memory_space<hbm>> -> memref<1x640x128xf32, #tpu.memory_space<hbm>>
      %dma_wait3A_45 = tpu.memref_squeeze %dma_wait3A_44 : memref<1x640x128xf32, #tpu.memory_space<hbm>> -> memref<640x128xf32, #tpu.memory_space<hbm>>
      %dma_wait3A_46 = arith.constant 0 : i32
      %dma_wait3A_47 = tpu.memref_slice %arg10[%mul3A_39, %dma_wait3A_46] : memref<10240x128xf32, #tpu.memory_space<vmem_shared>> -> memref<640x128xf32, #tpu.memory_space<vmem_shared>>
      tpu.wait_dma2 semaphore(%run_scoped3A : memref<!tpu.dma_semaphore, #tpu.memory_space<semaphore_mem>>) src(%dma_wait3A_47 : memref<640x128xf32, #tpu.memory_space<vmem_shared>>) dst(%dma_wait3A_45 : memref<640x128xf32, #tpu.memory_space<hbm>>)
      tpu.yield
    }) : () -> ()
    return
  }
}

#map = affine_map<(d0, d1) -> (0, 0, 0)>
module attributes {stable_mosaic.version = 14 : i64} {
  func.func @body(%arg0: i32, %arg1: i32, %arg2: memref<32x80x128xi32, #tpu.memory_space<hbm>>, %arg3: memref<2x10240x128xf32, #tpu.memory_space<hbm>>, %arg4: memref<8x128xi32, #tpu.memory_space<vmem>>, %arg5: memref<128x128xf32, #tpu.memory_space<vmem>>, %arg6: memref<10240x128xf32, #tpu.memory_space<vmem_shared>>) attributes {dimension_semantics = [#tpu.dimension_semantics<core_parallel>, #tpu.dimension_semantics<subcore_parallel>], iteration_bounds = array<i64: 2, 16>, scalar_prefetch = 0 : i64, scratch_operands = 3 : i64, tpu.core_type = #tpu.core_type<sc_vector_subcore>, window_params = [{transform_indices = #map}, {transform_indices = #map}]} {
    %mul3A = arith.constant 2 : i32
    %mul3A_0 = arith.muli %arg1, %mul3A : i32
    %add3A = arith.addi %mul3A_0, %arg0 : i32
    %scan3A = arith.constant 0 : i32
    %scan3A_1 = arith.constant 0 : i32
    %scan3A_2 = arith.constant 128 : i32
    %scan3A_3 = arith.addi %scan3A_1, %scan3A_2 : i32
    %scan3A_4 = arith.constant 1 : i32
    scf.for %scan3A_45 = %scan3A_1 to %scan3A_3 step %scan3A_4  : i32 {
      %broadcast_in_dim3A_46 = arith.constant 0.000000e+00 : f32
      %broadcast_in_dim3A_47 = vector.broadcast %broadcast_in_dim3A_46 : f32 to vector<16xf32>
      %swap3A = arith.index_cast %scan3A_45 : i32 to index
      %swap3A_48 = arith.constant 0 : index
      %swap3A_49 = tpu.vector_load %arg5[%swap3A, %swap3A_48] {strides = array<i32>} : memref<128x128xf32, #tpu.memory_space<vmem>>, vector<1x16xf32>,
      %swap3A_50 = vector.shape_cast %swap3A_49 : vector<1x16xf32> to vector<16xf32>
      %swap3A_51 = vector.shape_cast %broadcast_in_dim3A_47 : vector<16xf32> to vector<1x16xf32>
      tpu.vector_store %arg5[%swap3A, %swap3A_48], %swap3A_51 {strides = array<i32>} : memref<128x128xf32, #tpu.memory_space<vmem>>, vector<1x16xf32>,
      %broadcast_in_dim3A_52 = arith.constant 0.000000e+00 : f32
      %broadcast_in_dim3A_53 = vector.broadcast %broadcast_in_dim3A_52 : f32 to vector<16xf32>
      %swap3A_54 = arith.index_cast %scan3A_45 : i32 to index
      %swap3A_55 = arith.constant 16 : index
      %swap3A_56 = tpu.vector_load %arg5[%swap3A_54, %swap3A_55] {strides = array<i32>} : memref<128x128xf32, #tpu.memory_space<vmem>>, vector<1x16xf32>,
      %swap3A_57 = vector.shape_cast %swap3A_56 : vector<1x16xf32> to vector<16xf32>
      %swap3A_58 = vector.shape_cast %broadcast_in_dim3A_53 : vector<16xf32> to vector<1x16xf32>
      tpu.vector_store %arg5[%swap3A_54, %swap3A_55], %swap3A_58 {strides = array<i32>} : memref<128x128xf32, #tpu.memory_space<vmem>>, vector<1x16xf32>,
      %broadcast_in_dim3A_59 = arith.constant 0.000000e+00 : f32
      %broadcast_in_dim3A_60 = vector.broadcast %broadcast_in_dim3A_59 : f32 to vector<16xf32>
      %swap3A_61 = arith.index_cast %scan3A_45 : i32 to index
      %swap3A_62 = arith.constant 32 : index
      %swap3A_63 = tpu.vector_load %arg5[%swap3A_61, %swap3A_62] {strides = array<i32>} : memref<128x128xf32, #tpu.memory_space<vmem>>, vector<1x16xf32>,
      %swap3A_64 = vector.shape_cast %swap3A_63 : vector<1x16xf32> to vector<16xf32>
      %swap3A_65 = vector.shape_cast %broadcast_in_dim3A_60 : vector<16xf32> to vector<1x16xf32>
      tpu.vector_store %arg5[%swap3A_61, %swap3A_62], %swap3A_65 {strides = array<i32>} : memref<128x128xf32, #tpu.memory_space<vmem>>, vector<1x16xf32>,
      %broadcast_in_dim3A_66 = arith.constant 0.000000e+00 : f32
      %broadcast_in_dim3A_67 = vector.broadcast %broadcast_in_dim3A_66 : f32 to vector<16xf32>
      %swap3A_68 = arith.index_cast %scan3A_45 : i32 to index
      %swap3A_69 = arith.constant 48 : index
      %swap3A_70 = tpu.vector_load %arg5[%swap3A_68, %swap3A_69] {strides = array<i32>} : memref<128x128xf32, #tpu.memory_space<vmem>>, vector<1x16xf32>,
      %swap3A_71 = vector.shape_cast %swap3A_70 : vector<1x16xf32> to vector<16xf32>
      %swap3A_72 = vector.shape_cast %broadcast_in_dim3A_67 : vector<16xf32> to vector<1x16xf32>
      tpu.vector_store %arg5[%swap3A_68, %swap3A_69], %swap3A_72 {strides = array<i32>} : memref<128x128xf32, #tpu.memory_space<vmem>>, vector<1x16xf32>,
      %broadcast_in_dim3A_73 = arith.constant 0.000000e+00 : f32
      %broadcast_in_dim3A_74 = vector.broadcast %broadcast_in_dim3A_73 : f32 to vector<16xf32>
      %swap3A_75 = arith.index_cast %scan3A_45 : i32 to index
      %swap3A_76 = arith.constant 64 : index
      %swap3A_77 = tpu.vector_load %arg5[%swap3A_75, %swap3A_76] {strides = array<i32>} : memref<128x128xf32, #tpu.memory_space<vmem>>, vector<1x16xf32>,
      %swap3A_78 = vector.shape_cast %swap3A_77 : vector<1x16xf32> to vector<16xf32>
      %swap3A_79 = vector.shape_cast %broadcast_in_dim3A_74 : vector<16xf32> to vector<1x16xf32>
      tpu.vector_store %arg5[%swap3A_75, %swap3A_76], %swap3A_79 {strides = array<i32>} : memref<128x128xf32, #tpu.memory_space<vmem>>, vector<1x16xf32>,
      %broadcast_in_dim3A_80 = arith.constant 0.000000e+00 : f32
      %broadcast_in_dim3A_81 = vector.broadcast %broadcast_in_dim3A_80 : f32 to vector<16xf32>
      %swap3A_82 = arith.index_cast %scan3A_45 : i32 to index
      %swap3A_83 = arith.constant 80 : index
      %swap3A_84 = tpu.vector_load %arg5[%swap3A_82, %swap3A_83] {strides = array<i32>} : memref<128x128xf32, #tpu.memory_space<vmem>>, vector<1x16xf32>,
      %swap3A_85 = vector.shape_cast %swap3A_84 : vector<1x16xf32> to vector<16xf32>
      %swap3A_86 = vector.shape_cast %broadcast_in_dim3A_81 : vector<16xf32> to vector<1x16xf32>
      tpu.vector_store %arg5[%swap3A_82, %swap3A_83], %swap3A_86 {strides = array<i32>} : memref<128x128xf32, #tpu.memory_space<vmem>>, vector<1x16xf32>,
      %broadcast_in_dim3A_87 = arith.constant 0.000000e+00 : f32
      %broadcast_in_dim3A_88 = vector.broadcast %broadcast_in_dim3A_87 : f32 to vector<16xf32>
      %swap3A_89 = arith.index_cast %scan3A_45 : i32 to index
      %swap3A_90 = arith.constant 96 : index
      %swap3A_91 = tpu.vector_load %arg5[%swap3A_89, %swap3A_90] {strides = array<i32>} : memref<128x128xf32, #tpu.memory_space<vmem>>, vector<1x16xf32>,
      %swap3A_92 = vector.shape_cast %swap3A_91 : vector<1x16xf32> to vector<16xf32>
      %swap3A_93 = vector.shape_cast %broadcast_in_dim3A_88 : vector<16xf32> to vector<1x16xf32>
      tpu.vector_store %arg5[%swap3A_89, %swap3A_90], %swap3A_93 {strides = array<i32>} : memref<128x128xf32, #tpu.memory_space<vmem>>, vector<1x16xf32>,
      %broadcast_in_dim3A_94 = arith.constant 0.000000e+00 : f32
      %broadcast_in_dim3A_95 = vector.broadcast %broadcast_in_dim3A_94 : f32 to vector<16xf32>
      %swap3A_96 = arith.index_cast %scan3A_45 : i32 to index
      %swap3A_97 = arith.constant 112 : index
      %swap3A_98 = tpu.vector_load %arg5[%swap3A_96, %swap3A_97] {strides = array<i32>} : memref<128x128xf32, #tpu.memory_space<vmem>>, vector<1x16xf32>,
      %swap3A_99 = vector.shape_cast %swap3A_98 : vector<1x16xf32> to vector<16xf32>
      %swap3A_100 = vector.shape_cast %broadcast_in_dim3A_95 : vector<16xf32> to vector<1x16xf32>
      tpu.vector_store %arg5[%swap3A_96, %swap3A_97], %swap3A_100 {strides = array<i32>} : memref<128x128xf32, #tpu.memory_space<vmem>>, vector<1x16xf32>,
    }
    %scan3A_5 = arith.constant 128 : i32
    %mul3A_6 = arith.constant 640 : i32
    %mul3A_7 = arith.muli %arg1, %mul3A_6 : i32
    %add3A_8 = arith.constant 0 : i32
    %add3A_9 = arith.addi %mul3A_7, %add3A_8 : i32
    "tpu.region"() ({
      %run_scoped3A = tpu.sem_alloc : memref<!tpu.dma_semaphore, #tpu.memory_space<semaphore_mem>>
      %dma_start3A = arith.constant 0 : i32
      %dma_start3A_45 = tpu.memref_slice %arg6[%add3A_9, %dma_start3A] : memref<10240x128xf32, #tpu.memory_space<vmem_shared>> -> memref<128x128xf32, #tpu.memory_space<vmem_shared>>
      %dma_start3A_46 = arith.constant 0 : i32
      %dma_start3A_47 = tpu.memref_slice %arg6[%add3A_9, %dma_start3A_46] : memref<10240x128xf32, #tpu.memory_space<vmem_shared>> -> memref<128x128xf32, #tpu.memory_space<vmem_shared>>
      tpu.enqueue_dma source(%arg5 : memref<128x128xf32, #tpu.memory_space<vmem>>) target(%dma_start3A_47 : memref<128x128xf32, #tpu.memory_space<vmem_shared>>) target_semaphore(%run_scoped3A : memref<!tpu.dma_semaphore, #tpu.memory_space<semaphore_mem>>)
      %dma_wait3A = arith.constant 0 : i32
      %dma_wait3A_48 = tpu.memref_slice %arg6[%add3A_9, %dma_wait3A] : memref<10240x128xf32, #tpu.memory_space<vmem_shared>> -> memref<128x128xf32, #tpu.memory_space<vmem_shared>>
      %dma_wait3A_49 = arith.constant 0 : i32
      %dma_wait3A_50 = tpu.memref_slice %arg6[%add3A_9, %dma_wait3A_49] : memref<10240x128xf32, #tpu.memory_space<vmem_shared>> -> memref<128x128xf32, #tpu.memory_space<vmem_shared>>
      tpu.wait_dma2 semaphore(%run_scoped3A : memref<!tpu.dma_semaphore, #tpu.memory_space<semaphore_mem>>) src(%arg5 : memref<128x128xf32, #tpu.memory_space<vmem>>) dst(%dma_wait3A_50 : memref<128x128xf32, #tpu.memory_space<vmem_shared>>)
      tpu.yield
    }) : () -> ()
    %mul3A_10 = arith.constant 640 : i32
    %mul3A_11 = arith.muli %arg1, %mul3A_10 : i32
    %add3A_12 = arith.constant 128 : i32
    %add3A_13 = arith.addi %mul3A_11, %add3A_12 : i32
    "tpu.region"() ({
      %run_scoped3A = tpu.sem_alloc : memref<!tpu.dma_semaphore, #tpu.memory_space<semaphore_mem>>
      %dma_start3A = arith.constant 0 : i32
      %dma_start3A_45 = tpu.memref_slice %arg6[%add3A_13, %dma_start3A] : memref<10240x128xf32, #tpu.memory_space<vmem_shared>> -> memref<128x128xf32, #tpu.memory_space<vmem_shared>>
      %dma_start3A_46 = arith.constant 0 : i32
      %dma_start3A_47 = tpu.memref_slice %arg6[%add3A_13, %dma_start3A_46] : memref<10240x128xf32, #tpu.memory_space<vmem_shared>> -> memref<128x128xf32, #tpu.memory_space<vmem_shared>>
      tpu.enqueue_dma source(%arg5 : memref<128x128xf32, #tpu.memory_space<vmem>>) target(%dma_start3A_47 : memref<128x128xf32, #tpu.memory_space<vmem_shared>>) target_semaphore(%run_scoped3A : memref<!tpu.dma_semaphore, #tpu.memory_space<semaphore_mem>>)
      %dma_wait3A = arith.constant 0 : i32
      %dma_wait3A_48 = tpu.memref_slice %arg6[%add3A_13, %dma_wait3A] : memref<10240x128xf32, #tpu.memory_space<vmem_shared>> -> memref<128x128xf32, #tpu.memory_space<vmem_shared>>
      %dma_wait3A_49 = arith.constant 0 : i32
      %dma_wait3A_50 = tpu.memref_slice %arg6[%add3A_13, %dma_wait3A_49] : memref<10240x128xf32, #tpu.memory_space<vmem_shared>> -> memref<128x128xf32, #tpu.memory_space<vmem_shared>>
      tpu.wait_dma2 semaphore(%run_scoped3A : memref<!tpu.dma_semaphore, #tpu.memory_space<semaphore_mem>>) src(%arg5 : memref<128x128xf32, #tpu.memory_space<vmem>>) dst(%dma_wait3A_50 : memref<128x128xf32, #tpu.memory_space<vmem_shared>>)
      tpu.yield
    }) : () -> ()
    %mul3A_14 = arith.constant 640 : i32
    %mul3A_15 = arith.muli %arg1, %mul3A_14 : i32
    %add3A_16 = arith.constant 256 : i32
    %add3A_17 = arith.addi %mul3A_15, %add3A_16 : i32
    "tpu.region"() ({
      %run_scoped3A = tpu.sem_alloc : memref<!tpu.dma_semaphore, #tpu.memory_space<semaphore_mem>>
      %dma_start3A = arith.constant 0 : i32
      %dma_start3A_45 = tpu.memref_slice %arg6[%add3A_17, %dma_start3A] : memref<10240x128xf32, #tpu.memory_space<vmem_shared>> -> memref<128x128xf32, #tpu.memory_space<vmem_shared>>
      %dma_start3A_46 = arith.constant 0 : i32
      %dma_start3A_47 = tpu.memref_slice %arg6[%add3A_17, %dma_start3A_46] : memref<10240x128xf32, #tpu.memory_space<vmem_shared>> -> memref<128x128xf32, #tpu.memory_space<vmem_shared>>
      tpu.enqueue_dma source(%arg5 : memref<128x128xf32, #tpu.memory_space<vmem>>) target(%dma_start3A_47 : memref<128x128xf32, #tpu.memory_space<vmem_shared>>) target_semaphore(%run_scoped3A : memref<!tpu.dma_semaphore, #tpu.memory_space<semaphore_mem>>)
      %dma_wait3A = arith.constant 0 : i32
      %dma_wait3A_48 = tpu.memref_slice %arg6[%add3A_17, %dma_wait3A] : memref<10240x128xf32, #tpu.memory_space<vmem_shared>> -> memref<128x128xf32, #tpu.memory_space<vmem_shared>>
      %dma_wait3A_49 = arith.constant 0 : i32
      %dma_wait3A_50 = tpu.memref_slice %arg6[%add3A_17, %dma_wait3A_49] : memref<10240x128xf32, #tpu.memory_space<vmem_shared>> -> memref<128x128xf32, #tpu.memory_space<vmem_shared>>
      tpu.wait_dma2 semaphore(%run_scoped3A : memref<!tpu.dma_semaphore, #tpu.memory_space<semaphore_mem>>) src(%arg5 : memref<128x128xf32, #tpu.memory_space<vmem>>) dst(%dma_wait3A_50 : memref<128x128xf32, #tpu.memory_space<vmem_shared>>)
      tpu.yield
    }) : () -> ()
    %mul3A_18 = arith.constant 640 : i32
    %mul3A_19 = arith.muli %arg1, %mul3A_18 : i32
    %add3A_20 = arith.constant 384 : i32
    %add3A_21 = arith.addi %mul3A_19, %add3A_20 : i32
    "tpu.region"() ({
      %run_scoped3A = tpu.sem_alloc : memref<!tpu.dma_semaphore, #tpu.memory_space<semaphore_mem>>
      %dma_start3A = arith.constant 0 : i32
      %dma_start3A_45 = tpu.memref_slice %arg6[%add3A_21, %dma_start3A] : memref<10240x128xf32, #tpu.memory_space<vmem_shared>> -> memref<128x128xf32, #tpu.memory_space<vmem_shared>>
      %dma_start3A_46 = arith.constant 0 : i32
      %dma_start3A_47 = tpu.memref_slice %arg6[%add3A_21, %dma_start3A_46] : memref<10240x128xf32, #tpu.memory_space<vmem_shared>> -> memref<128x128xf32, #tpu.memory_space<vmem_shared>>
      tpu.enqueue_dma source(%arg5 : memref<128x128xf32, #tpu.memory_space<vmem>>) target(%dma_start3A_47 : memref<128x128xf32, #tpu.memory_space<vmem_shared>>) target_semaphore(%run_scoped3A : memref<!tpu.dma_semaphore, #tpu.memory_space<semaphore_mem>>)
      %dma_wait3A = arith.constant 0 : i32
      %dma_wait3A_48 = tpu.memref_slice %arg6[%add3A_21, %dma_wait3A] : memref<10240x128xf32, #tpu.memory_space<vmem_shared>> -> memref<128x128xf32, #tpu.memory_space<vmem_shared>>
      %dma_wait3A_49 = arith.constant 0 : i32
      %dma_wait3A_50 = tpu.memref_slice %arg6[%add3A_21, %dma_wait3A_49] : memref<10240x128xf32, #tpu.memory_space<vmem_shared>> -> memref<128x128xf32, #tpu.memory_space<vmem_shared>>
      tpu.wait_dma2 semaphore(%run_scoped3A : memref<!tpu.dma_semaphore, #tpu.memory_space<semaphore_mem>>) src(%arg5 : memref<128x128xf32, #tpu.memory_space<vmem>>) dst(%dma_wait3A_50 : memref<128x128xf32, #tpu.memory_space<vmem_shared>>)
      tpu.yield
    }) : () -> ()
    %mul3A_22 = arith.constant 640 : i32
    %mul3A_23 = arith.muli %arg1, %mul3A_22 : i32
    %add3A_24 = arith.constant 512 : i32
    %add3A_25 = arith.addi %mul3A_23, %add3A_24 : i32
    "tpu.region"() ({
      %run_scoped3A = tpu.sem_alloc : memref<!tpu.dma_semaphore, #tpu.memory_space<semaphore_mem>>
      %dma_start3A = arith.constant 0 : i32
      %dma_start3A_45 = tpu.memref_slice %arg6[%add3A_25, %dma_start3A] : memref<10240x128xf32, #tpu.memory_space<vmem_shared>> -> memref<128x128xf32, #tpu.memory_space<vmem_shared>>
      %dma_start3A_46 = arith.constant 0 : i32
      %dma_start3A_47 = tpu.memref_slice %arg6[%add3A_25, %dma_start3A_46] : memref<10240x128xf32, #tpu.memory_space<vmem_shared>> -> memref<128x128xf32, #tpu.memory_space<vmem_shared>>
      tpu.enqueue_dma source(%arg5 : memref<128x128xf32, #tpu.memory_space<vmem>>) target(%dma_start3A_47 : memref<128x128xf32, #tpu.memory_space<vmem_shared>>) target_semaphore(%run_scoped3A : memref<!tpu.dma_semaphore, #tpu.memory_space<semaphore_mem>>)
      %dma_wait3A = arith.constant 0 : i32
      %dma_wait3A_48 = tpu.memref_slice %arg6[%add3A_25, %dma_wait3A] : memref<10240x128xf32, #tpu.memory_space<vmem_shared>> -> memref<128x128xf32, #tpu.memory_space<vmem_shared>>
      %dma_wait3A_49 = arith.constant 0 : i32
      %dma_wait3A_50 = tpu.memref_slice %arg6[%add3A_25, %dma_wait3A_49] : memref<10240x128xf32, #tpu.memory_space<vmem_shared>> -> memref<128x128xf32, #tpu.memory_space<vmem_shared>>
      tpu.wait_dma2 semaphore(%run_scoped3A : memref<!tpu.dma_semaphore, #tpu.memory_space<semaphore_mem>>) src(%arg5 : memref<128x128xf32, #tpu.memory_space<vmem>>) dst(%dma_wait3A_50 : memref<128x128xf32, #tpu.memory_space<vmem_shared>>)
      tpu.yield
    }) : () -> ()
    %iota3A = tpu.iota {dimensions = array<i32: 0>} : vector<16xi32>
    %eq3A = arith.constant 0 : i32
    %eq3A_26 = vector.broadcast %eq3A : i32 to vector<16xi32>
    %eq3A_27 = arith.cmpi eq, %iota3A, %eq3A_26 : vector<16xi32>
    %jit3A = arith.constant 1.000000e+00 : f32
    %jit3A_28 = arith.constant 0.000000e+00 : f32
    %broadcast_in_dim3A = vector.broadcast %jit3A : f32 to vector<16xf32>
    %broadcast_in_dim3A_29 = vector.broadcast %jit3A_28 : f32 to vector<16xf32>
    %select_n3A = arith.select %eq3A_27, %broadcast_in_dim3A, %broadcast_in_dim3A_29 : vector<16xi1>, vector<16xf32>
    %scan3A_30 = arith.constant 0 : i32
    %scan3A_31 = arith.constant 0 : i32
    %scan3A_32 = arith.constant 128 : i32
    %scan3A_33 = arith.addi %scan3A_31, %scan3A_32 : i32
    %scan3A_34 = arith.constant 1 : i32
    scf.for %scan3A_45 = %scan3A_31 to %scan3A_33 step %scan3A_34  : i32 {
      %swap3A = arith.index_cast %scan3A_45 : i32 to index
      %swap3A_46 = arith.constant 0 : index
      %swap3A_47 = tpu.vector_load %arg5[%swap3A, %swap3A_46] {strides = array<i32>} : memref<128x128xf32, #tpu.memory_space<vmem>>, vector<1x16xf32>,
      %swap3A_48 = vector.shape_cast %swap3A_47 : vector<1x16xf32> to vector<16xf32>
      %swap3A_49 = vector.shape_cast %select_n3A : vector<16xf32> to vector<1x16xf32>
      tpu.vector_store %arg5[%swap3A, %swap3A_46], %swap3A_49 {strides = array<i32>} : memref<128x128xf32, #tpu.memory_space<vmem>>, vector<1x16xf32>,
    }
    %scan3A_35 = arith.constant 128 : i32
    %barrier3A = arith.constant 0 : index
    tpu.barrier barrier_id(%barrier3A)
    %scan3A_36 = arith.constant 0 : i32
    %scan3A_37 = arith.constant 0 : i32
    %scan3A_38 = arith.constant 10 : i32
    %scan3A_39 = arith.addi %scan3A_37, %scan3A_38 : i32
    %scan3A_40 = arith.constant 1 : i32
    scf.for %scan3A_45 = %scan3A_37 to %scan3A_39 step %scan3A_40  : i32 {
      %mul3A_46 = arith.constant 8 : i32
      %mul3A_47 = arith.muli %scan3A_45, %mul3A_46 : i32
      "tpu.region"() ({
        %run_scoped3A_55 = tpu.sem_alloc : memref<!tpu.dma_semaphore, #tpu.memory_space<semaphore_mem>>
        %dma_start3A = arith.constant 0 : i32
        %dma_start3A_56 = tpu.memref_slice %arg2[%add3A, %mul3A_47, %dma_start3A] : memref<32x80x128xi32, #tpu.memory_space<hbm>> -> memref<1x8x128xi32, #tpu.memory_space<hbm>>
        %dma_start3A_57 = tpu.memref_squeeze %dma_start3A_56 : memref<1x8x128xi32, #tpu.memory_space<hbm>> -> memref<8x128xi32, #tpu.memory_space<hbm>>
        %dma_start3A_58 = arith.constant 0 : i32
        %dma_start3A_59 = tpu.memref_slice %arg2[%add3A, %mul3A_47, %dma_start3A_58] : memref<32x80x128xi32, #tpu.memory_space<hbm>> -> memref<1x8x128xi32, #tpu.memory_space<hbm>>
        %dma_start3A_60 = tpu.memref_squeeze %dma_start3A_59 : memref<1x8x128xi32, #tpu.memory_space<hbm>> -> memref<8x128xi32, #tpu.memory_space<hbm>>
        tpu.enqueue_dma source(%dma_start3A_60 : memref<8x128xi32, #tpu.memory_space<hbm>>) target(%arg4 : memref<8x128xi32, #tpu.memory_space<vmem>>) target_semaphore(%run_scoped3A_55 : memref<!tpu.dma_semaphore, #tpu.memory_space<semaphore_mem>>)
        %dma_wait3A = arith.constant 0 : i32
        %dma_wait3A_61 = tpu.memref_slice %arg2[%add3A, %mul3A_47, %dma_wait3A] : memref<32x80x128xi32, #tpu.memory_space<hbm>> -> memref<1x8x128xi32, #tpu.memory_space<hbm>>
        %dma_wait3A_62 = tpu.memref_squeeze %dma_wait3A_61 : memref<1x8x128xi32, #tpu.memory_space<hbm>> -> memref<8x128xi32, #tpu.memory_space<hbm>>
        %dma_wait3A_63 = arith.constant 0 : i32
        %dma_wait3A_64 = tpu.memref_slice %arg2[%add3A, %mul3A_47, %dma_wait3A_63] : memref<32x80x128xi32, #tpu.memory_space<hbm>> -> memref<1x8x128xi32, #tpu.memory_space<hbm>>
        %dma_wait3A_65 = tpu.memref_squeeze %dma_wait3A_64 : memref<1x8x128xi32, #tpu.memory_space<hbm>> -> memref<8x128xi32, #tpu.memory_space<hbm>>
        tpu.wait_dma2 semaphore(%run_scoped3A_55 : memref<!tpu.dma_semaphore, #tpu.memory_space<semaphore_mem>>) src(%dma_wait3A_65 : memref<8x128xi32, #tpu.memory_space<hbm>>) dst(%arg4 : memref<8x128xi32, #tpu.memory_space<vmem>>)
        tpu.yield
      }) : () -> ()
      %run_scoped3A = arith.constant 0 : i32
      "tpu.region"() ({
        %run_scoped3A_55 = tpu.sem_alloc : memref<!tpu.dma_semaphore, #tpu.memory_space<semaphore_mem>>
        %dma_start3A = arith.constant 0 : i32
        %dma_start3A_56 = tpu.memref_slice %arg4[%run_scoped3A, %dma_start3A] : memref<8x128xi32, #tpu.memory_space<vmem>> -> memref<1x128xi32, #tpu.memory_space<vmem>>
        %dma_start3A_57 = tpu.memref_squeeze %dma_start3A_56 : memref<1x128xi32, #tpu.memory_space<vmem>> -> memref<128xi32, #tpu.memory_space<vmem>>
        %dma_start3A_58 = arith.constant 0 : i32
        %dma_start3A_59 = arith.constant 0 : i32
        %dma_start3A_60 = tpu.memref_slice %arg6[%dma_start3A_58, %dma_start3A_59] : memref<10240x128xf32, #tpu.memory_space<vmem_shared>> -> memref<10240x128xf32, #tpu.memory_space<vmem_shared>>
        tpu.enqueue_indirect_dma source(%arg5 : memref<128x128xf32, #tpu.memory_space<vmem>>) target(%dma_start3A_60 : memref<10240x128xf32, #tpu.memory_space<vmem_shared>>) offsets(%dma_start3A_57 : memref<128xi32, #tpu.memory_space<vmem>>) semaphore(%run_scoped3A_55 : memref<!tpu.dma_semaphore, #tpu.memory_space<semaphore_mem>>) {add = true}
        %dma_wait3A = arith.constant 0 : i32
        %dma_wait3A_61 = tpu.memref_slice %arg4[%run_scoped3A, %dma_wait3A] : memref<8x128xi32, #tpu.memory_space<vmem>> -> memref<1x128xi32, #tpu.memory_space<vmem>>
        %dma_wait3A_62 = tpu.memref_squeeze %dma_wait3A_61 : memref<1x128xi32, #tpu.memory_space<vmem>> -> memref<128xi32, #tpu.memory_space<vmem>>
        %dma_wait3A_63 = arith.constant 0 : i32
        %dma_wait3A_64 = arith.constant 0 : i32
        %dma_wait3A_65 = tpu.memref_slice %arg6[%dma_wait3A_63, %dma_wait3A_64] : memref<10240x128xf32, #tpu.memory_space<vmem_shared>> -> memref<10240x128xf32, #tpu.memory_space<vmem_shared>>
        tpu.wait_indirect_dma semaphore(%run_scoped3A_55 : memref<!tpu.dma_semaphore, #tpu.memory_space<semaphore_mem>>) src(%arg5 : memref<128x128xf32, #tpu.memory_space<vmem>>) dst(%dma_wait3A_65 : memref<10240x128xf32, #tpu.memory_space<vmem_shared>>)
        tpu.yield
      }) : () -> ()
      %run_scoped3A_48 = arith.constant 1 : i32
      "tpu.region"() ({
        %run_scoped3A_55 = tpu.sem_alloc : memref<!tpu.dma_semaphore, #tpu.memory_space<semaphore_mem>>
        %dma_start3A = arith.constant 0 : i32
        %dma_start3A_56 = tpu.memref_slice %arg4[%run_scoped3A_48, %dma_start3A] : memref<8x128xi32, #tpu.memory_space<vmem>> -> memref<1x128xi32, #tpu.memory_space<vmem>>
        %dma_start3A_57 = tpu.memref_squeeze %dma_start3A_56 : memref<1x128xi32, #tpu.memory_space<vmem>> -> memref<128xi32, #tpu.memory_space<vmem>>
        %dma_start3A_58 = arith.constant 0 : i32
        %dma_start3A_59 = arith.constant 0 : i32
        %dma_start3A_60 = tpu.memref_slice %arg6[%dma_start3A_58, %dma_start3A_59] : memref<10240x128xf32, #tpu.memory_space<vmem_shared>> -> memref<10240x128xf32, #tpu.memory_space<vmem_shared>>
        tpu.enqueue_indirect_dma source(%arg5 : memref<128x128xf32, #tpu.memory_space<vmem>>) target(%dma_start3A_60 : memref<10240x128xf32, #tpu.memory_space<vmem_shared>>) offsets(%dma_start3A_57 : memref<128xi32, #tpu.memory_space<vmem>>) semaphore(%run_scoped3A_55 : memref<!tpu.dma_semaphore, #tpu.memory_space<semaphore_mem>>) {add = true}
        %dma_wait3A = arith.constant 0 : i32
        %dma_wait3A_61 = tpu.memref_slice %arg4[%run_scoped3A_48, %dma_wait3A] : memref<8x128xi32, #tpu.memory_space<vmem>> -> memref<1x128xi32, #tpu.memory_space<vmem>>
        %dma_wait3A_62 = tpu.memref_squeeze %dma_wait3A_61 : memref<1x128xi32, #tpu.memory_space<vmem>> -> memref<128xi32, #tpu.memory_space<vmem>>
        %dma_wait3A_63 = arith.constant 0 : i32
        %dma_wait3A_64 = arith.constant 0 : i32
        %dma_wait3A_65 = tpu.memref_slice %arg6[%dma_wait3A_63, %dma_wait3A_64] : memref<10240x128xf32, #tpu.memory_space<vmem_shared>> -> memref<10240x128xf32, #tpu.memory_space<vmem_shared>>
        tpu.wait_indirect_dma semaphore(%run_scoped3A_55 : memref<!tpu.dma_semaphore, #tpu.memory_space<semaphore_mem>>) src(%arg5 : memref<128x128xf32, #tpu.memory_space<vmem>>) dst(%dma_wait3A_65 : memref<10240x128xf32, #tpu.memory_space<vmem_shared>>)
        tpu.yield
      }) : () -> ()
      %run_scoped3A_49 = arith.constant 2 : i32
      "tpu.region"() ({
        %run_scoped3A_55 = tpu.sem_alloc : memref<!tpu.dma_semaphore, #tpu.memory_space<semaphore_mem>>
        %dma_start3A = arith.constant 0 : i32
        %dma_start3A_56 = tpu.memref_slice %arg4[%run_scoped3A_49, %dma_start3A] : memref<8x128xi32, #tpu.memory_space<vmem>> -> memref<1x128xi32, #tpu.memory_space<vmem>>
        %dma_start3A_57 = tpu.memref_squeeze %dma_start3A_56 : memref<1x128xi32, #tpu.memory_space<vmem>> -> memref<128xi32, #tpu.memory_space<vmem>>
        %dma_start3A_58 = arith.constant 0 : i32
        %dma_start3A_59 = arith.constant 0 : i32
        %dma_start3A_60 = tpu.memref_slice %arg6[%dma_start3A_58, %dma_start3A_59] : memref<10240x128xf32, #tpu.memory_space<vmem_shared>> -> memref<10240x128xf32, #tpu.memory_space<vmem_shared>>
        tpu.enqueue_indirect_dma source(%arg5 : memref<128x128xf32, #tpu.memory_space<vmem>>) target(%dma_start3A_60 : memref<10240x128xf32, #tpu.memory_space<vmem_shared>>) offsets(%dma_start3A_57 : memref<128xi32, #tpu.memory_space<vmem>>) semaphore(%run_scoped3A_55 : memref<!tpu.dma_semaphore, #tpu.memory_space<semaphore_mem>>) {add = true}
        %dma_wait3A = arith.constant 0 : i32
        %dma_wait3A_61 = tpu.memref_slice %arg4[%run_scoped3A_49, %dma_wait3A] : memref<8x128xi32, #tpu.memory_space<vmem>> -> memref<1x128xi32, #tpu.memory_space<vmem>>
        %dma_wait3A_62 = tpu.memref_squeeze %dma_wait3A_61 : memref<1x128xi32, #tpu.memory_space<vmem>> -> memref<128xi32, #tpu.memory_space<vmem>>
        %dma_wait3A_63 = arith.constant 0 : i32
        %dma_wait3A_64 = arith.constant 0 : i32
        %dma_wait3A_65 = tpu.memref_slice %arg6[%dma_wait3A_63, %dma_wait3A_64] : memref<10240x128xf32, #tpu.memory_space<vmem_shared>> -> memref<10240x128xf32, #tpu.memory_space<vmem_shared>>
        tpu.wait_indirect_dma semaphore(%run_scoped3A_55 : memref<!tpu.dma_semaphore, #tpu.memory_space<semaphore_mem>>) src(%arg5 : memref<128x128xf32, #tpu.memory_space<vmem>>) dst(%dma_wait3A_65 : memref<10240x128xf32, #tpu.memory_space<vmem_shared>>)
        tpu.yield
      }) : () -> ()
      %run_scoped3A_50 = arith.constant 3 : i32
      "tpu.region"() ({
        %run_scoped3A_55 = tpu.sem_alloc : memref<!tpu.dma_semaphore, #tpu.memory_space<semaphore_mem>>
        %dma_start3A = arith.constant 0 : i32
        %dma_start3A_56 = tpu.memref_slice %arg4[%run_scoped3A_50, %dma_start3A] : memref<8x128xi32, #tpu.memory_space<vmem>> -> memref<1x128xi32, #tpu.memory_space<vmem>>
        %dma_start3A_57 = tpu.memref_squeeze %dma_start3A_56 : memref<1x128xi32, #tpu.memory_space<vmem>> -> memref<128xi32, #tpu.memory_space<vmem>>
        %dma_start3A_58 = arith.constant 0 : i32
        %dma_start3A_59 = arith.constant 0 : i32
        %dma_start3A_60 = tpu.memref_slice %arg6[%dma_start3A_58, %dma_start3A_59] : memref<10240x128xf32, #tpu.memory_space<vmem_shared>> -> memref<10240x128xf32, #tpu.memory_space<vmem_shared>>
        tpu.enqueue_indirect_dma source(%arg5 : memref<128x128xf32, #tpu.memory_space<vmem>>) target(%dma_start3A_60 : memref<10240x128xf32, #tpu.memory_space<vmem_shared>>) offsets(%dma_start3A_57 : memref<128xi32, #tpu.memory_space<vmem>>) semaphore(%run_scoped3A_55 : memref<!tpu.dma_semaphore, #tpu.memory_space<semaphore_mem>>) {add = true}
        %dma_wait3A = arith.constant 0 : i32
        %dma_wait3A_61 = tpu.memref_slice %arg4[%run_scoped3A_50, %dma_wait3A] : memref<8x128xi32, #tpu.memory_space<vmem>> -> memref<1x128xi32, #tpu.memory_space<vmem>>
        %dma_wait3A_62 = tpu.memref_squeeze %dma_wait3A_61 : memref<1x128xi32, #tpu.memory_space<vmem>> -> memref<128xi32, #tpu.memory_space<vmem>>
        %dma_wait3A_63 = arith.constant 0 : i32
        %dma_wait3A_64 = arith.constant 0 : i32
        %dma_wait3A_65 = tpu.memref_slice %arg6[%dma_wait3A_63, %dma_wait3A_64] : memref<10240x128xf32, #tpu.memory_space<vmem_shared>> -> memref<10240x128xf32, #tpu.memory_space<vmem_shared>>
        tpu.wait_indirect_dma semaphore(%run_scoped3A_55 : memref<!tpu.dma_semaphore, #tpu.memory_space<semaphore_mem>>) src(%arg5 : memref<128x128xf32, #tpu.memory_space<vmem>>) dst(%dma_wait3A_65 : memref<10240x128xf32, #tpu.memory_space<vmem_shared>>)
        tpu.yield
      }) : () -> ()
      %run_scoped3A_51 = arith.constant 4 : i32
      "tpu.region"() ({
        %run_scoped3A_55 = tpu.sem_alloc : memref<!tpu.dma_semaphore, #tpu.memory_space<semaphore_mem>>
        %dma_start3A = arith.constant 0 : i32
        %dma_start3A_56 = tpu.memref_slice %arg4[%run_scoped3A_51, %dma_start3A] : memref<8x128xi32, #tpu.memory_space<vmem>> -> memref<1x128xi32, #tpu.memory_space<vmem>>
        %dma_start3A_57 = tpu.memref_squeeze %dma_start3A_56 : memref<1x128xi32, #tpu.memory_space<vmem>> -> memref<128xi32, #tpu.memory_space<vmem>>
        %dma_start3A_58 = arith.constant 0 : i32
        %dma_start3A_59 = arith.constant 0 : i32
        %dma_start3A_60 = tpu.memref_slice %arg6[%dma_start3A_58, %dma_start3A_59] : memref<10240x128xf32, #tpu.memory_space<vmem_shared>> -> memref<10240x128xf32, #tpu.memory_space<vmem_shared>>
        tpu.enqueue_indirect_dma source(%arg5 : memref<128x128xf32, #tpu.memory_space<vmem>>) target(%dma_start3A_60 : memref<10240x128xf32, #tpu.memory_space<vmem_shared>>) offsets(%dma_start3A_57 : memref<128xi32, #tpu.memory_space<vmem>>) semaphore(%run_scoped3A_55 : memref<!tpu.dma_semaphore, #tpu.memory_space<semaphore_mem>>) {add = true}
        %dma_wait3A = arith.constant 0 : i32
        %dma_wait3A_61 = tpu.memref_slice %arg4[%run_scoped3A_51, %dma_wait3A] : memref<8x128xi32, #tpu.memory_space<vmem>> -> memref<1x128xi32, #tpu.memory_space<vmem>>
        %dma_wait3A_62 = tpu.memref_squeeze %dma_wait3A_61 : memref<1x128xi32, #tpu.memory_space<vmem>> -> memref<128xi32, #tpu.memory_space<vmem>>
        %dma_wait3A_63 = arith.constant 0 : i32
        %dma_wait3A_64 = arith.constant 0 : i32
        %dma_wait3A_65 = tpu.memref_slice %arg6[%dma_wait3A_63, %dma_wait3A_64] : memref<10240x128xf32, #tpu.memory_space<vmem_shared>> -> memref<10240x128xf32, #tpu.memory_space<vmem_shared>>
        tpu.wait_indirect_dma semaphore(%run_scoped3A_55 : memref<!tpu.dma_semaphore, #tpu.memory_space<semaphore_mem>>) src(%arg5 : memref<128x128xf32, #tpu.memory_space<vmem>>) dst(%dma_wait3A_65 : memref<10240x128xf32, #tpu.memory_space<vmem_shared>>)
        tpu.yield
      }) : () -> ()
      %run_scoped3A_52 = arith.constant 5 : i32
      "tpu.region"() ({
        %run_scoped3A_55 = tpu.sem_alloc : memref<!tpu.dma_semaphore, #tpu.memory_space<semaphore_mem>>
        %dma_start3A = arith.constant 0 : i32
        %dma_start3A_56 = tpu.memref_slice %arg4[%run_scoped3A_52, %dma_start3A] : memref<8x128xi32, #tpu.memory_space<vmem>> -> memref<1x128xi32, #tpu.memory_space<vmem>>
        %dma_start3A_57 = tpu.memref_squeeze %dma_start3A_56 : memref<1x128xi32, #tpu.memory_space<vmem>> -> memref<128xi32, #tpu.memory_space<vmem>>
        %dma_start3A_58 = arith.constant 0 : i32
        %dma_start3A_59 = arith.constant 0 : i32
        %dma_start3A_60 = tpu.memref_slice %arg6[%dma_start3A_58, %dma_start3A_59] : memref<10240x128xf32, #tpu.memory_space<vmem_shared>> -> memref<10240x128xf32, #tpu.memory_space<vmem_shared>>
        tpu.enqueue_indirect_dma source(%arg5 : memref<128x128xf32, #tpu.memory_space<vmem>>) target(%dma_start3A_60 : memref<10240x128xf32, #tpu.memory_space<vmem_shared>>) offsets(%dma_start3A_57 : memref<128xi32, #tpu.memory_space<vmem>>) semaphore(%run_scoped3A_55 : memref<!tpu.dma_semaphore, #tpu.memory_space<semaphore_mem>>) {add = true}
        %dma_wait3A = arith.constant 0 : i32
        %dma_wait3A_61 = tpu.memref_slice %arg4[%run_scoped3A_52, %dma_wait3A] : memref<8x128xi32, #tpu.memory_space<vmem>> -> memref<1x128xi32, #tpu.memory_space<vmem>>
        %dma_wait3A_62 = tpu.memref_squeeze %dma_wait3A_61 : memref<1x128xi32, #tpu.memory_space<vmem>> -> memref<128xi32, #tpu.memory_space<vmem>>
        %dma_wait3A_63 = arith.constant 0 : i32
        %dma_wait3A_64 = arith.constant 0 : i32
        %dma_wait3A_65 = tpu.memref_slice %arg6[%dma_wait3A_63, %dma_wait3A_64] : memref<10240x128xf32, #tpu.memory_space<vmem_shared>> -> memref<10240x128xf32, #tpu.memory_space<vmem_shared>>
        tpu.wait_indirect_dma semaphore(%run_scoped3A_55 : memref<!tpu.dma_semaphore, #tpu.memory_space<semaphore_mem>>) src(%arg5 : memref<128x128xf32, #tpu.memory_space<vmem>>) dst(%dma_wait3A_65 : memref<10240x128xf32, #tpu.memory_space<vmem_shared>>)
        tpu.yield
      }) : () -> ()
      %run_scoped3A_53 = arith.constant 6 : i32
      "tpu.region"() ({
        %run_scoped3A_55 = tpu.sem_alloc : memref<!tpu.dma_semaphore, #tpu.memory_space<semaphore_mem>>
        %dma_start3A = arith.constant 0 : i32
        %dma_start3A_56 = tpu.memref_slice %arg4[%run_scoped3A_53, %dma_start3A] : memref<8x128xi32, #tpu.memory_space<vmem>> -> memref<1x128xi32, #tpu.memory_space<vmem>>
        %dma_start3A_57 = tpu.memref_squeeze %dma_start3A_56 : memref<1x128xi32, #tpu.memory_space<vmem>> -> memref<128xi32, #tpu.memory_space<vmem>>
        %dma_start3A_58 = arith.constant 0 : i32
        %dma_start3A_59 = arith.constant 0 : i32
        %dma_start3A_60 = tpu.memref_slice %arg6[%dma_start3A_58, %dma_start3A_59] : memref<10240x128xf32, #tpu.memory_space<vmem_shared>> -> memref<10240x128xf32, #tpu.memory_space<vmem_shared>>
        tpu.enqueue_indirect_dma source(%arg5 : memref<128x128xf32, #tpu.memory_space<vmem>>) target(%dma_start3A_60 : memref<10240x128xf32, #tpu.memory_space<vmem_shared>>) offsets(%dma_start3A_57 : memref<128xi32, #tpu.memory_space<vmem>>) semaphore(%run_scoped3A_55 : memref<!tpu.dma_semaphore, #tpu.memory_space<semaphore_mem>>) {add = true}
        %dma_wait3A = arith.constant 0 : i32
        %dma_wait3A_61 = tpu.memref_slice %arg4[%run_scoped3A_53, %dma_wait3A] : memref<8x128xi32, #tpu.memory_space<vmem>> -> memref<1x128xi32, #tpu.memory_space<vmem>>
        %dma_wait3A_62 = tpu.memref_squeeze %dma_wait3A_61 : memref<1x128xi32, #tpu.memory_space<vmem>> -> memref<128xi32, #tpu.memory_space<vmem>>
        %dma_wait3A_63 = arith.constant 0 : i32
        %dma_wait3A_64 = arith.constant 0 : i32
        %dma_wait3A_65 = tpu.memref_slice %arg6[%dma_wait3A_63, %dma_wait3A_64] : memref<10240x128xf32, #tpu.memory_space<vmem_shared>> -> memref<10240x128xf32, #tpu.memory_space<vmem_shared>>
        tpu.wait_indirect_dma semaphore(%run_scoped3A_55 : memref<!tpu.dma_semaphore, #tpu.memory_space<semaphore_mem>>) src(%arg5 : memref<128x128xf32, #tpu.memory_space<vmem>>) dst(%dma_wait3A_65 : memref<10240x128xf32, #tpu.memory_space<vmem_shared>>)
        tpu.yield
      }) : () -> ()
      %run_scoped3A_54 = arith.constant 7 : i32
      "tpu.region"() ({
        %run_scoped3A_55 = tpu.sem_alloc : memref<!tpu.dma_semaphore, #tpu.memory_space<semaphore_mem>>
        %dma_start3A = arith.constant 0 : i32
        %dma_start3A_56 = tpu.memref_slice %arg4[%run_scoped3A_54, %dma_start3A] : memref<8x128xi32, #tpu.memory_space<vmem>> -> memref<1x128xi32, #tpu.memory_space<vmem>>
        %dma_start3A_57 = tpu.memref_squeeze %dma_start3A_56 : memref<1x128xi32, #tpu.memory_space<vmem>> -> memref<128xi32, #tpu.memory_space<vmem>>
        %dma_start3A_58 = arith.constant 0 : i32
        %dma_start3A_59 = arith.constant 0 : i32
        %dma_start3A_60 = tpu.memref_slice %arg6[%dma_start3A_58, %dma_start3A_59] : memref<10240x128xf32, #tpu.memory_space<vmem_shared>> -> memref<10240x128xf32, #tpu.memory_space<vmem_shared>>
        tpu.enqueue_indirect_dma source(%arg5 : memref<128x128xf32, #tpu.memory_space<vmem>>) target(%dma_start3A_60 : memref<10240x128xf32, #tpu.memory_space<vmem_shared>>) offsets(%dma_start3A_57 : memref<128xi32, #tpu.memory_space<vmem>>) semaphore(%run_scoped3A_55 : memref<!tpu.dma_semaphore, #tpu.memory_space<semaphore_mem>>) {add = true}
        %dma_wait3A = arith.constant 0 : i32
        %dma_wait3A_61 = tpu.memref_slice %arg4[%run_scoped3A_54, %dma_wait3A] : memref<8x128xi32, #tpu.memory_space<vmem>> -> memref<1x128xi32, #tpu.memory_space<vmem>>
        %dma_wait3A_62 = tpu.memref_squeeze %dma_wait3A_61 : memref<1x128xi32, #tpu.memory_space<vmem>> -> memref<128xi32, #tpu.memory_space<vmem>>
        %dma_wait3A_63 = arith.constant 0 : i32
        %dma_wait3A_64 = arith.constant 0 : i32
        %dma_wait3A_65 = tpu.memref_slice %arg6[%dma_wait3A_63, %dma_wait3A_64] : memref<10240x128xf32, #tpu.memory_space<vmem_shared>> -> memref<10240x128xf32, #tpu.memory_space<vmem_shared>>
        tpu.wait_indirect_dma semaphore(%run_scoped3A_55 : memref<!tpu.dma_semaphore, #tpu.memory_space<semaphore_mem>>) src(%arg5 : memref<128x128xf32, #tpu.memory_space<vmem>>) dst(%dma_wait3A_65 : memref<10240x128xf32, #tpu.memory_space<vmem_shared>>)
        tpu.yield
      }) : () -> ()
    }
    %scan3A_41 = arith.constant 10 : i32
    %barrier3A_42 = arith.constant 0 : index
    tpu.barrier barrier_id(%barrier3A_42)
    %mul3A_43 = arith.constant 640 : i32
    %mul3A_44 = arith.muli %arg1, %mul3A_43 : i32
    "tpu.region"() ({
      %run_scoped3A = tpu.sem_alloc : memref<!tpu.dma_semaphore, #tpu.memory_space<semaphore_mem>>
      %dma_start3A = arith.constant 0 : i32
      %dma_start3A_45 = tpu.memref_slice %arg3[%arg0, %mul3A_44, %dma_start3A] : memref<2x10240x128xf32, #tpu.memory_space<hbm>> -> memref<1x640x128xf32, #tpu.memory_space<hbm>>
      %dma_start3A_46 = tpu.memref_squeeze %dma_start3A_45 : memref<1x640x128xf32, #tpu.memory_space<hbm>> -> memref<640x128xf32, #tpu.memory_space<hbm>>
      %dma_start3A_47 = arith.constant 0 : i32
      %dma_start3A_48 = tpu.memref_slice %arg6[%mul3A_44, %dma_start3A_47] : memref<10240x128xf32, #tpu.memory_space<vmem_shared>> -> memref<640x128xf32, #tpu.memory_space<vmem_shared>>
      tpu.enqueue_dma source(%dma_start3A_48 : memref<640x128xf32, #tpu.memory_space<vmem_shared>>) target(%dma_start3A_46 : memref<640x128xf32, #tpu.memory_space<hbm>>) target_semaphore(%run_scoped3A : memref<!tpu.dma_semaphore, #tpu.memory_space<semaphore_mem>>)
      %dma_wait3A = arith.constant 0 : i32
      %dma_wait3A_49 = tpu.memref_slice %arg3[%arg0, %mul3A_44, %dma_wait3A] : memref<2x10240x128xf32, #tpu.memory_space<hbm>> -> memref<1x640x128xf32, #tpu.memory_space<hbm>>
      %dma_wait3A_50 = tpu.memref_squeeze %dma_wait3A_49 : memref<1x640x128xf32, #tpu.memory_space<hbm>> -> memref<640x128xf32, #tpu.memory_space<hbm>>
      %dma_wait3A_51 = arith.constant 0 : i32
      %dma_wait3A_52 = tpu.memref_slice %arg6[%mul3A_44, %dma_wait3A_51] : memref<10240x128xf32, #tpu.memory_space<vmem_shared>> -> memref<640x128xf32, #tpu.memory_space<vmem_shared>>
      tpu.wait_dma2 semaphore(%run_scoped3A : memref<!tpu.dma_semaphore, #tpu.memory_space<semaphore_mem>>) src(%dma_wait3A_52 : memref<640x128xf32, #tpu.memory_space<vmem_shared>>) dst(%dma_wait3A_50 : memref<640x128xf32, #tpu.memory_space<hbm>>)
      tpu.yield
    }) : () -> ()
    return
  }
}

#map = affine_map<(d0, d1) -> (0, 0)>
#map1 = affine_map<(d0, d1) -> (0, 0, 0)>
module attributes {stable_mosaic.version = 14 : i64} {
  func.func @body(%arg0: i32, %arg1: i32, %arg2: memref<10240x128xf32, #tpu.memory_space<hbm>>, %arg3: memref<32x128x128xi32, #tpu.memory_space<hbm>>, %arg4: memref<32x128x128xi32, #tpu.memory_space<hbm>>, %arg5: memref<2x10240x128xf32, #tpu.memory_space<hbm>>, %arg6: memref<8x128xi32, #tpu.memory_space<vmem>>, %arg7: memref<8x128xi32, #tpu.memory_space<vmem>>, %arg8: memref<128x128xf32, #tpu.memory_space<vmem>>, %arg9: memref<128x128xf32, #tpu.memory_space<vmem>>, %arg10: memref<10240x128xf32, #tpu.memory_space<vmem_shared>>, %arg11: memref<!tpu.dma_semaphore, #tpu.memory_space<semaphore_mem>>, %arg12: memref<!tpu.dma_semaphore, #tpu.memory_space<semaphore_mem>>) attributes {dimension_semantics = [#tpu.dimension_semantics<core_parallel>, #tpu.dimension_semantics<subcore_parallel>], iteration_bounds = array<i64: 2, 16>, scalar_prefetch = 0 : i64, scratch_operands = 7 : i64, tpu.core_type = #tpu.core_type<sc_vector_subcore>, window_params = [{transform_indices = #map}, {transform_indices = #map1}, {transform_indices = #map1}, {transform_indices = #map1}]} {
    %mul3A = arith.constant 16 : i32
    %mul3A_0 = arith.muli %arg0, %mul3A : i32
    %add3A = arith.addi %mul3A_0, %arg1 : i32
    %scan3A = arith.constant 0 : i32
    %scan3A_1 = arith.constant 0 : i32
    %scan3A_2 = arith.constant 128 : i32
    %scan3A_3 = arith.addi %scan3A_1, %scan3A_2 : i32
    %scan3A_4 = arith.constant 1 : i32
    scf.for %scan3A_40 = %scan3A_1 to %scan3A_3 step %scan3A_4  : i32 {
      %broadcast_in_dim3A = arith.constant 0.000000e+00 : f32
      %broadcast_in_dim3A_41 = vector.broadcast %broadcast_in_dim3A : f32 to vector<16xf32>
      %swap3A = arith.index_cast %scan3A_40 : i32 to index
      %swap3A_42 = arith.constant 0 : index
      %swap3A_43 = tpu.vector_load %arg8[%swap3A, %swap3A_42] {strides = array<i32>} : memref<128x128xf32, #tpu.memory_space<vmem>>, vector<1x16xf32>,
      %swap3A_44 = vector.shape_cast %swap3A_43 : vector<1x16xf32> to vector<16xf32>
      %swap3A_45 = vector.shape_cast %broadcast_in_dim3A_41 : vector<16xf32> to vector<1x16xf32>
      tpu.vector_store %arg8[%swap3A, %swap3A_42], %swap3A_45 {strides = array<i32>} : memref<128x128xf32, #tpu.memory_space<vmem>>, vector<1x16xf32>,
      %broadcast_in_dim3A_46 = arith.constant 0.000000e+00 : f32
      %broadcast_in_dim3A_47 = vector.broadcast %broadcast_in_dim3A_46 : f32 to vector<16xf32>
      %swap3A_48 = arith.index_cast %scan3A_40 : i32 to index
      %swap3A_49 = arith.constant 16 : index
      %swap3A_50 = tpu.vector_load %arg8[%swap3A_48, %swap3A_49] {strides = array<i32>} : memref<128x128xf32, #tpu.memory_space<vmem>>, vector<1x16xf32>,
      %swap3A_51 = vector.shape_cast %swap3A_50 : vector<1x16xf32> to vector<16xf32>
      %swap3A_52 = vector.shape_cast %broadcast_in_dim3A_47 : vector<16xf32> to vector<1x16xf32>
      tpu.vector_store %arg8[%swap3A_48, %swap3A_49], %swap3A_52 {strides = array<i32>} : memref<128x128xf32, #tpu.memory_space<vmem>>, vector<1x16xf32>,
      %broadcast_in_dim3A_53 = arith.constant 0.000000e+00 : f32
      %broadcast_in_dim3A_54 = vector.broadcast %broadcast_in_dim3A_53 : f32 to vector<16xf32>
      %swap3A_55 = arith.index_cast %scan3A_40 : i32 to index
      %swap3A_56 = arith.constant 32 : index
      %swap3A_57 = tpu.vector_load %arg8[%swap3A_55, %swap3A_56] {strides = array<i32>} : memref<128x128xf32, #tpu.memory_space<vmem>>, vector<1x16xf32>,
      %swap3A_58 = vector.shape_cast %swap3A_57 : vector<1x16xf32> to vector<16xf32>
      %swap3A_59 = vector.shape_cast %broadcast_in_dim3A_54 : vector<16xf32> to vector<1x16xf32>
      tpu.vector_store %arg8[%swap3A_55, %swap3A_56], %swap3A_59 {strides = array<i32>} : memref<128x128xf32, #tpu.memory_space<vmem>>, vector<1x16xf32>,
      %broadcast_in_dim3A_60 = arith.constant 0.000000e+00 : f32
      %broadcast_in_dim3A_61 = vector.broadcast %broadcast_in_dim3A_60 : f32 to vector<16xf32>
      %swap3A_62 = arith.index_cast %scan3A_40 : i32 to index
      %swap3A_63 = arith.constant 48 : index
      %swap3A_64 = tpu.vector_load %arg8[%swap3A_62, %swap3A_63] {strides = array<i32>} : memref<128x128xf32, #tpu.memory_space<vmem>>, vector<1x16xf32>,
      %swap3A_65 = vector.shape_cast %swap3A_64 : vector<1x16xf32> to vector<16xf32>
      %swap3A_66 = vector.shape_cast %broadcast_in_dim3A_61 : vector<16xf32> to vector<1x16xf32>
      tpu.vector_store %arg8[%swap3A_62, %swap3A_63], %swap3A_66 {strides = array<i32>} : memref<128x128xf32, #tpu.memory_space<vmem>>, vector<1x16xf32>,
      %broadcast_in_dim3A_67 = arith.constant 0.000000e+00 : f32
      %broadcast_in_dim3A_68 = vector.broadcast %broadcast_in_dim3A_67 : f32 to vector<16xf32>
      %swap3A_69 = arith.index_cast %scan3A_40 : i32 to index
      %swap3A_70 = arith.constant 64 : index
      %swap3A_71 = tpu.vector_load %arg8[%swap3A_69, %swap3A_70] {strides = array<i32>} : memref<128x128xf32, #tpu.memory_space<vmem>>, vector<1x16xf32>,
      %swap3A_72 = vector.shape_cast %swap3A_71 : vector<1x16xf32> to vector<16xf32>
      %swap3A_73 = vector.shape_cast %broadcast_in_dim3A_68 : vector<16xf32> to vector<1x16xf32>
      tpu.vector_store %arg8[%swap3A_69, %swap3A_70], %swap3A_73 {strides = array<i32>} : memref<128x128xf32, #tpu.memory_space<vmem>>, vector<1x16xf32>,
      %broadcast_in_dim3A_74 = arith.constant 0.000000e+00 : f32
      %broadcast_in_dim3A_75 = vector.broadcast %broadcast_in_dim3A_74 : f32 to vector<16xf32>
      %swap3A_76 = arith.index_cast %scan3A_40 : i32 to index
      %swap3A_77 = arith.constant 80 : index
      %swap3A_78 = tpu.vector_load %arg8[%swap3A_76, %swap3A_77] {strides = array<i32>} : memref<128x128xf32, #tpu.memory_space<vmem>>, vector<1x16xf32>,
      %swap3A_79 = vector.shape_cast %swap3A_78 : vector<1x16xf32> to vector<16xf32>
      %swap3A_80 = vector.shape_cast %broadcast_in_dim3A_75 : vector<16xf32> to vector<1x16xf32>
      tpu.vector_store %arg8[%swap3A_76, %swap3A_77], %swap3A_80 {strides = array<i32>} : memref<128x128xf32, #tpu.memory_space<vmem>>, vector<1x16xf32>,
      %broadcast_in_dim3A_81 = arith.constant 0.000000e+00 : f32
      %broadcast_in_dim3A_82 = vector.broadcast %broadcast_in_dim3A_81 : f32 to vector<16xf32>
      %swap3A_83 = arith.index_cast %scan3A_40 : i32 to index
      %swap3A_84 = arith.constant 96 : index
      %swap3A_85 = tpu.vector_load %arg8[%swap3A_83, %swap3A_84] {strides = array<i32>} : memref<128x128xf32, #tpu.memory_space<vmem>>, vector<1x16xf32>,
      %swap3A_86 = vector.shape_cast %swap3A_85 : vector<1x16xf32> to vector<16xf32>
      %swap3A_87 = vector.shape_cast %broadcast_in_dim3A_82 : vector<16xf32> to vector<1x16xf32>
      tpu.vector_store %arg8[%swap3A_83, %swap3A_84], %swap3A_87 {strides = array<i32>} : memref<128x128xf32, #tpu.memory_space<vmem>>, vector<1x16xf32>,
      %broadcast_in_dim3A_88 = arith.constant 0.000000e+00 : f32
      %broadcast_in_dim3A_89 = vector.broadcast %broadcast_in_dim3A_88 : f32 to vector<16xf32>
      %swap3A_90 = arith.index_cast %scan3A_40 : i32 to index
      %swap3A_91 = arith.constant 112 : index
      %swap3A_92 = tpu.vector_load %arg8[%swap3A_90, %swap3A_91] {strides = array<i32>} : memref<128x128xf32, #tpu.memory_space<vmem>>, vector<1x16xf32>,
      %swap3A_93 = vector.shape_cast %swap3A_92 : vector<1x16xf32> to vector<16xf32>
      %swap3A_94 = vector.shape_cast %broadcast_in_dim3A_89 : vector<16xf32> to vector<1x16xf32>
      tpu.vector_store %arg8[%swap3A_90, %swap3A_91], %swap3A_94 {strides = array<i32>} : memref<128x128xf32, #tpu.memory_space<vmem>>, vector<1x16xf32>,
    }
    %scan3A_5 = arith.constant 128 : i32
    %mul3A_6 = arith.constant 640 : i32
    %mul3A_7 = arith.muli %arg1, %mul3A_6 : i32
    %add3A_8 = arith.constant 0 : i32
    %add3A_9 = arith.addi %mul3A_7, %add3A_8 : i32
    "tpu.region"() ({
      %run_scoped3A = tpu.sem_alloc : memref<!tpu.dma_semaphore, #tpu.memory_space<semaphore_mem>>
      %dma_start3A = arith.constant 0 : i32
      %dma_start3A_40 = tpu.memref_slice %arg10[%add3A_9, %dma_start3A] : memref<10240x128xf32, #tpu.memory_space<vmem_shared>> -> memref<128x128xf32, #tpu.memory_space<vmem_shared>>
      %dma_start3A_41 = arith.constant 0 : i32
      %dma_start3A_42 = tpu.memref_slice %arg10[%add3A_9, %dma_start3A_41] : memref<10240x128xf32, #tpu.memory_space<vmem_shared>> -> memref<128x128xf32, #tpu.memory_space<vmem_shared>>
      tpu.enqueue_dma source(%arg8 : memref<128x128xf32, #tpu.memory_space<vmem>>) target(%dma_start3A_42 : memref<128x128xf32, #tpu.memory_space<vmem_shared>>) target_semaphore(%run_scoped3A : memref<!tpu.dma_semaphore, #tpu.memory_space<semaphore_mem>>)
      %dma_wait3A = arith.constant 0 : i32
      %dma_wait3A_43 = tpu.memref_slice %arg10[%add3A_9, %dma_wait3A] : memref<10240x128xf32, #tpu.memory_space<vmem_shared>> -> memref<128x128xf32, #tpu.memory_space<vmem_shared>>
      %dma_wait3A_44 = arith.constant 0 : i32
      %dma_wait3A_45 = tpu.memref_slice %arg10[%add3A_9, %dma_wait3A_44] : memref<10240x128xf32, #tpu.memory_space<vmem_shared>> -> memref<128x128xf32, #tpu.memory_space<vmem_shared>>
      tpu.wait_dma2 semaphore(%run_scoped3A : memref<!tpu.dma_semaphore, #tpu.memory_space<semaphore_mem>>) src(%arg8 : memref<128x128xf32, #tpu.memory_space<vmem>>) dst(%dma_wait3A_45 : memref<128x128xf32, #tpu.memory_space<vmem_shared>>)
      tpu.yield
    }) : () -> ()
    %mul3A_10 = arith.constant 640 : i32
    %mul3A_11 = arith.muli %arg1, %mul3A_10 : i32
    %add3A_12 = arith.constant 128 : i32
    %add3A_13 = arith.addi %mul3A_11, %add3A_12 : i32
    "tpu.region"() ({
      %run_scoped3A = tpu.sem_alloc : memref<!tpu.dma_semaphore, #tpu.memory_space<semaphore_mem>>
      %dma_start3A = arith.constant 0 : i32
      %dma_start3A_40 = tpu.memref_slice %arg10[%add3A_13, %dma_start3A] : memref<10240x128xf32, #tpu.memory_space<vmem_shared>> -> memref<128x128xf32, #tpu.memory_space<vmem_shared>>
      %dma_start3A_41 = arith.constant 0 : i32
      %dma_start3A_42 = tpu.memref_slice %arg10[%add3A_13, %dma_start3A_41] : memref<10240x128xf32, #tpu.memory_space<vmem_shared>> -> memref<128x128xf32, #tpu.memory_space<vmem_shared>>
      tpu.enqueue_dma source(%arg8 : memref<128x128xf32, #tpu.memory_space<vmem>>) target(%dma_start3A_42 : memref<128x128xf32, #tpu.memory_space<vmem_shared>>) target_semaphore(%run_scoped3A : memref<!tpu.dma_semaphore, #tpu.memory_space<semaphore_mem>>)
      %dma_wait3A = arith.constant 0 : i32
      %dma_wait3A_43 = tpu.memref_slice %arg10[%add3A_13, %dma_wait3A] : memref<10240x128xf32, #tpu.memory_space<vmem_shared>> -> memref<128x128xf32, #tpu.memory_space<vmem_shared>>
      %dma_wait3A_44 = arith.constant 0 : i32
      %dma_wait3A_45 = tpu.memref_slice %arg10[%add3A_13, %dma_wait3A_44] : memref<10240x128xf32, #tpu.memory_space<vmem_shared>> -> memref<128x128xf32, #tpu.memory_space<vmem_shared>>
      tpu.wait_dma2 semaphore(%run_scoped3A : memref<!tpu.dma_semaphore, #tpu.memory_space<semaphore_mem>>) src(%arg8 : memref<128x128xf32, #tpu.memory_space<vmem>>) dst(%dma_wait3A_45 : memref<128x128xf32, #tpu.memory_space<vmem_shared>>)
      tpu.yield
    }) : () -> ()
    %mul3A_14 = arith.constant 640 : i32
    %mul3A_15 = arith.muli %arg1, %mul3A_14 : i32
    %add3A_16 = arith.constant 256 : i32
    %add3A_17 = arith.addi %mul3A_15, %add3A_16 : i32
    "tpu.region"() ({
      %run_scoped3A = tpu.sem_alloc : memref<!tpu.dma_semaphore, #tpu.memory_space<semaphore_mem>>
      %dma_start3A = arith.constant 0 : i32
      %dma_start3A_40 = tpu.memref_slice %arg10[%add3A_17, %dma_start3A] : memref<10240x128xf32, #tpu.memory_space<vmem_shared>> -> memref<128x128xf32, #tpu.memory_space<vmem_shared>>
      %dma_start3A_41 = arith.constant 0 : i32
      %dma_start3A_42 = tpu.memref_slice %arg10[%add3A_17, %dma_start3A_41] : memref<10240x128xf32, #tpu.memory_space<vmem_shared>> -> memref<128x128xf32, #tpu.memory_space<vmem_shared>>
      tpu.enqueue_dma source(%arg8 : memref<128x128xf32, #tpu.memory_space<vmem>>) target(%dma_start3A_42 : memref<128x128xf32, #tpu.memory_space<vmem_shared>>) target_semaphore(%run_scoped3A : memref<!tpu.dma_semaphore, #tpu.memory_space<semaphore_mem>>)
      %dma_wait3A = arith.constant 0 : i32
      %dma_wait3A_43 = tpu.memref_slice %arg10[%add3A_17, %dma_wait3A] : memref<10240x128xf32, #tpu.memory_space<vmem_shared>> -> memref<128x128xf32, #tpu.memory_space<vmem_shared>>
      %dma_wait3A_44 = arith.constant 0 : i32
      %dma_wait3A_45 = tpu.memref_slice %arg10[%add3A_17, %dma_wait3A_44] : memref<10240x128xf32, #tpu.memory_space<vmem_shared>> -> memref<128x128xf32, #tpu.memory_space<vmem_shared>>
      tpu.wait_dma2 semaphore(%run_scoped3A : memref<!tpu.dma_semaphore, #tpu.memory_space<semaphore_mem>>) src(%arg8 : memref<128x128xf32, #tpu.memory_space<vmem>>) dst(%dma_wait3A_45 : memref<128x128xf32, #tpu.memory_space<vmem_shared>>)
      tpu.yield
    }) : () -> ()
    %mul3A_18 = arith.constant 640 : i32
    %mul3A_19 = arith.muli %arg1, %mul3A_18 : i32
    %add3A_20 = arith.constant 384 : i32
    %add3A_21 = arith.addi %mul3A_19, %add3A_20 : i32
    "tpu.region"() ({
      %run_scoped3A = tpu.sem_alloc : memref<!tpu.dma_semaphore, #tpu.memory_space<semaphore_mem>>
      %dma_start3A = arith.constant 0 : i32
      %dma_start3A_40 = tpu.memref_slice %arg10[%add3A_21, %dma_start3A] : memref<10240x128xf32, #tpu.memory_space<vmem_shared>> -> memref<128x128xf32, #tpu.memory_space<vmem_shared>>
      %dma_start3A_41 = arith.constant 0 : i32
      %dma_start3A_42 = tpu.memref_slice %arg10[%add3A_21, %dma_start3A_41] : memref<10240x128xf32, #tpu.memory_space<vmem_shared>> -> memref<128x128xf32, #tpu.memory_space<vmem_shared>>
      tpu.enqueue_dma source(%arg8 : memref<128x128xf32, #tpu.memory_space<vmem>>) target(%dma_start3A_42 : memref<128x128xf32, #tpu.memory_space<vmem_shared>>) target_semaphore(%run_scoped3A : memref<!tpu.dma_semaphore, #tpu.memory_space<semaphore_mem>>)
      %dma_wait3A = arith.constant 0 : i32
      %dma_wait3A_43 = tpu.memref_slice %arg10[%add3A_21, %dma_wait3A] : memref<10240x128xf32, #tpu.memory_space<vmem_shared>> -> memref<128x128xf32, #tpu.memory_space<vmem_shared>>
      %dma_wait3A_44 = arith.constant 0 : i32
      %dma_wait3A_45 = tpu.memref_slice %arg10[%add3A_21, %dma_wait3A_44] : memref<10240x128xf32, #tpu.memory_space<vmem_shared>> -> memref<128x128xf32, #tpu.memory_space<vmem_shared>>
      tpu.wait_dma2 semaphore(%run_scoped3A : memref<!tpu.dma_semaphore, #tpu.memory_space<semaphore_mem>>) src(%arg8 : memref<128x128xf32, #tpu.memory_space<vmem>>) dst(%dma_wait3A_45 : memref<128x128xf32, #tpu.memory_space<vmem_shared>>)
      tpu.yield
    }) : () -> ()
    %mul3A_22 = arith.constant 640 : i32
    %mul3A_23 = arith.muli %arg1, %mul3A_22 : i32
    %add3A_24 = arith.constant 512 : i32
    %add3A_25 = arith.addi %mul3A_23, %add3A_24 : i32
    "tpu.region"() ({
      %run_scoped3A = tpu.sem_alloc : memref<!tpu.dma_semaphore, #tpu.memory_space<semaphore_mem>>
      %dma_start3A = arith.constant 0 : i32
      %dma_start3A_40 = tpu.memref_slice %arg10[%add3A_25, %dma_start3A] : memref<10240x128xf32, #tpu.memory_space<vmem_shared>> -> memref<128x128xf32, #tpu.memory_space<vmem_shared>>
      %dma_start3A_41 = arith.constant 0 : i32
      %dma_start3A_42 = tpu.memref_slice %arg10[%add3A_25, %dma_start3A_41] : memref<10240x128xf32, #tpu.memory_space<vmem_shared>> -> memref<128x128xf32, #tpu.memory_space<vmem_shared>>
      tpu.enqueue_dma source(%arg8 : memref<128x128xf32, #tpu.memory_space<vmem>>) target(%dma_start3A_42 : memref<128x128xf32, #tpu.memory_space<vmem_shared>>) target_semaphore(%run_scoped3A : memref<!tpu.dma_semaphore, #tpu.memory_space<semaphore_mem>>)
      %dma_wait3A = arith.constant 0 : i32
      %dma_wait3A_43 = tpu.memref_slice %arg10[%add3A_25, %dma_wait3A] : memref<10240x128xf32, #tpu.memory_space<vmem_shared>> -> memref<128x128xf32, #tpu.memory_space<vmem_shared>>
      %dma_wait3A_44 = arith.constant 0 : i32
      %dma_wait3A_45 = tpu.memref_slice %arg10[%add3A_25, %dma_wait3A_44] : memref<10240x128xf32, #tpu.memory_space<vmem_shared>> -> memref<128x128xf32, #tpu.memory_space<vmem_shared>>
      tpu.wait_dma2 semaphore(%run_scoped3A : memref<!tpu.dma_semaphore, #tpu.memory_space<semaphore_mem>>) src(%arg8 : memref<128x128xf32, #tpu.memory_space<vmem>>) dst(%dma_wait3A_45 : memref<128x128xf32, #tpu.memory_space<vmem_shared>>)
      tpu.yield
    }) : () -> ()
    %barrier3A = arith.constant 0 : index
    tpu.barrier barrier_id(%barrier3A)
    %eq3A = arith.constant 0 : i32
    %eq3A_26 = arith.cmpi eq, %arg0, %eq3A : i32
    %jit3A = arith.constant 16 : i32
    %jit3A_27 = arith.constant 4 : i32
    %select_n3A = arith.select %eq3A_26, %jit3A, %jit3A_27 : i32
    %while3A = arith.constant 0 : i32
    %while3A_28 = arith.constant 0 : i32
    %while3A_29 = arith.subi %select_n3A, %while3A_28 : i32
    %while3A_30 = arith.addi %while3A_28, %while3A_29 : i32
    %while3A_31 = arith.constant 1 : i32
    %while3A_32 = arith.divsi %while3A_29, %while3A_31 : i32
    %while3A_33 = arith.muli %while3A_32, %while3A_31 : i32
    %while3A_34 = arith.addi %while3A_28, %while3A_33 : i32
    %while3A_35 = arith.constant 1 : i32
    scf.for %while3A_40 = %while3A_28 to %while3A_34 step %while3A_35  : i32 {
      %mul3A_41 = arith.constant 8 : i32
      %mul3A_42 = arith.muli %while3A_40, %mul3A_41 : i32
      "tpu.region"() ({
        %run_scoped3A_162 = tpu.sem_alloc : memref<!tpu.dma_semaphore, #tpu.memory_space<semaphore_mem>>
        %dma_start3A_163 = arith.constant 0 : i32
        %dma_start3A_164 = tpu.memref_slice %arg3[%add3A, %mul3A_42, %dma_start3A_163] : memref<32x128x128xi32, #tpu.memory_space<hbm>> -> memref<1x8x128xi32, #tpu.memory_space<hbm>>
        %dma_start3A_165 = tpu.memref_squeeze %dma_start3A_164 : memref<1x8x128xi32, #tpu.memory_space<hbm>> -> memref<8x128xi32, #tpu.memory_space<hbm>>
        %dma_start3A_166 = arith.constant 0 : i32
        %dma_start3A_167 = tpu.memref_slice %arg3[%add3A, %mul3A_42, %dma_start3A_166] : memref<32x128x128xi32, #tpu.memory_space<hbm>> -> memref<1x8x128xi32, #tpu.memory_space<hbm>>
        %dma_start3A_168 = tpu.memref_squeeze %dma_start3A_167 : memref<1x8x128xi32, #tpu.memory_space<hbm>> -> memref<8x128xi32, #tpu.memory_space<hbm>>
        tpu.enqueue_dma source(%dma_start3A_168 : memref<8x128xi32, #tpu.memory_space<hbm>>) target(%arg6 : memref<8x128xi32, #tpu.memory_space<vmem>>) target_semaphore(%run_scoped3A_162 : memref<!tpu.dma_semaphore, #tpu.memory_space<semaphore_mem>>)
        %dma_wait3A_169 = arith.constant 0 : i32
        %dma_wait3A_170 = tpu.memref_slice %arg3[%add3A, %mul3A_42, %dma_wait3A_169] : memref<32x128x128xi32, #tpu.memory_space<hbm>> -> memref<1x8x128xi32, #tpu.memory_space<hbm>>
        %dma_wait3A_171 = tpu.memref_squeeze %dma_wait3A_170 : memref<1x8x128xi32, #tpu.memory_space<hbm>> -> memref<8x128xi32, #tpu.memory_space<hbm>>
        %dma_wait3A_172 = arith.constant 0 : i32
        %dma_wait3A_173 = tpu.memref_slice %arg3[%add3A, %mul3A_42, %dma_wait3A_172] : memref<32x128x128xi32, #tpu.memory_space<hbm>> -> memref<1x8x128xi32, #tpu.memory_space<hbm>>
        %dma_wait3A_174 = tpu.memref_squeeze %dma_wait3A_173 : memref<1x8x128xi32, #tpu.memory_space<hbm>> -> memref<8x128xi32, #tpu.memory_space<hbm>>
        tpu.wait_dma2 semaphore(%run_scoped3A_162 : memref<!tpu.dma_semaphore, #tpu.memory_space<semaphore_mem>>) src(%dma_wait3A_174 : memref<8x128xi32, #tpu.memory_space<hbm>>) dst(%arg6 : memref<8x128xi32, #tpu.memory_space<vmem>>)
        tpu.yield
      }) : () -> ()
      %mul3A_43 = arith.constant 8 : i32
      %mul3A_44 = arith.muli %while3A_40, %mul3A_43 : i32
      "tpu.region"() ({
        %run_scoped3A_162 = tpu.sem_alloc : memref<!tpu.dma_semaphore, #tpu.memory_space<semaphore_mem>>
        %dma_start3A_163 = arith.constant 0 : i32
        %dma_start3A_164 = tpu.memref_slice %arg4[%add3A, %mul3A_44, %dma_start3A_163] : memref<32x128x128xi32, #tpu.memory_space<hbm>> -> memref<1x8x128xi32, #tpu.memory_space<hbm>>
        %dma_start3A_165 = tpu.memref_squeeze %dma_start3A_164 : memref<1x8x128xi32, #tpu.memory_space<hbm>> -> memref<8x128xi32, #tpu.memory_space<hbm>>
        %dma_start3A_166 = arith.constant 0 : i32
        %dma_start3A_167 = tpu.memref_slice %arg4[%add3A, %mul3A_44, %dma_start3A_166] : memref<32x128x128xi32, #tpu.memory_space<hbm>> -> memref<1x8x128xi32, #tpu.memory_space<hbm>>
        %dma_start3A_168 = tpu.memref_squeeze %dma_start3A_167 : memref<1x8x128xi32, #tpu.memory_space<hbm>> -> memref<8x128xi32, #tpu.memory_space<hbm>>
        tpu.enqueue_dma source(%dma_start3A_168 : memref<8x128xi32, #tpu.memory_space<hbm>>) target(%arg7 : memref<8x128xi32, #tpu.memory_space<vmem>>) target_semaphore(%run_scoped3A_162 : memref<!tpu.dma_semaphore, #tpu.memory_space<semaphore_mem>>)
        %dma_wait3A_169 = arith.constant 0 : i32
        %dma_wait3A_170 = tpu.memref_slice %arg4[%add3A, %mul3A_44, %dma_wait3A_169] : memref<32x128x128xi32, #tpu.memory_space<hbm>> -> memref<1x8x128xi32, #tpu.memory_space<hbm>>
        %dma_wait3A_171 = tpu.memref_squeeze %dma_wait3A_170 : memref<1x8x128xi32, #tpu.memory_space<hbm>> -> memref<8x128xi32, #tpu.memory_space<hbm>>
        %dma_wait3A_172 = arith.constant 0 : i32
        %dma_wait3A_173 = tpu.memref_slice %arg4[%add3A, %mul3A_44, %dma_wait3A_172] : memref<32x128x128xi32, #tpu.memory_space<hbm>> -> memref<1x8x128xi32, #tpu.memory_space<hbm>>
        %dma_wait3A_174 = tpu.memref_squeeze %dma_wait3A_173 : memref<1x8x128xi32, #tpu.memory_space<hbm>> -> memref<8x128xi32, #tpu.memory_space<hbm>>
        tpu.wait_dma2 semaphore(%run_scoped3A_162 : memref<!tpu.dma_semaphore, #tpu.memory_space<semaphore_mem>>) src(%dma_wait3A_174 : memref<8x128xi32, #tpu.memory_space<hbm>>) dst(%arg7 : memref<8x128xi32, #tpu.memory_space<vmem>>)
        tpu.yield
      }) : () -> ()
      %dma_start3A = arith.constant 0 : i32
      %dma_start3A_45 = arith.constant 0 : i32
      %dma_start3A_46 = tpu.memref_slice %arg6[%dma_start3A, %dma_start3A_45] : memref<8x128xi32, #tpu.memory_space<vmem>> -> memref<1x128xi32, #tpu.memory_space<vmem>>
      %dma_start3A_47 = tpu.memref_squeeze %dma_start3A_46 : memref<1x128xi32, #tpu.memory_space<vmem>> -> memref<128xi32, #tpu.memory_space<vmem>>
      %dma_start3A_48 = arith.constant 0 : i32
      %dma_start3A_49 = arith.constant 0 : i32
      %dma_start3A_50 = tpu.memref_slice %arg2[%dma_start3A_48, %dma_start3A_49] : memref<10240x128xf32, #tpu.memory_space<hbm>> -> memref<10240x128xf32, #tpu.memory_space<hbm>>
      tpu.enqueue_indirect_dma source(%dma_start3A_50 : memref<10240x128xf32, #tpu.memory_space<hbm>>) target(%arg8 : memref<128x128xf32, #tpu.memory_space<vmem>>) offsets(%dma_start3A_47 : memref<128xi32, #tpu.memory_space<vmem>>) semaphore(%arg11 : memref<!tpu.dma_semaphore, #tpu.memory_space<semaphore_mem>>)
      %dma_start3A_51 = arith.constant 1 : i32
      %dma_start3A_52 = arith.constant 0 : i32
      %dma_start3A_53 = tpu.memref_slice %arg6[%dma_start3A_51, %dma_start3A_52] : memref<8x128xi32, #tpu.memory_space<vmem>> -> memref<1x128xi32, #tpu.memory_space<vmem>>
      %dma_start3A_54 = tpu.memref_squeeze %dma_start3A_53 : memref<1x128xi32, #tpu.memory_space<vmem>> -> memref<128xi32, #tpu.memory_space<vmem>>
      %dma_start3A_55 = arith.constant 0 : i32
      %dma_start3A_56 = arith.constant 0 : i32
      %dma_start3A_57 = tpu.memref_slice %arg2[%dma_start3A_55, %dma_start3A_56] : memref<10240x128xf32, #tpu.memory_space<hbm>> -> memref<10240x128xf32, #tpu.memory_space<hbm>>
      tpu.enqueue_indirect_dma source(%dma_start3A_57 : memref<10240x128xf32, #tpu.memory_space<hbm>>) target(%arg9 : memref<128x128xf32, #tpu.memory_space<vmem>>) offsets(%dma_start3A_54 : memref<128xi32, #tpu.memory_space<vmem>>) semaphore(%arg12 : memref<!tpu.dma_semaphore, #tpu.memory_space<semaphore_mem>>)
      %dma_wait3A = arith.constant 0 : i32
      %dma_wait3A_58 = arith.constant 0 : i32
      %dma_wait3A_59 = tpu.memref_slice %arg6[%dma_wait3A, %dma_wait3A_58] : memref<8x128xi32, #tpu.memory_space<vmem>> -> memref<1x128xi32, #tpu.memory_space<vmem>>
      %dma_wait3A_60 = tpu.memref_squeeze %dma_wait3A_59 : memref<1x128xi32, #tpu.memory_space<vmem>> -> memref<128xi32, #tpu.memory_space<vmem>>
      %dma_wait3A_61 = arith.constant 0 : i32
      %dma_wait3A_62 = arith.constant 0 : i32
      %dma_wait3A_63 = tpu.memref_slice %arg2[%dma_wait3A_61, %dma_wait3A_62] : memref<10240x128xf32, #tpu.memory_space<hbm>> -> memref<10240x128xf32, #tpu.memory_space<hbm>>
      tpu.wait_indirect_dma semaphore(%arg11 : memref<!tpu.dma_semaphore, #tpu.memory_space<semaphore_mem>>) src(%dma_wait3A_63 : memref<10240x128xf32, #tpu.memory_space<hbm>>) dst(%arg8 : memref<128x128xf32, #tpu.memory_space<vmem>>)
      %run_scoped3A = arith.constant 0 : i32
      "tpu.region"() ({
        %run_scoped3A_162 = tpu.sem_alloc : memref<!tpu.dma_semaphore, #tpu.memory_space<semaphore_mem>>
        %dma_start3A_163 = arith.constant 0 : i32
        %dma_start3A_164 = tpu.memref_slice %arg7[%run_scoped3A, %dma_start3A_163] : memref<8x128xi32, #tpu.memory_space<vmem>> -> memref<1x128xi32, #tpu.memory_space<vmem>>
        %dma_start3A_165 = tpu.memref_squeeze %dma_start3A_164 : memref<1x128xi32, #tpu.memory_space<vmem>> -> memref<128xi32, #tpu.memory_space<vmem>>
        %dma_start3A_166 = arith.constant 0 : i32
        %dma_start3A_167 = arith.constant 0 : i32
        %dma_start3A_168 = tpu.memref_slice %arg10[%dma_start3A_166, %dma_start3A_167] : memref<10240x128xf32, #tpu.memory_space<vmem_shared>> -> memref<10240x128xf32, #tpu.memory_space<vmem_shared>>
        tpu.enqueue_indirect_dma source(%arg8 : memref<128x128xf32, #tpu.memory_space<vmem>>) target(%dma_start3A_168 : memref<10240x128xf32, #tpu.memory_space<vmem_shared>>) offsets(%dma_start3A_165 : memref<128xi32, #tpu.memory_space<vmem>>) semaphore(%run_scoped3A_162 : memref<!tpu.dma_semaphore, #tpu.memory_space<semaphore_mem>>) {add = true}
        %dma_wait3A_169 = arith.constant 0 : i32
        %dma_wait3A_170 = tpu.memref_slice %arg7[%run_scoped3A, %dma_wait3A_169] : memref<8x128xi32, #tpu.memory_space<vmem>> -> memref<1x128xi32, #tpu.memory_space<vmem>>
        %dma_wait3A_171 = tpu.memref_squeeze %dma_wait3A_170 : memref<1x128xi32, #tpu.memory_space<vmem>> -> memref<128xi32, #tpu.memory_space<vmem>>
        %dma_wait3A_172 = arith.constant 0 : i32
        %dma_wait3A_173 = arith.constant 0 : i32
        %dma_wait3A_174 = tpu.memref_slice %arg10[%dma_wait3A_172, %dma_wait3A_173] : memref<10240x128xf32, #tpu.memory_space<vmem_shared>> -> memref<10240x128xf32, #tpu.memory_space<vmem_shared>>
        tpu.wait_indirect_dma semaphore(%run_scoped3A_162 : memref<!tpu.dma_semaphore, #tpu.memory_space<semaphore_mem>>) src(%arg8 : memref<128x128xf32, #tpu.memory_space<vmem>>) dst(%dma_wait3A_174 : memref<10240x128xf32, #tpu.memory_space<vmem_shared>>)
        tpu.yield
      }) : () -> ()
      %dma_start3A_64 = arith.constant 2 : i32
      %dma_start3A_65 = arith.constant 0 : i32
      %dma_start3A_66 = tpu.memref_slice %arg6[%dma_start3A_64, %dma_start3A_65] : memref<8x128xi32, #tpu.memory_space<vmem>> -> memref<1x128xi32, #tpu.memory_space<vmem>>
      %dma_start3A_67 = tpu.memref_squeeze %dma_start3A_66 : memref<1x128xi32, #tpu.memory_space<vmem>> -> memref<128xi32, #tpu.memory_space<vmem>>
      %dma_start3A_68 = arith.constant 0 : i32
      %dma_start3A_69 = arith.constant 0 : i32
      %dma_start3A_70 = tpu.memref_slice %arg2[%dma_start3A_68, %dma_start3A_69] : memref<10240x128xf32, #tpu.memory_space<hbm>> -> memref<10240x128xf32, #tpu.memory_space<hbm>>
      tpu.enqueue_indirect_dma source(%dma_start3A_70 : memref<10240x128xf32, #tpu.memory_space<hbm>>) target(%arg8 : memref<128x128xf32, #tpu.memory_space<vmem>>) offsets(%dma_start3A_67 : memref<128xi32, #tpu.memory_space<vmem>>) semaphore(%arg11 : memref<!tpu.dma_semaphore, #tpu.memory_space<semaphore_mem>>)
      %dma_wait3A_71 = arith.constant 1 : i32
      %dma_wait3A_72 = arith.constant 0 : i32
      %dma_wait3A_73 = tpu.memref_slice %arg6[%dma_wait3A_71, %dma_wait3A_72] : memref<8x128xi32, #tpu.memory_space<vmem>> -> memref<1x128xi32, #tpu.memory_space<vmem>>
      %dma_wait3A_74 = tpu.memref_squeeze %dma_wait3A_73 : memref<1x128xi32, #tpu.memory_space<vmem>> -> memref<128xi32, #tpu.memory_space<vmem>>
      %dma_wait3A_75 = arith.constant 0 : i32
      %dma_wait3A_76 = arith.constant 0 : i32
      %dma_wait3A_77 = tpu.memref_slice %arg2[%dma_wait3A_75, %dma_wait3A_76] : memref<10240x128xf32, #tpu.memory_space<hbm>> -> memref<10240x128xf32, #tpu.memory_space<hbm>>
      tpu.wait_indirect_dma semaphore(%arg12 : memref<!tpu.dma_semaphore, #tpu.memory_space<semaphore_mem>>) src(%dma_wait3A_77 : memref<10240x128xf32, #tpu.memory_space<hbm>>) dst(%arg9 : memref<128x128xf32, #tpu.memory_space<vmem>>)
      %run_scoped3A_78 = arith.constant 1 : i32
      "tpu.region"() ({
        %run_scoped3A_162 = tpu.sem_alloc : memref<!tpu.dma_semaphore, #tpu.memory_space<semaphore_mem>>
        %dma_start3A_163 = arith.constant 0 : i32
        %dma_start3A_164 = tpu.memref_slice %arg7[%run_scoped3A_78, %dma_start3A_163] : memref<8x128xi32, #tpu.memory_space<vmem>> -> memref<1x128xi32, #tpu.memory_space<vmem>>
        %dma_start3A_165 = tpu.memref_squeeze %dma_start3A_164 : memref<1x128xi32, #tpu.memory_space<vmem>> -> memref<128xi32, #tpu.memory_space<vmem>>
        %dma_start3A_166 = arith.constant 0 : i32
        %dma_start3A_167 = arith.constant 0 : i32
        %dma_start3A_168 = tpu.memref_slice %arg10[%dma_start3A_166, %dma_start3A_167] : memref<10240x128xf32, #tpu.memory_space<vmem_shared>> -> memref<10240x128xf32, #tpu.memory_space<vmem_shared>>
        tpu.enqueue_indirect_dma source(%arg9 : memref<128x128xf32, #tpu.memory_space<vmem>>) target(%dma_start3A_168 : memref<10240x128xf32, #tpu.memory_space<vmem_shared>>) offsets(%dma_start3A_165 : memref<128xi32, #tpu.memory_space<vmem>>) semaphore(%run_scoped3A_162 : memref<!tpu.dma_semaphore, #tpu.memory_space<semaphore_mem>>) {add = true}
        %dma_wait3A_169 = arith.constant 0 : i32
        %dma_wait3A_170 = tpu.memref_slice %arg7[%run_scoped3A_78, %dma_wait3A_169] : memref<8x128xi32, #tpu.memory_space<vmem>> -> memref<1x128xi32, #tpu.memory_space<vmem>>
        %dma_wait3A_171 = tpu.memref_squeeze %dma_wait3A_170 : memref<1x128xi32, #tpu.memory_space<vmem>> -> memref<128xi32, #tpu.memory_space<vmem>>
        %dma_wait3A_172 = arith.constant 0 : i32
        %dma_wait3A_173 = arith.constant 0 : i32
        %dma_wait3A_174 = tpu.memref_slice %arg10[%dma_wait3A_172, %dma_wait3A_173] : memref<10240x128xf32, #tpu.memory_space<vmem_shared>> -> memref<10240x128xf32, #tpu.memory_space<vmem_shared>>
        tpu.wait_indirect_dma semaphore(%run_scoped3A_162 : memref<!tpu.dma_semaphore, #tpu.memory_space<semaphore_mem>>) src(%arg9 : memref<128x128xf32, #tpu.memory_space<vmem>>) dst(%dma_wait3A_174 : memref<10240x128xf32, #tpu.memory_space<vmem_shared>>)
        tpu.yield
      }) : () -> ()
      %dma_start3A_79 = arith.constant 3 : i32
      %dma_start3A_80 = arith.constant 0 : i32
      %dma_start3A_81 = tpu.memref_slice %arg6[%dma_start3A_79, %dma_start3A_80] : memref<8x128xi32, #tpu.memory_space<vmem>> -> memref<1x128xi32, #tpu.memory_space<vmem>>
      %dma_start3A_82 = tpu.memref_squeeze %dma_start3A_81 : memref<1x128xi32, #tpu.memory_space<vmem>> -> memref<128xi32, #tpu.memory_space<vmem>>
      %dma_start3A_83 = arith.constant 0 : i32
      %dma_start3A_84 = arith.constant 0 : i32
      %dma_start3A_85 = tpu.memref_slice %arg2[%dma_start3A_83, %dma_start3A_84] : memref<10240x128xf32, #tpu.memory_space<hbm>> -> memref<10240x128xf32, #tpu.memory_space<hbm>>
      tpu.enqueue_indirect_dma source(%dma_start3A_85 : memref<10240x128xf32, #tpu.memory_space<hbm>>) target(%arg9 : memref<128x128xf32, #tpu.memory_space<vmem>>) offsets(%dma_start3A_82 : memref<128xi32, #tpu.memory_space<vmem>>) semaphore(%arg12 : memref<!tpu.dma_semaphore, #tpu.memory_space<semaphore_mem>>)
      %dma_wait3A_86 = arith.constant 2 : i32
      %dma_wait3A_87 = arith.constant 0 : i32
      %dma_wait3A_88 = tpu.memref_slice %arg6[%dma_wait3A_86, %dma_wait3A_87] : memref<8x128xi32, #tpu.memory_space<vmem>> -> memref<1x128xi32, #tpu.memory_space<vmem>>
      %dma_wait3A_89 = tpu.memref_squeeze %dma_wait3A_88 : memref<1x128xi32, #tpu.memory_space<vmem>> -> memref<128xi32, #tpu.memory_space<vmem>>
      %dma_wait3A_90 = arith.constant 0 : i32
      %dma_wait3A_91 = arith.constant 0 : i32
      %dma_wait3A_92 = tpu.memref_slice %arg2[%dma_wait3A_90, %dma_wait3A_91] : memref<10240x128xf32, #tpu.memory_space<hbm>> -> memref<10240x128xf32, #tpu.memory_space<hbm>>
      tpu.wait_indirect_dma semaphore(%arg11 : memref<!tpu.dma_semaphore, #tpu.memory_space<semaphore_mem>>) src(%dma_wait3A_92 : memref<10240x128xf32, #tpu.memory_space<hbm>>) dst(%arg8 : memref<128x128xf32, #tpu.memory_space<vmem>>)
      %run_scoped3A_93 = arith.constant 2 : i32
      "tpu.region"() ({
        %run_scoped3A_162 = tpu.sem_alloc : memref<!tpu.dma_semaphore, #tpu.memory_space<semaphore_mem>>
        %dma_start3A_163 = arith.constant 0 : i32
        %dma_start3A_164 = tpu.memref_slice %arg7[%run_scoped3A_93, %dma_start3A_163] : memref<8x128xi32, #tpu.memory_space<vmem>> -> memref<1x128xi32, #tpu.memory_space<vmem>>
        %dma_start3A_165 = tpu.memref_squeeze %dma_start3A_164 : memref<1x128xi32, #tpu.memory_space<vmem>> -> memref<128xi32, #tpu.memory_space<vmem>>
        %dma_start3A_166 = arith.constant 0 : i32
        %dma_start3A_167 = arith.constant 0 : i32
        %dma_start3A_168 = tpu.memref_slice %arg10[%dma_start3A_166, %dma_start3A_167] : memref<10240x128xf32, #tpu.memory_space<vmem_shared>> -> memref<10240x128xf32, #tpu.memory_space<vmem_shared>>
        tpu.enqueue_indirect_dma source(%arg8 : memref<128x128xf32, #tpu.memory_space<vmem>>) target(%dma_start3A_168 : memref<10240x128xf32, #tpu.memory_space<vmem_shared>>) offsets(%dma_start3A_165 : memref<128xi32, #tpu.memory_space<vmem>>) semaphore(%run_scoped3A_162 : memref<!tpu.dma_semaphore, #tpu.memory_space<semaphore_mem>>) {add = true}
        %dma_wait3A_169 = arith.constant 0 : i32
        %dma_wait3A_170 = tpu.memref_slice %arg7[%run_scoped3A_93, %dma_wait3A_169] : memref<8x128xi32, #tpu.memory_space<vmem>> -> memref<1x128xi32, #tpu.memory_space<vmem>>
        %dma_wait3A_171 = tpu.memref_squeeze %dma_wait3A_170 : memref<1x128xi32, #tpu.memory_space<vmem>> -> memref<128xi32, #tpu.memory_space<vmem>>
        %dma_wait3A_172 = arith.constant 0 : i32
        %dma_wait3A_173 = arith.constant 0 : i32
        %dma_wait3A_174 = tpu.memref_slice %arg10[%dma_wait3A_172, %dma_wait3A_173] : memref<10240x128xf32, #tpu.memory_space<vmem_shared>> -> memref<10240x128xf32, #tpu.memory_space<vmem_shared>>
        tpu.wait_indirect_dma semaphore(%run_scoped3A_162 : memref<!tpu.dma_semaphore, #tpu.memory_space<semaphore_mem>>) src(%arg8 : memref<128x128xf32, #tpu.memory_space<vmem>>) dst(%dma_wait3A_174 : memref<10240x128xf32, #tpu.memory_space<vmem_shared>>)
        tpu.yield
      }) : () -> ()
      %dma_start3A_94 = arith.constant 4 : i32
      %dma_start3A_95 = arith.constant 0 : i32
      %dma_start3A_96 = tpu.memref_slice %arg6[%dma_start3A_94, %dma_start3A_95] : memref<8x128xi32, #tpu.memory_space<vmem>> -> memref<1x128xi32, #tpu.memory_space<vmem>>
      %dma_start3A_97 = tpu.memref_squeeze %dma_start3A_96 : memref<1x128xi32, #tpu.memory_space<vmem>> -> memref<128xi32, #tpu.memory_space<vmem>>
      %dma_start3A_98 = arith.constant 0 : i32
      %dma_start3A_99 = arith.constant 0 : i32
      %dma_start3A_100 = tpu.memref_slice %arg2[%dma_start3A_98, %dma_start3A_99] : memref<10240x128xf32, #tpu.memory_space<hbm>> -> memref<10240x128xf32, #tpu.memory_space<hbm>>
      tpu.enqueue_indirect_dma source(%dma_start3A_100 : memref<10240x128xf32, #tpu.memory_space<hbm>>) target(%arg8 : memref<128x128xf32, #tpu.memory_space<vmem>>) offsets(%dma_start3A_97 : memref<128xi32, #tpu.memory_space<vmem>>) semaphore(%arg11 : memref<!tpu.dma_semaphore, #tpu.memory_space<semaphore_mem>>)
      %dma_wait3A_101 = arith.constant 3 : i32
      %dma_wait3A_102 = arith.constant 0 : i32
      %dma_wait3A_103 = tpu.memref_slice %arg6[%dma_wait3A_101, %dma_wait3A_102] : memref<8x128xi32, #tpu.memory_space<vmem>> -> memref<1x128xi32, #tpu.memory_space<vmem>>
      %dma_wait3A_104 = tpu.memref_squeeze %dma_wait3A_103 : memref<1x128xi32, #tpu.memory_space<vmem>> -> memref<128xi32, #tpu.memory_space<vmem>>
      %dma_wait3A_105 = arith.constant 0 : i32
      %dma_wait3A_106 = arith.constant 0 : i32
      %dma_wait3A_107 = tpu.memref_slice %arg2[%dma_wait3A_105, %dma_wait3A_106] : memref<10240x128xf32, #tpu.memory_space<hbm>> -> memref<10240x128xf32, #tpu.memory_space<hbm>>
      tpu.wait_indirect_dma semaphore(%arg12 : memref<!tpu.dma_semaphore, #tpu.memory_space<semaphore_mem>>) src(%dma_wait3A_107 : memref<10240x128xf32, #tpu.memory_space<hbm>>) dst(%arg9 : memref<128x128xf32, #tpu.memory_space<vmem>>)
      %run_scoped3A_108 = arith.constant 3 : i32
      "tpu.region"() ({
        %run_scoped3A_162 = tpu.sem_alloc : memref<!tpu.dma_semaphore, #tpu.memory_space<semaphore_mem>>
        %dma_start3A_163 = arith.constant 0 : i32
        %dma_start3A_164 = tpu.memref_slice %arg7[%run_scoped3A_108, %dma_start3A_163] : memref<8x128xi32, #tpu.memory_space<vmem>> -> memref<1x128xi32, #tpu.memory_space<vmem>>
        %dma_start3A_165 = tpu.memref_squeeze %dma_start3A_164 : memref<1x128xi32, #tpu.memory_space<vmem>> -> memref<128xi32, #tpu.memory_space<vmem>>
        %dma_start3A_166 = arith.constant 0 : i32
        %dma_start3A_167 = arith.constant 0 : i32
        %dma_start3A_168 = tpu.memref_slice %arg10[%dma_start3A_166, %dma_start3A_167] : memref<10240x128xf32, #tpu.memory_space<vmem_shared>> -> memref<10240x128xf32, #tpu.memory_space<vmem_shared>>
        tpu.enqueue_indirect_dma source(%arg9 : memref<128x128xf32, #tpu.memory_space<vmem>>) target(%dma_start3A_168 : memref<10240x128xf32, #tpu.memory_space<vmem_shared>>) offsets(%dma_start3A_165 : memref<128xi32, #tpu.memory_space<vmem>>) semaphore(%run_scoped3A_162 : memref<!tpu.dma_semaphore, #tpu.memory_space<semaphore_mem>>) {add = true}
        %dma_wait3A_169 = arith.constant 0 : i32
        %dma_wait3A_170 = tpu.memref_slice %arg7[%run_scoped3A_108, %dma_wait3A_169] : memref<8x128xi32, #tpu.memory_space<vmem>> -> memref<1x128xi32, #tpu.memory_space<vmem>>
        %dma_wait3A_171 = tpu.memref_squeeze %dma_wait3A_170 : memref<1x128xi32, #tpu.memory_space<vmem>> -> memref<128xi32, #tpu.memory_space<vmem>>
        %dma_wait3A_172 = arith.constant 0 : i32
        %dma_wait3A_173 = arith.constant 0 : i32
        %dma_wait3A_174 = tpu.memref_slice %arg10[%dma_wait3A_172, %dma_wait3A_173] : memref<10240x128xf32, #tpu.memory_space<vmem_shared>> -> memref<10240x128xf32, #tpu.memory_space<vmem_shared>>
        tpu.wait_indirect_dma semaphore(%run_scoped3A_162 : memref<!tpu.dma_semaphore, #tpu.memory_space<semaphore_mem>>) src(%arg9 : memref<128x128xf32, #tpu.memory_space<vmem>>) dst(%dma_wait3A_174 : memref<10240x128xf32, #tpu.memory_space<vmem_shared>>)
        tpu.yield
      }) : () -> ()
      %dma_start3A_109 = arith.constant 5 : i32
      %dma_start3A_110 = arith.constant 0 : i32
      %dma_start3A_111 = tpu.memref_slice %arg6[%dma_start3A_109, %dma_start3A_110] : memref<8x128xi32, #tpu.memory_space<vmem>> -> memref<1x128xi32, #tpu.memory_space<vmem>>
      %dma_start3A_112 = tpu.memref_squeeze %dma_start3A_111 : memref<1x128xi32, #tpu.memory_space<vmem>> -> memref<128xi32, #tpu.memory_space<vmem>>
      %dma_start3A_113 = arith.constant 0 : i32
      %dma_start3A_114 = arith.constant 0 : i32
      %dma_start3A_115 = tpu.memref_slice %arg2[%dma_start3A_113, %dma_start3A_114] : memref<10240x128xf32, #tpu.memory_space<hbm>> -> memref<10240x128xf32, #tpu.memory_space<hbm>>
      tpu.enqueue_indirect_dma source(%dma_start3A_115 : memref<10240x128xf32, #tpu.memory_space<hbm>>) target(%arg9 : memref<128x128xf32, #tpu.memory_space<vmem>>) offsets(%dma_start3A_112 : memref<128xi32, #tpu.memory_space<vmem>>) semaphore(%arg12 : memref<!tpu.dma_semaphore, #tpu.memory_space<semaphore_mem>>)
      %dma_wait3A_116 = arith.constant 4 : i32
      %dma_wait3A_117 = arith.constant 0 : i32
      %dma_wait3A_118 = tpu.memref_slice %arg6[%dma_wait3A_116, %dma_wait3A_117] : memref<8x128xi32, #tpu.memory_space<vmem>> -> memref<1x128xi32, #tpu.memory_space<vmem>>
      %dma_wait3A_119 = tpu.memref_squeeze %dma_wait3A_118 : memref<1x128xi32, #tpu.memory_space<vmem>> -> memref<128xi32, #tpu.memory_space<vmem>>
      %dma_wait3A_120 = arith.constant 0 : i32
      %dma_wait3A_121 = arith.constant 0 : i32
      %dma_wait3A_122 = tpu.memref_slice %arg2[%dma_wait3A_120, %dma_wait3A_121] : memref<10240x128xf32, #tpu.memory_space<hbm>> -> memref<10240x128xf32, #tpu.memory_space<hbm>>
      tpu.wait_indirect_dma semaphore(%arg11 : memref<!tpu.dma_semaphore, #tpu.memory_space<semaphore_mem>>) src(%dma_wait3A_122 : memref<10240x128xf32, #tpu.memory_space<hbm>>) dst(%arg8 : memref<128x128xf32, #tpu.memory_space<vmem>>)
      %run_scoped3A_123 = arith.constant 4 : i32
      "tpu.region"() ({
        %run_scoped3A_162 = tpu.sem_alloc : memref<!tpu.dma_semaphore, #tpu.memory_space<semaphore_mem>>
        %dma_start3A_163 = arith.constant 0 : i32
        %dma_start3A_164 = tpu.memref_slice %arg7[%run_scoped3A_123, %dma_start3A_163] : memref<8x128xi32, #tpu.memory_space<vmem>> -> memref<1x128xi32, #tpu.memory_space<vmem>>
        %dma_start3A_165 = tpu.memref_squeeze %dma_start3A_164 : memref<1x128xi32, #tpu.memory_space<vmem>> -> memref<128xi32, #tpu.memory_space<vmem>>
        %dma_start3A_166 = arith.constant 0 : i32
        %dma_start3A_167 = arith.constant 0 : i32
        %dma_start3A_168 = tpu.memref_slice %arg10[%dma_start3A_166, %dma_start3A_167] : memref<10240x128xf32, #tpu.memory_space<vmem_shared>> -> memref<10240x128xf32, #tpu.memory_space<vmem_shared>>
        tpu.enqueue_indirect_dma source(%arg8 : memref<128x128xf32, #tpu.memory_space<vmem>>) target(%dma_start3A_168 : memref<10240x128xf32, #tpu.memory_space<vmem_shared>>) offsets(%dma_start3A_165 : memref<128xi32, #tpu.memory_space<vmem>>) semaphore(%run_scoped3A_162 : memref<!tpu.dma_semaphore, #tpu.memory_space<semaphore_mem>>) {add = true}
        %dma_wait3A_169 = arith.constant 0 : i32
        %dma_wait3A_170 = tpu.memref_slice %arg7[%run_scoped3A_123, %dma_wait3A_169] : memref<8x128xi32, #tpu.memory_space<vmem>> -> memref<1x128xi32, #tpu.memory_space<vmem>>
        %dma_wait3A_171 = tpu.memref_squeeze %dma_wait3A_170 : memref<1x128xi32, #tpu.memory_space<vmem>> -> memref<128xi32, #tpu.memory_space<vmem>>
        %dma_wait3A_172 = arith.constant 0 : i32
        %dma_wait3A_173 = arith.constant 0 : i32
        %dma_wait3A_174 = tpu.memref_slice %arg10[%dma_wait3A_172, %dma_wait3A_173] : memref<10240x128xf32, #tpu.memory_space<vmem_shared>> -> memref<10240x128xf32, #tpu.memory_space<vmem_shared>>
        tpu.wait_indirect_dma semaphore(%run_scoped3A_162 : memref<!tpu.dma_semaphore, #tpu.memory_space<semaphore_mem>>) src(%arg8 : memref<128x128xf32, #tpu.memory_space<vmem>>) dst(%dma_wait3A_174 : memref<10240x128xf32, #tpu.memory_space<vmem_shared>>)
        tpu.yield
      }) : () -> ()
      %dma_start3A_124 = arith.constant 6 : i32
      %dma_start3A_125 = arith.constant 0 : i32
      %dma_start3A_126 = tpu.memref_slice %arg6[%dma_start3A_124, %dma_start3A_125] : memref<8x128xi32, #tpu.memory_space<vmem>> -> memref<1x128xi32, #tpu.memory_space<vmem>>
      %dma_start3A_127 = tpu.memref_squeeze %dma_start3A_126 : memref<1x128xi32, #tpu.memory_space<vmem>> -> memref<128xi32, #tpu.memory_space<vmem>>
      %dma_start3A_128 = arith.constant 0 : i32
      %dma_start3A_129 = arith.constant 0 : i32
      %dma_start3A_130 = tpu.memref_slice %arg2[%dma_start3A_128, %dma_start3A_129] : memref<10240x128xf32, #tpu.memory_space<hbm>> -> memref<10240x128xf32, #tpu.memory_space<hbm>>
      tpu.enqueue_indirect_dma source(%dma_start3A_130 : memref<10240x128xf32, #tpu.memory_space<hbm>>) target(%arg8 : memref<128x128xf32, #tpu.memory_space<vmem>>) offsets(%dma_start3A_127 : memref<128xi32, #tpu.memory_space<vmem>>) semaphore(%arg11 : memref<!tpu.dma_semaphore, #tpu.memory_space<semaphore_mem>>)
      %dma_wait3A_131 = arith.constant 5 : i32
      %dma_wait3A_132 = arith.constant 0 : i32
      %dma_wait3A_133 = tpu.memref_slice %arg6[%dma_wait3A_131, %dma_wait3A_132] : memref<8x128xi32, #tpu.memory_space<vmem>> -> memref<1x128xi32, #tpu.memory_space<vmem>>
      %dma_wait3A_134 = tpu.memref_squeeze %dma_wait3A_133 : memref<1x128xi32, #tpu.memory_space<vmem>> -> memref<128xi32, #tpu.memory_space<vmem>>
      %dma_wait3A_135 = arith.constant 0 : i32
      %dma_wait3A_136 = arith.constant 0 : i32
      %dma_wait3A_137 = tpu.memref_slice %arg2[%dma_wait3A_135, %dma_wait3A_136] : memref<10240x128xf32, #tpu.memory_space<hbm>> -> memref<10240x128xf32, #tpu.memory_space<hbm>>
      tpu.wait_indirect_dma semaphore(%arg12 : memref<!tpu.dma_semaphore, #tpu.memory_space<semaphore_mem>>) src(%dma_wait3A_137 : memref<10240x128xf32, #tpu.memory_space<hbm>>) dst(%arg9 : memref<128x128xf32, #tpu.memory_space<vmem>>)
      %run_scoped3A_138 = arith.constant 5 : i32
      "tpu.region"() ({
        %run_scoped3A_162 = tpu.sem_alloc : memref<!tpu.dma_semaphore, #tpu.memory_space<semaphore_mem>>
        %dma_start3A_163 = arith.constant 0 : i32
        %dma_start3A_164 = tpu.memref_slice %arg7[%run_scoped3A_138, %dma_start3A_163] : memref<8x128xi32, #tpu.memory_space<vmem>> -> memref<1x128xi32, #tpu.memory_space<vmem>>
        %dma_start3A_165 = tpu.memref_squeeze %dma_start3A_164 : memref<1x128xi32, #tpu.memory_space<vmem>> -> memref<128xi32, #tpu.memory_space<vmem>>
        %dma_start3A_166 = arith.constant 0 : i32
        %dma_start3A_167 = arith.constant 0 : i32
        %dma_start3A_168 = tpu.memref_slice %arg10[%dma_start3A_166, %dma_start3A_167] : memref<10240x128xf32, #tpu.memory_space<vmem_shared>> -> memref<10240x128xf32, #tpu.memory_space<vmem_shared>>
        tpu.enqueue_indirect_dma source(%arg9 : memref<128x128xf32, #tpu.memory_space<vmem>>) target(%dma_start3A_168 : memref<10240x128xf32, #tpu.memory_space<vmem_shared>>) offsets(%dma_start3A_165 : memref<128xi32, #tpu.memory_space<vmem>>) semaphore(%run_scoped3A_162 : memref<!tpu.dma_semaphore, #tpu.memory_space<semaphore_mem>>) {add = true}
        %dma_wait3A_169 = arith.constant 0 : i32
        %dma_wait3A_170 = tpu.memref_slice %arg7[%run_scoped3A_138, %dma_wait3A_169] : memref<8x128xi32, #tpu.memory_space<vmem>> -> memref<1x128xi32, #tpu.memory_space<vmem>>
        %dma_wait3A_171 = tpu.memref_squeeze %dma_wait3A_170 : memref<1x128xi32, #tpu.memory_space<vmem>> -> memref<128xi32, #tpu.memory_space<vmem>>
        %dma_wait3A_172 = arith.constant 0 : i32
        %dma_wait3A_173 = arith.constant 0 : i32
        %dma_wait3A_174 = tpu.memref_slice %arg10[%dma_wait3A_172, %dma_wait3A_173] : memref<10240x128xf32, #tpu.memory_space<vmem_shared>> -> memref<10240x128xf32, #tpu.memory_space<vmem_shared>>
        tpu.wait_indirect_dma semaphore(%run_scoped3A_162 : memref<!tpu.dma_semaphore, #tpu.memory_space<semaphore_mem>>) src(%arg9 : memref<128x128xf32, #tpu.memory_space<vmem>>) dst(%dma_wait3A_174 : memref<10240x128xf32, #tpu.memory_space<vmem_shared>>)
        tpu.yield
      }) : () -> ()
      %dma_start3A_139 = arith.constant 7 : i32
      %dma_start3A_140 = arith.constant 0 : i32
      %dma_start3A_141 = tpu.memref_slice %arg6[%dma_start3A_139, %dma_start3A_140] : memref<8x128xi32, #tpu.memory_space<vmem>> -> memref<1x128xi32, #tpu.memory_space<vmem>>
      %dma_start3A_142 = tpu.memref_squeeze %dma_start3A_141 : memref<1x128xi32, #tpu.memory_space<vmem>> -> memref<128xi32, #tpu.memory_space<vmem>>
      %dma_start3A_143 = arith.constant 0 : i32
      %dma_start3A_144 = arith.constant 0 : i32
      %dma_start3A_145 = tpu.memref_slice %arg2[%dma_start3A_143, %dma_start3A_144] : memref<10240x128xf32, #tpu.memory_space<hbm>> -> memref<10240x128xf32, #tpu.memory_space<hbm>>
      tpu.enqueue_indirect_dma source(%dma_start3A_145 : memref<10240x128xf32, #tpu.memory_space<hbm>>) target(%arg9 : memref<128x128xf32, #tpu.memory_space<vmem>>) offsets(%dma_start3A_142 : memref<128xi32, #tpu.memory_space<vmem>>) semaphore(%arg12 : memref<!tpu.dma_semaphore, #tpu.memory_space<semaphore_mem>>)
      %dma_wait3A_146 = arith.constant 6 : i32
      %dma_wait3A_147 = arith.constant 0 : i32
      %dma_wait3A_148 = tpu.memref_slice %arg6[%dma_wait3A_146, %dma_wait3A_147] : memref<8x128xi32, #tpu.memory_space<vmem>> -> memref<1x128xi32, #tpu.memory_space<vmem>>
      %dma_wait3A_149 = tpu.memref_squeeze %dma_wait3A_148 : memref<1x128xi32, #tpu.memory_space<vmem>> -> memref<128xi32, #tpu.memory_space<vmem>>
      %dma_wait3A_150 = arith.constant 0 : i32
      %dma_wait3A_151 = arith.constant 0 : i32
      %dma_wait3A_152 = tpu.memref_slice %arg2[%dma_wait3A_150, %dma_wait3A_151] : memref<10240x128xf32, #tpu.memory_space<hbm>> -> memref<10240x128xf32, #tpu.memory_space<hbm>>
      tpu.wait_indirect_dma semaphore(%arg11 : memref<!tpu.dma_semaphore, #tpu.memory_space<semaphore_mem>>) src(%dma_wait3A_152 : memref<10240x128xf32, #tpu.memory_space<hbm>>) dst(%arg8 : memref<128x128xf32, #tpu.memory_space<vmem>>)
      %run_scoped3A_153 = arith.constant 6 : i32
      "tpu.region"() ({
        %run_scoped3A_162 = tpu.sem_alloc : memref<!tpu.dma_semaphore, #tpu.memory_space<semaphore_mem>>
        %dma_start3A_163 = arith.constant 0 : i32
        %dma_start3A_164 = tpu.memref_slice %arg7[%run_scoped3A_153, %dma_start3A_163] : memref<8x128xi32, #tpu.memory_space<vmem>> -> memref<1x128xi32, #tpu.memory_space<vmem>>
        %dma_start3A_165 = tpu.memref_squeeze %dma_start3A_164 : memref<1x128xi32, #tpu.memory_space<vmem>> -> memref<128xi32, #tpu.memory_space<vmem>>
        %dma_start3A_166 = arith.constant 0 : i32
        %dma_start3A_167 = arith.constant 0 : i32
        %dma_start3A_168 = tpu.memref_slice %arg10[%dma_start3A_166, %dma_start3A_167] : memref<10240x128xf32, #tpu.memory_space<vmem_shared>> -> memref<10240x128xf32, #tpu.memory_space<vmem_shared>>
        tpu.enqueue_indirect_dma source(%arg8 : memref<128x128xf32, #tpu.memory_space<vmem>>) target(%dma_start3A_168 : memref<10240x128xf32, #tpu.memory_space<vmem_shared>>) offsets(%dma_start3A_165 : memref<128xi32, #tpu.memory_space<vmem>>) semaphore(%run_scoped3A_162 : memref<!tpu.dma_semaphore, #tpu.memory_space<semaphore_mem>>) {add = true}
        %dma_wait3A_169 = arith.constant 0 : i32
        %dma_wait3A_170 = tpu.memref_slice %arg7[%run_scoped3A_153, %dma_wait3A_169] : memref<8x128xi32, #tpu.memory_space<vmem>> -> memref<1x128xi32, #tpu.memory_space<vmem>>
        %dma_wait3A_171 = tpu.memref_squeeze %dma_wait3A_170 : memref<1x128xi32, #tpu.memory_space<vmem>> -> memref<128xi32, #tpu.memory_space<vmem>>
        %dma_wait3A_172 = arith.constant 0 : i32
        %dma_wait3A_173 = arith.constant 0 : i32
        %dma_wait3A_174 = tpu.memref_slice %arg10[%dma_wait3A_172, %dma_wait3A_173] : memref<10240x128xf32, #tpu.memory_space<vmem_shared>> -> memref<10240x128xf32, #tpu.memory_space<vmem_shared>>
        tpu.wait_indirect_dma semaphore(%run_scoped3A_162 : memref<!tpu.dma_semaphore, #tpu.memory_space<semaphore_mem>>) src(%arg8 : memref<128x128xf32, #tpu.memory_space<vmem>>) dst(%dma_wait3A_174 : memref<10240x128xf32, #tpu.memory_space<vmem_shared>>)
        tpu.yield
      }) : () -> ()
      %dma_wait3A_154 = arith.constant 7 : i32
      %dma_wait3A_155 = arith.constant 0 : i32
      %dma_wait3A_156 = tpu.memref_slice %arg6[%dma_wait3A_154, %dma_wait3A_155] : memref<8x128xi32, #tpu.memory_space<vmem>> -> memref<1x128xi32, #tpu.memory_space<vmem>>
      %dma_wait3A_157 = tpu.memref_squeeze %dma_wait3A_156 : memref<1x128xi32, #tpu.memory_space<vmem>> -> memref<128xi32, #tpu.memory_space<vmem>>
      %dma_wait3A_158 = arith.constant 0 : i32
      %dma_wait3A_159 = arith.constant 0 : i32
      %dma_wait3A_160 = tpu.memref_slice %arg2[%dma_wait3A_158, %dma_wait3A_159] : memref<10240x128xf32, #tpu.memory_space<hbm>> -> memref<10240x128xf32, #tpu.memory_space<hbm>>
      tpu.wait_indirect_dma semaphore(%arg12 : memref<!tpu.dma_semaphore, #tpu.memory_space<semaphore_mem>>) src(%dma_wait3A_160 : memref<10240x128xf32, #tpu.memory_space<hbm>>) dst(%arg9 : memref<128x128xf32, #tpu.memory_space<vmem>>)
      %run_scoped3A_161 = arith.constant 7 : i32
      "tpu.region"() ({
        %run_scoped3A_162 = tpu.sem_alloc : memref<!tpu.dma_semaphore, #tpu.memory_space<semaphore_mem>>
        %dma_start3A_163 = arith.constant 0 : i32
        %dma_start3A_164 = tpu.memref_slice %arg7[%run_scoped3A_161, %dma_start3A_163] : memref<8x128xi32, #tpu.memory_space<vmem>> -> memref<1x128xi32, #tpu.memory_space<vmem>>
        %dma_start3A_165 = tpu.memref_squeeze %dma_start3A_164 : memref<1x128xi32, #tpu.memory_space<vmem>> -> memref<128xi32, #tpu.memory_space<vmem>>
        %dma_start3A_166 = arith.constant 0 : i32
        %dma_start3A_167 = arith.constant 0 : i32
        %dma_start3A_168 = tpu.memref_slice %arg10[%dma_start3A_166, %dma_start3A_167] : memref<10240x128xf32, #tpu.memory_space<vmem_shared>> -> memref<10240x128xf32, #tpu.memory_space<vmem_shared>>
        tpu.enqueue_indirect_dma source(%arg9 : memref<128x128xf32, #tpu.memory_space<vmem>>) target(%dma_start3A_168 : memref<10240x128xf32, #tpu.memory_space<vmem_shared>>) offsets(%dma_start3A_165 : memref<128xi32, #tpu.memory_space<vmem>>) semaphore(%run_scoped3A_162 : memref<!tpu.dma_semaphore, #tpu.memory_space<semaphore_mem>>) {add = true}
        %dma_wait3A_169 = arith.constant 0 : i32
        %dma_wait3A_170 = tpu.memref_slice %arg7[%run_scoped3A_161, %dma_wait3A_169] : memref<8x128xi32, #tpu.memory_space<vmem>> -> memref<1x128xi32, #tpu.memory_space<vmem>>
        %dma_wait3A_171 = tpu.memref_squeeze %dma_wait3A_170 : memref<1x128xi32, #tpu.memory_space<vmem>> -> memref<128xi32, #tpu.memory_space<vmem>>
        %dma_wait3A_172 = arith.constant 0 : i32
        %dma_wait3A_173 = arith.constant 0 : i32
        %dma_wait3A_174 = tpu.memref_slice %arg10[%dma_wait3A_172, %dma_wait3A_173] : memref<10240x128xf32, #tpu.memory_space<vmem_shared>> -> memref<10240x128xf32, #tpu.memory_space<vmem_shared>>
        tpu.wait_indirect_dma semaphore(%run_scoped3A_162 : memref<!tpu.dma_semaphore, #tpu.memory_space<semaphore_mem>>) src(%arg9 : memref<128x128xf32, #tpu.memory_space<vmem>>) dst(%dma_wait3A_174 : memref<10240x128xf32, #tpu.memory_space<vmem_shared>>)
        tpu.yield
      }) : () -> ()
    }
    %while3A_36 = arith.constant 1 : i32
    scf.for %while3A_40 = %while3A_34 to %while3A_30 step %while3A_36  : i32 {
      %mul3A_41 = arith.constant 8 : i32
      %mul3A_42 = arith.muli %while3A_40, %mul3A_41 : i32
      "tpu.region"() ({
        %run_scoped3A_162 = tpu.sem_alloc : memref<!tpu.dma_semaphore, #tpu.memory_space<semaphore_mem>>
        %dma_start3A_163 = arith.constant 0 : i32
        %dma_start3A_164 = tpu.memref_slice %arg3[%add3A, %mul3A_42, %dma_start3A_163] : memref<32x128x128xi32, #tpu.memory_space<hbm>> -> memref<1x8x128xi32, #tpu.memory_space<hbm>>
        %dma_start3A_165 = tpu.memref_squeeze %dma_start3A_164 : memref<1x8x128xi32, #tpu.memory_space<hbm>> -> memref<8x128xi32, #tpu.memory_space<hbm>>
        %dma_start3A_166 = arith.constant 0 : i32
        %dma_start3A_167 = tpu.memref_slice %arg3[%add3A, %mul3A_42, %dma_start3A_166] : memref<32x128x128xi32, #tpu.memory_space<hbm>> -> memref<1x8x128xi32, #tpu.memory_space<hbm>>
        %dma_start3A_168 = tpu.memref_squeeze %dma_start3A_167 : memref<1x8x128xi32, #tpu.memory_space<hbm>> -> memref<8x128xi32, #tpu.memory_space<hbm>>
        tpu.enqueue_dma source(%dma_start3A_168 : memref<8x128xi32, #tpu.memory_space<hbm>>) target(%arg6 : memref<8x128xi32, #tpu.memory_space<vmem>>) target_semaphore(%run_scoped3A_162 : memref<!tpu.dma_semaphore, #tpu.memory_space<semaphore_mem>>)
        %dma_wait3A_169 = arith.constant 0 : i32
        %dma_wait3A_170 = tpu.memref_slice %arg3[%add3A, %mul3A_42, %dma_wait3A_169] : memref<32x128x128xi32, #tpu.memory_space<hbm>> -> memref<1x8x128xi32, #tpu.memory_space<hbm>>
        %dma_wait3A_171 = tpu.memref_squeeze %dma_wait3A_170 : memref<1x8x128xi32, #tpu.memory_space<hbm>> -> memref<8x128xi32, #tpu.memory_space<hbm>>
        %dma_wait3A_172 = arith.constant 0 : i32
        %dma_wait3A_173 = tpu.memref_slice %arg3[%add3A, %mul3A_42, %dma_wait3A_172] : memref<32x128x128xi32, #tpu.memory_space<hbm>> -> memref<1x8x128xi32, #tpu.memory_space<hbm>>
        %dma_wait3A_174 = tpu.memref_squeeze %dma_wait3A_173 : memref<1x8x128xi32, #tpu.memory_space<hbm>> -> memref<8x128xi32, #tpu.memory_space<hbm>>
        tpu.wait_dma2 semaphore(%run_scoped3A_162 : memref<!tpu.dma_semaphore, #tpu.memory_space<semaphore_mem>>) src(%dma_wait3A_174 : memref<8x128xi32, #tpu.memory_space<hbm>>) dst(%arg6 : memref<8x128xi32, #tpu.memory_space<vmem>>)
        tpu.yield
      }) : () -> ()
      %mul3A_43 = arith.constant 8 : i32
      %mul3A_44 = arith.muli %while3A_40, %mul3A_43 : i32
      "tpu.region"() ({
        %run_scoped3A_162 = tpu.sem_alloc : memref<!tpu.dma_semaphore, #tpu.memory_space<semaphore_mem>>
        %dma_start3A_163 = arith.constant 0 : i32
        %dma_start3A_164 = tpu.memref_slice %arg4[%add3A, %mul3A_44, %dma_start3A_163] : memref<32x128x128xi32, #tpu.memory_space<hbm>> -> memref<1x8x128xi32, #tpu.memory_space<hbm>>
        %dma_start3A_165 = tpu.memref_squeeze %dma_start3A_164 : memref<1x8x128xi32, #tpu.memory_space<hbm>> -> memref<8x128xi32, #tpu.memory_space<hbm>>
        %dma_start3A_166 = arith.constant 0 : i32
        %dma_start3A_167 = tpu.memref_slice %arg4[%add3A, %mul3A_44, %dma_start3A_166] : memref<32x128x128xi32, #tpu.memory_space<hbm>> -> memref<1x8x128xi32, #tpu.memory_space<hbm>>
        %dma_start3A_168 = tpu.memref_squeeze %dma_start3A_167 : memref<1x8x128xi32, #tpu.memory_space<hbm>> -> memref<8x128xi32, #tpu.memory_space<hbm>>
        tpu.enqueue_dma source(%dma_start3A_168 : memref<8x128xi32, #tpu.memory_space<hbm>>) target(%arg7 : memref<8x128xi32, #tpu.memory_space<vmem>>) target_semaphore(%run_scoped3A_162 : memref<!tpu.dma_semaphore, #tpu.memory_space<semaphore_mem>>)
        %dma_wait3A_169 = arith.constant 0 : i32
        %dma_wait3A_170 = tpu.memref_slice %arg4[%add3A, %mul3A_44, %dma_wait3A_169] : memref<32x128x128xi32, #tpu.memory_space<hbm>> -> memref<1x8x128xi32, #tpu.memory_space<hbm>>
        %dma_wait3A_171 = tpu.memref_squeeze %dma_wait3A_170 : memref<1x8x128xi32, #tpu.memory_space<hbm>> -> memref<8x128xi32, #tpu.memory_space<hbm>>
        %dma_wait3A_172 = arith.constant 0 : i32
        %dma_wait3A_173 = tpu.memref_slice %arg4[%add3A, %mul3A_44, %dma_wait3A_172] : memref<32x128x128xi32, #tpu.memory_space<hbm>> -> memref<1x8x128xi32, #tpu.memory_space<hbm>>
        %dma_wait3A_174 = tpu.memref_squeeze %dma_wait3A_173 : memref<1x8x128xi32, #tpu.memory_space<hbm>> -> memref<8x128xi32, #tpu.memory_space<hbm>>
        tpu.wait_dma2 semaphore(%run_scoped3A_162 : memref<!tpu.dma_semaphore, #tpu.memory_space<semaphore_mem>>) src(%dma_wait3A_174 : memref<8x128xi32, #tpu.memory_space<hbm>>) dst(%arg7 : memref<8x128xi32, #tpu.memory_space<vmem>>)
        tpu.yield
      }) : () -> ()
      %dma_start3A = arith.constant 0 : i32
      %dma_start3A_45 = arith.constant 0 : i32
      %dma_start3A_46 = tpu.memref_slice %arg6[%dma_start3A, %dma_start3A_45] : memref<8x128xi32, #tpu.memory_space<vmem>> -> memref<1x128xi32, #tpu.memory_space<vmem>>
      %dma_start3A_47 = tpu.memref_squeeze %dma_start3A_46 : memref<1x128xi32, #tpu.memory_space<vmem>> -> memref<128xi32, #tpu.memory_space<vmem>>
      %dma_start3A_48 = arith.constant 0 : i32
      %dma_start3A_49 = arith.constant 0 : i32
      %dma_start3A_50 = tpu.memref_slice %arg2[%dma_start3A_48, %dma_start3A_49] : memref<10240x128xf32, #tpu.memory_space<hbm>> -> memref<10240x128xf32, #tpu.memory_space<hbm>>
      tpu.enqueue_indirect_dma source(%dma_start3A_50 : memref<10240x128xf32, #tpu.memory_space<hbm>>) target(%arg8 : memref<128x128xf32, #tpu.memory_space<vmem>>) offsets(%dma_start3A_47 : memref<128xi32, #tpu.memory_space<vmem>>) semaphore(%arg11 : memref<!tpu.dma_semaphore, #tpu.memory_space<semaphore_mem>>)
      %dma_start3A_51 = arith.constant 1 : i32
      %dma_start3A_52 = arith.constant 0 : i32
      %dma_start3A_53 = tpu.memref_slice %arg6[%dma_start3A_51, %dma_start3A_52] : memref<8x128xi32, #tpu.memory_space<vmem>> -> memref<1x128xi32, #tpu.memory_space<vmem>>
      %dma_start3A_54 = tpu.memref_squeeze %dma_start3A_53 : memref<1x128xi32, #tpu.memory_space<vmem>> -> memref<128xi32, #tpu.memory_space<vmem>>
      %dma_start3A_55 = arith.constant 0 : i32
      %dma_start3A_56 = arith.constant 0 : i32
      %dma_start3A_57 = tpu.memref_slice %arg2[%dma_start3A_55, %dma_start3A_56] : memref<10240x128xf32, #tpu.memory_space<hbm>> -> memref<10240x128xf32, #tpu.memory_space<hbm>>
      tpu.enqueue_indirect_dma source(%dma_start3A_57 : memref<10240x128xf32, #tpu.memory_space<hbm>>) target(%arg9 : memref<128x128xf32, #tpu.memory_space<vmem>>) offsets(%dma_start3A_54 : memref<128xi32, #tpu.memory_space<vmem>>) semaphore(%arg12 : memref<!tpu.dma_semaphore, #tpu.memory_space<semaphore_mem>>)
      %dma_wait3A = arith.constant 0 : i32
      %dma_wait3A_58 = arith.constant 0 : i32
      %dma_wait3A_59 = tpu.memref_slice %arg6[%dma_wait3A, %dma_wait3A_58] : memref<8x128xi32, #tpu.memory_space<vmem>> -> memref<1x128xi32, #tpu.memory_space<vmem>>
      %dma_wait3A_60 = tpu.memref_squeeze %dma_wait3A_59 : memref<1x128xi32, #tpu.memory_space<vmem>> -> memref<128xi32, #tpu.memory_space<vmem>>
      %dma_wait3A_61 = arith.constant 0 : i32
      %dma_wait3A_62 = arith.constant 0 : i32
      %dma_wait3A_63 = tpu.memref_slice %arg2[%dma_wait3A_61, %dma_wait3A_62] : memref<10240x128xf32, #tpu.memory_space<hbm>> -> memref<10240x128xf32, #tpu.memory_space<hbm>>
      tpu.wait_indirect_dma semaphore(%arg11 : memref<!tpu.dma_semaphore, #tpu.memory_space<semaphore_mem>>) src(%dma_wait3A_63 : memref<10240x128xf32, #tpu.memory_space<hbm>>) dst(%arg8 : memref<128x128xf32, #tpu.memory_space<vmem>>)
      %run_scoped3A = arith.constant 0 : i32
      "tpu.region"() ({
        %run_scoped3A_162 = tpu.sem_alloc : memref<!tpu.dma_semaphore, #tpu.memory_space<semaphore_mem>>
        %dma_start3A_163 = arith.constant 0 : i32
        %dma_start3A_164 = tpu.memref_slice %arg7[%run_scoped3A, %dma_start3A_163] : memref<8x128xi32, #tpu.memory_space<vmem>> -> memref<1x128xi32, #tpu.memory_space<vmem>>
        %dma_start3A_165 = tpu.memref_squeeze %dma_start3A_164 : memref<1x128xi32, #tpu.memory_space<vmem>> -> memref<128xi32, #tpu.memory_space<vmem>>
        %dma_start3A_166 = arith.constant 0 : i32
        %dma_start3A_167 = arith.constant 0 : i32
        %dma_start3A_168 = tpu.memref_slice %arg10[%dma_start3A_166, %dma_start3A_167] : memref<10240x128xf32, #tpu.memory_space<vmem_shared>> -> memref<10240x128xf32, #tpu.memory_space<vmem_shared>>
        tpu.enqueue_indirect_dma source(%arg8 : memref<128x128xf32, #tpu.memory_space<vmem>>) target(%dma_start3A_168 : memref<10240x128xf32, #tpu.memory_space<vmem_shared>>) offsets(%dma_start3A_165 : memref<128xi32, #tpu.memory_space<vmem>>) semaphore(%run_scoped3A_162 : memref<!tpu.dma_semaphore, #tpu.memory_space<semaphore_mem>>) {add = true}
        %dma_wait3A_169 = arith.constant 0 : i32
        %dma_wait3A_170 = tpu.memref_slice %arg7[%run_scoped3A, %dma_wait3A_169] : memref<8x128xi32, #tpu.memory_space<vmem>> -> memref<1x128xi32, #tpu.memory_space<vmem>>
        %dma_wait3A_171 = tpu.memref_squeeze %dma_wait3A_170 : memref<1x128xi32, #tpu.memory_space<vmem>> -> memref<128xi32, #tpu.memory_space<vmem>>
        %dma_wait3A_172 = arith.constant 0 : i32
        %dma_wait3A_173 = arith.constant 0 : i32
        %dma_wait3A_174 = tpu.memref_slice %arg10[%dma_wait3A_172, %dma_wait3A_173] : memref<10240x128xf32, #tpu.memory_space<vmem_shared>> -> memref<10240x128xf32, #tpu.memory_space<vmem_shared>>
        tpu.wait_indirect_dma semaphore(%run_scoped3A_162 : memref<!tpu.dma_semaphore, #tpu.memory_space<semaphore_mem>>) src(%arg8 : memref<128x128xf32, #tpu.memory_space<vmem>>) dst(%dma_wait3A_174 : memref<10240x128xf32, #tpu.memory_space<vmem_shared>>)
        tpu.yield
      }) : () -> ()
      %dma_start3A_64 = arith.constant 2 : i32
      %dma_start3A_65 = arith.constant 0 : i32
      %dma_start3A_66 = tpu.memref_slice %arg6[%dma_start3A_64, %dma_start3A_65] : memref<8x128xi32, #tpu.memory_space<vmem>> -> memref<1x128xi32, #tpu.memory_space<vmem>>
      %dma_start3A_67 = tpu.memref_squeeze %dma_start3A_66 : memref<1x128xi32, #tpu.memory_space<vmem>> -> memref<128xi32, #tpu.memory_space<vmem>>
      %dma_start3A_68 = arith.constant 0 : i32
      %dma_start3A_69 = arith.constant 0 : i32
      %dma_start3A_70 = tpu.memref_slice %arg2[%dma_start3A_68, %dma_start3A_69] : memref<10240x128xf32, #tpu.memory_space<hbm>> -> memref<10240x128xf32, #tpu.memory_space<hbm>>
      tpu.enqueue_indirect_dma source(%dma_start3A_70 : memref<10240x128xf32, #tpu.memory_space<hbm>>) target(%arg8 : memref<128x128xf32, #tpu.memory_space<vmem>>) offsets(%dma_start3A_67 : memref<128xi32, #tpu.memory_space<vmem>>) semaphore(%arg11 : memref<!tpu.dma_semaphore, #tpu.memory_space<semaphore_mem>>)
      %dma_wait3A_71 = arith.constant 1 : i32
      %dma_wait3A_72 = arith.constant 0 : i32
      %dma_wait3A_73 = tpu.memref_slice %arg6[%dma_wait3A_71, %dma_wait3A_72] : memref<8x128xi32, #tpu.memory_space<vmem>> -> memref<1x128xi32, #tpu.memory_space<vmem>>
      %dma_wait3A_74 = tpu.memref_squeeze %dma_wait3A_73 : memref<1x128xi32, #tpu.memory_space<vmem>> -> memref<128xi32, #tpu.memory_space<vmem>>
      %dma_wait3A_75 = arith.constant 0 : i32
      %dma_wait3A_76 = arith.constant 0 : i32
      %dma_wait3A_77 = tpu.memref_slice %arg2[%dma_wait3A_75, %dma_wait3A_76] : memref<10240x128xf32, #tpu.memory_space<hbm>> -> memref<10240x128xf32, #tpu.memory_space<hbm>>
      tpu.wait_indirect_dma semaphore(%arg12 : memref<!tpu.dma_semaphore, #tpu.memory_space<semaphore_mem>>) src(%dma_wait3A_77 : memref<10240x128xf32, #tpu.memory_space<hbm>>) dst(%arg9 : memref<128x128xf32, #tpu.memory_space<vmem>>)
      %run_scoped3A_78 = arith.constant 1 : i32
      "tpu.region"() ({
        %run_scoped3A_162 = tpu.sem_alloc : memref<!tpu.dma_semaphore, #tpu.memory_space<semaphore_mem>>
        %dma_start3A_163 = arith.constant 0 : i32
        %dma_start3A_164 = tpu.memref_slice %arg7[%run_scoped3A_78, %dma_start3A_163] : memref<8x128xi32, #tpu.memory_space<vmem>> -> memref<1x128xi32, #tpu.memory_space<vmem>>
        %dma_start3A_165 = tpu.memref_squeeze %dma_start3A_164 : memref<1x128xi32, #tpu.memory_space<vmem>> -> memref<128xi32, #tpu.memory_space<vmem>>
        %dma_start3A_166 = arith.constant 0 : i32
        %dma_start3A_167 = arith.constant 0 : i32
        %dma_start3A_168 = tpu.memref_slice %arg10[%dma_start3A_166, %dma_start3A_167] : memref<10240x128xf32, #tpu.memory_space<vmem_shared>> -> memref<10240x128xf32, #tpu.memory_space<vmem_shared>>
        tpu.enqueue_indirect_dma source(%arg9 : memref<128x128xf32, #tpu.memory_space<vmem>>) target(%dma_start3A_168 : memref<10240x128xf32, #tpu.memory_space<vmem_shared>>) offsets(%dma_start3A_165 : memref<128xi32, #tpu.memory_space<vmem>>) semaphore(%run_scoped3A_162 : memref<!tpu.dma_semaphore, #tpu.memory_space<semaphore_mem>>) {add = true}
        %dma_wait3A_169 = arith.constant 0 : i32
        %dma_wait3A_170 = tpu.memref_slice %arg7[%run_scoped3A_78, %dma_wait3A_169] : memref<8x128xi32, #tpu.memory_space<vmem>> -> memref<1x128xi32, #tpu.memory_space<vmem>>
        %dma_wait3A_171 = tpu.memref_squeeze %dma_wait3A_170 : memref<1x128xi32, #tpu.memory_space<vmem>> -> memref<128xi32, #tpu.memory_space<vmem>>
        %dma_wait3A_172 = arith.constant 0 : i32
        %dma_wait3A_173 = arith.constant 0 : i32
        %dma_wait3A_174 = tpu.memref_slice %arg10[%dma_wait3A_172, %dma_wait3A_173] : memref<10240x128xf32, #tpu.memory_space<vmem_shared>> -> memref<10240x128xf32, #tpu.memory_space<vmem_shared>>
        tpu.wait_indirect_dma semaphore(%run_scoped3A_162 : memref<!tpu.dma_semaphore, #tpu.memory_space<semaphore_mem>>) src(%arg9 : memref<128x128xf32, #tpu.memory_space<vmem>>) dst(%dma_wait3A_174 : memref<10240x128xf32, #tpu.memory_space<vmem_shared>>)
        tpu.yield
      }) : () -> ()
      %dma_start3A_79 = arith.constant 3 : i32
      %dma_start3A_80 = arith.constant 0 : i32
      %dma_start3A_81 = tpu.memref_slice %arg6[%dma_start3A_79, %dma_start3A_80] : memref<8x128xi32, #tpu.memory_space<vmem>> -> memref<1x128xi32, #tpu.memory_space<vmem>>
      %dma_start3A_82 = tpu.memref_squeeze %dma_start3A_81 : memref<1x128xi32, #tpu.memory_space<vmem>> -> memref<128xi32, #tpu.memory_space<vmem>>
      %dma_start3A_83 = arith.constant 0 : i32
      %dma_start3A_84 = arith.constant 0 : i32
      %dma_start3A_85 = tpu.memref_slice %arg2[%dma_start3A_83, %dma_start3A_84] : memref<10240x128xf32, #tpu.memory_space<hbm>> -> memref<10240x128xf32, #tpu.memory_space<hbm>>
      tpu.enqueue_indirect_dma source(%dma_start3A_85 : memref<10240x128xf32, #tpu.memory_space<hbm>>) target(%arg9 : memref<128x128xf32, #tpu.memory_space<vmem>>) offsets(%dma_start3A_82 : memref<128xi32, #tpu.memory_space<vmem>>) semaphore(%arg12 : memref<!tpu.dma_semaphore, #tpu.memory_space<semaphore_mem>>)
      %dma_wait3A_86 = arith.constant 2 : i32
      %dma_wait3A_87 = arith.constant 0 : i32
      %dma_wait3A_88 = tpu.memref_slice %arg6[%dma_wait3A_86, %dma_wait3A_87] : memref<8x128xi32, #tpu.memory_space<vmem>> -> memref<1x128xi32, #tpu.memory_space<vmem>>
      %dma_wait3A_89 = tpu.memref_squeeze %dma_wait3A_88 : memref<1x128xi32, #tpu.memory_space<vmem>> -> memref<128xi32, #tpu.memory_space<vmem>>
      %dma_wait3A_90 = arith.constant 0 : i32
      %dma_wait3A_91 = arith.constant 0 : i32
      %dma_wait3A_92 = tpu.memref_slice %arg2[%dma_wait3A_90, %dma_wait3A_91] : memref<10240x128xf32, #tpu.memory_space<hbm>> -> memref<10240x128xf32, #tpu.memory_space<hbm>>
      tpu.wait_indirect_dma semaphore(%arg11 : memref<!tpu.dma_semaphore, #tpu.memory_space<semaphore_mem>>) src(%dma_wait3A_92 : memref<10240x128xf32, #tpu.memory_space<hbm>>) dst(%arg8 : memref<128x128xf32, #tpu.memory_space<vmem>>)
      %run_scoped3A_93 = arith.constant 2 : i32
      "tpu.region"() ({
        %run_scoped3A_162 = tpu.sem_alloc : memref<!tpu.dma_semaphore, #tpu.memory_space<semaphore_mem>>
        %dma_start3A_163 = arith.constant 0 : i32
        %dma_start3A_164 = tpu.memref_slice %arg7[%run_scoped3A_93, %dma_start3A_163] : memref<8x128xi32, #tpu.memory_space<vmem>> -> memref<1x128xi32, #tpu.memory_space<vmem>>
        %dma_start3A_165 = tpu.memref_squeeze %dma_start3A_164 : memref<1x128xi32, #tpu.memory_space<vmem>> -> memref<128xi32, #tpu.memory_space<vmem>>
        %dma_start3A_166 = arith.constant 0 : i32
        %dma_start3A_167 = arith.constant 0 : i32
        %dma_start3A_168 = tpu.memref_slice %arg10[%dma_start3A_166, %dma_start3A_167] : memref<10240x128xf32, #tpu.memory_space<vmem_shared>> -> memref<10240x128xf32, #tpu.memory_space<vmem_shared>>
        tpu.enqueue_indirect_dma source(%arg8 : memref<128x128xf32, #tpu.memory_space<vmem>>) target(%dma_start3A_168 : memref<10240x128xf32, #tpu.memory_space<vmem_shared>>) offsets(%dma_start3A_165 : memref<128xi32, #tpu.memory_space<vmem>>) semaphore(%run_scoped3A_162 : memref<!tpu.dma_semaphore, #tpu.memory_space<semaphore_mem>>) {add = true}
        %dma_wait3A_169 = arith.constant 0 : i32
        %dma_wait3A_170 = tpu.memref_slice %arg7[%run_scoped3A_93, %dma_wait3A_169] : memref<8x128xi32, #tpu.memory_space<vmem>> -> memref<1x128xi32, #tpu.memory_space<vmem>>
        %dma_wait3A_171 = tpu.memref_squeeze %dma_wait3A_170 : memref<1x128xi32, #tpu.memory_space<vmem>> -> memref<128xi32, #tpu.memory_space<vmem>>
        %dma_wait3A_172 = arith.constant 0 : i32
        %dma_wait3A_173 = arith.constant 0 : i32
        %dma_wait3A_174 = tpu.memref_slice %arg10[%dma_wait3A_172, %dma_wait3A_173] : memref<10240x128xf32, #tpu.memory_space<vmem_shared>> -> memref<10240x128xf32, #tpu.memory_space<vmem_shared>>
        tpu.wait_indirect_dma semaphore(%run_scoped3A_162 : memref<!tpu.dma_semaphore, #tpu.memory_space<semaphore_mem>>) src(%arg8 : memref<128x128xf32, #tpu.memory_space<vmem>>) dst(%dma_wait3A_174 : memref<10240x128xf32, #tpu.memory_space<vmem_shared>>)
        tpu.yield
      }) : () -> ()
      %dma_start3A_94 = arith.constant 4 : i32
      %dma_start3A_95 = arith.constant 0 : i32
      %dma_start3A_96 = tpu.memref_slice %arg6[%dma_start3A_94, %dma_start3A_95] : memref<8x128xi32, #tpu.memory_space<vmem>> -> memref<1x128xi32, #tpu.memory_space<vmem>>
      %dma_start3A_97 = tpu.memref_squeeze %dma_start3A_96 : memref<1x128xi32, #tpu.memory_space<vmem>> -> memref<128xi32, #tpu.memory_space<vmem>>
      %dma_start3A_98 = arith.constant 0 : i32
      %dma_start3A_99 = arith.constant 0 : i32
      %dma_start3A_100 = tpu.memref_slice %arg2[%dma_start3A_98, %dma_start3A_99] : memref<10240x128xf32, #tpu.memory_space<hbm>> -> memref<10240x128xf32, #tpu.memory_space<hbm>>
      tpu.enqueue_indirect_dma source(%dma_start3A_100 : memref<10240x128xf32, #tpu.memory_space<hbm>>) target(%arg8 : memref<128x128xf32, #tpu.memory_space<vmem>>) offsets(%dma_start3A_97 : memref<128xi32, #tpu.memory_space<vmem>>) semaphore(%arg11 : memref<!tpu.dma_semaphore, #tpu.memory_space<semaphore_mem>>)
      %dma_wait3A_101 = arith.constant 3 : i32
      %dma_wait3A_102 = arith.constant 0 : i32
      %dma_wait3A_103 = tpu.memref_slice %arg6[%dma_wait3A_101, %dma_wait3A_102] : memref<8x128xi32, #tpu.memory_space<vmem>> -> memref<1x128xi32, #tpu.memory_space<vmem>>
      %dma_wait3A_104 = tpu.memref_squeeze %dma_wait3A_103 : memref<1x128xi32, #tpu.memory_space<vmem>> -> memref<128xi32, #tpu.memory_space<vmem>>
      %dma_wait3A_105 = arith.constant 0 : i32
      %dma_wait3A_106 = arith.constant 0 : i32
      %dma_wait3A_107 = tpu.memref_slice %arg2[%dma_wait3A_105, %dma_wait3A_106] : memref<10240x128xf32, #tpu.memory_space<hbm>> -> memref<10240x128xf32, #tpu.memory_space<hbm>>
      tpu.wait_indirect_dma semaphore(%arg12 : memref<!tpu.dma_semaphore, #tpu.memory_space<semaphore_mem>>) src(%dma_wait3A_107 : memref<10240x128xf32, #tpu.memory_space<hbm>>) dst(%arg9 : memref<128x128xf32, #tpu.memory_space<vmem>>)
      %run_scoped3A_108 = arith.constant 3 : i32
      "tpu.region"() ({
        %run_scoped3A_162 = tpu.sem_alloc : memref<!tpu.dma_semaphore, #tpu.memory_space<semaphore_mem>>
        %dma_start3A_163 = arith.constant 0 : i32
        %dma_start3A_164 = tpu.memref_slice %arg7[%run_scoped3A_108, %dma_start3A_163] : memref<8x128xi32, #tpu.memory_space<vmem>> -> memref<1x128xi32, #tpu.memory_space<vmem>>
        %dma_start3A_165 = tpu.memref_squeeze %dma_start3A_164 : memref<1x128xi32, #tpu.memory_space<vmem>> -> memref<128xi32, #tpu.memory_space<vmem>>
        %dma_start3A_166 = arith.constant 0 : i32
        %dma_start3A_167 = arith.constant 0 : i32
        %dma_start3A_168 = tpu.memref_slice %arg10[%dma_start3A_166, %dma_start3A_167] : memref<10240x128xf32, #tpu.memory_space<vmem_shared>> -> memref<10240x128xf32, #tpu.memory_space<vmem_shared>>
        tpu.enqueue_indirect_dma source(%arg9 : memref<128x128xf32, #tpu.memory_space<vmem>>) target(%dma_start3A_168 : memref<10240x128xf32, #tpu.memory_space<vmem_shared>>) offsets(%dma_start3A_165 : memref<128xi32, #tpu.memory_space<vmem>>) semaphore(%run_scoped3A_162 : memref<!tpu.dma_semaphore, #tpu.memory_space<semaphore_mem>>) {add = true}
        %dma_wait3A_169 = arith.constant 0 : i32
        %dma_wait3A_170 = tpu.memref_slice %arg7[%run_scoped3A_108, %dma_wait3A_169] : memref<8x128xi32, #tpu.memory_space<vmem>> -> memref<1x128xi32, #tpu.memory_space<vmem>>
        %dma_wait3A_171 = tpu.memref_squeeze %dma_wait3A_170 : memref<1x128xi32, #tpu.memory_space<vmem>> -> memref<128xi32, #tpu.memory_space<vmem>>
        %dma_wait3A_172 = arith.constant 0 : i32
        %dma_wait3A_173 = arith.constant 0 : i32
        %dma_wait3A_174 = tpu.memref_slice %arg10[%dma_wait3A_172, %dma_wait3A_173] : memref<10240x128xf32, #tpu.memory_space<vmem_shared>> -> memref<10240x128xf32, #tpu.memory_space<vmem_shared>>
        tpu.wait_indirect_dma semaphore(%run_scoped3A_162 : memref<!tpu.dma_semaphore, #tpu.memory_space<semaphore_mem>>) src(%arg9 : memref<128x128xf32, #tpu.memory_space<vmem>>) dst(%dma_wait3A_174 : memref<10240x128xf32, #tpu.memory_space<vmem_shared>>)
        tpu.yield
      }) : () -> ()
      %dma_start3A_109 = arith.constant 5 : i32
      %dma_start3A_110 = arith.constant 0 : i32
      %dma_start3A_111 = tpu.memref_slice %arg6[%dma_start3A_109, %dma_start3A_110] : memref<8x128xi32, #tpu.memory_space<vmem>> -> memref<1x128xi32, #tpu.memory_space<vmem>>
      %dma_start3A_112 = tpu.memref_squeeze %dma_start3A_111 : memref<1x128xi32, #tpu.memory_space<vmem>> -> memref<128xi32, #tpu.memory_space<vmem>>
      %dma_start3A_113 = arith.constant 0 : i32
      %dma_start3A_114 = arith.constant 0 : i32
      %dma_start3A_115 = tpu.memref_slice %arg2[%dma_start3A_113, %dma_start3A_114] : memref<10240x128xf32, #tpu.memory_space<hbm>> -> memref<10240x128xf32, #tpu.memory_space<hbm>>
      tpu.enqueue_indirect_dma source(%dma_start3A_115 : memref<10240x128xf32, #tpu.memory_space<hbm>>) target(%arg9 : memref<128x128xf32, #tpu.memory_space<vmem>>) offsets(%dma_start3A_112 : memref<128xi32, #tpu.memory_space<vmem>>) semaphore(%arg12 : memref<!tpu.dma_semaphore, #tpu.memory_space<semaphore_mem>>)
      %dma_wait3A_116 = arith.constant 4 : i32
      %dma_wait3A_117 = arith.constant 0 : i32
      %dma_wait3A_118 = tpu.memref_slice %arg6[%dma_wait3A_116, %dma_wait3A_117] : memref<8x128xi32, #tpu.memory_space<vmem>> -> memref<1x128xi32, #tpu.memory_space<vmem>>
      %dma_wait3A_119 = tpu.memref_squeeze %dma_wait3A_118 : memref<1x128xi32, #tpu.memory_space<vmem>> -> memref<128xi32, #tpu.memory_space<vmem>>
      %dma_wait3A_120 = arith.constant 0 : i32
      %dma_wait3A_121 = arith.constant 0 : i32
      %dma_wait3A_122 = tpu.memref_slice %arg2[%dma_wait3A_120, %dma_wait3A_121] : memref<10240x128xf32, #tpu.memory_space<hbm>> -> memref<10240x128xf32, #tpu.memory_space<hbm>>
      tpu.wait_indirect_dma semaphore(%arg11 : memref<!tpu.dma_semaphore, #tpu.memory_space<semaphore_mem>>) src(%dma_wait3A_122 : memref<10240x128xf32, #tpu.memory_space<hbm>>) dst(%arg8 : memref<128x128xf32, #tpu.memory_space<vmem>>)
      %run_scoped3A_123 = arith.constant 4 : i32
      "tpu.region"() ({
        %run_scoped3A_162 = tpu.sem_alloc : memref<!tpu.dma_semaphore, #tpu.memory_space<semaphore_mem>>
        %dma_start3A_163 = arith.constant 0 : i32
        %dma_start3A_164 = tpu.memref_slice %arg7[%run_scoped3A_123, %dma_start3A_163] : memref<8x128xi32, #tpu.memory_space<vmem>> -> memref<1x128xi32, #tpu.memory_space<vmem>>
        %dma_start3A_165 = tpu.memref_squeeze %dma_start3A_164 : memref<1x128xi32, #tpu.memory_space<vmem>> -> memref<128xi32, #tpu.memory_space<vmem>>
        %dma_start3A_166 = arith.constant 0 : i32
        %dma_start3A_167 = arith.constant 0 : i32
        %dma_start3A_168 = tpu.memref_slice %arg10[%dma_start3A_166, %dma_start3A_167] : memref<10240x128xf32, #tpu.memory_space<vmem_shared>> -> memref<10240x128xf32, #tpu.memory_space<vmem_shared>>
        tpu.enqueue_indirect_dma source(%arg8 : memref<128x128xf32, #tpu.memory_space<vmem>>) target(%dma_start3A_168 : memref<10240x128xf32, #tpu.memory_space<vmem_shared>>) offsets(%dma_start3A_165 : memref<128xi32, #tpu.memory_space<vmem>>) semaphore(%run_scoped3A_162 : memref<!tpu.dma_semaphore, #tpu.memory_space<semaphore_mem>>) {add = true}
        %dma_wait3A_169 = arith.constant 0 : i32
        %dma_wait3A_170 = tpu.memref_slice %arg7[%run_scoped3A_123, %dma_wait3A_169] : memref<8x128xi32, #tpu.memory_space<vmem>> -> memref<1x128xi32, #tpu.memory_space<vmem>>
        %dma_wait3A_171 = tpu.memref_squeeze %dma_wait3A_170 : memref<1x128xi32, #tpu.memory_space<vmem>> -> memref<128xi32, #tpu.memory_space<vmem>>
        %dma_wait3A_172 = arith.constant 0 : i32
        %dma_wait3A_173 = arith.constant 0 : i32
        %dma_wait3A_174 = tpu.memref_slice %arg10[%dma_wait3A_172, %dma_wait3A_173] : memref<10240x128xf32, #tpu.memory_space<vmem_shared>> -> memref<10240x128xf32, #tpu.memory_space<vmem_shared>>
        tpu.wait_indirect_dma semaphore(%run_scoped3A_162 : memref<!tpu.dma_semaphore, #tpu.memory_space<semaphore_mem>>) src(%arg8 : memref<128x128xf32, #tpu.memory_space<vmem>>) dst(%dma_wait3A_174 : memref<10240x128xf32, #tpu.memory_space<vmem_shared>>)
        tpu.yield
      }) : () -> ()
      %dma_start3A_124 = arith.constant 6 : i32
      %dma_start3A_125 = arith.constant 0 : i32
      %dma_start3A_126 = tpu.memref_slice %arg6[%dma_start3A_124, %dma_start3A_125] : memref<8x128xi32, #tpu.memory_space<vmem>> -> memref<1x128xi32, #tpu.memory_space<vmem>>
      %dma_start3A_127 = tpu.memref_squeeze %dma_start3A_126 : memref<1x128xi32, #tpu.memory_space<vmem>> -> memref<128xi32, #tpu.memory_space<vmem>>
      %dma_start3A_128 = arith.constant 0 : i32
      %dma_start3A_129 = arith.constant 0 : i32
      %dma_start3A_130 = tpu.memref_slice %arg2[%dma_start3A_128, %dma_start3A_129] : memref<10240x128xf32, #tpu.memory_space<hbm>> -> memref<10240x128xf32, #tpu.memory_space<hbm>>
      tpu.enqueue_indirect_dma source(%dma_start3A_130 : memref<10240x128xf32, #tpu.memory_space<hbm>>) target(%arg8 : memref<128x128xf32, #tpu.memory_space<vmem>>) offsets(%dma_start3A_127 : memref<128xi32, #tpu.memory_space<vmem>>) semaphore(%arg11 : memref<!tpu.dma_semaphore, #tpu.memory_space<semaphore_mem>>)
      %dma_wait3A_131 = arith.constant 5 : i32
      %dma_wait3A_132 = arith.constant 0 : i32
      %dma_wait3A_133 = tpu.memref_slice %arg6[%dma_wait3A_131, %dma_wait3A_132] : memref<8x128xi32, #tpu.memory_space<vmem>> -> memref<1x128xi32, #tpu.memory_space<vmem>>
      %dma_wait3A_134 = tpu.memref_squeeze %dma_wait3A_133 : memref<1x128xi32, #tpu.memory_space<vmem>> -> memref<128xi32, #tpu.memory_space<vmem>>
      %dma_wait3A_135 = arith.constant 0 : i32
      %dma_wait3A_136 = arith.constant 0 : i32
      %dma_wait3A_137 = tpu.memref_slice %arg2[%dma_wait3A_135, %dma_wait3A_136] : memref<10240x128xf32, #tpu.memory_space<hbm>> -> memref<10240x128xf32, #tpu.memory_space<hbm>>
      tpu.wait_indirect_dma semaphore(%arg12 : memref<!tpu.dma_semaphore, #tpu.memory_space<semaphore_mem>>) src(%dma_wait3A_137 : memref<10240x128xf32, #tpu.memory_space<hbm>>) dst(%arg9 : memref<128x128xf32, #tpu.memory_space<vmem>>)
      %run_scoped3A_138 = arith.constant 5 : i32
      "tpu.region"() ({
        %run_scoped3A_162 = tpu.sem_alloc : memref<!tpu.dma_semaphore, #tpu.memory_space<semaphore_mem>>
        %dma_start3A_163 = arith.constant 0 : i32
        %dma_start3A_164 = tpu.memref_slice %arg7[%run_scoped3A_138, %dma_start3A_163] : memref<8x128xi32, #tpu.memory_space<vmem>> -> memref<1x128xi32, #tpu.memory_space<vmem>>
        %dma_start3A_165 = tpu.memref_squeeze %dma_start3A_164 : memref<1x128xi32, #tpu.memory_space<vmem>> -> memref<128xi32, #tpu.memory_space<vmem>>
        %dma_start3A_166 = arith.constant 0 : i32
        %dma_start3A_167 = arith.constant 0 : i32
        %dma_start3A_168 = tpu.memref_slice %arg10[%dma_start3A_166, %dma_start3A_167] : memref<10240x128xf32, #tpu.memory_space<vmem_shared>> -> memref<10240x128xf32, #tpu.memory_space<vmem_shared>>
        tpu.enqueue_indirect_dma source(%arg9 : memref<128x128xf32, #tpu.memory_space<vmem>>) target(%dma_start3A_168 : memref<10240x128xf32, #tpu.memory_space<vmem_shared>>) offsets(%dma_start3A_165 : memref<128xi32, #tpu.memory_space<vmem>>) semaphore(%run_scoped3A_162 : memref<!tpu.dma_semaphore, #tpu.memory_space<semaphore_mem>>) {add = true}
        %dma_wait3A_169 = arith.constant 0 : i32
        %dma_wait3A_170 = tpu.memref_slice %arg7[%run_scoped3A_138, %dma_wait3A_169] : memref<8x128xi32, #tpu.memory_space<vmem>> -> memref<1x128xi32, #tpu.memory_space<vmem>>
        %dma_wait3A_171 = tpu.memref_squeeze %dma_wait3A_170 : memref<1x128xi32, #tpu.memory_space<vmem>> -> memref<128xi32, #tpu.memory_space<vmem>>
        %dma_wait3A_172 = arith.constant 0 : i32
        %dma_wait3A_173 = arith.constant 0 : i32
        %dma_wait3A_174 = tpu.memref_slice %arg10[%dma_wait3A_172, %dma_wait3A_173] : memref<10240x128xf32, #tpu.memory_space<vmem_shared>> -> memref<10240x128xf32, #tpu.memory_space<vmem_shared>>
        tpu.wait_indirect_dma semaphore(%run_scoped3A_162 : memref<!tpu.dma_semaphore, #tpu.memory_space<semaphore_mem>>) src(%arg9 : memref<128x128xf32, #tpu.memory_space<vmem>>) dst(%dma_wait3A_174 : memref<10240x128xf32, #tpu.memory_space<vmem_shared>>)
        tpu.yield
      }) : () -> ()
      %dma_start3A_139 = arith.constant 7 : i32
      %dma_start3A_140 = arith.constant 0 : i32
      %dma_start3A_141 = tpu.memref_slice %arg6[%dma_start3A_139, %dma_start3A_140] : memref<8x128xi32, #tpu.memory_space<vmem>> -> memref<1x128xi32, #tpu.memory_space<vmem>>
      %dma_start3A_142 = tpu.memref_squeeze %dma_start3A_141 : memref<1x128xi32, #tpu.memory_space<vmem>> -> memref<128xi32, #tpu.memory_space<vmem>>
      %dma_start3A_143 = arith.constant 0 : i32
      %dma_start3A_144 = arith.constant 0 : i32
      %dma_start3A_145 = tpu.memref_slice %arg2[%dma_start3A_143, %dma_start3A_144] : memref<10240x128xf32, #tpu.memory_space<hbm>> -> memref<10240x128xf32, #tpu.memory_space<hbm>>
      tpu.enqueue_indirect_dma source(%dma_start3A_145 : memref<10240x128xf32, #tpu.memory_space<hbm>>) target(%arg9 : memref<128x128xf32, #tpu.memory_space<vmem>>) offsets(%dma_start3A_142 : memref<128xi32, #tpu.memory_space<vmem>>) semaphore(%arg12 : memref<!tpu.dma_semaphore, #tpu.memory_space<semaphore_mem>>)
      %dma_wait3A_146 = arith.constant 6 : i32
      %dma_wait3A_147 = arith.constant 0 : i32
      %dma_wait3A_148 = tpu.memref_slice %arg6[%dma_wait3A_146, %dma_wait3A_147] : memref<8x128xi32, #tpu.memory_space<vmem>> -> memref<1x128xi32, #tpu.memory_space<vmem>>
      %dma_wait3A_149 = tpu.memref_squeeze %dma_wait3A_148 : memref<1x128xi32, #tpu.memory_space<vmem>> -> memref<128xi32, #tpu.memory_space<vmem>>
      %dma_wait3A_150 = arith.constant 0 : i32
      %dma_wait3A_151 = arith.constant 0 : i32
      %dma_wait3A_152 = tpu.memref_slice %arg2[%dma_wait3A_150, %dma_wait3A_151] : memref<10240x128xf32, #tpu.memory_space<hbm>> -> memref<10240x128xf32, #tpu.memory_space<hbm>>
      tpu.wait_indirect_dma semaphore(%arg11 : memref<!tpu.dma_semaphore, #tpu.memory_space<semaphore_mem>>) src(%dma_wait3A_152 : memref<10240x128xf32, #tpu.memory_space<hbm>>) dst(%arg8 : memref<128x128xf32, #tpu.memory_space<vmem>>)
      %run_scoped3A_153 = arith.constant 6 : i32
      "tpu.region"() ({
        %run_scoped3A_162 = tpu.sem_alloc : memref<!tpu.dma_semaphore, #tpu.memory_space<semaphore_mem>>
        %dma_start3A_163 = arith.constant 0 : i32
        %dma_start3A_164 = tpu.memref_slice %arg7[%run_scoped3A_153, %dma_start3A_163] : memref<8x128xi32, #tpu.memory_space<vmem>> -> memref<1x128xi32, #tpu.memory_space<vmem>>
        %dma_start3A_165 = tpu.memref_squeeze %dma_start3A_164 : memref<1x128xi32, #tpu.memory_space<vmem>> -> memref<128xi32, #tpu.memory_space<vmem>>
        %dma_start3A_166 = arith.constant 0 : i32
        %dma_start3A_167 = arith.constant 0 : i32
        %dma_start3A_168 = tpu.memref_slice %arg10[%dma_start3A_166, %dma_start3A_167] : memref<10240x128xf32, #tpu.memory_space<vmem_shared>> -> memref<10240x128xf32, #tpu.memory_space<vmem_shared>>
        tpu.enqueue_indirect_dma source(%arg8 : memref<128x128xf32, #tpu.memory_space<vmem>>) target(%dma_start3A_168 : memref<10240x128xf32, #tpu.memory_space<vmem_shared>>) offsets(%dma_start3A_165 : memref<128xi32, #tpu.memory_space<vmem>>) semaphore(%run_scoped3A_162 : memref<!tpu.dma_semaphore, #tpu.memory_space<semaphore_mem>>) {add = true}
        %dma_wait3A_169 = arith.constant 0 : i32
        %dma_wait3A_170 = tpu.memref_slice %arg7[%run_scoped3A_153, %dma_wait3A_169] : memref<8x128xi32, #tpu.memory_space<vmem>> -> memref<1x128xi32, #tpu.memory_space<vmem>>
        %dma_wait3A_171 = tpu.memref_squeeze %dma_wait3A_170 : memref<1x128xi32, #tpu.memory_space<vmem>> -> memref<128xi32, #tpu.memory_space<vmem>>
        %dma_wait3A_172 = arith.constant 0 : i32
        %dma_wait3A_173 = arith.constant 0 : i32
        %dma_wait3A_174 = tpu.memref_slice %arg10[%dma_wait3A_172, %dma_wait3A_173] : memref<10240x128xf32, #tpu.memory_space<vmem_shared>> -> memref<10240x128xf32, #tpu.memory_space<vmem_shared>>
        tpu.wait_indirect_dma semaphore(%run_scoped3A_162 : memref<!tpu.dma_semaphore, #tpu.memory_space<semaphore_mem>>) src(%arg8 : memref<128x128xf32, #tpu.memory_space<vmem>>) dst(%dma_wait3A_174 : memref<10240x128xf32, #tpu.memory_space<vmem_shared>>)
        tpu.yield
      }) : () -> ()
      %dma_wait3A_154 = arith.constant 7 : i32
      %dma_wait3A_155 = arith.constant 0 : i32
      %dma_wait3A_156 = tpu.memref_slice %arg6[%dma_wait3A_154, %dma_wait3A_155] : memref<8x128xi32, #tpu.memory_space<vmem>> -> memref<1x128xi32, #tpu.memory_space<vmem>>
      %dma_wait3A_157 = tpu.memref_squeeze %dma_wait3A_156 : memref<1x128xi32, #tpu.memory_space<vmem>> -> memref<128xi32, #tpu.memory_space<vmem>>
      %dma_wait3A_158 = arith.constant 0 : i32
      %dma_wait3A_159 = arith.constant 0 : i32
      %dma_wait3A_160 = tpu.memref_slice %arg2[%dma_wait3A_158, %dma_wait3A_159] : memref<10240x128xf32, #tpu.memory_space<hbm>> -> memref<10240x128xf32, #tpu.memory_space<hbm>>
      tpu.wait_indirect_dma semaphore(%arg12 : memref<!tpu.dma_semaphore, #tpu.memory_space<semaphore_mem>>) src(%dma_wait3A_160 : memref<10240x128xf32, #tpu.memory_space<hbm>>) dst(%arg9 : memref<128x128xf32, #tpu.memory_space<vmem>>)
      %run_scoped3A_161 = arith.constant 7 : i32
      "tpu.region"() ({
        %run_scoped3A_162 = tpu.sem_alloc : memref<!tpu.dma_semaphore, #tpu.memory_space<semaphore_mem>>
        %dma_start3A_163 = arith.constant 0 : i32
        %dma_start3A_164 = tpu.memref_slice %arg7[%run_scoped3A_161, %dma_start3A_163] : memref<8x128xi32, #tpu.memory_space<vmem>> -> memref<1x128xi32, #tpu.memory_space<vmem>>
        %dma_start3A_165 = tpu.memref_squeeze %dma_start3A_164 : memref<1x128xi32, #tpu.memory_space<vmem>> -> memref<128xi32, #tpu.memory_space<vmem>>
        %dma_start3A_166 = arith.constant 0 : i32
        %dma_start3A_167 = arith.constant 0 : i32
        %dma_start3A_168 = tpu.memref_slice %arg10[%dma_start3A_166, %dma_start3A_167] : memref<10240x128xf32, #tpu.memory_space<vmem_shared>> -> memref<10240x128xf32, #tpu.memory_space<vmem_shared>>
        tpu.enqueue_indirect_dma source(%arg9 : memref<128x128xf32, #tpu.memory_space<vmem>>) target(%dma_start3A_168 : memref<10240x128xf32, #tpu.memory_space<vmem_shared>>) offsets(%dma_start3A_165 : memref<128xi32, #tpu.memory_space<vmem>>) semaphore(%run_scoped3A_162 : memref<!tpu.dma_semaphore, #tpu.memory_space<semaphore_mem>>) {add = true}
        %dma_wait3A_169 = arith.constant 0 : i32
        %dma_wait3A_170 = tpu.memref_slice %arg7[%run_scoped3A_161, %dma_wait3A_169] : memref<8x128xi32, #tpu.memory_space<vmem>> -> memref<1x128xi32, #tpu.memory_space<vmem>>
        %dma_wait3A_171 = tpu.memref_squeeze %dma_wait3A_170 : memref<1x128xi32, #tpu.memory_space<vmem>> -> memref<128xi32, #tpu.memory_space<vmem>>
        %dma_wait3A_172 = arith.constant 0 : i32
        %dma_wait3A_173 = arith.constant 0 : i32
        %dma_wait3A_174 = tpu.memref_slice %arg10[%dma_wait3A_172, %dma_wait3A_173] : memref<10240x128xf32, #tpu.memory_space<vmem_shared>> -> memref<10240x128xf32, #tpu.memory_space<vmem_shared>>
        tpu.wait_indirect_dma semaphore(%run_scoped3A_162 : memref<!tpu.dma_semaphore, #tpu.memory_space<semaphore_mem>>) src(%arg9 : memref<128x128xf32, #tpu.memory_space<vmem>>) dst(%dma_wait3A_174 : memref<10240x128xf32, #tpu.memory_space<vmem_shared>>)
        tpu.yield
      }) : () -> ()
    }
    %barrier3A_37 = arith.constant 0 : index
    tpu.barrier barrier_id(%barrier3A_37)
    %mul3A_38 = arith.constant 640 : i32
    %mul3A_39 = arith.muli %arg1, %mul3A_38 : i32
    "tpu.region"() ({
      %run_scoped3A = tpu.sem_alloc : memref<!tpu.dma_semaphore, #tpu.memory_space<semaphore_mem>>
      %dma_start3A = arith.constant 0 : i32
      %dma_start3A_40 = tpu.memref_slice %arg5[%arg0, %mul3A_39, %dma_start3A] : memref<2x10240x128xf32, #tpu.memory_space<hbm>> -> memref<1x640x128xf32, #tpu.memory_space<hbm>>
      %dma_start3A_41 = tpu.memref_squeeze %dma_start3A_40 : memref<1x640x128xf32, #tpu.memory_space<hbm>> -> memref<640x128xf32, #tpu.memory_space<hbm>>
      %dma_start3A_42 = arith.constant 0 : i32
      %dma_start3A_43 = tpu.memref_slice %arg10[%mul3A_39, %dma_start3A_42] : memref<10240x128xf32, #tpu.memory_space<vmem_shared>> -> memref<640x128xf32, #tpu.memory_space<vmem_shared>>
      tpu.enqueue_dma source(%dma_start3A_43 : memref<640x128xf32, #tpu.memory_space<vmem_shared>>) target(%dma_start3A_41 : memref<640x128xf32, #tpu.memory_space<hbm>>) target_semaphore(%run_scoped3A : memref<!tpu.dma_semaphore, #tpu.memory_space<semaphore_mem>>)
      %dma_wait3A = arith.constant 0 : i32
      %dma_wait3A_44 = tpu.memref_slice %arg5[%arg0, %mul3A_39, %dma_wait3A] : memref<2x10240x128xf32, #tpu.memory_space<hbm>> -> memref<1x640x128xf32, #tpu.memory_space<hbm>>
      %dma_wait3A_45 = tpu.memref_squeeze %dma_wait3A_44 : memref<1x640x128xf32, #tpu.memory_space<hbm>> -> memref<640x128xf32, #tpu.memory_space<hbm>>
      %dma_wait3A_46 = arith.constant 0 : i32
      %dma_wait3A_47 = tpu.memref_slice %arg10[%mul3A_39, %dma_wait3A_46] : memref<10240x128xf32, #tpu.memory_space<vmem_shared>> -> memref<640x128xf32, #tpu.memory_space<vmem_shared>>
      tpu.wait_dma2 semaphore(%run_scoped3A : memref<!tpu.dma_semaphore, #tpu.memory_space<semaphore_mem>>) src(%dma_wait3A_47 : memref<640x128xf32, #tpu.memory_space<vmem_shared>>) dst(%dma_wait3A_45 : memref<640x128xf32, #tpu.memory_space<hbm>>)
      tpu.yield
    }) : () -> ()
    return
  }
}

module attributes {stable_mosaic.version = 14 : i64} {
  func.func @body(%arg0: i32, %arg1: memref<256x128xf32, #tpu.memory_space<vmem>>, %arg2: memref<256x128xf32, #tpu.memory_space<vmem>>, %arg3: memref<256x128xf32, #tpu.memory_space<vmem>>, %arg4: memref<256x128xf32, #tpu.memory_space<vmem>>, %arg5: memref<256x128xf32, #tpu.memory_space<vmem>>, %arg6: memref<128x128xf32, #tpu.memory_space<vmem>>, %arg7: memref<128x128xf32, #tpu.memory_space<vmem>>, %arg8: memref<1x128xf32, #tpu.memory_space<vmem>>, %arg9: memref<256x128xf32, #tpu.memory_space<vmem>>) attributes {dimension_semantics = [#tpu.dimension_semantics<arbitrary>], iteration_bounds = array<i64: 40>, scalar_prefetch = 0 : i64, scratch_operands = 0 : i64, tpu.core_type = #tpu.core_type<tc>, window_params = [{transform_indices = @transform_0, window_bounds = array<i64: 256, 128>}, {transform_indices = @transform_1, window_bounds = array<i64: 256, 128>}, {transform_indices = @transform_2, window_bounds = array<i64: 256, 128>}, {transform_indices = @transform_3, window_bounds = array<i64: 256, 128>}, {transform_indices = @transform_4, window_bounds = array<i64: 256, 128>}, {pipeline_mode = #tpu.pipeline_mode<synchronous>, transform_indices = @transform_5, window_bounds = array<i64: 128, 128>}, {pipeline_mode = #tpu.pipeline_mode<synchronous>, transform_indices = @transform_6, window_bounds = array<i64: 128, 128>}, {pipeline_mode = #tpu.pipeline_mode<synchronous>, transform_indices = @transform_7, window_bounds = array<i64: 1, 128>}, {transform_indices = @transform_8, window_bounds = array<i64: 256, 128>}]} {
    %get3A = arith.constant 0 : index
    %get3A_0 = arith.constant 0 : index
    %get3A_1 = vector.load %arg1[%get3A, %get3A_0] : memref<256x128xf32, #tpu.memory_space<vmem>>, vector<256x128xf32>
    %get3A_2 = arith.constant 0 : index
    %get3A_3 = arith.constant 0 : index
    %get3A_4 = vector.load %arg2[%get3A_2, %get3A_3] : memref<256x128xf32, #tpu.memory_space<vmem>>, vector<256x128xf32>
    %add3A = arith.addf %get3A_1, %get3A_4 : vector<256x128xf32>
    %get3A_5 = arith.constant 0 : index
    %get3A_6 = arith.constant 0 : index
    %get3A_7 = vector.load %arg3[%get3A_5, %get3A_6] : memref<256x128xf32, #tpu.memory_space<vmem>>, vector<256x1xf32>
    %get3A_8 = arith.constant 0 : index
    %get3A_9 = arith.constant 0 : index
    %get3A_10 = vector.load %arg4[%get3A_8, %get3A_9] : memref<256x128xf32, #tpu.memory_space<vmem>>, vector<256x1xf32>
    %add3A_11 = arith.addf %get3A_7, %get3A_10 : vector<256x1xf32>
    %max3A = arith.constant 1.000000e+00 : f32
    %max3A_12 = vector.broadcast %max3A : f32 to vector<256x1xf32>
    %max3A_13 = arith.maximumf %add3A_11, %max3A_12 : vector<256x1xf32>
    %div3A = vector.broadcast %max3A_13 : vector<256x1xf32> to vector<256x128xf32>
    %div3A_14 = arith.divf %add3A, %div3A : vector<256x128xf32>
    %get3A_15 = arith.constant 0 : index
    %get3A_16 = arith.constant 0 : index
    %get3A_17 = vector.load %arg6[%get3A_15, %get3A_16] : memref<128x128xf32, #tpu.memory_space<vmem>>, vector<128x128xf32>
    %dot_general3A = arith.constant dense<0.000000e+00> : vector<256x128xf32>
    %dot_general3A_18 = tpu.matmul %div3A_14, %get3A_17, %dot_general3A {dimension_numbers = #tpu.dot_dimension_numbers<[1], [0], [0], [1], [0, 0, 1, 1], [], []>, transpose_lhs_hint = false} : vector<256x128xf32>, vector<128x128xf32>, vector<256x128xf32> -> vector<256x128xf32>
    %get3A_19 = arith.constant 0 : index
    %get3A_20 = arith.constant 0 : index
    %get3A_21 = vector.load %arg5[%get3A_19, %get3A_20] : memref<256x128xf32, #tpu.memory_space<vmem>>, vector<256x128xf32>
    %get3A_22 = arith.constant 0 : index
    %get3A_23 = arith.constant 0 : index
    %get3A_24 = vector.load %arg7[%get3A_22, %get3A_23] : memref<128x128xf32, #tpu.memory_space<vmem>>, vector<128x128xf32>
    %dot_general3A_25 = arith.constant dense<0.000000e+00> : vector<256x128xf32>
    %dot_general3A_26 = tpu.matmul %get3A_21, %get3A_24, %dot_general3A_25 {dimension_numbers = #tpu.dot_dimension_numbers<[1], [0], [0], [1], [0, 0, 1, 1], [], []>, transpose_lhs_hint = false} : vector<256x128xf32>, vector<128x128xf32>, vector<256x128xf32> -> vector<256x128xf32>
    %add3A_27 = arith.addf %dot_general3A_18, %dot_general3A_26 : vector<256x128xf32>
    %get3A_28 = arith.constant 0 : index
    %get3A_29 = arith.constant 0 : index
    %get3A_30 = vector.load %arg8[%get3A_28, %get3A_29] : memref<1x128xf32, #tpu.memory_space<vmem>>, vector<1x128xf32>
    %add3A_31 = vector.broadcast %get3A_30 : vector<1x128xf32> to vector<256x128xf32>
    %add3A_32 = arith.addf %add3A_27, %add3A_31 : vector<256x128xf32>
    %max3A_33 = arith.constant 0.000000e+00 : f32
    %max3A_34 = vector.broadcast %max3A_33 : f32 to vector<256x128xf32>
    %max3A_35 = arith.maximumf %add3A_32, %max3A_34 : vector<256x128xf32>
    %swap3A = arith.constant 0 : index
    %swap3A_36 = arith.constant 0 : index
    %swap3A_37 = vector.load %arg9[%swap3A, %swap3A_36] : memref<256x128xf32, #tpu.memory_space<vmem>>, vector<256x128xf32>
    tpu.vector_store %arg9[%swap3A, %swap3A_36], %max3A_35 {strides = array<i32>} : memref<256x128xf32, #tpu.memory_space<vmem>>, vector<256x128xf32>,
    return
  }
  func.func @transform_0(%arg0: i32) -> (i32, i32) {
    %c0_i32 = arith.constant 0 : i32
    %c0_i32_0 = arith.constant 0 : i32
    return %arg0, %c0_i32 : i32, i32
  }
  func.func @transform_1(%arg0: i32) -> (i32, i32) {
    %c0_i32 = arith.constant 0 : i32
    %c0_i32_0 = arith.constant 0 : i32
    return %arg0, %c0_i32 : i32, i32
  }
  func.func @transform_2(%arg0: i32) -> (i32, i32) {
    %c0_i32 = arith.constant 0 : i32
    %c0_i32_0 = arith.constant 0 : i32
    return %arg0, %c0_i32 : i32, i32
  }
  func.func @transform_3(%arg0: i32) -> (i32, i32) {
    %c0_i32 = arith.constant 0 : i32
    %c0_i32_0 = arith.constant 0 : i32
    return %arg0, %c0_i32 : i32, i32
  }
  func.func @transform_4(%arg0: i32) -> (i32, i32) {
    %c0_i32 = arith.constant 0 : i32
    %c0_i32_0 = arith.constant 0 : i32
    return %arg0, %c0_i32 : i32, i32
  }
  func.func @transform_5(%arg0: i32) -> (i32, i32) {
    %c0_i32 = arith.constant 0 : i32
    %c0_i32_0 = arith.constant 0 : i32
    %c0_i32_1 = arith.constant 0 : i32
    return %c0_i32, %c0_i32_0 : i32, i32
  }
  func.func @transform_6(%arg0: i32) -> (i32, i32) {
    %c0_i32 = arith.constant 0 : i32
    %c0_i32_0 = arith.constant 0 : i32
    %c0_i32_1 = arith.constant 0 : i32
    return %c0_i32, %c0_i32_0 : i32, i32
  }
  func.func @transform_7(%arg0: i32) -> (i32, i32) {
    %c0_i32 = arith.constant 0 : i32
    %c0_i32_0 = arith.constant 0 : i32
    %c0_i32_1 = arith.constant 0 : i32
    return %c0_i32, %c0_i32_0 : i32, i32
  }
  func.func @transform_8(%arg0: i32) -> (i32, i32) {
    %c0_i32 = arith.constant 0 : i32
    %c0_i32_0 = arith.constant 0 : i32
    return %arg0, %c0_i32 : i32, i32
  }
}

module attributes {stable_mosaic.version = 14 : i64} {
  func.func @body(%arg0: i32, %arg1: memref<256x128xf32, #tpu.memory_space<vmem>>, %arg2: memref<256x128xf32, #tpu.memory_space<vmem>>, %arg3: memref<256x128xf32, #tpu.memory_space<vmem>>, %arg4: memref<256x128xf32, #tpu.memory_space<vmem>>, %arg5: memref<256x128xf32, #tpu.memory_space<vmem>>, %arg6: memref<128x128xf32, #tpu.memory_space<vmem>>, %arg7: memref<128x128xf32, #tpu.memory_space<vmem>>, %arg8: memref<1x128xf32, #tpu.memory_space<vmem>>, %arg9: memref<256x128xf32, #tpu.memory_space<vmem>>) attributes {dimension_semantics = [#tpu.dimension_semantics<arbitrary>], iteration_bounds = array<i64: 40>, scalar_prefetch = 0 : i64, scratch_operands = 0 : i64, tpu.core_type = #tpu.core_type<tc>, window_params = [{transform_indices = @transform_0, window_bounds = array<i64: 256, 128>}, {transform_indices = @transform_1, window_bounds = array<i64: 256, 128>}, {transform_indices = @transform_2, window_bounds = array<i64: 256, 128>}, {transform_indices = @transform_3, window_bounds = array<i64: 256, 128>}, {transform_indices = @transform_4, window_bounds = array<i64: 256, 128>}, {pipeline_mode = #tpu.pipeline_mode<synchronous>, transform_indices = @transform_5, window_bounds = array<i64: 128, 128>}, {pipeline_mode = #tpu.pipeline_mode<synchronous>, transform_indices = @transform_6, window_bounds = array<i64: 128, 128>}, {pipeline_mode = #tpu.pipeline_mode<synchronous>, transform_indices = @transform_7, window_bounds = array<i64: 1, 128>}, {transform_indices = @transform_8, window_bounds = array<i64: 256, 128>}]} {
    %get3A = arith.constant 0 : index
    %get3A_0 = arith.constant 0 : index
    %get3A_1 = vector.load %arg1[%get3A, %get3A_0] : memref<256x128xf32, #tpu.memory_space<vmem>>, vector<256x128xf32>
    %get3A_2 = arith.constant 0 : index
    %get3A_3 = arith.constant 0 : index
    %get3A_4 = vector.load %arg2[%get3A_2, %get3A_3] : memref<256x128xf32, #tpu.memory_space<vmem>>, vector<256x128xf32>
    %add3A = arith.addf %get3A_1, %get3A_4 : vector<256x128xf32>
    %get3A_5 = arith.constant 0 : index
    %get3A_6 = arith.constant 0 : index
    %get3A_7 = vector.load %arg3[%get3A_5, %get3A_6] : memref<256x128xf32, #tpu.memory_space<vmem>>, vector<256x1xf32>
    %get3A_8 = arith.constant 0 : index
    %get3A_9 = arith.constant 0 : index
    %get3A_10 = vector.load %arg4[%get3A_8, %get3A_9] : memref<256x128xf32, #tpu.memory_space<vmem>>, vector<256x1xf32>
    %add3A_11 = arith.addf %get3A_7, %get3A_10 : vector<256x1xf32>
    %max3A = arith.constant 1.000000e+00 : f32
    %max3A_12 = vector.broadcast %max3A : f32 to vector<256x1xf32>
    %max3A_13 = arith.maximumf %add3A_11, %max3A_12 : vector<256x1xf32>
    %div3A = vector.broadcast %max3A_13 : vector<256x1xf32> to vector<256x128xf32>
    %div3A_14 = arith.divf %add3A, %div3A : vector<256x128xf32>
    %get3A_15 = arith.constant 0 : index
    %get3A_16 = arith.constant 0 : index
    %get3A_17 = vector.load %arg6[%get3A_15, %get3A_16] : memref<128x128xf32, #tpu.memory_space<vmem>>, vector<128x128xf32>
    %dot_general3A = arith.constant dense<0.000000e+00> : vector<256x128xf32>
    %dot_general3A_18 = tpu.matmul %div3A_14, %get3A_17, %dot_general3A {dimension_numbers = #tpu.dot_dimension_numbers<[1], [0], [0], [1], [0, 0, 1, 1], [], []>, transpose_lhs_hint = false} : vector<256x128xf32>, vector<128x128xf32>, vector<256x128xf32> -> vector<256x128xf32>
    %get3A_19 = arith.constant 0 : index
    %get3A_20 = arith.constant 0 : index
    %get3A_21 = vector.load %arg5[%get3A_19, %get3A_20] : memref<256x128xf32, #tpu.memory_space<vmem>>, vector<256x128xf32>
    %get3A_22 = arith.constant 0 : index
    %get3A_23 = arith.constant 0 : index
    %get3A_24 = vector.load %arg7[%get3A_22, %get3A_23] : memref<128x128xf32, #tpu.memory_space<vmem>>, vector<128x128xf32>
    %dot_general3A_25 = arith.constant dense<0.000000e+00> : vector<256x128xf32>
    %dot_general3A_26 = tpu.matmul %get3A_21, %get3A_24, %dot_general3A_25 {dimension_numbers = #tpu.dot_dimension_numbers<[1], [0], [0], [1], [0, 0, 1, 1], [], []>, transpose_lhs_hint = false} : vector<256x128xf32>, vector<128x128xf32>, vector<256x128xf32> -> vector<256x128xf32>
    %add3A_27 = arith.addf %dot_general3A_18, %dot_general3A_26 : vector<256x128xf32>
    %get3A_28 = arith.constant 0 : index
    %get3A_29 = arith.constant 0 : index
    %get3A_30 = vector.load %arg8[%get3A_28, %get3A_29] : memref<1x128xf32, #tpu.memory_space<vmem>>, vector<1x128xf32>
    %add3A_31 = vector.broadcast %get3A_30 : vector<1x128xf32> to vector<256x128xf32>
    %add3A_32 = arith.addf %add3A_27, %add3A_31 : vector<256x128xf32>
    %swap3A = arith.constant 0 : index
    %swap3A_33 = arith.constant 0 : index
    %swap3A_34 = vector.load %arg9[%swap3A, %swap3A_33] : memref<256x128xf32, #tpu.memory_space<vmem>>, vector<256x128xf32>
    tpu.vector_store %arg9[%swap3A, %swap3A_33], %add3A_32 {strides = array<i32>} : memref<256x128xf32, #tpu.memory_space<vmem>>, vector<256x128xf32>,
    return
  }
  func.func @transform_0(%arg0: i32) -> (i32, i32) {
    %c0_i32 = arith.constant 0 : i32
    %c0_i32_0 = arith.constant 0 : i32
    return %arg0, %c0_i32 : i32, i32
  }
  func.func @transform_1(%arg0: i32) -> (i32, i32) {
    %c0_i32 = arith.constant 0 : i32
    %c0_i32_0 = arith.constant 0 : i32
    return %arg0, %c0_i32 : i32, i32
  }
  func.func @transform_2(%arg0: i32) -> (i32, i32) {
    %c0_i32 = arith.constant 0 : i32
    %c0_i32_0 = arith.constant 0 : i32
    return %arg0, %c0_i32 : i32, i32
  }
  func.func @transform_3(%arg0: i32) -> (i32, i32) {
    %c0_i32 = arith.constant 0 : i32
    %c0_i32_0 = arith.constant 0 : i32
    return %arg0, %c0_i32 : i32, i32
  }
  func.func @transform_4(%arg0: i32) -> (i32, i32) {
    %c0_i32 = arith.constant 0 : i32
    %c0_i32_0 = arith.constant 0 : i32
    return %arg0, %c0_i32 : i32, i32
  }
  func.func @transform_5(%arg0: i32) -> (i32, i32) {
    %c0_i32 = arith.constant 0 : i32
    %c0_i32_0 = arith.constant 0 : i32
    %c0_i32_1 = arith.constant 0 : i32
    return %c0_i32, %c0_i32_0 : i32, i32
  }
  func.func @transform_6(%arg0: i32) -> (i32, i32) {
    %c0_i32 = arith.constant 0 : i32
    %c0_i32_0 = arith.constant 0 : i32
    %c0_i32_1 = arith.constant 0 : i32
    return %c0_i32, %c0_i32_0 : i32, i32
  }
  func.func @transform_7(%arg0: i32) -> (i32, i32) {
    %c0_i32 = arith.constant 0 : i32
    %c0_i32_0 = arith.constant 0 : i32
    %c0_i32_1 = arith.constant 0 : i32
    return %c0_i32, %c0_i32_0 : i32, i32
  }
  func.func @transform_8(%arg0: i32) -> (i32, i32) {
    %c0_i32 = arith.constant 0 : i32
    %c0_i32_0 = arith.constant 0 : i32
    return %arg0, %c0_i32 : i32, i32
  }
}

</mosaic_0001>

<sc_bundles>
// kernel: kernel.10.cloned.1.call-start
scs
__scs_entry_jumppad:
0x0: {  	(pc) =	sbr.rel $0x88, $3  }
0x1: {  	(tag) =	ssettag $0x0;
	lr =	simm.s32 $0x1  }
0x2: {  	[smem:$0x3F99] =	sst lr;
	_ =	strace $0xD0000000  }
0x3: {  	_ = 	snop  }
0x4: {  	_ = 	snop  }
0x5: {  	_ = 	snop  }
0x6: {  	_ = 	snop  }
0x7: {  	_ = 	snop  }
__scs_overlays_trampoline_lowered:
0x8: {  	[smem:$0x3FA8] =	sst s0  }
0x9: {  	[smem:$0x3FA9] =	sst s1  }
0xa: {  	[smem:$0x3FAA] =	sst s2  }
0xb: {  	[smem:$0x3FAB] =	sst s3  }
0xc: {  	[smem:$0x3FAC] =	sst s4  }
0xd: {  	[smem:$0x3FAD] =	sst s5  }
0xe: {  	[smem:$0x3FAE] =	sst s6  }
0xf: {  	[smem:$0x3FAF] =	sst s7  }
0x10: {  	[smem:$0x3FB0] =	sst s8  }
0x11: {  	[smem:$0x3FB1] =	sst s9;
	s0 =	simm.s32 @!p0 $0x0  }
0x12: {  	s1 =	sld [smem:$0x3F97];
	s0 =	simm.s32 @p0 $0x1  }
0x13: {  	[smem:$0x3FB2] =	sst s0;
	s0 =	simm.s32 @!p1 $0x0  }
0x14: {  	s2 =	sld [smem:$0x3F96];
	s0 =	simm.s32 @p1 $0x1  }
0x15: {  	[smem:$0x3FB3] =	sst s0;
	s0 =	simm.s32 @!p2 $0x0  }
0x16: {  	s3 =	sld [smem:$0x3FDB];
	s0 =	simm.s32 @p2 $0x1  }
0x17: {  	s4 =	simm.s32 $0x1BF5;
	[smem:$0x3FB5] =	sst s0  }
0x18: {  	s0 =	sld [smem:$0x3F98];
	_ =	swait.ge [sflag:s4], $0x0  }
0x19: {  	s7 =	sld [smem:$0x3F99]  }
0x1a: {  	s8 =	sadd.s32 $0xFFFFE003, lr  }
0x1b: {  	s9 =	sadd.s32 $0xFFFFFEF7, lr;
	s5 =	simm.s32 $0xFFFFFFFF;
	p2 =	slt.u32 s8, $0xFFFFF086  }
0x1c: {  	p1 =	slt.u32 s9, $0xF7A;
	s5 =	simm.s32 @!p2 $0x0  }
0x1d: {  	s5 =	simm.s32 @p1 $0x1;
	p0 =	seq.s32 s7, s2  }
0x1e: {  	s7 =	smul.u32 @!p0 $0xF7A, s2;
	p2 =	seq.s32 @!p0 s5, $0x0  }
0x1f: {  	s9 =	smul.u32 $0xF7A, s1;
	s8 =	simm.s32 @!p0 $0x1BF5;
	p2 =	por !p2, p0  }
0x20: {  	[sflag:s8] =	ssyncset.s32 @!p0 $0xFFFFF086;
	s6 =	sadd.s32 @!p0 s3, s7;
	s7 =	simm.s32 @!p0 $0x108  }
0x21: {  	s3 =	sadd.s32 s3, s9;
	s6 =	sadd.s32 @!p0 $0x88, s6;
	s7 =	simm.s32 @p2 $0x1082  }
0x22: {  	[simem:s7], [sflag:s8] =	dma.local @!p0 [hbm:s6], $0xF7A  }
0x23: {  	s9 =	sor.u32 $0xD0000000, s2;
	s6 =	simm.s32 $0x108;
	_ =	swait.ge @!p0 [sflag:s8], $0x0  }
0x24: {  	s3 =	sadd.s32 $0x88, s3;
	s6 =	simm.s32 @!p1 $0x1082;
	[sflag:s4] =	ssyncset.s32 $0xFFFFF086  }
0x25: {  	[simem:s6], [sflag:s4] =	dma.local [hbm:s3], $0xF7A  }
0x26: {  	[smem:$0x3F99] =	sst s1;
	(tag) =	ssettag s2;
	_ =	strace s9  }
0x27: {  	s1 =	sld [smem:$0x3FA9]  }
0x28: {  	s2 =	sld [smem:$0x3FAA]  }
0x29: {  	s4 =	sld [smem:$0x3FAC]  }
0x2a: {  	p0 =	seq.s32 s5, $0x0;
	s5 =	sld [smem:$0x3FAD]  }
0x2b: {  	s6 =	sld [smem:$0x3FAE]  }
0x2c: {  	s7 =	sld [smem:$0x3FAF]  }
0x2d: {  	s3 =	simm.s32 $0x108;
	s8 =	sld [smem:$0x3FB0]  }
0x2e: {  	s3 =	simm.s32 @!p0 $0x1082;
	s9 =	sld [smem:$0x3FB1]  }
0x2f: {  	lr =	sadd.s32 s0, s3;
	s0 =	sld [smem:$0x3FA8]  }
0x30: {  	s3 =	sld [smem:$0x3FAB]  }
0x31: {  	[smem:$0x3FB4] =	sst s10  }
0x32: {  	s10 =	sld [smem:$0x3FB2];
	_ =	sdelay $0x3  }
0x33: {  	p0 =	seq.s32 s10, $0x1;
	s10 =	sld [smem:$0x3FB4];
	_ =	sdelay $0x3  }
0x34: {  	[smem:$0x3FB4] =	sst s10  }
0x35: {  	s10 =	sld [smem:$0x3FB3];
	_ =	sdelay $0x3  }
0x36: {  	p1 =	seq.s32 s10, $0x1;
	s10 =	sld [smem:$0x3FB4];
	_ =	sdelay $0x3  }
0x37: {  	[smem:$0x3FB4] =	sst s10  }
0x38: {  	s10 =	sld [smem:$0x3FB5]  }
0x39: {  	_ = 	snop;
	(pc) =	sbr.ind lr, $3  }
0x3a: {  	_ = 	snop  }
0x3b: {  	_ = 	snop  }
0x3c: {  	p2 =	seq.s32 s10, $0x1;
	s10 =	sld [smem:$0x3FB4]  }
0x3d: {  	_ =	shalt  }
0x3e: {  	_ =	shalt  }
0x3f: {  	_ =	shalt  }
0x40: {  	_ =	shalt  }
0x41: {  	_ =	shalt  }
0x42: {  	_ =	shalt  }
0x43: {  	_ =	shalt  }
0x44: {  	_ =	shalt  }
0x45: {  	_ =	shalt  }
0x46: {  	_ =	shalt  }
0x47: {  	_ =	shalt  }
0x48: {  	_ =	shalt  }
0x49: {  	_ =	shalt  }
0x4a: {  	_ =	shalt  }
0x4b: {  	_ =	shalt  }
0x4c: {  	_ =	shalt  }
0x4d: {  	_ =	shalt  }
0x4e: {  	_ =	shalt  }
0x4f: {  	_ =	shalt  }
0x50: {  	_ =	shalt  }
0x51: {  	_ =	shalt  }
0x52: {  	_ =	shalt  }
0x53: {  	_ =	shalt  }
0x54: {  	_ =	shalt  }
0x55: {  	_ =	shalt  }
0x56: {  	_ =	shalt  }
0x57: {  	_ =	shalt  }
0x58: {  	_ =	shalt  }
0x59: {  	_ =	shalt  }
0x5a: {  	_ =	shalt  }
0x5b: {  	_ =	shalt  }
0x5c: {  	_ =	shalt  }
0x5d: {  	_ =	shalt  }
0x5e: {  	_ =	shalt  }
0x5f: {  	_ =	shalt  }
0x60: {  	_ =	shalt  }
0x61: {  	_ =	shalt  }
0x62: {  	_ =	shalt  }
0x63: {  	_ =	shalt  }
0x64: {  	_ =	shalt  }
0x65: {  	_ =	shalt  }
0x66: {  	_ =	shalt  }
0x67: {  	_ =	shalt  }
0x68: {  	_ =	shalt  }
0x69: {  	_ =	shalt  }
0x6a: {  	_ =	shalt  }
0x6b: {  	_ =	shalt  }
0x6c: {  	_ =	shalt  }
0x6d: {  	_ =	shalt  }
0x6e: {  	_ =	shalt  }
0x6f: {  	_ =	shalt  }
0x70: {  	_ =	shalt  }
0x71: {  	_ =	shalt  }
0x72: {  	_ =	shalt  }
0x73: {  	_ =	shalt  }
0x74: {  	_ =	shalt  }
0x75: {  	_ =	shalt  }
0x76: {  	_ =	shalt  }
0x77: {  	_ =	shalt  }
0x78: {  	_ =	shalt  }
0x79: {  	_ =	shalt  }
0x7a: {  	_ =	shalt  }
0x7b: {  	_ =	shalt  }
0x7c: {  	_ =	shalt  }
0x7d: {  	_ =	shalt  }
0x7e: {  	_ =	shalt  }
0x7f: {  	_ =	shalt  }
0x80: {  	_ =	shalt  }
0x81: {  	_ =	shalt  }
0x82: {  	_ =	shalt  }
0x83: {  	_ =	shalt  }
0x84: {  	_ =	shalt  }
0x85: {  	_ =	shalt  }
0x86: {  	_ =	shalt  }
0x87: {  	_ =	shalt  }
.Lfunc_end0:
.L_simem_size_0:
called_computation.1_lowered:
.L_overlay_start_0:
0x88: {  	s2 =	sld [smem:$0x3FD9]  }
0x89: {  	s3 =	sld [smem:$0x3FFE];
	_ =	sdelay $0x1  }
0x8a: {  	s1 =	srdreg.scid  }
0x8b: {  	s0 =	sand.u32 $0x1, s1  }
0x8c: {  	s17 =	sshll.u32 s0, $0xA;
	s2 =	sadd.s32 s3, s2  }
0x8d: {  	s2 =	sadd.s32 s2, s17  }
0x8e: {  	[smem:$0x3FC0] =	sst s2  }
0x8f: {  	_ = 	snop  }
0x90: {  	s2 =	sld [smem:$0x3FD0];
	(tm) =	ssettm $0x1  }
0x91: {  	s18 =	sld [smem:$0x3FFB];
	_ =	sdelay $0x3  }
0x92: {  	_ =	strace s18  }
0x93: {  	s3 =	sld [smem:$0x3FFC];
	_ =	sdelay $0x3  }
0x94: {  	_ =	strace s3  }
0x95: {  	s3 =	sld [smem:$0x3FFD];
	_ =	sdelay $0x3  }
0x96: {  	_ =	strace s3  }
0x97: {  	_ =	strace $0x8FFFFFFF  }
0x98: {  	s19 =	sld [smem:$0x3FDB];
	_ =	sdelay $0x1  }
0x99: {  	s4 =	simm.s32 $_scs_section_size  }
0x9a: {  	s5 =	simm.s32 $_size__tile_overlayer_lowered;
	s6 =	simm.s32 $_tile_overlayer_lowered  }
0x9b: {  	s22 =	simm.s32 $0x1BFF;
	s21 =	sshll.u32 s6, $0x1;
	s3 =	sadd.s32 s4, s19  }
0x9c: {  	s7 =	simm.s32 $0x0;
	s20 =	sshll.u32 s5, $0x1;
	s5 =	sadd.s32 s21, s3  }
0x9d: {  	[timem:s7], [sflag:s22] =	dma.local [hbm:s5], s20  }
0x9e: {  	_ =	swait.ge [sflag:s22], s20  }
0x9f: {  	s4 =	ssub.s32 $0x0, s20;
	[sflag:s22] =	ssyncset.done $0x0  }
0xa0: {  	[sflag:s22] =	ssyncadd.s32 s4;
	_ =	sdelay $0x1  }
0xa1: {  	s23 =	simm.s32 $0x1B8B  }
0xa2: {  	_ =	swait.ge [sflag:s23], $0x1  }
0xa3: {  	[sflag:s23] =	ssyncset.done $0x0  }
0xa4: {  	s25 =	simm.s32 $0x1B8E;
	s24 =	sld [smem:$0x3FFE];
	[sflag:s23] =	ssyncadd.s32 $0xFFFFFFFF  }
0xa5: {  	s26 =	simm.s32 $execute0_lowered;
	[smem:$0x3FD2] =	sst s25  }
0xa6: {  	s5 =	sshll.u32 s26, $0x1;
	_ =	strace $0x80000046;
	[dreg:$0x1] =	wrdreg $0xFFFFFFFF  }
0xa7: {  	s28 =	simm.s32 $_size_execute0_lowered;
	s3 =	sadd.s32 s3, s5;
	[dreg:$0x0] =	wrdreg $0x0  }
0xa8: {  	s5 =	sshll.u32 s28, $0x1;
	[dreg:$0x2] =	wrdreg s3  }
0xa9: {  	[dreg:$0x3] =	wrdreg s5  }
0xaa: {  	[dreg:$0x4] =	wrdreg $0xC0  }
0xab: {  	_ =	task [dreg:s7], $0x5FFFF  }
0xac: {  	[dreg:$0x1] =	wrdreg $0xFFFFFFFF  }
0xad: {  	[dreg:$0x0] =	wrdreg $0x60  }
0xae: {  	[dreg:$0x2] =	wrdreg s24  }
0xaf: {  	[dreg:$0x3] =	wrdreg s2  }
0xb0: {  	[dreg:$0x4] =	wrdreg $0x88000  }
0xb1: {  	[dreg:$0x5] =	wrdreg $0xA  }
0xb2: {  	_ =	task.clear_ibuf [dreg:s7], $0x6FFFF;
	_ =	strace $0x90000046  }
0xb3: {  	s29 =	simm.s32 $0xA;
	_ =	strace $0x80000048  }
0xb4: {  	_ =	swait.ge [sflag:s29], $0x1  }
0xb5: {  	[sflag:s29] =	ssyncadd.s32 $0xFFFFFFFF  }
0xb6: {  	_ =	strace $0x90000048  }
0xb7: {  	_ =	sfence  }
0xb8: {  	s30 =	sld [smem:$0x0];
	_ =	sdelay $0x2  }
0xb9: {  	s31 =	sshll.u32 s1, $0xD;
	s1 =	sshrl.u32 s1, $0x2  }
0xba: {  	s3 =	sand.u32 $0x4000, s31;
	s1 =	sadd.s32 s1, s30  }
0xbb: {  	s0 =	sor.u32 s3, s0;
	s1 =	sshll.u32 s1, $0x11  }
0xbc: {  	s0 =	sor.u32 s1, s0  }
0xbd: {  	s0 =	sadd.s32 $0x8F2B, s0  }
0xbe: {  	[sflag:s0] =	ssyncadd.remote.s32 $0x1  }
0xbf: {  	_ =	sfence.sel $0xFFFF  }
0xc0: {  	[dreg:$0x0] =	wrdreg $0xFFFFFFFF;
	(pc) =	sbr.abs _section_cstart, $3  }
0xc1: {  	[dreg:$0x1] =	wrdreg $0xFFFFFFFF  }
0xc2: {  	_ =	task.clear_ibuf [dreg:s7], $0x2FFFF;
	_ =	strace $0x9FFFFFFF  }
0xc3: {  	(tm) =	ssettm $0x7FFFFFFF  }
tec
execute0_lowered:
.L_overlay_start_1:
0x0: {  	(tag) =	ssettag $0x1  }
0x1: {  	s0 =	rddreg [dreg:$0x0]  }
0x2: {  	s1 =	rddreg [dreg:$0x1]  }
0x3: {  	s2 =	rddreg [dreg:$0x2]  }
0x4: {  	s4 =	simm.s32 $0x0;
	s3 =	srdreg.scid;
	s10 =	stileid.u32  }
0x5: {  	s11 =	simm.s32 $0x10;
	s15 =	simm.s32 $0x800;
	s16 =	simm.s32 $0x3  }
0x6: {  	s17 =	simm.s32 $0x400;
	s28 =	simm.s32 $0x580;
	s29 =	simm.s32 $0x280  }
0x7: {  	s30 =	simm.s32 $0x600;
	s31 =	simm.s32 $0x300;
	[smem:$0x7FF] =	sst s4  }
0x8: {  	s3 =	sand.u32 $0x1, s3;
	s7 =	smul.u32 $0x14000, s10;
	s5 =	sadd.s32 $0xC800, s0  }
0x9: {  	s8 =	sadd.s32 $0x34800, s0;
	s9 =	smul.u32 $0x50000, s10;
	s24 =	sshll.u32 s10, $0xE  }
0xa: {  	s6 =	smul.u32 $0x140000, s3;
	_ =	strace $0x80000047;
	[dreg:$0x4] =	wrdreg s8  }
0xb: {  	s18 =	ssub.s32 $0x2, s3;
	p0 =	seq.s32 s3, $0x0;
	s3 =	sshll.u32 s3, $0x12  }
0xc: {  	s8 =	simm.s32 $0x780;
	s19 =	sshrl.u32 s18, $0x1;
	s9 =	sshrl.u32 s9, $0x2  }
0xd: {  	s11 =	simm.s32 @!p0 $0x4;
	s26 =	sor.u32 s24, s3;
	s24 =	simm.s32 $0x180  }
0xe: {  	s3 =	simm.s32 $0x380;
	s6 =	sadd.s32 s7, s6;
	s7 =	ssub.s32 s18, s19  }
0xf: {  	[dreg:$0xb] =	wrdreg s26;
	s18 =	simm.s32 $0x80;
	s6 =	sshrl.u32 s6, $0x3  }
0x10: {  	s25 =	smax.u32 s7, $0x1;
	s0 =	sadd.s32 s6, s0;
	s6 =	sadd.s32 s9, s2  }
0x11: {  	s19 =	simm.s32 $0x4800;
	[dreg:$0xa] =	wrdreg s25;
	s20 =	sadd.s32 $0x4000, s6  }
0x12: {  	s26 =	simm.s32 $0x200;
	s21 =	sadd.s32 $0x8000, s6;
	[dreg:$0x5] =	wrdreg s20  }
0x13: {  	s7 =	simm.s32 $0x700;
	s22 =	sadd.s32 $0xC000, s6;
	[dreg:$0x6] =	wrdreg s21  }
0x14: {  	s25 =	simm.s32 $0x500;
	s23 =	sadd.s32 $0x10000, s6;
	[dreg:$0x7] =	wrdreg s22  }
0x15: {  	s9 =	simm.s32 $0x0;
	s0 =	sadd.s32 $0x44800, s0;
	[dreg:$0x8] =	wrdreg s23  }
0x16: {  	[dreg:$0x9] =	wrdreg s0;
	s20 =	simm.s32 $0x1;
	s21 =	simm.s32 $0x100  }
0x17: {  	v0 =	vimm.f32 $0.0e+00;
	s22 =	simm.s32 $0x2;
	s23 =	simm.s32 $0x480;
	s0 =	simm.s32 $0x680  }
.LBB2_1:
0x18: {  	s10 =	simm.s32 $0x0;
	s14 =	simm.s32 $0x200  }
.LBB2_2:
0x19: {  	p0 =	sne.s32 s14, $0xFE00;
	[tilespmem:s10+$0x870] =	vst v0  }
0x1a: {  	[tilespmem:s10+$0x800] =	vst v0  }
0x1b: {  	[tilespmem:s10+$0x810] =	vst v0  }
.Ltmp0:
0x1c: {  	[tilespmem:s10+$0x820] =	vst v0;
	(pc) =	sbr.rel @p0 .LBB2_2-.Ltmp0, $4  }
0x1d: {  	[tilespmem:s10+$0x830] =	vst v0  }
0x1e: {  	[tilespmem:s10+$0x840] =	vst v0  }
0x1f: {  	[tilespmem:s10+$0x850] =	vst v0  }
0x20: {  	[tilespmem:s10+$0x860] =	vst v0;
	s10 =	sshra.s32 s14, $0x2;
	s14 =	sadd.s32 $0x200, s14  }
0x21: {  	[tilespmem:s10+$0x870] =	vst v0  }
0x22: {  	[tilespmem:s10+$0x800] =	vst v0  }
0x23: {  	[tilespmem:s10+$0x810] =	vst v0  }
0x24: {  	[tilespmem:s10+$0x820] =	vst v0  }
0x25: {  	[tilespmem:s10+$0x830] =	vst v0  }
0x26: {  	[tilespmem:s10+$0x840] =	vst v0  }
0x27: {  	[tilespmem:s10+$0x850] =	vst v0  }
0x28: {  	[tilespmem:s10+$0x860] =	vst v0  }
0x29: {  	[spmem:s6] =	stream.linear.scatter [tilespmem:s15], [sflag:$0x3], $0x4000, $0x38;
	[tilespmem:$0x1C800] =	vst v63  }
0x2a: {  	_ =	swait.ge [sflag:s16], $0x4000  }
0x2b: {  	[sflag:s16] =	ssyncset.done $0x0  }
0x2c: {  	s12 =	rddreg [dreg:$0x5];
	[sflag:s16] =	ssyncadd.s32 $0xFFFFC000  }
0x2d: {  	[spmem:s12] =	stream.linear.scatter [tilespmem:s15], [sflag:$0x3], $0x4000, $0x38;
	[tilespmem:$0x1C800] =	vst v63  }
0x2e: {  	_ =	swait.ge [sflag:s16], $0x4000  }
0x2f: {  	[sflag:s16] =	ssyncset.done $0x0  }
0x30: {  	s13 =	rddreg [dreg:$0x6];
	[sflag:s16] =	ssyncadd.s32 $0xFFFFC000  }
0x31: {  	[spmem:s13] =	stream.linear.scatter [tilespmem:s15], [sflag:$0x3], $0x4000, $0x38;
	[tilespmem:$0x1C800] =	vst v63  }
0x32: {  	_ =	swait.ge [sflag:s16], $0x4000  }
0x33: {  	[sflag:s16] =	ssyncset.done $0x0  }
0x34: {  	s14 =	rddreg [dreg:$0x7];
	[sflag:s16] =	ssyncadd.s32 $0xFFFFC000  }
0x35: {  	[spmem:s14] =	stream.linear.scatter [tilespmem:s15], [sflag:$0x3], $0x4000, $0x38;
	[tilespmem:$0x1C800] =	vst v63  }
0x36: {  	_ =	swait.ge [sflag:s16], $0x4000  }
0x37: {  	[sflag:s16] =	ssyncset.done $0x0  }
0x38: {  	s12 =	rddreg [dreg:$0x8];
	[sflag:s16] =	ssyncadd.s32 $0xFFFFC000  }
0x39: {  	[spmem:s12] =	stream.linear.scatter [tilespmem:s15], [sflag:$0x3], $0x4000, $0x38;
	[tilespmem:$0x1C800] =	vst v63  }
0x3a: {  	_ =	swait.ge [sflag:s16], $0x4000  }
0x3b: {  	[sflag:s16] =	ssyncset.done $0x0  }
0x3c: {  	[sflag:s16] =	ssyncadd.s32 $0xFFFFC000  }
0x3d: {  	[bflag:$0x0] =	sbarrier.arrive $0xFFFF  }
0x3e: {  	s12 =	rddreg [dreg:$0xb]  }
0x3f: {  	s13 =	rddreg [dreg:$0x4];
	s14 =	sshrl.u32 s12, $0x3  }
0x40: {  	s10 =	sadd.s32 s13, s14  }
0x41: {  	[tilespmem:s4], [sflag:$0x3] =	stream.linear.gather [hbm4b:s10+s4], $0x400, $0x38;
	[tilespmem:$0x1C800] =	vst v63  }
0x42: {  	_ =	swait.ge [sflag:s16], $0x400  }
0x43: {  	[sflag:s16] =	ssyncset.done $0x0  }
0x44: {  	s14 =	sadd.s32 s1, s14;
	[sflag:s16] =	ssyncadd.s32 $0xFFFFFC00  }
0x45: {  	[tilespmem:s17], [sflag:$0x3] =	stream.linear.gather [hbm4b:s14+s4], $0x400, $0x38;
	[tilespmem:$0x1C800] =	vst v63  }
0x46: {  	_ =	swait.ge [sflag:s16], $0x400  }
0x47: {  	[sflag:s16] =	ssyncset.done $0x0  }
0x48: {  	[sflag:s16] =	ssyncadd.s32 $0xFFFFFC00  }
0x49: {  	[tilespmem:s15], [sflag:$0x1] =	stream.indirect.gather [hbm4b:s5+s18], $0x80, s4, s18, $0xb8;
	[tilespmem:$0x1C800] =	vst v63  }
0x4a: {  	_ = 	snop  }
0x4b: {  	[tilespmem:s19], [sflag:$0x2] =	stream.indirect.gather [hbm4b:s5+s18], $0x80, s18, s18, $0xb8;
	[tilespmem:$0x1C800] =	vst v63  }
0x4c: {  	_ =	swait.ge [sflag:s20], $0x4000  }
0x4d: {  	[sflag:s20] =	ssyncset.done $0x0  }
0x4e: {  	[sflag:s20] =	ssyncadd.s32 $0xFFFFC000  }
0x4f: {  	[spmem:s2] =	stream.indirect.scatter.add.f32 [tilespmem:s15], [sflag:$0x3], $0x80, s17, s18, $0xb8;
	[tilespmem:$0x1C800] =	vst v63  }
0x50: {  	_ =	swait.ge [sflag:s16], $0x4000  }
0x51: {  	[sflag:s16] =	ssyncset.done $0x0  }
0x52: {  	[sflag:s16] =	ssyncadd.s32 $0xFFFFC000  }
0x53: {  	[tilespmem:s15], [sflag:$0x1] =	stream.indirect.gather [hbm4b:s5+s18], $0x80, s21, s18, $0xb8;
	[tilespmem:$0x1C800] =	vst v63  }
0x54: {  	_ =	swait.ge [sflag:s22], $0x4000  }
0x55: {  	[sflag:s22] =	ssyncset.done $0x0  }
0x56: {  	[sflag:s22] =	ssyncadd.s32 $0xFFFFC000  }
0x57: {  	[spmem:s2] =	stream.indirect.scatter.add.f32 [tilespmem:s19], [sflag:$0x3], $0x80, s23, s18, $0xb8;
	[tilespmem:$0x1C800] =	vst v63  }
0x58: {  	_ =	swait.ge [sflag:s16], $0x4000  }
0x59: {  	[sflag:s16] =	ssyncset.done $0x0  }
0x5a: {  	[sflag:s16] =	ssyncadd.s32 $0xFFFFC000  }
0x5b: {  	[tilespmem:s19], [sflag:$0x2] =	stream.indirect.gather [hbm4b:s5+s18], $0x80, s24, s18, $0xb8;
	[tilespmem:$0x1C800] =	vst v63  }
0x5c: {  	_ =	swait.ge [sflag:s20], $0x4000  }
0x5d: {  	[sflag:s20] =	ssyncset.done $0x0  }
0x5e: {  	[sflag:s20] =	ssyncadd.s32 $0xFFFFC000  }
0x5f: {  	[spmem:s2] =	stream.indirect.scatter.add.f32 [tilespmem:s15], [sflag:$0x3], $0x80, s25, s18, $0xb8;
	[tilespmem:$0x1C800] =	vst v63  }
0x60: {  	_ =	swait.ge [sflag:s16], $0x4000  }
0x61: {  	[sflag:s16] =	ssyncset.done $0x0  }
0x62: {  	[sflag:s16] =	ssyncadd.s32 $0xFFFFC000  }
0x63: {  	[tilespmem:s15], [sflag:$0x1] =	stream.indirect.gather [hbm4b:s5+s18], $0x80, s26, s18, $0xb8;
	[tilespmem:$0x1C800] =	vst v63  }
0x64: {  	_ =	swait.ge [sflag:s22], $0x4000  }
0x65: {  	[sflag:s22] =	ssyncset.done $0x0  }
0x66: {  	[sflag:s22] =	ssyncadd.s32 $0xFFFFC000  }
0x67: {  	[spmem:s2] =	stream.indirect.scatter.add.f32 [tilespmem:s19], [sflag:$0x3], $0x80, s28, s18, $0xb8;
	[tilespmem:$0x1C800] =	vst v63  }
0x68: {  	_ =	swait.ge [sflag:s16], $0x4000  }
0x69: {  	[sflag:s16] =	ssyncset.done $0x0  }
0x6a: {  	[sflag:s16] =	ssyncadd.s32 $0xFFFFC000  }
0x6b: {  	[tilespmem:s19], [sflag:$0x2] =	stream.indirect.gather [hbm4b:s5+s18], $0x80, s29, s18, $0xb8;
	[tilespmem:$0x1C800] =	vst v63  }
0x6c: {  	_ =	swait.ge [sflag:s20], $0x4000  }
0x6d: {  	[sflag:s20] =	ssyncset.done $0x0  }
0x6e: {  	[sflag:s20] =	ssyncadd.s32 $0xFFFFC000  }
0x6f: {  	[spmem:s2] =	stream.indirect.scatter.add.f32 [tilespmem:s15], [sflag:$0x3], $0x80, s30, s18, $0xb8;
	[tilespmem:$0x1C800] =	vst v63  }
0x70: {  	_ =	swait.ge [sflag:s16], $0x4000  }
0x71: {  	[sflag:s16] =	ssyncset.done $0x0  }
0x72: {  	[sflag:s16] =	ssyncadd.s32 $0xFFFFC000  }
0x73: {  	[tilespmem:s15], [sflag:$0x1] =	stream.indirect.gather [hbm4b:s5+s18], $0x80, s31, s18, $0xb8;
	[tilespmem:$0x1C800] =	vst v63  }
0x74: {  	_ =	swait.ge [sflag:s22], $0x4000  }
0x75: {  	[sflag:s22] =	ssyncset.done $0x0  }
0x76: {  	[sflag:s22] =	ssyncadd.s32 $0xFFFFC000  }
0x77: {  	[spmem:s2] =	stream.indirect.scatter.add.f32 [tilespmem:s19], [sflag:$0x3], $0x80, s0, s18, $0xb8;
	[tilespmem:$0x1C800] =	vst v63  }
0x78: {  	_ =	swait.ge [sflag:s16], $0x4000  }
0x79: {  	[sflag:s16] =	ssyncset.done $0x0  }
0x7a: {  	[sflag:s16] =	ssyncadd.s32 $0xFFFFC000  }
0x7b: {  	[tilespmem:s19], [sflag:$0x2] =	stream.indirect.gather [hbm4b:s5+s18], $0x80, s3, s18, $0xb8;
	[tilespmem:$0x1C800] =	vst v63  }
0x7c: {  	_ =	swait.ge [sflag:s20], $0x4000  }
0x7d: {  	[sflag:s20] =	ssyncset.done $0x0  }
0x7e: {  	[sflag:s20] =	ssyncadd.s32 $0xFFFFC000  }
0x7f: {  	[spmem:s2] =	stream.indirect.scatter.add.f32 [tilespmem:s15], [sflag:$0x3], $0x80, s7, s18, $0xb8;
	[tilespmem:$0x1C800] =	vst v63  }
0x80: {  	_ =	swait.ge [sflag:s16], $0x4000  }
0x81: {  	[sflag:s16] =	ssyncset.done $0x0  }
0x82: {  	p0 =	sne.s32 s11, $0x1;
	[sflag:s16] =	ssyncadd.s32 $0xFFFFC000  }
.Ltmp1:
0x83: {  	_ =	swait.ge [sflag:s22], $0x4000;
	(pc) =	sbr.rel @!p0 .LBB2_5-.Ltmp1, $4  }
0x84: {  	[sflag:s22] =	ssyncset.done $0x0  }
0x85: {  	[sflag:s22] =	ssyncadd.s32 $0xFFFFC000  }
0x86: {  	[spmem:s2] =	stream.indirect.scatter.add.f32 [tilespmem:s19], [sflag:$0x3], $0x80, s8, s18, $0xb8;
	[tilespmem:$0x1C800] =	vst v63  }
0x87: {  	s10 =	sadd.s32 $0xFFFFFFFF, s11;
	s14 =	smov.u32 s12;
	_ =	swait.ge [sflag:s16], $0x4000  }
.LBB2_4:
0x88: {  	s14 =	sadd.s32 $0x400, s14  }
0x89: {  	s13 =	rddreg [dreg:$0x4];
	[sflag:s16] =	ssyncset.done $0x0;
	s12 =	sshrl.u32 s14, $0x3  }
0x8a: {  	[sflag:s16] =	ssyncadd.s32 $0xFFFFC000;
	s13 =	sadd.s32 s13, s12  }
0x8b: {  	[tilespmem:s4], [sflag:$0x3] =	stream.linear.gather [hbm4b:s13+s4], $0x400, $0x38;
	[tilespmem:$0x1C800] =	vst v63  }
0x8c: {  	_ =	swait.ge [sflag:s16], $0x400  }
0x8d: {  	[sflag:s16] =	ssyncset.done $0x0  }
0x8e: {  	s12 =	sadd.s32 s1, s12;
	[sflag:s16] =	ssyncadd.s32 $0xFFFFFC00  }
0x8f: {  	[tilespmem:s17], [sflag:$0x3] =	stream.linear.gather [hbm4b:s12+s4], $0x400, $0x38;
	[tilespmem:$0x1C800] =	vst v63  }
0x90: {  	_ =	swait.ge [sflag:s16], $0x400  }
0x91: {  	[sflag:s16] =	ssyncset.done $0x0  }
0x92: {  	[sflag:s16] =	ssyncadd.s32 $0xFFFFFC00  }
0x93: {  	[tilespmem:s15], [sflag:$0x1] =	stream.indirect.gather [hbm4b:s5+s18], $0x80, s4, s18, $0xb8;
	[tilespmem:$0x1C800] =	vst v63  }
0x94: {  	_ = 	snop  }
0x95: {  	[tilespmem:s19], [sflag:$0x2] =	stream.indirect.gather [hbm4b:s5+s18], $0x80, s18, s18, $0xb8;
	[tilespmem:$0x1C800] =	vst v63  }
0x96: {  	_ =	swait.ge [sflag:s20], $0x4000  }
0x97: {  	[sflag:s20] =	ssyncset.done $0x0  }
0x98: {  	[sflag:s20] =	ssyncadd.s32 $0xFFFFC000  }
0x99: {  	[spmem:s2] =	stream.indirect.scatter.add.f32 [tilespmem:s15], [sflag:$0x3], $0x80, s17, s18, $0xb8;
	[tilespmem:$0x1C800] =	vst v63  }
0x9a: {  	_ =	swait.ge [sflag:s16], $0x4000  }
0x9b: {  	[sflag:s16] =	ssyncset.done $0x0  }
0x9c: {  	[sflag:s16] =	ssyncadd.s32 $0xFFFFC000  }
0x9d: {  	[tilespmem:s15], [sflag:$0x1] =	stream.indirect.gather [hbm4b:s5+s18], $0x80, s21, s18, $0xb8;
	[tilespmem:$0x1C800] =	vst v63  }
0x9e: {  	_ =	swait.ge [sflag:s22], $0x4000  }
0x9f: {  	[sflag:s22] =	ssyncset.done $0x0  }
0xa0: {  	[sflag:s22] =	ssyncadd.s32 $0xFFFFC000  }
0xa1: {  	[spmem:s2] =	stream.indirect.scatter.add.f32 [tilespmem:s19], [sflag:$0x3], $0x80, s23, s18, $0xb8;
	[tilespmem:$0x1C800] =	vst v63  }
0xa2: {  	_ =	swait.ge [sflag:s16], $0x4000  }
0xa3: {  	[sflag:s16] =	ssyncset.done $0x0  }
0xa4: {  	[sflag:s16] =	ssyncadd.s32 $0xFFFFC000  }
0xa5: {  	[tilespmem:s19], [sflag:$0x2] =	stream.indirect.gather [hbm4b:s5+s18], $0x80, s24, s18, $0xb8;
	[tilespmem:$0x1C800] =	vst v63  }
0xa6: {  	_ =	swait.ge [sflag:s20], $0x4000  }
0xa7: {  	[sflag:s20] =	ssyncset.done $0x0  }
0xa8: {  	[sflag:s20] =	ssyncadd.s32 $0xFFFFC000  }
0xa9: {  	[spmem:s2] =	stream.indirect.scatter.add.f32 [tilespmem:s15], [sflag:$0x3], $0x80, s25, s18, $0xb8;
	[tilespmem:$0x1C800] =	vst v63  }
0xaa: {  	_ =	swait.ge [sflag:s16], $0x4000  }
0xab: {  	[sflag:s16] =	ssyncset.done $0x0  }
0xac: {  	[sflag:s16] =	ssyncadd.s32 $0xFFFFC000  }
0xad: {  	[tilespmem:s15], [sflag:$0x1] =	stream.indirect.gather [hbm4b:s5+s18], $0x80, s26, s18, $0xb8;
	[tilespmem:$0x1C800] =	vst v63  }
0xae: {  	_ =	swait.ge [sflag:s22], $0x4000  }
0xaf: {  	[sflag:s22] =	ssyncset.done $0x0  }
0xb0: {  	[sflag:s22] =	ssyncadd.s32 $0xFFFFC000  }
0xb1: {  	[spmem:s2] =	stream.indirect.scatter.add.f32 [tilespmem:s19], [sflag:$0x3], $0x80, s28, s18, $0xb8;
	[tilespmem:$0x1C800] =	vst v63  }
0xb2: {  	_ =	swait.ge [sflag:s16], $0x4000  }
0xb3: {  	[sflag:s16] =	ssyncset.done $0x0  }
0xb4: {  	[sflag:s16] =	ssyncadd.s32 $0xFFFFC000  }
0xb5: {  	[tilespmem:s19], [sflag:$0x2] =	stream.indirect.gather [hbm4b:s5+s18], $0x80, s29, s18, $0xb8;
	[tilespmem:$0x1C800] =	vst v63  }
0xb6: {  	_ =	swait.ge [sflag:s20], $0x4000  }
0xb7: {  	[sflag:s20] =	ssyncset.done $0x0  }
0xb8: {  	[sflag:s20] =	ssyncadd.s32 $0xFFFFC000  }
0xb9: {  	[spmem:s2] =	stream.indirect.scatter.add.f32 [tilespmem:s15], [sflag:$0x3], $0x80, s30, s18, $0xb8;
	[tilespmem:$0x1C800] =	vst v63  }
0xba: {  	_ =	swait.ge [sflag:s16], $0x4000  }
0xbb: {  	[sflag:s16] =	ssyncset.done $0x0  }
0xbc: {  	[sflag:s16] =	ssyncadd.s32 $0xFFFFC000  }
0xbd: {  	[tilespmem:s15], [sflag:$0x1] =	stream.indirect.gather [hbm4b:s5+s18], $0x80, s31, s18, $0xb8;
	[tilespmem:$0x1C800] =	vst v63  }
0xbe: {  	_ =	swait.ge [sflag:s22], $0x4000  }
0xbf: {  	[sflag:s22] =	ssyncset.done $0x0  }
0xc0: {  	[sflag:s22] =	ssyncadd.s32 $0xFFFFC000  }
0xc1: {  	[spmem:s2] =	stream.indirect.scatter.add.f32 [tilespmem:s19], [sflag:$0x3], $0x80, s0, s18, $0xb8;
	[tilespmem:$0x1C800] =	vst v63  }
0xc2: {  	_ =	swait.ge [sflag:s16], $0x4000  }
0xc3: {  	[sflag:s16] =	ssyncset.done $0x0  }
0xc4: {  	[sflag:s16] =	ssyncadd.s32 $0xFFFFC000  }
0xc5: {  	[tilespmem:s19], [sflag:$0x2] =	stream.indirect.gather [hbm4b:s5+s18], $0x80, s3, s18, $0xb8;
	[tilespmem:$0x1C800] =	vst v63  }
0xc6: {  	_ =	swait.ge [sflag:s20], $0x4000  }
0xc7: {  	[sflag:s20] =	ssyncset.done $0x0  }
0xc8: {  	[sflag:s20] =	ssyncadd.s32 $0xFFFFC000  }
0xc9: {  	[spmem:s2] =	stream.indirect.scatter.add.f32 [tilespmem:s15], [sflag:$0x3], $0x80, s7, s18, $0xb8;
	[tilespmem:$0x1C800] =	vst v63  }
0xca: {  	_ =	swait.ge [sflag:s16], $0x4000  }
0xcb: {  	[sflag:s16] =	ssyncset.done $0x0  }
0xcc: {  	p0 =	sne.s32 s10, $0x1;
	[sflag:s16] =	ssyncadd.s32 $0xFFFFC000  }
.Ltmp2:
0xcd: {  	_ =	swait.ge [sflag:s22], $0x4000;
	(pc) =	sbr.rel @p0 .LBB2_4-.Ltmp2, $4  }
0xce: {  	[sflag:s22] =	ssyncset.done $0x0  }
0xcf: {  	[sflag:s22] =	ssyncadd.s32 $0xFFFFC000  }
0xd0: {  	[spmem:s2] =	stream.indirect.scatter.add.f32 [tilespmem:s19], [sflag:$0x3], $0x80, s8, s18, $0xb8;
	[tilespmem:$0x1C800] =	vst v63  }
0xd1: {  	s10 =	sadd.s32 $0xFFFFFFFF, s10;
	_ =	swait.ge [sflag:s16], $0x4000  }
.LBB2_5:
0xd2: {  	[sflag:s16] =	ssyncset.done $0x0  }
0xd3: {  	s10 =	stileid.u32;
	[sflag:s16] =	ssyncadd.s32 $0xFFFFC000  }
0xd4: {  	s10 =	sshll.u32 s10, $0x6;
	[bflag:$0x0] =	sbarrier.arrive $0xFFFF  }
0xd5: {  	s12 =	sshrl.u32 s6, $0x3;
	s10 =	sor.u32 $0x1C03, s10;
	s13 =	rddreg [dreg:$0x9]  }
0xd6: {  	[hbm:s13], [sflag:s10] =	dma.local [spmem:s12], $0x2800  }
0xd7: {  	_ =	swait.ge [sflag:s16], $0x2800  }
0xd8: {  	s9 =	sadd.s32 $0x1, s9;
	s14 =	rddreg [dreg:$0xa]  }
0xd9: {  	p0 =	sne.s32 s9, s14  }
.Ltmp3:
0xda: {  	_ = 	snop;
	(pc) =	sbr.rel @p0 .LBB2_1-.Ltmp3, $3  }
0xdb: {  	_ =	sdelay $0x1  }
0xdc: {  	[sflag:s16] =	ssyncset.done $0x0  }
0xdd: {  	[sflag:s16] =	ssyncadd.s32 $0xFFFFD800  }
0xde: {  	_ =	sfence.sel $0x180000  }
0xdf: {  	[bflag:$0x0] =	sbarrier.arrive $0xFFFF  }
0xe0: {  	_ =	strace $0x90000047  }
0xe1: {  	s0 =	stileid.u32;
	[bflag:$0x2] =	sbarrier.arrive $0xFFFF  }
0xe2: {  	p0 =	sne.s32 s0, $0x0;
	s0 =	rddreg [dreg:$0x3]  }
0xe3: {  	s0 =	sadd.s32 @!p0 $0x100000, s0  }
0xe4: {  	[sflag:s0] =	ssyncadd.tile.s32 @!p0 $0x1;
	_ =	shalt  }
.Lfunc_end2:
_tile_overlayer_lowered:
.L_overlay_start_2:
0xe5: {  	(tag) =	ssettag $0x2  }
0xe6: {  	s0 =	rddreg [dreg:$0x0];
	s2 =	stileid.u32  }
0xe7: {  	s1 =	rddreg [dreg:$0x1];
	p0 =	sne.s32 s2, $0x0  }
0xe8: {  	s3 =	rddreg [dreg:$0x2];
	[bflag:$0x3] =	sbarrier.arrive $0xFFFF;
	s2 =	simm.s32 @!p0 $0x1C03  }
0xe9: {  	[timem:s3], [sflag:s2] =	dma.local @!p0 [hbm:s0], s1  }
0xea: {  	s0 =	simm.s32 @!p0 $0x3  }
0xeb: {  	_ =	swait.ge @!p0 [sflag:s0], s1  }
0xec: {  	s1 =	ssub.s32 @!p0 $0x0, s1;
	[sflag:s0] =	ssyncset.done @!p0 $0x0  }
0xed: {  	[sflag:s0] =	ssyncadd.s32 @!p0 s1  }
0xee: {  	[bflag:$0x3] =	sbarrier.arrive $0xFFFF  }
0xef: {  	_ =	shalt  }

// kernel: kernel.13.cloned.1.call-start
scs
__scs_entry_jumppad:
0x0: {  	(pc) =	sbr.rel $0x88, $3  }
0x1: {  	(tag) =	ssettag $0x0;
	lr =	simm.s32 $0x1  }
0x2: {  	[smem:$0x3F99] =	sst lr;
	_ =	strace $0xD0000000  }
0x3: {  	_ = 	snop  }
0x4: {  	_ = 	snop  }
0x5: {  	_ = 	snop  }
0x6: {  	_ = 	snop  }
0x7: {  	_ = 	snop  }
__scs_overlays_trampoline_lowered:
0x8: {  	[smem:$0x3FA8] =	sst s0  }
0x9: {  	[smem:$0x3FA9] =	sst s1  }
0xa: {  	[smem:$0x3FAA] =	sst s2  }
0xb: {  	[smem:$0x3FAB] =	sst s3  }
0xc: {  	[smem:$0x3FAC] =	sst s4  }
0xd: {  	[smem:$0x3FAD] =	sst s5  }
0xe: {  	[smem:$0x3FAE] =	sst s6  }
0xf: {  	[smem:$0x3FAF] =	sst s7  }
0x10: {  	[smem:$0x3FB0] =	sst s8  }
0x11: {  	[smem:$0x3FB1] =	sst s9;
	s0 =	simm.s32 @!p0 $0x0  }
0x12: {  	s1 =	sld [smem:$0x3F97];
	s0 =	simm.s32 @p0 $0x1  }
0x13: {  	[smem:$0x3FB2] =	sst s0;
	s0 =	simm.s32 @!p1 $0x0  }
0x14: {  	s2 =	sld [smem:$0x3F96];
	s0 =	simm.s32 @p1 $0x1  }
0x15: {  	[smem:$0x3FB3] =	sst s0;
	s0 =	simm.s32 @!p2 $0x0  }
0x16: {  	s3 =	sld [smem:$0x3FDB];
	s0 =	simm.s32 @p2 $0x1  }
0x17: {  	s4 =	simm.s32 $0x1BF5;
	[smem:$0x3FB5] =	sst s0  }
0x18: {  	s0 =	sld [smem:$0x3F98];
	_ =	swait.ge [sflag:s4], $0x0  }
0x19: {  	s7 =	sld [smem:$0x3F99]  }
0x1a: {  	s8 =	sadd.s32 $0xFFFFE003, lr  }
0x1b: {  	s9 =	sadd.s32 $0xFFFFFEF7, lr;
	s5 =	simm.s32 $0xFFFFFFFF;
	p2 =	slt.u32 s8, $0xFFFFF086  }
0x1c: {  	p1 =	slt.u32 s9, $0xF7A;
	s5 =	simm.s32 @!p2 $0x0  }
0x1d: {  	s5 =	simm.s32 @p1 $0x1;
	p0 =	seq.s32 s7, s2  }
0x1e: {  	s7 =	smul.u32 @!p0 $0xF7A, s2;
	p2 =	seq.s32 @!p0 s5, $0x0  }
0x1f: {  	s9 =	smul.u32 $0xF7A, s1;
	s8 =	simm.s32 @!p0 $0x1BF5;
	p2 =	por !p2, p0  }
0x20: {  	[sflag:s8] =	ssyncset.s32 @!p0 $0xFFFFF086;
	s6 =	sadd.s32 @!p0 s3, s7;
	s7 =	simm.s32 @!p0 $0x108  }
0x21: {  	s3 =	sadd.s32 s3, s9;
	s6 =	sadd.s32 @!p0 $0x88, s6;
	s7 =	simm.s32 @p2 $0x1082  }
0x22: {  	[simem:s7], [sflag:s8] =	dma.local @!p0 [hbm:s6], $0xF7A  }
0x23: {  	s9 =	sor.u32 $0xD0000000, s2;
	s6 =	simm.s32 $0x108;
	_ =	swait.ge @!p0 [sflag:s8], $0x0  }
0x24: {  	s3 =	sadd.s32 $0x88, s3;
	s6 =	simm.s32 @!p1 $0x1082;
	[sflag:s4] =	ssyncset.s32 $0xFFFFF086  }
0x25: {  	[simem:s6], [sflag:s4] =	dma.local [hbm:s3], $0xF7A  }
0x26: {  	[smem:$0x3F99] =	sst s1;
	(tag) =	ssettag s2;
	_ =	strace s9  }
0x27: {  	s1 =	sld [smem:$0x3FA9]  }
0x28: {  	s2 =	sld [smem:$0x3FAA]  }
0x29: {  	s4 =	sld [smem:$0x3FAC]  }
0x2a: {  	p0 =	seq.s32 s5, $0x0;
	s5 =	sld [smem:$0x3FAD]  }
0x2b: {  	s6 =	sld [smem:$0x3FAE]  }
0x2c: {  	s7 =	sld [smem:$0x3FAF]  }
0x2d: {  	s3 =	simm.s32 $0x108;
	s8 =	sld [smem:$0x3FB0]  }
0x2e: {  	s3 =	simm.s32 @!p0 $0x1082;
	s9 =	sld [smem:$0x3FB1]  }
0x2f: {  	lr =	sadd.s32 s0, s3;
	s0 =	sld [smem:$0x3FA8]  }
0x30: {  	s3 =	sld [smem:$0x3FAB]  }
0x31: {  	[smem:$0x3FB4] =	sst s10  }
0x32: {  	s10 =	sld [smem:$0x3FB2];
	_ =	sdelay $0x3  }
0x33: {  	p0 =	seq.s32 s10, $0x1;
	s10 =	sld [smem:$0x3FB4];
	_ =	sdelay $0x3  }
0x34: {  	[smem:$0x3FB4] =	sst s10  }
0x35: {  	s10 =	sld [smem:$0x3FB3];
	_ =	sdelay $0x3  }
0x36: {  	p1 =	seq.s32 s10, $0x1;
	s10 =	sld [smem:$0x3FB4];
	_ =	sdelay $0x3  }
0x37: {  	[smem:$0x3FB4] =	sst s10  }
0x38: {  	s10 =	sld [smem:$0x3FB5]  }
0x39: {  	_ = 	snop;
	(pc) =	sbr.ind lr, $3  }
0x3a: {  	_ = 	snop  }
0x3b: {  	_ = 	snop  }
0x3c: {  	p2 =	seq.s32 s10, $0x1;
	s10 =	sld [smem:$0x3FB4]  }
0x3d: {  	_ =	shalt  }
0x3e: {  	_ =	shalt  }
0x3f: {  	_ =	shalt  }
0x40: {  	_ =	shalt  }
0x41: {  	_ =	shalt  }
0x42: {  	_ =	shalt  }
0x43: {  	_ =	shalt  }
0x44: {  	_ =	shalt  }
0x45: {  	_ =	shalt  }
0x46: {  	_ =	shalt  }
0x47: {  	_ =	shalt  }
0x48: {  	_ =	shalt  }
0x49: {  	_ =	shalt  }
0x4a: {  	_ =	shalt  }
0x4b: {  	_ =	shalt  }
0x4c: {  	_ =	shalt  }
0x4d: {  	_ =	shalt  }
0x4e: {  	_ =	shalt  }
0x4f: {  	_ =	shalt  }
0x50: {  	_ =	shalt  }
0x51: {  	_ =	shalt  }
0x52: {  	_ =	shalt  }
0x53: {  	_ =	shalt  }
0x54: {  	_ =	shalt  }
0x55: {  	_ =	shalt  }
0x56: {  	_ =	shalt  }
0x57: {  	_ =	shalt  }
0x58: {  	_ =	shalt  }
0x59: {  	_ =	shalt  }
0x5a: {  	_ =	shalt  }
0x5b: {  	_ =	shalt  }
0x5c: {  	_ =	shalt  }
0x5d: {  	_ =	shalt  }
0x5e: {  	_ =	shalt  }
0x5f: {  	_ =	shalt  }
0x60: {  	_ =	shalt  }
0x61: {  	_ =	shalt  }
0x62: {  	_ =	shalt  }
0x63: {  	_ =	shalt  }
0x64: {  	_ =	shalt  }
0x65: {  	_ =	shalt  }
0x66: {  	_ =	shalt  }
0x67: {  	_ =	shalt  }
0x68: {  	_ =	shalt  }
0x69: {  	_ =	shalt  }
0x6a: {  	_ =	shalt  }
0x6b: {  	_ =	shalt  }
0x6c: {  	_ =	shalt  }
0x6d: {  	_ =	shalt  }
0x6e: {  	_ =	shalt  }
0x6f: {  	_ =	shalt  }
0x70: {  	_ =	shalt  }
0x71: {  	_ =	shalt  }
0x72: {  	_ =	shalt  }
0x73: {  	_ =	shalt  }
0x74: {  	_ =	shalt  }
0x75: {  	_ =	shalt  }
0x76: {  	_ =	shalt  }
0x77: {  	_ =	shalt  }
0x78: {  	_ =	shalt  }
0x79: {  	_ =	shalt  }
0x7a: {  	_ =	shalt  }
0x7b: {  	_ =	shalt  }
0x7c: {  	_ =	shalt  }
0x7d: {  	_ =	shalt  }
0x7e: {  	_ =	shalt  }
0x7f: {  	_ =	shalt  }
0x80: {  	_ =	shalt  }
0x81: {  	_ =	shalt  }
0x82: {  	_ =	shalt  }
0x83: {  	_ =	shalt  }
0x84: {  	_ =	shalt  }
0x85: {  	_ =	shalt  }
0x86: {  	_ =	shalt  }
0x87: {  	_ =	shalt  }
.Lfunc_end0:
.L_simem_size_0:
called_computation.2_lowered:
.L_overlay_start_0:
0x88: {  	s2 =	sld [smem:$0x3FD9]  }
0x89: {  	s3 =	sld [smem:$0x3FFE];
	_ =	sdelay $0x1  }
0x8a: {  	s1 =	srdreg.scid  }
0x8b: {  	s0 =	sand.u32 $0x1, s1  }
0x8c: {  	s17 =	sshll.u32 s0, $0xA;
	s2 =	sadd.s32 s3, s2  }
0x8d: {  	s2 =	sadd.s32 s2, s17  }
0x8e: {  	[smem:$0x3FC0] =	sst s2  }
0x8f: {  	_ = 	snop  }
0x90: {  	s2 =	sld [smem:$0x3FD0];
	(tm) =	ssettm $0x1  }
0x91: {  	s18 =	sld [smem:$0x3FFB];
	_ =	sdelay $0x3  }
0x92: {  	_ =	strace s18  }
0x93: {  	s3 =	sld [smem:$0x3FFC];
	_ =	sdelay $0x3  }
0x94: {  	_ =	strace s3  }
0x95: {  	s3 =	sld [smem:$0x3FFD];
	_ =	sdelay $0x3  }
0x96: {  	_ =	strace s3  }
0x97: {  	_ =	strace $0x8FFFFFFF  }
0x98: {  	s19 =	sld [smem:$0x3FDB];
	_ =	sdelay $0x1  }
0x99: {  	s4 =	simm.s32 $_scs_section_size  }
0x9a: {  	s5 =	simm.s32 $_size__tile_overlayer_lowered;
	s6 =	simm.s32 $_tile_overlayer_lowered  }
0x9b: {  	s22 =	simm.s32 $0x1BFF;
	s21 =	sshll.u32 s6, $0x1;
	s3 =	sadd.s32 s4, s19  }
0x9c: {  	s7 =	simm.s32 $0x0;
	s20 =	sshll.u32 s5, $0x1;
	s5 =	sadd.s32 s21, s3  }
0x9d: {  	[timem:s7], [sflag:s22] =	dma.local [hbm:s5], s20  }
0x9e: {  	_ =	swait.ge [sflag:s22], s20  }
0x9f: {  	s4 =	ssub.s32 $0x0, s20;
	[sflag:s22] =	ssyncset.done $0x0  }
0xa0: {  	[sflag:s22] =	ssyncadd.s32 s4;
	_ =	sdelay $0x1  }
0xa1: {  	s23 =	simm.s32 $0x1B8B  }
0xa2: {  	_ =	swait.ge [sflag:s23], $0x1  }
0xa3: {  	[sflag:s23] =	ssyncset.done $0x0  }
0xa4: {  	s25 =	simm.s32 $0x1B8E;
	s24 =	sld [smem:$0x3FFE];
	[sflag:s23] =	ssyncadd.s32 $0xFFFFFFFF  }
0xa5: {  	s26 =	simm.s32 $execute0_lowered;
	[smem:$0x3FD2] =	sst s25  }
0xa6: {  	s5 =	sshll.u32 s26, $0x1;
	_ =	strace $0x8000004C;
	[dreg:$0x1] =	wrdreg $0xFFFFFFFF  }
0xa7: {  	s28 =	simm.s32 $_size_execute0_lowered;
	s3 =	sadd.s32 s3, s5;
	[dreg:$0x0] =	wrdreg $0x0  }
0xa8: {  	s5 =	sshll.u32 s28, $0x1;
	[dreg:$0x2] =	wrdreg s3  }
0xa9: {  	[dreg:$0x3] =	wrdreg s5  }
0xaa: {  	[dreg:$0x4] =	wrdreg $0xC0  }
0xab: {  	_ =	task [dreg:s7], $0x5FFFF  }
0xac: {  	[dreg:$0x1] =	wrdreg $0xFFFFFFFF  }
0xad: {  	[dreg:$0x0] =	wrdreg $0x60  }
0xae: {  	[dreg:$0x2] =	wrdreg s24  }
0xaf: {  	[dreg:$0x3] =	wrdreg s2  }
0xb0: {  	[dreg:$0x4] =	wrdreg $0x88000  }
0xb1: {  	[dreg:$0x5] =	wrdreg $0x9  }
0xb2: {  	_ =	task.clear_ibuf [dreg:s7], $0x6FFFF;
	_ =	strace $0x9000004C  }
0xb3: {  	s29 =	simm.s32 $0x9;
	_ =	strace $0x8000004E  }
0xb4: {  	_ =	swait.ge [sflag:s29], $0x1  }
0xb5: {  	[sflag:s29] =	ssyncadd.s32 $0xFFFFFFFF  }
0xb6: {  	_ =	strace $0x9000004E  }
0xb7: {  	_ =	sfence  }
0xb8: {  	s30 =	sld [smem:$0x0];
	_ =	sdelay $0x2  }
0xb9: {  	s31 =	sshll.u32 s1, $0xD;
	s1 =	sshrl.u32 s1, $0x2  }
0xba: {  	s3 =	sand.u32 $0x4000, s31;
	s1 =	sadd.s32 s1, s30  }
0xbb: {  	s0 =	sor.u32 s3, s0;
	s1 =	sshll.u32 s1, $0x11  }
0xbc: {  	s0 =	sor.u32 s1, s0  }
0xbd: {  	s0 =	sadd.s32 $0x8F2B, s0  }
0xbe: {  	[sflag:s0] =	ssyncadd.remote.s32 $0x1  }
0xbf: {  	_ =	sfence.sel $0xFFFF  }
0xc0: {  	[dreg:$0x0] =	wrdreg $0xFFFFFFFF;
	(pc) =	sbr.abs _section_cstart, $3  }
0xc1: {  	[dreg:$0x1] =	wrdreg $0xFFFFFFFF  }
0xc2: {  	_ =	task.clear_ibuf [dreg:s7], $0x2FFFF;
	_ =	strace $0x9FFFFFFF  }
0xc3: {  	(tm) =	ssettm $0x7FFFFFFF  }
tec
execute0_lowered:
.L_overlay_start_1:
0x0: {  	(tag) =	ssettag $0x1  }
0x1: {  	s0 =	rddreg [dreg:$0x0]  }
0x2: {  	s1 =	rddreg [dreg:$0x1]  }
0x3: {  	s2 =	rddreg [dreg:$0x2]  }
0x4: {  	s4 =	simm.s32 $0x0;
	s3 =	srdreg.scid;
	s10 =	stileid.u32  }
0x5: {  	s11 =	simm.s32 $0x10;
	s15 =	simm.s32 $0x800;
	s16 =	simm.s32 $0x3  }
0x6: {  	s17 =	simm.s32 $0x400;
	s28 =	simm.s32 $0x580;
	s29 =	simm.s32 $0x280  }
0x7: {  	s30 =	simm.s32 $0x600;
	s31 =	simm.s32 $0x300;
	[smem:$0x7FF] =	sst s4  }
0x8: {  	s3 =	sand.u32 $0x1, s3;
	s7 =	smul.u32 $0x14000, s10;
	s5 =	sadd.s32 $0x2800, s0  }
0x9: {  	s8 =	sadd.s32 $0x34800, s0;
	s9 =	smul.u32 $0x50000, s10;
	s24 =	sshll.u32 s10, $0xE  }
0xa: {  	s6 =	smul.u32 $0x140000, s3;
	_ =	strace $0x8000004D;
	[dreg:$0x4] =	wrdreg s8  }
0xb: {  	s18 =	ssub.s32 $0x2, s3;
	p0 =	seq.s32 s3, $0x0;
	s3 =	sshll.u32 s3, $0x12  }
0xc: {  	s8 =	simm.s32 $0x780;
	s19 =	sshrl.u32 s18, $0x1;
	s9 =	sshrl.u32 s9, $0x2  }
0xd: {  	s11 =	simm.s32 @!p0 $0x4;
	s26 =	sor.u32 s24, s3;
	s24 =	simm.s32 $0x180  }
0xe: {  	s3 =	simm.s32 $0x380;
	s6 =	sadd.s32 s7, s6;
	s7 =	ssub.s32 s18, s19  }
0xf: {  	[dreg:$0xb] =	wrdreg s26;
	s18 =	simm.s32 $0x80;
	s6 =	sshrl.u32 s6, $0x3  }
0x10: {  	s25 =	smax.u32 s7, $0x1;
	s0 =	sadd.s32 s6, s0;
	s6 =	sadd.s32 s9, s2  }
0x11: {  	s19 =	simm.s32 $0x4800;
	[dreg:$0xa] =	wrdreg s25;
	s20 =	sadd.s32 $0x4000, s6  }
0x12: {  	s26 =	simm.s32 $0x200;
	s21 =	sadd.s32 $0x8000, s6;
	[dreg:$0x5] =	wrdreg s20  }
0x13: {  	s7 =	simm.s32 $0x700;
	s22 =	sadd.s32 $0xC000, s6;
	[dreg:$0x6] =	wrdreg s21  }
0x14: {  	s25 =	simm.s32 $0x500;
	s23 =	sadd.s32 $0x10000, s6;
	[dreg:$0x7] =	wrdreg s22  }
0x15: {  	s9 =	simm.s32 $0x0;
	s0 =	sadd.s32 $0x6C800, s0;
	[dreg:$0x8] =	wrdreg s23  }
0x16: {  	[dreg:$0x9] =	wrdreg s0;
	s20 =	simm.s32 $0x1;
	s21 =	simm.s32 $0x100  }
0x17: {  	v0 =	vimm.f32 $0.0e+00;
	s22 =	simm.s32 $0x2;
	s23 =	simm.s32 $0x480;
	s0 =	simm.s32 $0x680  }
.LBB2_1:
0x18: {  	s10 =	simm.s32 $0x0;
	s14 =	simm.s32 $0x200  }
.LBB2_2:
0x19: {  	p0 =	sne.s32 s14, $0xFE00;
	[tilespmem:s10+$0x870] =	vst v0  }
0x1a: {  	[tilespmem:s10+$0x800] =	vst v0  }
0x1b: {  	[tilespmem:s10+$0x810] =	vst v0  }
.Ltmp0:
0x1c: {  	[tilespmem:s10+$0x820] =	vst v0;
	(pc) =	sbr.rel @p0 .LBB2_2-.Ltmp0, $4  }
0x1d: {  	[tilespmem:s10+$0x830] =	vst v0  }
0x1e: {  	[tilespmem:s10+$0x840] =	vst v0  }
0x1f: {  	[tilespmem:s10+$0x850] =	vst v0  }
0x20: {  	[tilespmem:s10+$0x860] =	vst v0;
	s10 =	sshra.s32 s14, $0x2;
	s14 =	sadd.s32 $0x200, s14  }
0x21: {  	[tilespmem:s10+$0x870] =	vst v0  }
0x22: {  	[tilespmem:s10+$0x800] =	vst v0  }
0x23: {  	[tilespmem:s10+$0x810] =	vst v0  }
0x24: {  	[tilespmem:s10+$0x820] =	vst v0  }
0x25: {  	[tilespmem:s10+$0x830] =	vst v0  }
0x26: {  	[tilespmem:s10+$0x840] =	vst v0  }
0x27: {  	[tilespmem:s10+$0x850] =	vst v0  }
0x28: {  	[tilespmem:s10+$0x860] =	vst v0  }
0x29: {  	[spmem:s6] =	stream.linear.scatter [tilespmem:s15], [sflag:$0x3], $0x4000, $0x38;
	[tilespmem:$0x1C800] =	vst v63  }
0x2a: {  	_ =	swait.ge [sflag:s16], $0x4000  }
0x2b: {  	[sflag:s16] =	ssyncset.done $0x0  }
0x2c: {  	s12 =	rddreg [dreg:$0x5];
	[sflag:s16] =	ssyncadd.s32 $0xFFFFC000  }
0x2d: {  	[spmem:s12] =	stream.linear.scatter [tilespmem:s15], [sflag:$0x3], $0x4000, $0x38;
	[tilespmem:$0x1C800] =	vst v63  }
0x2e: {  	_ =	swait.ge [sflag:s16], $0x4000  }
0x2f: {  	[sflag:s16] =	ssyncset.done $0x0  }
0x30: {  	s13 =	rddreg [dreg:$0x6];
	[sflag:s16] =	ssyncadd.s32 $0xFFFFC000  }
0x31: {  	[spmem:s13] =	stream.linear.scatter [tilespmem:s15], [sflag:$0x3], $0x4000, $0x38;
	[tilespmem:$0x1C800] =	vst v63  }
0x32: {  	_ =	swait.ge [sflag:s16], $0x4000  }
0x33: {  	[sflag:s16] =	ssyncset.done $0x0  }
0x34: {  	s14 =	rddreg [dreg:$0x7];
	[sflag:s16] =	ssyncadd.s32 $0xFFFFC000  }
0x35: {  	[spmem:s14] =	stream.linear.scatter [tilespmem:s15], [sflag:$0x3], $0x4000, $0x38;
	[tilespmem:$0x1C800] =	vst v63  }
0x36: {  	_ =	swait.ge [sflag:s16], $0x4000  }
0x37: {  	[sflag:s16] =	ssyncset.done $0x0  }
0x38: {  	s12 =	rddreg [dreg:$0x8];
	[sflag:s16] =	ssyncadd.s32 $0xFFFFC000  }
0x39: {  	[spmem:s12] =	stream.linear.scatter [tilespmem:s15], [sflag:$0x3], $0x4000, $0x38;
	[tilespmem:$0x1C800] =	vst v63  }
0x3a: {  	_ =	swait.ge [sflag:s16], $0x4000  }
0x3b: {  	[sflag:s16] =	ssyncset.done $0x0  }
0x3c: {  	[sflag:s16] =	ssyncadd.s32 $0xFFFFC000  }
0x3d: {  	[bflag:$0x0] =	sbarrier.arrive $0xFFFF  }
0x3e: {  	s12 =	rddreg [dreg:$0xb]  }
0x3f: {  	s13 =	rddreg [dreg:$0x4];
	s14 =	sshrl.u32 s12, $0x3  }
0x40: {  	s10 =	sadd.s32 s13, s14  }
0x41: {  	[tilespmem:s4], [sflag:$0x3] =	stream.linear.gather [hbm4b:s10+s4], $0x400, $0x38;
	[tilespmem:$0x1C800] =	vst v63  }
0x42: {  	_ =	swait.ge [sflag:s16], $0x400  }
0x43: {  	[sflag:s16] =	ssyncset.done $0x0  }
0x44: {  	s14 =	sadd.s32 s1, s14;
	[sflag:s16] =	ssyncadd.s32 $0xFFFFFC00  }
0x45: {  	[tilespmem:s17], [sflag:$0x3] =	stream.linear.gather [hbm4b:s14+s4], $0x400, $0x38;
	[tilespmem:$0x1C800] =	vst v63  }
0x46: {  	_ =	swait.ge [sflag:s16], $0x400  }
0x47: {  	[sflag:s16] =	ssyncset.done $0x0  }
0x48: {  	[sflag:s16] =	ssyncadd.s32 $0xFFFFFC00  }
0x49: {  	[tilespmem:s15], [sflag:$0x1] =	stream.indirect.gather [hbm4b:s5+s18], $0x80, s4, s18, $0xb8;
	[tilespmem:$0x1C800] =	vst v63  }
0x4a: {  	_ = 	snop  }
0x4b: {  	[tilespmem:s19], [sflag:$0x2] =	stream.indirect.gather [hbm4b:s5+s18], $0x80, s18, s18, $0xb8;
	[tilespmem:$0x1C800] =	vst v63  }
0x4c: {  	_ =	swait.ge [sflag:s20], $0x4000  }
0x4d: {  	[sflag:s20] =	ssyncset.done $0x0  }
0x4e: {  	[sflag:s20] =	ssyncadd.s32 $0xFFFFC000  }
0x4f: {  	[spmem:s2] =	stream.indirect.scatter.add.f32 [tilespmem:s15], [sflag:$0x3], $0x80, s17, s18, $0xb8;
	[tilespmem:$0x1C800] =	vst v63  }
0x50: {  	_ =	swait.ge [sflag:s16], $0x4000  }
0x51: {  	[sflag:s16] =	ssyncset.done $0x0  }
0x52: {  	[sflag:s16] =	ssyncadd.s32 $0xFFFFC000  }
0x53: {  	[tilespmem:s15], [sflag:$0x1] =	stream.indirect.gather [hbm4b:s5+s18], $0x80, s21, s18, $0xb8;
	[tilespmem:$0x1C800] =	vst v63  }
0x54: {  	_ =	swait.ge [sflag:s22], $0x4000  }
0x55: {  	[sflag:s22] =	ssyncset.done $0x0  }
0x56: {  	[sflag:s22] =	ssyncadd.s32 $0xFFFFC000  }
0x57: {  	[spmem:s2] =	stream.indirect.scatter.add.f32 [tilespmem:s19], [sflag:$0x3], $0x80, s23, s18, $0xb8;
	[tilespmem:$0x1C800] =	vst v63  }
0x58: {  	_ =	swait.ge [sflag:s16], $0x4000  }
0x59: {  	[sflag:s16] =	ssyncset.done $0x0  }
0x5a: {  	[sflag:s16] =	ssyncadd.s32 $0xFFFFC000  }
0x5b: {  	[tilespmem:s19], [sflag:$0x2] =	stream.indirect.gather [hbm4b:s5+s18], $0x80, s24, s18, $0xb8;
	[tilespmem:$0x1C800] =	vst v63  }
0x5c: {  	_ =	swait.ge [sflag:s20], $0x4000  }
0x5d: {  	[sflag:s20] =	ssyncset.done $0x0  }
0x5e: {  	[sflag:s20] =	ssyncadd.s32 $0xFFFFC000  }
0x5f: {  	[spmem:s2] =	stream.indirect.scatter.add.f32 [tilespmem:s15], [sflag:$0x3], $0x80, s25, s18, $0xb8;
	[tilespmem:$0x1C800] =	vst v63  }
0x60: {  	_ =	swait.ge [sflag:s16], $0x4000  }
0x61: {  	[sflag:s16] =	ssyncset.done $0x0  }
0x62: {  	[sflag:s16] =	ssyncadd.s32 $0xFFFFC000  }
0x63: {  	[tilespmem:s15], [sflag:$0x1] =	stream.indirect.gather [hbm4b:s5+s18], $0x80, s26, s18, $0xb8;
	[tilespmem:$0x1C800] =	vst v63  }
0x64: {  	_ =	swait.ge [sflag:s22], $0x4000  }
0x65: {  	[sflag:s22] =	ssyncset.done $0x0  }
0x66: {  	[sflag:s22] =	ssyncadd.s32 $0xFFFFC000  }
0x67: {  	[spmem:s2] =	stream.indirect.scatter.add.f32 [tilespmem:s19], [sflag:$0x3], $0x80, s28, s18, $0xb8;
	[tilespmem:$0x1C800] =	vst v63  }
0x68: {  	_ =	swait.ge [sflag:s16], $0x4000  }
0x69: {  	[sflag:s16] =	ssyncset.done $0x0  }
0x6a: {  	[sflag:s16] =	ssyncadd.s32 $0xFFFFC000  }
0x6b: {  	[tilespmem:s19], [sflag:$0x2] =	stream.indirect.gather [hbm4b:s5+s18], $0x80, s29, s18, $0xb8;
	[tilespmem:$0x1C800] =	vst v63  }
0x6c: {  	_ =	swait.ge [sflag:s20], $0x4000  }
0x6d: {  	[sflag:s20] =	ssyncset.done $0x0  }
0x6e: {  	[sflag:s20] =	ssyncadd.s32 $0xFFFFC000  }
0x6f: {  	[spmem:s2] =	stream.indirect.scatter.add.f32 [tilespmem:s15], [sflag:$0x3], $0x80, s30, s18, $0xb8;
	[tilespmem:$0x1C800] =	vst v63  }
0x70: {  	_ =	swait.ge [sflag:s16], $0x4000  }
0x71: {  	[sflag:s16] =	ssyncset.done $0x0  }
0x72: {  	[sflag:s16] =	ssyncadd.s32 $0xFFFFC000  }
0x73: {  	[tilespmem:s15], [sflag:$0x1] =	stream.indirect.gather [hbm4b:s5+s18], $0x80, s31, s18, $0xb8;
	[tilespmem:$0x1C800] =	vst v63  }
0x74: {  	_ =	swait.ge [sflag:s22], $0x4000  }
0x75: {  	[sflag:s22] =	ssyncset.done $0x0  }
0x76: {  	[sflag:s22] =	ssyncadd.s32 $0xFFFFC000  }
0x77: {  	[spmem:s2] =	stream.indirect.scatter.add.f32 [tilespmem:s19], [sflag:$0x3], $0x80, s0, s18, $0xb8;
	[tilespmem:$0x1C800] =	vst v63  }
0x78: {  	_ =	swait.ge [sflag:s16], $0x4000  }
0x79: {  	[sflag:s16] =	ssyncset.done $0x0  }
0x7a: {  	[sflag:s16] =	ssyncadd.s32 $0xFFFFC000  }
0x7b: {  	[tilespmem:s19], [sflag:$0x2] =	stream.indirect.gather [hbm4b:s5+s18], $0x80, s3, s18, $0xb8;
	[tilespmem:$0x1C800] =	vst v63  }
0x7c: {  	_ =	swait.ge [sflag:s20], $0x4000  }
0x7d: {  	[sflag:s20] =	ssyncset.done $0x0  }
0x7e: {  	[sflag:s20] =	ssyncadd.s32 $0xFFFFC000  }
0x7f: {  	[spmem:s2] =	stream.indirect.scatter.add.f32 [tilespmem:s15], [sflag:$0x3], $0x80, s7, s18, $0xb8;
	[tilespmem:$0x1C800] =	vst v63  }
0x80: {  	_ =	swait.ge [sflag:s16], $0x4000  }
0x81: {  	[sflag:s16] =	ssyncset.done $0x0  }
0x82: {  	p0 =	sne.s32 s11, $0x1;
	[sflag:s16] =	ssyncadd.s32 $0xFFFFC000  }
.Ltmp1:
0x83: {  	_ =	swait.ge [sflag:s22], $0x4000;
	(pc) =	sbr.rel @!p0 .LBB2_5-.Ltmp1, $4  }
0x84: {  	[sflag:s22] =	ssyncset.done $0x0  }
0x85: {  	[sflag:s22] =	ssyncadd.s32 $0xFFFFC000  }
0x86: {  	[spmem:s2] =	stream.indirect.scatter.add.f32 [tilespmem:s19], [sflag:$0x3], $0x80, s8, s18, $0xb8;
	[tilespmem:$0x1C800] =	vst v63  }
0x87: {  	s10 =	sadd.s32 $0xFFFFFFFF, s11;
	s14 =	smov.u32 s12;
	_ =	swait.ge [sflag:s16], $0x4000  }
.LBB2_4:
0x88: {  	s14 =	sadd.s32 $0x400, s14  }
0x89: {  	s13 =	rddreg [dreg:$0x4];
	[sflag:s16] =	ssyncset.done $0x0;
	s12 =	sshrl.u32 s14, $0x3  }
0x8a: {  	[sflag:s16] =	ssyncadd.s32 $0xFFFFC000;
	s13 =	sadd.s32 s13, s12  }
0x8b: {  	[tilespmem:s4], [sflag:$0x3] =	stream.linear.gather [hbm4b:s13+s4], $0x400, $0x38;
	[tilespmem:$0x1C800] =	vst v63  }
0x8c: {  	_ =	swait.ge [sflag:s16], $0x400  }
0x8d: {  	[sflag:s16] =	ssyncset.done $0x0  }
0x8e: {  	s12 =	sadd.s32 s1, s12;
	[sflag:s16] =	ssyncadd.s32 $0xFFFFFC00  }
0x8f: {  	[tilespmem:s17], [sflag:$0x3] =	stream.linear.gather [hbm4b:s12+s4], $0x400, $0x38;
	[tilespmem:$0x1C800] =	vst v63  }
0x90: {  	_ =	swait.ge [sflag:s16], $0x400  }
0x91: {  	[sflag:s16] =	ssyncset.done $0x0  }
0x92: {  	[sflag:s16] =	ssyncadd.s32 $0xFFFFFC00  }
0x93: {  	[tilespmem:s15], [sflag:$0x1] =	stream.indirect.gather [hbm4b:s5+s18], $0x80, s4, s18, $0xb8;
	[tilespmem:$0x1C800] =	vst v63  }
0x94: {  	_ = 	snop  }
0x95: {  	[tilespmem:s19], [sflag:$0x2] =	stream.indirect.gather [hbm4b:s5+s18], $0x80, s18, s18, $0xb8;
	[tilespmem:$0x1C800] =	vst v63  }
0x96: {  	_ =	swait.ge [sflag:s20], $0x4000  }
0x97: {  	[sflag:s20] =	ssyncset.done $0x0  }
0x98: {  	[sflag:s20] =	ssyncadd.s32 $0xFFFFC000  }
0x99: {  	[spmem:s2] =	stream.indirect.scatter.add.f32 [tilespmem:s15], [sflag:$0x3], $0x80, s17, s18, $0xb8;
	[tilespmem:$0x1C800] =	vst v63  }
0x9a: {  	_ =	swait.ge [sflag:s16], $0x4000  }
0x9b: {  	[sflag:s16] =	ssyncset.done $0x0  }
0x9c: {  	[sflag:s16] =	ssyncadd.s32 $0xFFFFC000  }
0x9d: {  	[tilespmem:s15], [sflag:$0x1] =	stream.indirect.gather [hbm4b:s5+s18], $0x80, s21, s18, $0xb8;
	[tilespmem:$0x1C800] =	vst v63  }
0x9e: {  	_ =	swait.ge [sflag:s22], $0x4000  }
0x9f: {  	[sflag:s22] =	ssyncset.done $0x0  }
0xa0: {  	[sflag:s22] =	ssyncadd.s32 $0xFFFFC000  }
0xa1: {  	[spmem:s2] =	stream.indirect.scatter.add.f32 [tilespmem:s19], [sflag:$0x3], $0x80, s23, s18, $0xb8;
	[tilespmem:$0x1C800] =	vst v63  }
0xa2: {  	_ =	swait.ge [sflag:s16], $0x4000  }
0xa3: {  	[sflag:s16] =	ssyncset.done $0x0  }
0xa4: {  	[sflag:s16] =	ssyncadd.s32 $0xFFFFC000  }
0xa5: {  	[tilespmem:s19], [sflag:$0x2] =	stream.indirect.gather [hbm4b:s5+s18], $0x80, s24, s18, $0xb8;
	[tilespmem:$0x1C800] =	vst v63  }
0xa6: {  	_ =	swait.ge [sflag:s20], $0x4000  }
0xa7: {  	[sflag:s20] =	ssyncset.done $0x0  }
0xa8: {  	[sflag:s20] =	ssyncadd.s32 $0xFFFFC000  }
0xa9: {  	[spmem:s2] =	stream.indirect.scatter.add.f32 [tilespmem:s15], [sflag:$0x3], $0x80, s25, s18, $0xb8;
	[tilespmem:$0x1C800] =	vst v63  }
0xaa: {  	_ =	swait.ge [sflag:s16], $0x4000  }
0xab: {  	[sflag:s16] =	ssyncset.done $0x0  }
0xac: {  	[sflag:s16] =	ssyncadd.s32 $0xFFFFC000  }
0xad: {  	[tilespmem:s15], [sflag:$0x1] =	stream.indirect.gather [hbm4b:s5+s18], $0x80, s26, s18, $0xb8;
	[tilespmem:$0x1C800] =	vst v63  }
0xae: {  	_ =	swait.ge [sflag:s22], $0x4000  }
0xaf: {  	[sflag:s22] =	ssyncset.done $0x0  }
0xb0: {  	[sflag:s22] =	ssyncadd.s32 $0xFFFFC000  }
0xb1: {  	[spmem:s2] =	stream.indirect.scatter.add.f32 [tilespmem:s19], [sflag:$0x3], $0x80, s28, s18, $0xb8;
	[tilespmem:$0x1C800] =	vst v63  }
0xb2: {  	_ =	swait.ge [sflag:s16], $0x4000  }
0xb3: {  	[sflag:s16] =	ssyncset.done $0x0  }
0xb4: {  	[sflag:s16] =	ssyncadd.s32 $0xFFFFC000  }
0xb5: {  	[tilespmem:s19], [sflag:$0x2] =	stream.indirect.gather [hbm4b:s5+s18], $0x80, s29, s18, $0xb8;
	[tilespmem:$0x1C800] =	vst v63  }
0xb6: {  	_ =	swait.ge [sflag:s20], $0x4000  }
0xb7: {  	[sflag:s20] =	ssyncset.done $0x0  }
0xb8: {  	[sflag:s20] =	ssyncadd.s32 $0xFFFFC000  }
0xb9: {  	[spmem:s2] =	stream.indirect.scatter.add.f32 [tilespmem:s15], [sflag:$0x3], $0x80, s30, s18, $0xb8;
	[tilespmem:$0x1C800] =	vst v63  }
0xba: {  	_ =	swait.ge [sflag:s16], $0x4000  }
0xbb: {  	[sflag:s16] =	ssyncset.done $0x0  }
0xbc: {  	[sflag:s16] =	ssyncadd.s32 $0xFFFFC000  }
0xbd: {  	[tilespmem:s15], [sflag:$0x1] =	stream.indirect.gather [hbm4b:s5+s18], $0x80, s31, s18, $0xb8;
	[tilespmem:$0x1C800] =	vst v63  }
0xbe: {  	_ =	swait.ge [sflag:s22], $0x4000  }
0xbf: {  	[sflag:s22] =	ssyncset.done $0x0  }
0xc0: {  	[sflag:s22] =	ssyncadd.s32 $0xFFFFC000  }
0xc1: {  	[spmem:s2] =	stream.indirect.scatter.add.f32 [tilespmem:s19], [sflag:$0x3], $0x80, s0, s18, $0xb8;
	[tilespmem:$0x1C800] =	vst v63  }
0xc2: {  	_ =	swait.ge [sflag:s16], $0x4000  }
0xc3: {  	[sflag:s16] =	ssyncset.done $0x0  }
0xc4: {  	[sflag:s16] =	ssyncadd.s32 $0xFFFFC000  }
0xc5: {  	[tilespmem:s19], [sflag:$0x2] =	stream.indirect.gather [hbm4b:s5+s18], $0x80, s3, s18, $0xb8;
	[tilespmem:$0x1C800] =	vst v63  }
0xc6: {  	_ =	swait.ge [sflag:s20], $0x4000  }
0xc7: {  	[sflag:s20] =	ssyncset.done $0x0  }
0xc8: {  	[sflag:s20] =	ssyncadd.s32 $0xFFFFC000  }
0xc9: {  	[spmem:s2] =	stream.indirect.scatter.add.f32 [tilespmem:s15], [sflag:$0x3], $0x80, s7, s18, $0xb8;
	[tilespmem:$0x1C800] =	vst v63  }
0xca: {  	_ =	swait.ge [sflag:s16], $0x4000  }
0xcb: {  	[sflag:s16] =	ssyncset.done $0x0  }
0xcc: {  	p0 =	sne.s32 s10, $0x1;
	[sflag:s16] =	ssyncadd.s32 $0xFFFFC000  }
.Ltmp2:
0xcd: {  	_ =	swait.ge [sflag:s22], $0x4000;
	(pc) =	sbr.rel @p0 .LBB2_4-.Ltmp2, $4  }
0xce: {  	[sflag:s22] =	ssyncset.done $0x0  }
0xcf: {  	[sflag:s22] =	ssyncadd.s32 $0xFFFFC000  }
0xd0: {  	[spmem:s2] =	stream.indirect.scatter.add.f32 [tilespmem:s19], [sflag:$0x3], $0x80, s8, s18, $0xb8;
	[tilespmem:$0x1C800] =	vst v63  }
0xd1: {  	s10 =	sadd.s32 $0xFFFFFFFF, s10;
	_ =	swait.ge [sflag:s16], $0x4000  }
.LBB2_5:
0xd2: {  	[sflag:s16] =	ssyncset.done $0x0  }
0xd3: {  	s10 =	stileid.u32;
	[sflag:s16] =	ssyncadd.s32 $0xFFFFC000  }
0xd4: {  	s10 =	sshll.u32 s10, $0x6;
	[bflag:$0x0] =	sbarrier.arrive $0xFFFF  }
0xd5: {  	s12 =	sshrl.u32 s6, $0x3;
	s10 =	sor.u32 $0x1C03, s10;
	s13 =	rddreg [dreg:$0x9]  }
0xd6: {  	[hbm:s13], [sflag:s10] =	dma.local [spmem:s12], $0x2800  }
0xd7: {  	_ =	swait.ge [sflag:s16], $0x2800  }
0xd8: {  	s9 =	sadd.s32 $0x1, s9;
	s14 =	rddreg [dreg:$0xa]  }
0xd9: {  	p0 =	sne.s32 s9, s14  }
.Ltmp3:
0xda: {  	_ = 	snop;
	(pc) =	sbr.rel @p0 .LBB2_1-.Ltmp3, $3  }
0xdb: {  	_ =	sdelay $0x1  }
0xdc: {  	[sflag:s16] =	ssyncset.done $0x0  }
0xdd: {  	[sflag:s16] =	ssyncadd.s32 $0xFFFFD800  }
0xde: {  	_ =	sfence.sel $0x180000  }
0xdf: {  	[bflag:$0x0] =	sbarrier.arrive $0xFFFF  }
0xe0: {  	_ =	strace $0x9000004D  }
0xe1: {  	s0 =	stileid.u32;
	[bflag:$0x2] =	sbarrier.arrive $0xFFFF  }
0xe2: {  	p0 =	sne.s32 s0, $0x0;
	s0 =	rddreg [dreg:$0x3]  }
0xe3: {  	s0 =	sadd.s32 @!p0 $0x100000, s0  }
0xe4: {  	[sflag:s0] =	ssyncadd.tile.s32 @!p0 $0x1;
	_ =	shalt  }
.Lfunc_end2:
_tile_overlayer_lowered:
.L_overlay_start_2:
0xe5: {  	(tag) =	ssettag $0x2  }
0xe6: {  	s0 =	rddreg [dreg:$0x0];
	s2 =	stileid.u32  }
0xe7: {  	s1 =	rddreg [dreg:$0x1];
	p0 =	sne.s32 s2, $0x0  }
0xe8: {  	s3 =	rddreg [dreg:$0x2];
	[bflag:$0x3] =	sbarrier.arrive $0xFFFF;
	s2 =	simm.s32 @!p0 $0x1C03  }
0xe9: {  	[timem:s3], [sflag:s2] =	dma.local @!p0 [hbm:s0], s1  }
0xea: {  	s0 =	simm.s32 @!p0 $0x3  }
0xeb: {  	_ =	swait.ge @!p0 [sflag:s0], s1  }
0xec: {  	s1 =	ssub.s32 @!p0 $0x0, s1;
	[sflag:s0] =	ssyncset.done @!p0 $0x0  }
0xed: {  	[sflag:s0] =	ssyncadd.s32 @!p0 s1  }
0xee: {  	[bflag:$0x3] =	sbarrier.arrive $0xFFFF  }
0xef: {  	_ =	shalt  }

// kernel: kernel.7.cloned.1.call-start
scs
__scs_entry_jumppad:
0x0: {  	(pc) =	sbr.rel $0x88, $3  }
0x1: {  	(tag) =	ssettag $0x0;
	lr =	simm.s32 $0x1  }
0x2: {  	[smem:$0x3F99] =	sst lr;
	_ =	strace $0xD0000000  }
0x3: {  	_ = 	snop  }
0x4: {  	_ = 	snop  }
0x5: {  	_ = 	snop  }
0x6: {  	_ = 	snop  }
0x7: {  	_ = 	snop  }
__scs_overlays_trampoline_lowered:
0x8: {  	[smem:$0x3FA8] =	sst s0  }
0x9: {  	[smem:$0x3FA9] =	sst s1  }
0xa: {  	[smem:$0x3FAA] =	sst s2  }
0xb: {  	[smem:$0x3FAB] =	sst s3  }
0xc: {  	[smem:$0x3FAC] =	sst s4  }
0xd: {  	[smem:$0x3FAD] =	sst s5  }
0xe: {  	[smem:$0x3FAE] =	sst s6  }
0xf: {  	[smem:$0x3FAF] =	sst s7  }
0x10: {  	[smem:$0x3FB0] =	sst s8  }
0x11: {  	[smem:$0x3FB1] =	sst s9;
	s0 =	simm.s32 @!p0 $0x0  }
0x12: {  	s1 =	sld [smem:$0x3F97];
	s0 =	simm.s32 @p0 $0x1  }
0x13: {  	[smem:$0x3FB2] =	sst s0;
	s0 =	simm.s32 @!p1 $0x0  }
0x14: {  	s2 =	sld [smem:$0x3F96];
	s0 =	simm.s32 @p1 $0x1  }
0x15: {  	[smem:$0x3FB3] =	sst s0;
	s0 =	simm.s32 @!p2 $0x0  }
0x16: {  	s3 =	sld [smem:$0x3FDB];
	s0 =	simm.s32 @p2 $0x1  }
0x17: {  	s4 =	simm.s32 $0x1BF5;
	[smem:$0x3FB5] =	sst s0  }
0x18: {  	s0 =	sld [smem:$0x3F98];
	_ =	swait.ge [sflag:s4], $0x0  }
0x19: {  	s7 =	sld [smem:$0x3F99]  }
0x1a: {  	s8 =	sadd.s32 $0xFFFFE003, lr  }
0x1b: {  	s9 =	sadd.s32 $0xFFFFFEF7, lr;
	s5 =	simm.s32 $0xFFFFFFFF;
	p2 =	slt.u32 s8, $0xFFFFF086  }
0x1c: {  	p1 =	slt.u32 s9, $0xF7A;
	s5 =	simm.s32 @!p2 $0x0  }
0x1d: {  	s5 =	simm.s32 @p1 $0x1;
	p0 =	seq.s32 s7, s2  }
0x1e: {  	s7 =	smul.u32 @!p0 $0xF7A, s2;
	p2 =	seq.s32 @!p0 s5, $0x0  }
0x1f: {  	s9 =	smul.u32 $0xF7A, s1;
	s8 =	simm.s32 @!p0 $0x1BF5;
	p2 =	por !p2, p0  }
0x20: {  	[sflag:s8] =	ssyncset.s32 @!p0 $0xFFFFF086;
	s6 =	sadd.s32 @!p0 s3, s7;
	s7 =	simm.s32 @!p0 $0x108  }
0x21: {  	s3 =	sadd.s32 s3, s9;
	s6 =	sadd.s32 @!p0 $0x88, s6;
	s7 =	simm.s32 @p2 $0x1082  }
0x22: {  	[simem:s7], [sflag:s8] =	dma.local @!p0 [hbm:s6], $0xF7A  }
0x23: {  	s9 =	sor.u32 $0xD0000000, s2;
	s6 =	simm.s32 $0x108;
	_ =	swait.ge @!p0 [sflag:s8], $0x0  }
0x24: {  	s3 =	sadd.s32 $0x88, s3;
	s6 =	simm.s32 @!p1 $0x1082;
	[sflag:s4] =	ssyncset.s32 $0xFFFFF086  }
0x25: {  	[simem:s6], [sflag:s4] =	dma.local [hbm:s3], $0xF7A  }
0x26: {  	[smem:$0x3F99] =	sst s1;
	(tag) =	ssettag s2;
	_ =	strace s9  }
0x27: {  	s1 =	sld [smem:$0x3FA9]  }
0x28: {  	s2 =	sld [smem:$0x3FAA]  }
0x29: {  	s4 =	sld [smem:$0x3FAC]  }
0x2a: {  	p0 =	seq.s32 s5, $0x0;
	s5 =	sld [smem:$0x3FAD]  }
0x2b: {  	s6 =	sld [smem:$0x3FAE]  }
0x2c: {  	s7 =	sld [smem:$0x3FAF]  }
0x2d: {  	s3 =	simm.s32 $0x108;
	s8 =	sld [smem:$0x3FB0]  }
0x2e: {  	s3 =	simm.s32 @!p0 $0x1082;
	s9 =	sld [smem:$0x3FB1]  }
0x2f: {  	lr =	sadd.s32 s0, s3;
	s0 =	sld [smem:$0x3FA8]  }
0x30: {  	s3 =	sld [smem:$0x3FAB]  }
0x31: {  	[smem:$0x3FB4] =	sst s10  }
0x32: {  	s10 =	sld [smem:$0x3FB2];
	_ =	sdelay $0x3  }
0x33: {  	p0 =	seq.s32 s10, $0x1;
	s10 =	sld [smem:$0x3FB4];
	_ =	sdelay $0x3  }
0x34: {  	[smem:$0x3FB4] =	sst s10  }
0x35: {  	s10 =	sld [smem:$0x3FB3];
	_ =	sdelay $0x3  }
0x36: {  	p1 =	seq.s32 s10, $0x1;
	s10 =	sld [smem:$0x3FB4];
	_ =	sdelay $0x3  }
0x37: {  	[smem:$0x3FB4] =	sst s10  }
0x38: {  	s10 =	sld [smem:$0x3FB5]  }
0x39: {  	_ = 	snop;
	(pc) =	sbr.ind lr, $3  }
0x3a: {  	_ = 	snop  }
0x3b: {  	_ = 	snop  }
0x3c: {  	p2 =	seq.s32 s10, $0x1;
	s10 =	sld [smem:$0x3FB4]  }
0x3d: {  	_ =	shalt  }
0x3e: {  	_ =	shalt  }
0x3f: {  	_ =	shalt  }
0x40: {  	_ =	shalt  }
0x41: {  	_ =	shalt  }
0x42: {  	_ =	shalt  }
0x43: {  	_ =	shalt  }
0x44: {  	_ =	shalt  }
0x45: {  	_ =	shalt  }
0x46: {  	_ =	shalt  }
0x47: {  	_ =	shalt  }
0x48: {  	_ =	shalt  }
0x49: {  	_ =	shalt  }
0x4a: {  	_ =	shalt  }
0x4b: {  	_ =	shalt  }
0x4c: {  	_ =	shalt  }
0x4d: {  	_ =	shalt  }
0x4e: {  	_ =	shalt  }
0x4f: {  	_ =	shalt  }
0x50: {  	_ =	shalt  }
0x51: {  	_ =	shalt  }
0x52: {  	_ =	shalt  }
0x53: {  	_ =	shalt  }
0x54: {  	_ =	shalt  }
0x55: {  	_ =	shalt  }
0x56: {  	_ =	shalt  }
0x57: {  	_ =	shalt  }
0x58: {  	_ =	shalt  }
0x59: {  	_ =	shalt  }
0x5a: {  	_ =	shalt  }
0x5b: {  	_ =	shalt  }
0x5c: {  	_ =	shalt  }
0x5d: {  	_ =	shalt  }
0x5e: {  	_ =	shalt  }
0x5f: {  	_ =	shalt  }
0x60: {  	_ =	shalt  }
0x61: {  	_ =	shalt  }
0x62: {  	_ =	shalt  }
0x63: {  	_ =	shalt  }
0x64: {  	_ =	shalt  }
0x65: {  	_ =	shalt  }
0x66: {  	_ =	shalt  }
0x67: {  	_ =	shalt  }
0x68: {  	_ =	shalt  }
0x69: {  	_ =	shalt  }
0x6a: {  	_ =	shalt  }
0x6b: {  	_ =	shalt  }
0x6c: {  	_ =	shalt  }
0x6d: {  	_ =	shalt  }
0x6e: {  	_ =	shalt  }
0x6f: {  	_ =	shalt  }
0x70: {  	_ =	shalt  }
0x71: {  	_ =	shalt  }
0x72: {  	_ =	shalt  }
0x73: {  	_ =	shalt  }
0x74: {  	_ =	shalt  }
0x75: {  	_ =	shalt  }
0x76: {  	_ =	shalt  }
0x77: {  	_ =	shalt  }
0x78: {  	_ =	shalt  }
0x79: {  	_ =	shalt  }
0x7a: {  	_ =	shalt  }
0x7b: {  	_ =	shalt  }
0x7c: {  	_ =	shalt  }
0x7d: {  	_ =	shalt  }
0x7e: {  	_ =	shalt  }
0x7f: {  	_ =	shalt  }
0x80: {  	_ =	shalt  }
0x81: {  	_ =	shalt  }
0x82: {  	_ =	shalt  }
0x83: {  	_ =	shalt  }
0x84: {  	_ =	shalt  }
0x85: {  	_ =	shalt  }
0x86: {  	_ =	shalt  }
0x87: {  	_ =	shalt  }
.Lfunc_end0:
.L_simem_size_0:
called_computation_lowered:
.L_overlay_start_0:
0x88: {  	s2 =	sld [smem:$0x3FD9]  }
0x89: {  	s3 =	sld [smem:$0x3FFE];
	_ =	sdelay $0x1  }
0x8a: {  	s1 =	srdreg.scid  }
0x8b: {  	s0 =	sand.u32 $0x1, s1  }
0x8c: {  	s17 =	sshll.u32 s0, $0xA;
	s2 =	sadd.s32 s3, s2  }
0x8d: {  	s2 =	sadd.s32 s2, s17  }
0x8e: {  	[smem:$0x3FC0] =	sst s2  }
0x8f: {  	_ = 	snop  }
0x90: {  	(tm) =	ssettm $0x1  }
0x91: {  	s18 =	sld [smem:$0x3FFB];
	_ =	sdelay $0x3  }
0x92: {  	_ =	strace s18  }
0x93: {  	s2 =	sld [smem:$0x3FFC];
	_ =	sdelay $0x3  }
0x94: {  	_ =	strace s2  }
0x95: {  	s2 =	sld [smem:$0x3FFD];
	_ =	sdelay $0x3  }
0x96: {  	_ =	strace s2  }
0x97: {  	_ =	strace $0x8FFFFFFF  }
0x98: {  	s19 =	sld [smem:$0x3FDB];
	_ =	sdelay $0x1  }
0x99: {  	s20 =	simm.s32 $_scs_section_size  }
0x9a: {  	s4 =	simm.s32 $_size__tile_overlayer_lowered;
	s5 =	simm.s32 $_tile_overlayer_lowered  }
0x9b: {  	s6 =	simm.s32 $0x1BFF;
	s21 =	sshll.u32 s5, $0x1;
	s3 =	sadd.s32 s20, s19  }
0x9c: {  	s22 =	simm.s32 $0x0;
	s4 =	sshll.u32 s4, $0x1;
	s5 =	sadd.s32 s21, s3  }
0x9d: {  	[timem:s22], [sflag:s6] =	dma.local [hbm:s5], s4  }
0x9e: {  	_ =	swait.ge [sflag:s6], s4  }
0x9f: {  	s4 =	ssub.s32 $0x0, s4;
	[sflag:s6] =	ssyncset.done $0x0  }
0xa0: {  	[sflag:s6] =	ssyncadd.s32 s4;
	_ =	sdelay $0x1  }
0xa1: {  	s23 =	simm.s32 $0x1B8B  }
0xa2: {  	_ =	swait.ge [sflag:s23], $0x1  }
0xa3: {  	[sflag:s23] =	ssyncset.done $0x0  }
0xa4: {  	[sflag:s23] =	ssyncadd.s32 $0xFFFFFFFF  }
0xa5: {  	s4 =	sld [smem:$0x0]  }
0xa6: {  	s5 =	sand.u32 $0xFFFFFFFE, s1  }
0xa7: {  	p0 =	sne.s32 s1, s5  }
0xa8: {  	s5 =	sshll.u32 @p0 s5, $0xE  }
0xa9: {  	s5 =	sadd.s32 @p0 $0x11B8D, s5;
	s6 =	sshll.u32 @p0 s4, $0x11  }
0xaa: {  	s5 =	sor.u32 @p0 s6, s5  }
0xab: {  	[sflag:s5] =	ssyncadd.remote.s32 @p0 $0x1;
	_ =	sdelay $0x1  }
0xac: {  	s5 =	simm.s32 @p0 $0x1B8D  }
0xad: {  	_ =	swait.eq @p0 [sflag:s5], $0x1  }
0xae: {  	[sflag:s5] =	ssyncadd.s32 @p0 $0xFFFFFFFF  }
0xaf: {  	s6 =	sshll.u32 @!p0 s1, $0xE  }
0xb0: {  	s6 =	sor.u32 @!p0 $0x4000, s6;
	s5 =	simm.s32 @!p0 $0x1B8D  }
0xb1: {  	s4 =	sshll.u32 @!p0 s4, $0x11;
	s6 =	sadd.s32 @!p0 $0x11B8D, s6;
	_ =	swait.eq @!p0 [sflag:s5], $0x1  }
0xb2: {  	s4 =	sor.u32 @!p0 s4, s6;
	[sflag:s5] =	ssyncadd.s32 @!p0 $0xFFFFFFFF  }
0xb3: {  	s25 =	simm.s32 $0x1B8E;
	s24 =	sld [smem:$0x3FFE];
	[sflag:s4] =	ssyncadd.remote.s32 @!p0 $0x1  }
0xb4: {  	s26 =	simm.s32 $execute0_lowered;
	[smem:$0x3FD2] =	sst s25  }
0xb5: {  	s5 =	sshll.u32 s26, $0x1;
	_ =	strace $0x80000049;
	[dreg:$0x1] =	wrdreg $0xFFFFFFFF  }
0xb6: {  	s28 =	simm.s32 $_size_execute0_lowered;
	s3 =	sadd.s32 s3, s5;
	[dreg:$0x0] =	wrdreg $0x0  }
0xb7: {  	s5 =	sshll.u32 s28, $0x1;
	[dreg:$0x2] =	wrdreg s3  }
0xb8: {  	[dreg:$0x3] =	wrdreg s5  }
0xb9: {  	[dreg:$0x4] =	wrdreg $0xC0  }
0xba: {  	_ =	task [dreg:s22], $0x5FFFF  }
0xbb: {  	[dreg:$0x1] =	wrdreg $0xFFFFFFFF  }
0xbc: {  	[dreg:$0x0] =	wrdreg $0x60  }
0xbd: {  	[dreg:$0x2] =	wrdreg s24  }
0xbe: {  	[dreg:$0x3] =	wrdreg $0x44000  }
0xbf: {  	[dreg:$0x4] =	wrdreg $0x9  }
0xc0: {  	_ =	task.clear_ibuf [dreg:s22], $0x5FFFF;
	_ =	strace $0x90000049  }
0xc1: {  	s29 =	simm.s32 $0x9;
	_ =	strace $0x8000004B  }
0xc2: {  	_ =	swait.ge [sflag:s29], $0x1  }
0xc3: {  	[sflag:s29] =	ssyncadd.s32 $0xFFFFFFFF  }
0xc4: {  	_ =	strace $0x9000004B  }
0xc5: {  	_ =	sfence  }
0xc6: {  	s30 =	sld [smem:$0x0];
	_ =	sdelay $0x2  }
0xc7: {  	s31 =	sshll.u32 s1, $0xD;
	s1 =	sshrl.u32 s1, $0x2  }
0xc8: {  	s4 =	sand.u32 $0x4000, s31;
	s1 =	sadd.s32 s1, s30  }
0xc9: {  	s0 =	sor.u32 s4, s0;
	s1 =	sshll.u32 s1, $0x11  }
0xca: {  	s0 =	sor.u32 s1, s0  }
0xcb: {  	s0 =	sadd.s32 $0x8F2B, s0  }
0xcc: {  	[sflag:s0] =	ssyncadd.remote.s32 $0x1  }
0xcd: {  	_ =	sfence.sel $0xFFFF  }
0xce: {  	[dreg:$0x0] =	wrdreg $0xFFFFFFFF;
	(pc) =	sbr.abs _section_cstart, $3  }
0xcf: {  	[dreg:$0x1] =	wrdreg $0xFFFFFFFF  }
0xd0: {  	_ =	task.clear_ibuf [dreg:s22], $0x2FFFF;
	_ =	strace $0x9FFFFFFF  }
0xd1: {  	(tm) =	ssettm $0x7FFFFFFF  }
tec
execute0_lowered:
.L_overlay_start_1:
0x0: {  	(tag) =	ssettag $0x1  }
0x1: {  	s1 =	srdreg.scid  }
0x2: {  	s0 =	stileid.u32;
	s4 =	rddreg [dreg:$0x0]  }
0x3: {  	s2 =	rddreg [dreg:$0x1];
	s3 =	simm.s32 $0x0;
	s12 =	simm.s32 $0x400  }
0x4: {  	s13 =	simm.s32 $0x1;
	s14 =	simm.s32 $0x80;
	s15 =	simm.s32 $0x100  }
0x5: {  	s16 =	simm.s32 $0x180;
	s17 =	simm.s32 $0x200;
	s6 =	smul.u32 $0x5000, s0  }
0x6: {  	s18 =	simm.s32 $0x280;
	s19 =	simm.s32 $0x300;
	s26 =	smul.u32 $0x14000, s0  }
0x7: {  	s20 =	simm.s32 $0x380;
	s5 =	sand.u32 $0x1, s1;
	s9 =	smul.u32 $0x50000, s0  }
0x8: {  	s23 =	simm.s32 $0x0;
	s1 =	rddreg [dreg:$0x2];
	s7 =	smul.u32 $0x2800, s5  }
0x9: {  	[smem:$0x7FF] =	sst s3;
	s21 =	sshll.u32 s0, $0x6;
	s8 =	smul.u32 $0x140000, s5  }
0xa: {  	_ =	strace $0x8000004A;
	s5 =	ssub.s32 $0x2, s5;
	s21 =	sor.u32 $0x1C01, s21  }
0xb: {  	s29 =	sshrl.u32 s9, $0x2;
	s31 =	sshrl.u32 s5, $0x1;
	s6 =	sadd.s32 s7, s6  }
0xc: {  	s28 =	sadd.s32 s26, s8;
	s10 =	ssub.s32 s5, s31;
	s6 =	sshrl.u32 s6, $0x3  }
0xd: {  	s10 =	smax.u32 s10, $0x1;
	s11 =	sadd.s32 s6, s4;
	s6 =	sshrl.u32 s28, $0x3  }
0xe: {  	s30 =	sadd.s32 s6, s4;
	s4 =	sadd.s32 s29, s2;
	s11 =	sadd.s32 $0x2800, s11  }
0xf: {  	v0 =	vimm.f32 $0.0e+00;
	vm0 =	vcmask $0x300;
	s5 =	sadd.s32 $0x4000, s4;
	s6 =	sadd.s32 $0x8000, s4;
	s7 =	sadd.s32 $0xC000, s4  }
0x10: {  	v1 =	vsel vm0, $0x3F800000, v0;
	s8 =	sadd.s32 $0x10000, s4;
	s9 =	sadd.s32 $0x94800, s30;
	s22 =	sshrl.u32 s4, $0x3  }
.LBB2_1:
0x11: {  	s24 =	simm.s32 $0x0;
	s25 =	simm.s32 $0x200  }
.LBB2_2:
0x12: {  	p0 =	sne.s32 s25, $0xFE00;
	[tilespmem:s24+$0x470] =	vst v0  }
0x13: {  	[tilespmem:s24+$0x400] =	vst v0  }
0x14: {  	[tilespmem:s24+$0x410] =	vst v0  }
.Ltmp0:
0x15: {  	[tilespmem:s24+$0x420] =	vst v0;
	(pc) =	sbr.rel @p0 .LBB2_2-.Ltmp0, $4  }
0x16: {  	[tilespmem:s24+$0x430] =	vst v0  }
0x17: {  	[tilespmem:s24+$0x440] =	vst v0  }
0x18: {  	[tilespmem:s24+$0x450] =	vst v0  }
0x19: {  	[tilespmem:s24+$0x460] =	vst v0;
	s24 =	sshra.s32 s25, $0x2;
	s25 =	sadd.s32 $0x200, s25  }
0x1a: {  	[tilespmem:s24+$0x470] =	vst v0  }
0x1b: {  	[tilespmem:s24+$0x400] =	vst v0  }
0x1c: {  	[tilespmem:s24+$0x410] =	vst v0  }
0x1d: {  	[tilespmem:s24+$0x420] =	vst v0  }
0x1e: {  	[tilespmem:s24+$0x430] =	vst v0  }
0x1f: {  	[tilespmem:s24+$0x440] =	vst v0  }
0x20: {  	[tilespmem:s24+$0x450] =	vst v0  }
0x21: {  	[tilespmem:s24+$0x460] =	vst v0  }
0x22: {  	[spmem:s4] =	stream.linear.scatter [tilespmem:s12], [sflag:$0x1], $0x4000, $0x38;
	[tilespmem:$0x18400] =	vst v63  }
0x23: {  	_ =	swait.ge [sflag:s13], $0x4000  }
0x24: {  	[sflag:s13] =	ssyncset.done $0x0  }
0x25: {  	[sflag:s13] =	ssyncadd.s32 $0xFFFFC000  }
0x26: {  	[spmem:s5] =	stream.linear.scatter [tilespmem:s12], [sflag:$0x1], $0x4000, $0x38;
	[tilespmem:$0x18400] =	vst v63  }
0x27: {  	_ =	swait.ge [sflag:s13], $0x4000  }
0x28: {  	[sflag:s13] =	ssyncset.done $0x0  }
0x29: {  	[sflag:s13] =	ssyncadd.s32 $0xFFFFC000  }
0x2a: {  	[spmem:s6] =	stream.linear.scatter [tilespmem:s12], [sflag:$0x1], $0x4000, $0x38;
	[tilespmem:$0x18400] =	vst v63  }
0x2b: {  	_ =	swait.ge [sflag:s13], $0x4000  }
0x2c: {  	[sflag:s13] =	ssyncset.done $0x0  }
0x2d: {  	[sflag:s13] =	ssyncadd.s32 $0xFFFFC000  }
0x2e: {  	[spmem:s7] =	stream.linear.scatter [tilespmem:s12], [sflag:$0x1], $0x4000, $0x38;
	[tilespmem:$0x18400] =	vst v63  }
0x2f: {  	_ =	swait.ge [sflag:s13], $0x4000  }
0x30: {  	[sflag:s13] =	ssyncset.done $0x0  }
0x31: {  	[sflag:s13] =	ssyncadd.s32 $0xFFFFC000  }
0x32: {  	[spmem:s8] =	stream.linear.scatter [tilespmem:s12], [sflag:$0x1], $0x4000, $0x38;
	[tilespmem:$0x18400] =	vst v63  }
0x33: {  	_ =	swait.ge [sflag:s13], $0x4000  }
0x34: {  	[sflag:s13] =	ssyncset.done $0x0  }
0x35: {  	s24 =	simm.s32 $0x200;
	s25 =	simm.s32 $0x0;
	[sflag:s13] =	ssyncadd.s32 $0xFFFFC000  }
.LBB2_4:
0x36: {  	p0 =	sne.s32 s24, $0xFE00;
	[tilespmem:s25+$0x400] =	vst v1;
	s25 =	smov.u32 s24;
	s24 =	sadd.s32 $0x200, s24  }
.Ltmp1:
0x37: {  	(pc) =	sbr.rel @p0 .LBB2_4-.Ltmp1, $2  }
0x38: {  	_ =	sdelay $0x2  }
0x39: {  	s25 =	sshra.s32 s25, $0x2  }
0x3a: {  	[tilespmem:s25+$0x400] =	vst v1  }
0x3b: {  	s24 =	sadd.s32 $0x0, s11;
	[bflag:$0x0] =	sbarrier.arrive $0xFFFF  }
0x3c: {  	[tilespmem:s3], [sflag:$0x1] =	stream.linear.gather [hbm4b:s24+s3], $0x400, $0x38;
	[tilespmem:$0x18400] =	vst v63  }
0x3d: {  	_ =	swait.ge [sflag:s13], $0x400  }
0x3e: {  	[sflag:s13] =	ssyncset.done $0x0  }
0x3f: {  	[sflag:s13] =	ssyncadd.s32 $0xFFFFFC00  }
0x40: {  	[spmem:s2] =	stream.indirect.scatter.add.f32 [tilespmem:s12], [sflag:$0x1], $0x80, s3, s14, $0xb8;
	[tilespmem:$0x18400] =	vst v63  }
0x41: {  	_ =	swait.ge [sflag:s13], $0x4000  }
0x42: {  	[sflag:s13] =	ssyncset.done $0x0  }
0x43: {  	[sflag:s13] =	ssyncadd.s32 $0xFFFFC000  }
0x44: {  	[spmem:s2] =	stream.indirect.scatter.add.f32 [tilespmem:s12], [sflag:$0x1], $0x80, s14, s14, $0xb8;
	[tilespmem:$0x18400] =	vst v63  }
0x45: {  	_ =	swait.ge [sflag:s13], $0x4000  }
0x46: {  	[sflag:s13] =	ssyncset.done $0x0  }
0x47: {  	[sflag:s13] =	ssyncadd.s32 $0xFFFFC000  }
0x48: {  	[spmem:s2] =	stream.indirect.scatter.add.f32 [tilespmem:s12], [sflag:$0x1], $0x80, s15, s14, $0xb8;
	[tilespmem:$0x18400] =	vst v63  }
0x49: {  	_ =	swait.ge [sflag:s13], $0x4000  }
0x4a: {  	[sflag:s13] =	ssyncset.done $0x0  }
0x4b: {  	[sflag:s13] =	ssyncadd.s32 $0xFFFFC000  }
0x4c: {  	[spmem:s2] =	stream.indirect.scatter.add.f32 [tilespmem:s12], [sflag:$0x1], $0x80, s16, s14, $0xb8;
	[tilespmem:$0x18400] =	vst v63  }
0x4d: {  	_ =	swait.ge [sflag:s13], $0x4000  }
0x4e: {  	[sflag:s13] =	ssyncset.done $0x0  }
0x4f: {  	[sflag:s13] =	ssyncadd.s32 $0xFFFFC000  }
0x50: {  	[spmem:s2] =	stream.indirect.scatter.add.f32 [tilespmem:s12], [sflag:$0x1], $0x80, s17, s14, $0xb8;
	[tilespmem:$0x18400] =	vst v63  }
0x51: {  	_ =	swait.ge [sflag:s13], $0x4000  }
0x52: {  	[sflag:s13] =	ssyncset.done $0x0  }
0x53: {  	[sflag:s13] =	ssyncadd.s32 $0xFFFFC000  }
0x54: {  	[spmem:s2] =	stream.indirect.scatter.add.f32 [tilespmem:s12], [sflag:$0x1], $0x80, s18, s14, $0xb8;
	[tilespmem:$0x18400] =	vst v63  }
0x55: {  	_ =	swait.ge [sflag:s13], $0x4000  }
0x56: {  	[sflag:s13] =	ssyncset.done $0x0  }
0x57: {  	[sflag:s13] =	ssyncadd.s32 $0xFFFFC000  }
0x58: {  	[spmem:s2] =	stream.indirect.scatter.add.f32 [tilespmem:s12], [sflag:$0x1], $0x80, s19, s14, $0xb8;
	[tilespmem:$0x18400] =	vst v63  }
0x59: {  	_ =	swait.ge [sflag:s13], $0x4000  }
0x5a: {  	[sflag:s13] =	ssyncset.done $0x0  }
0x5b: {  	[sflag:s13] =	ssyncadd.s32 $0xFFFFC000  }
0x5c: {  	[spmem:s2] =	stream.indirect.scatter.add.f32 [tilespmem:s12], [sflag:$0x1], $0x80, s20, s14, $0xb8;
	[tilespmem:$0x18400] =	vst v63  }
0x5d: {  	_ =	swait.ge [sflag:s13], $0x4000  }
0x5e: {  	s26 =	simm.s32 $0x100;
	s24 =	simm.s32 $0x80;
	[sflag:s13] =	ssyncset.done $0x0  }
.LBB2_6:
0x5f: {  	s28 =	sadd.s32 s24, s11  }
0x60: {  	[sflag:s13] =	ssyncadd.s32 $0xFFFFC000;
	s24 =	smov.u32 s26;
	s25 =	sadd.s32 $0x80, s26  }
0x61: {  	[tilespmem:s3], [sflag:$0x1] =	stream.linear.gather [hbm4b:s28+s3], $0x400, $0x38;
	[tilespmem:$0x18400] =	vst v63  }
0x62: {  	p0 =	sne.s32 s26, $0x480;
	_ =	swait.ge [sflag:s13], $0x400  }
0x63: {  	[sflag:s13] =	ssyncset.done $0x0  }
0x64: {  	[sflag:s13] =	ssyncadd.s32 $0xFFFFFC00  }
0x65: {  	[spmem:s2] =	stream.indirect.scatter.add.f32 [tilespmem:s12], [sflag:$0x1], $0x80, s3, s14, $0xb8;
	[tilespmem:$0x18400] =	vst v63  }
0x66: {  	_ =	swait.ge [sflag:s13], $0x4000  }
0x67: {  	[sflag:s13] =	ssyncset.done $0x0  }
0x68: {  	[sflag:s13] =	ssyncadd.s32 $0xFFFFC000  }
0x69: {  	[spmem:s2] =	stream.indirect.scatter.add.f32 [tilespmem:s12], [sflag:$0x1], $0x80, s14, s14, $0xb8;
	[tilespmem:$0x18400] =	vst v63  }
0x6a: {  	_ =	swait.ge [sflag:s13], $0x4000  }
0x6b: {  	[sflag:s13] =	ssyncset.done $0x0  }
0x6c: {  	[sflag:s13] =	ssyncadd.s32 $0xFFFFC000  }
0x6d: {  	[spmem:s2] =	stream.indirect.scatter.add.f32 [tilespmem:s12], [sflag:$0x1], $0x80, s15, s14, $0xb8;
	[tilespmem:$0x18400] =	vst v63  }
0x6e: {  	_ =	swait.ge [sflag:s13], $0x4000  }
0x6f: {  	[sflag:s13] =	ssyncset.done $0x0  }
0x70: {  	[sflag:s13] =	ssyncadd.s32 $0xFFFFC000  }
0x71: {  	[spmem:s2] =	stream.indirect.scatter.add.f32 [tilespmem:s12], [sflag:$0x1], $0x80, s16, s14, $0xb8;
	[tilespmem:$0x18400] =	vst v63  }
0x72: {  	_ =	swait.ge [sflag:s13], $0x4000  }
0x73: {  	[sflag:s13] =	ssyncset.done $0x0  }
0x74: {  	[sflag:s13] =	ssyncadd.s32 $0xFFFFC000  }
0x75: {  	[spmem:s2] =	stream.indirect.scatter.add.f32 [tilespmem:s12], [sflag:$0x1], $0x80, s17, s14, $0xb8;
	[tilespmem:$0x18400] =	vst v63  }
0x76: {  	_ =	swait.ge [sflag:s13], $0x4000  }
0x77: {  	[sflag:s13] =	ssyncset.done $0x0  }
0x78: {  	[sflag:s13] =	ssyncadd.s32 $0xFFFFC000  }
0x79: {  	[spmem:s2] =	stream.indirect.scatter.add.f32 [tilespmem:s12], [sflag:$0x1], $0x80, s18, s14, $0xb8;
	[tilespmem:$0x18400] =	vst v63  }
0x7a: {  	_ =	swait.ge [sflag:s13], $0x4000  }
0x7b: {  	[sflag:s13] =	ssyncset.done $0x0  }
0x7c: {  	[sflag:s13] =	ssyncadd.s32 $0xFFFFC000  }
0x7d: {  	[spmem:s2] =	stream.indirect.scatter.add.f32 [tilespmem:s12], [sflag:$0x1], $0x80, s19, s14, $0xb8;
	[tilespmem:$0x18400] =	vst v63  }
0x7e: {  	_ =	swait.ge [sflag:s13], $0x4000  }
.Ltmp2:
0x7f: {  	[sflag:s13] =	ssyncset.done $0x0;
	(pc) =	sbr.rel @p0 .LBB2_6-.Ltmp2, $4  }
0x80: {  	[sflag:s13] =	ssyncadd.s32 $0xFFFFC000  }
0x81: {  	[spmem:s2] =	stream.indirect.scatter.add.f32 [tilespmem:s12], [sflag:$0x1], $0x80, s20, s14, $0xb8;
	[tilespmem:$0x18400] =	vst v63  }
0x82: {  	_ =	swait.ge [sflag:s13], $0x4000  }
0x83: {  	s26 =	smov.u32 s25;
	[sflag:s13] =	ssyncset.done $0x0  }
0x84: {  	s24 =	sadd.s32 s24, s11;
	[sflag:s13] =	ssyncadd.s32 $0xFFFFC000  }
0x85: {  	[tilespmem:s3], [sflag:$0x1] =	stream.linear.gather [hbm4b:s24+s3], $0x400, $0x38;
	[tilespmem:$0x18400] =	vst v63  }
0x86: {  	_ =	swait.ge [sflag:s13], $0x400  }
0x87: {  	[sflag:s13] =	ssyncset.done $0x0  }
0x88: {  	[sflag:s13] =	ssyncadd.s32 $0xFFFFFC00  }
0x89: {  	[spmem:s2] =	stream.indirect.scatter.add.f32 [tilespmem:s12], [sflag:$0x1], $0x80, s3, s14, $0xb8;
	[tilespmem:$0x18400] =	vst v63  }
0x8a: {  	_ =	swait.ge [sflag:s13], $0x4000  }
0x8b: {  	[sflag:s13] =	ssyncset.done $0x0  }
0x8c: {  	[sflag:s13] =	ssyncadd.s32 $0xFFFFC000  }
0x8d: {  	[spmem:s2] =	stream.indirect.scatter.add.f32 [tilespmem:s12], [sflag:$0x1], $0x80, s14, s14, $0xb8;
	[tilespmem:$0x18400] =	vst v63  }
0x8e: {  	_ =	swait.ge [sflag:s13], $0x4000  }
0x8f: {  	[sflag:s13] =	ssyncset.done $0x0  }
0x90: {  	[sflag:s13] =	ssyncadd.s32 $0xFFFFC000  }
0x91: {  	[spmem:s2] =	stream.indirect.scatter.add.f32 [tilespmem:s12], [sflag:$0x1], $0x80, s15, s14, $0xb8;
	[tilespmem:$0x18400] =	vst v63  }
0x92: {  	_ =	swait.ge [sflag:s13], $0x4000  }
0x93: {  	[sflag:s13] =	ssyncset.done $0x0  }
0x94: {  	[sflag:s13] =	ssyncadd.s32 $0xFFFFC000  }
0x95: {  	[spmem:s2] =	stream.indirect.scatter.add.f32 [tilespmem:s12], [sflag:$0x1], $0x80, s16, s14, $0xb8;
	[tilespmem:$0x18400] =	vst v63  }
0x96: {  	_ =	swait.ge [sflag:s13], $0x4000  }
0x97: {  	[sflag:s13] =	ssyncset.done $0x0  }
0x98: {  	[sflag:s13] =	ssyncadd.s32 $0xFFFFC000  }
0x99: {  	[spmem:s2] =	stream.indirect.scatter.add.f32 [tilespmem:s12], [sflag:$0x1], $0x80, s17, s14, $0xb8;
	[tilespmem:$0x18400] =	vst v63  }
0x9a: {  	_ =	swait.ge [sflag:s13], $0x4000  }
0x9b: {  	[sflag:s13] =	ssyncset.done $0x0  }
0x9c: {  	[sflag:s13] =	ssyncadd.s32 $0xFFFFC000  }
0x9d: {  	[spmem:s2] =	stream.indirect.scatter.add.f32 [tilespmem:s12], [sflag:$0x1], $0x80, s18, s14, $0xb8;
	[tilespmem:$0x18400] =	vst v63  }
0x9e: {  	_ =	swait.ge [sflag:s13], $0x4000  }
0x9f: {  	[sflag:s13] =	ssyncset.done $0x0  }
0xa0: {  	[sflag:s13] =	ssyncadd.s32 $0xFFFFC000  }
0xa1: {  	[spmem:s2] =	stream.indirect.scatter.add.f32 [tilespmem:s12], [sflag:$0x1], $0x80, s19, s14, $0xb8;
	[tilespmem:$0x18400] =	vst v63  }
0xa2: {  	_ =	swait.ge [sflag:s13], $0x4000  }
0xa3: {  	[sflag:s13] =	ssyncset.done $0x0  }
0xa4: {  	[sflag:s13] =	ssyncadd.s32 $0xFFFFC000  }
0xa5: {  	[spmem:s2] =	stream.indirect.scatter.add.f32 [tilespmem:s12], [sflag:$0x1], $0x80, s20, s14, $0xb8;
	[tilespmem:$0x18400] =	vst v63  }
0xa6: {  	_ =	swait.ge [sflag:s13], $0x4000  }
0xa7: {  	s23 =	sadd.s32 $0x1, s23;
	[sflag:s13] =	ssyncset.done $0x0  }
0xa8: {  	p0 =	sne.s32 s23, s10;
	[sflag:s13] =	ssyncadd.s32 $0xFFFFC000  }
.Ltmp3:
0xa9: {  	[bflag:$0x0] =	sbarrier.arrive $0xFFFF;
	(pc) =	sbr.rel @p0 .LBB2_1-.Ltmp3, $4  }
0xaa: {  	[hbm:s9], [sflag:s21] =	dma.local [spmem:s22], $0x2800  }
0xab: {  	_ =	swait.ge [sflag:s13], $0x2800  }
0xac: {  	[sflag:s13] =	ssyncset.done $0x0  }
0xad: {  	[sflag:s13] =	ssyncadd.s32 $0xFFFFD800  }
0xae: {  	_ =	sfence.sel $0x180000  }
0xaf: {  	[bflag:$0x0] =	sbarrier.arrive $0xFFFF  }
0xb0: {  	p0 =	sne.s32 s0, $0x0;
	_ =	strace $0x9000004A  }
0xb1: {  	s0 =	sadd.s32 @!p0 $0x100000, s1;
	[bflag:$0x2] =	sbarrier.arrive $0xFFFF  }
0xb2: {  	[sflag:s0] =	ssyncadd.tile.s32 @!p0 $0x1;
	_ =	shalt  }
.Lfunc_end2:
_tile_overlayer_lowered:
.L_overlay_start_2:
0xb3: {  	(tag) =	ssettag $0x2  }
0xb4: {  	s0 =	rddreg [dreg:$0x0];
	s2 =	stileid.u32  }
0xb5: {  	s1 =	rddreg [dreg:$0x1];
	p0 =	sne.s32 s2, $0x0  }
0xb6: {  	s3 =	rddreg [dreg:$0x2];
	[bflag:$0x3] =	sbarrier.arrive $0xFFFF;
	s2 =	simm.s32 @!p0 $0x1C01  }
0xb7: {  	[timem:s3], [sflag:s2] =	dma.local @!p0 [hbm:s0], s1  }
0xb8: {  	s0 =	simm.s32 @!p0 $0x1  }
0xb9: {  	_ =	swait.ge @!p0 [sflag:s0], s1  }
0xba: {  	s1 =	ssub.s32 @!p0 $0x0, s1;
	[sflag:s0] =	ssyncset.done @!p0 $0x0  }
0xbb: {  	[sflag:s0] =	ssyncadd.s32 @!p0 s1  }
0xbc: {  	[bflag:$0x3] =	sbarrier.arrive $0xFFFF  }
0xbd: {  	_ =	shalt  }

</sc_bundles>
